<compile_context>
chip_gen: v7x
topology: tpu7x:2x2x1
jax: 0.10.2.dev20260603
libtpu: 0.0.44.dev20260713+nightly
codegen_flags: <defaults>
</compile_context>

<pallas_src>
import functools

import jax
import jax.numpy as jnp
from jax import lax
from jax.experimental import pallas as pl
from jax.experimental.pallas import tpu as pltpu
from jax.experimental.pallas import tpu_sc as plsc

N = 10000
D = 128
E = 320000

NC = 2
NS = 16
NW = NC * NS

B = 128
CHUNKS = (-(-E // (NW * B)) + 3) // 4 * 4
E_PAD = NW * CHUNKS * B
GB = 4

N_PAD = 10240
ROWS_PER_TILE = N_PAD // NS
WB_STEPS = ROWS_PER_TILE // B

BM = 1000
GRID = N // BM

_PREC = jax.lax.Precision.DEFAULT



def _deg_body(dst_hbm, out_hbm, dst_v, ones_v, stage_v, deg_sh):
    c = lax.axis_index("c")
    s = lax.axis_index("s")
    wid = c * NS + s
    pltpu.sync_copy(dst_hbm.at[wid], dst_v)
    for l in range(B // 16):
        ones_v[pl.ds(l * 16, 16)] = jnp.ones((16,), jnp.float32)

    def _z(i, carry):
        stage_v[pl.ds(i * 16, 16)] = jnp.zeros((16,), jnp.float32)
        return carry
    lax.fori_loop(0, ROWS_PER_TILE // 16, _z, 0)
    base = s * ROWS_PER_TILE
    pltpu.sync_copy(stage_v, deg_sh.at[pl.ds(base, ROWS_PER_TILE)])
    plsc.subcore_barrier()

    def _chunk(j, carry):
        pltpu.sync_copy(ones_v, deg_sh.at[dst_v.at[j]], add=True)
        return carry
    lax.fori_loop(0, CHUNKS, _chunk, 0)
    plsc.subcore_barrier()

    pltpu.sync_copy(deg_sh.at[pl.ds(base, ROWS_PER_TILE)], stage_v)
    pltpu.sync_copy(stage_v, out_hbm.at[c, pl.ds(base, ROWS_PER_TILE)])


_deg_kernel = pl.kernel(
    _deg_body,
    out_type=jax.ShapeDtypeStruct((NC, N_PAD), jnp.float32),
    mesh=plsc.VectorSubcoreMesh(core_axis_name="c", subcore_axis_name="s", num_cores=NC, num_subcores=NS),
    scratch_types=[
        pltpu.VMEM((CHUNKS, B), jnp.int32),
        pltpu.VMEM((B,), jnp.float32),
        pltpu.VMEM((ROWS_PER_TILE,), jnp.float32),
        pltpu.VMEM_SHARED((N_PAD,), jnp.float32),
    ],
)


def _scatter_body(g_hbm, src_hbm, dst_hbm, out_hbm, dst_v, sring, rows_v,
                  gsem0, gsem1, isem0, isem1, isem2, isem3, acc_sh):
    c = lax.axis_index("c")
    s = lax.axis_index("s")
    wid = c * NS + s
    pltpu.sync_copy(dst_hbm.at[wid], dst_v)

    def _zrow(i, carry):
        for l in range(D // 16):
            rows_v[0, i, pl.ds(l * 16, 16)] = jnp.zeros((16,), jnp.float32)
        return carry
    lax.fori_loop(0, B, _zrow, 0)
    base = s * ROWS_PER_TILE
    for k in range(WB_STEPS):
        pltpu.sync_copy(rows_v.at[0], acc_sh.at[pl.ds(base + k * B, B)])
    plsc.subcore_barrier()

    isems = (isem0, isem1, isem2, isem3)
    gsems = (gsem0, gsem1)

    def start_i(j, r):
        pltpu.async_copy(src_hbm.at[wid, j], sring.at[r], isems[r])

    def wait_i(r):
        pltpu.make_async_copy(src_hbm.at[0, 0], sring.at[r], isems[r]).wait()

    def start_g(r, p):
        pltpu.async_copy(g_hbm.at[sring.at[r]], rows_v.at[p], gsems[p])

    def wait_g(p):
        pltpu.make_async_copy(g_hbm.at[sring.at[0]], rows_v.at[p], gsems[p]).wait()

    def scat(j, p):
        pltpu.sync_copy(rows_v.at[p], acc_sh.at[dst_v.at[j]], add=True)

    for r in range(GB):
        start_i(r, r)
    wait_i(0)
    start_g(0, 0)
    wait_i(1)
    start_g(1, 1)

    def _quad(q, carry):
        j0 = 4 * q
        wait_g(0); scat(j0, 0);     wait_i(2); start_g(2, 0); start_i(j0 + 4, 0)
        wait_g(1); scat(j0 + 1, 1); wait_i(3); start_g(3, 1); start_i(j0 + 5, 1)
        wait_g(0); scat(j0 + 2, 0); wait_i(0); start_g(0, 0); start_i(j0 + 6, 2)
        wait_g(1); scat(j0 + 3, 1); wait_i(1); start_g(1, 1); start_i(j0 + 7, 3)
        return carry
    lax.fori_loop(0, CHUNKS // 4 - 1, _quad, 0)
    j0 = CHUNKS - 4
    wait_g(0); scat(j0, 0);     wait_i(2); start_g(2, 0)
    wait_g(1); scat(j0 + 1, 1); wait_i(3); start_g(3, 1)
    wait_g(0); scat(j0 + 2, 0)
    wait_g(1); scat(j0 + 3, 1)
    plsc.subcore_barrier()

    def _wb(k, carry):
        pltpu.sync_copy(acc_sh.at[pl.ds(base + k * B, B)], rows_v.at[0])
        pltpu.sync_copy(rows_v.at[0], out_hbm.at[c, pl.ds(base + k * B, B)])
        return carry
    lax.fori_loop(0, WB_STEPS, _wb, 0)


_scatter_kernel = pl.kernel(
    _scatter_body,
    out_type=jax.ShapeDtypeStruct((NC, N_PAD, D), jnp.float32),
    mesh=plsc.VectorSubcoreMesh(core_axis_name="c", subcore_axis_name="s", num_cores=NC, num_subcores=NS),
    scratch_types=[
        pltpu.VMEM((CHUNKS, B), jnp.int32),
        pltpu.VMEM((GB, B), jnp.int32),
        pltpu.VMEM((2, B, D), jnp.float32),
        pltpu.SemaphoreType.DMA,
        pltpu.SemaphoreType.DMA,
        pltpu.SemaphoreType.DMA,
        pltpu.SemaphoreType.DMA,
        pltpu.SemaphoreType.DMA,
        pltpu.SemaphoreType.DMA,
        pltpu.VMEM_SHARED((N_PAD, D), jnp.float32),
    ],
)



def _dinv(deg_ref):
    return lax.rsqrt(deg_ref[0] + deg_ref[1] + 1.0)


def _a_body(deg_ref, x_ref, w1_ref, we_ref, be_ref, g1_ref, res_ref):
    dinv = _dinv(deg_ref)
    h1 = jnp.dot(x_ref[...], w1_ref[...], precision=_PREC,
                 preferred_element_type=jnp.float32)
    g1_ref[...] = h1 * dinv
    res_ref[...] = jnp.dot(x_ref[...], we_ref[...], precision=_PREC,
                           preferred_element_type=jnp.float32) + be_ref[...]


def _b_body(deg_ref, acc_ref, g1_ref, w2_ref, b1_ref, g2_ref):
    dinv = _dinv(deg_ref)
    acc = acc_ref[0] + acc_ref[1] + g1_ref[...]
    z = jnp.maximum(acc * dinv + b1_ref[...], 0.0)
    g2_ref[...] = jnp.dot(z, w2_ref[...], precision=_PREC,
                          preferred_element_type=jnp.float32) * dinv


def _c_body(deg_ref, acc_ref, g2_ref, res_ref, b2_ref, out_ref):
    dinv = _dinv(deg_ref)
    out_ref[...] = ((acc_ref[0] + acc_ref[1] + g2_ref[...]) * dinv
                    + b2_ref[...] + res_ref[...])


_deg_spec = pl.BlockSpec((2, BM, 1), lambda i: (0, i, 0))
_row_spec = pl.BlockSpec((BM, D), lambda i: (i, 0))
_acc_spec = pl.BlockSpec((2, BM, D), lambda i: (0, i, 0))
_w_spec = pl.BlockSpec((D, D), lambda i: (0, 0))
_b_spec = pl.BlockSpec((1, D), lambda i: (0, 0))

_stage_a = pl.pallas_call(
    _a_body,
    grid=(GRID,),
    in_specs=[_deg_spec, _row_spec, _w_spec, _w_spec, _b_spec],
    out_specs=[_row_spec, _row_spec],
    out_shape=[jax.ShapeDtypeStruct((N, D), jnp.float32)] * 2,
)

_stage_b = pl.pallas_call(
    _b_body,
    grid=(GRID,),
    in_specs=[_deg_spec, _acc_spec, _row_spec, _w_spec, _b_spec],
    out_specs=_row_spec,
    out_shape=jax.ShapeDtypeStruct((N, D), jnp.float32),
)

_stage_c = pl.pallas_call(
    _c_body,
    grid=(GRID,),
    in_specs=[_deg_spec, _acc_spec, _row_spec, _row_spec, _b_spec],
    out_specs=_row_spec,
    out_shape=jax.ShapeDtypeStruct((N, D), jnp.float32),
)



@jax.jit
def kernel(x, edge_index, W1, b1, W2, b2, We, be):
    src = edge_index[0]
    dst = edge_index[1]
    pad = E_PAD - E
    pad_iota = jnp.arange(pad, dtype=jnp.int32)
    src3 = jnp.concatenate([src, pad_iota % N]).reshape(NW, CHUNKS, B)
    dst3 = jnp.concatenate([dst, N + pad_iota % (N_PAD - N)]).reshape(NW, CHUNKS, B)
    dinvb = _deg_kernel(dst3).reshape(NC, N_PAD, 1)
    g1, res = _stage_a(dinvb, x, W1, We, be.reshape(1, D))
    acc1 = _scatter_kernel(g1, src3, dst3)
    g2 = _stage_b(dinvb, acc1, g1, W2, b1.reshape(1, D))
    acc2 = _scatter_kernel(g2, src3, dst3)
    return _stage_c(dinvb, acc2, g2, res, b2.reshape(1, D))

# --- scband reference (transcript-rebuilt; emitter-appended) ---
"""Pipeline reference for scband-gcn-29927332118584 (READ-ONLY COPY).

The authoritative reference and input builder live on the scoring server;
editing this copy changes nothing except your own understanding.
"""

import jax, jax.numpy as jnp
import numpy as np

N = 10000
E = 320000
D = 128


def setup_inputs(seed: int = 0) -> dict:
    key = jax.random.key(seed)
    ks = jax.random.split(key, 10)
    s = 1.0 / np.sqrt(D)
    x = jax.random.normal(ks[0], (N, D), dtype=jnp.float32)
    edge_index = jax.random.randint(ks[1], (2, E), 0, N, dtype=jnp.int32)
    W1 = jax.random.normal(ks[2], (D, D), dtype=jnp.float32) * s
    b1 = jnp.zeros((D,), dtype=jnp.float32)
    W2 = jax.random.normal(ks[3], (D, D), dtype=jnp.float32) * s
    b2 = jnp.zeros((D,), dtype=jnp.float32)
    We = jax.random.normal(ks[4], (D, D), dtype=jnp.float32) * s
    be = jnp.zeros((D,), dtype=jnp.float32)
    return {"x": x, "edge_index": edge_index, "W1": W1, "b1": b1, "W2": W2, "b2": b2, "We": We, "be": be}


def _gcn_conv(x, edge_index, W, b):
    # GCNConv: x' = D^{-1/2} (A + I) D^{-1/2} X W + b
    n = x.shape[0]
    loop = jnp.arange(n, dtype=edge_index.dtype)
    src = jnp.concatenate([edge_index[0], loop])
    dst = jnp.concatenate([edge_index[1], loop])
    deg = jnp.zeros((n,), dtype=x.dtype).at[dst].add(1.0)
    dinv = jnp.where(deg > 0, jax.lax.rsqrt(deg), 0.0)
    norm = dinv[src] * dinv[dst]
    h = x @ W
    msg = h[src] * norm[:, None]
    out = jnp.zeros((n, W.shape[1]), dtype=x.dtype).at[dst].add(msg)
    return out + b


def reference(x, edge_index, W1, b1, W2, b2, We, be):
    init_h = x
    h = _gcn_conv(x, edge_index, W1, b1)
    h = jax.nn.relu(h)
    # dropout is identity in eval mode
    h = _gcn_conv(h, edge_index, W2, b2)
    out = h + (init_h @ We + be)
    return out

if __name__ == "__main__":
    import jax
    _d = setup_inputs()
    print(jax.jit(kernel)(*tuple(_d.values())))

</pallas_src>

<mosaic_0001>
#map = affine_map<(d0, d1) -> (0, 0)>
#map1 = affine_map<(d0, d1) -> (0, 0, 0)>
module attributes {stable_mosaic.version = 14 : i64} {
  func.func @_scatter_body(%arg0: i32, %arg1: i32, %arg2: memref<10000x128xf32, #tpu.memory_space<hbm>>, %arg3: memref<32x80x128xi32, #tpu.memory_space<hbm>>, %arg4: memref<32x80x128xi32, #tpu.memory_space<hbm>>, %arg5: memref<2x10240x128xf32, #tpu.memory_space<hbm>>, %arg6: memref<80x128xi32, #tpu.memory_space<vmem>>, %arg7: memref<4x128xi32, #tpu.memory_space<vmem>>, %arg8: memref<2x128x128xf32, #tpu.memory_space<vmem>>, %arg9: memref<!tpu.dma_semaphore, #tpu.memory_space<semaphore_mem>>, %arg10: memref<!tpu.dma_semaphore, #tpu.memory_space<semaphore_mem>>, %arg11: memref<!tpu.dma_semaphore, #tpu.memory_space<semaphore_mem>>, %arg12: memref<!tpu.dma_semaphore, #tpu.memory_space<semaphore_mem>>, %arg13: memref<!tpu.dma_semaphore, #tpu.memory_space<semaphore_mem>>, %arg14: memref<!tpu.dma_semaphore, #tpu.memory_space<semaphore_mem>>, %arg15: memref<10240x128xf32, #tpu.memory_space<vmem_shared>>) attributes {dimension_semantics = [#tpu.dimension_semantics<core_parallel>, #tpu.dimension_semantics<subcore_parallel>], iteration_bounds = array<i64: 2, 16>, scalar_prefetch = 0 : i64, scratch_operands = 10 : i64, tpu.core_type = #tpu.core_type<sc_vector_subcore>, window_params = [{transform_indices = #map}, {transform_indices = #map1}, {transform_indices = #map1}, {transform_indices = #map1}]} {
    %mul3A = arith.constant 16 : i32
    %mul3A_0 = arith.muli %arg0, %mul3A : i32
    %add3A = arith.addi %mul3A_0, %arg1 : i32
    "tpu.region"() ({
      %run_scoped3A_253 = tpu.sem_alloc : memref<!tpu.dma_semaphore, #tpu.memory_space<semaphore_mem>>
      %dma_start3A_254 = arith.constant 0 : i32
      %dma_start3A_255 = arith.constant 0 : i32
      %dma_start3A_256 = tpu.memref_slice %arg4[%add3A, %dma_start3A_254, %dma_start3A_255] : memref<32x80x128xi32, #tpu.memory_space<hbm>> -> memref<1x80x128xi32, #tpu.memory_space<hbm>>
      %dma_start3A_257 = tpu.memref_squeeze %dma_start3A_256 : memref<1x80x128xi32, #tpu.memory_space<hbm>> -> memref<80x128xi32, #tpu.memory_space<hbm>>
      %dma_start3A_258 = arith.constant 0 : i32
      %dma_start3A_259 = arith.constant 0 : i32
      %dma_start3A_260 = tpu.memref_slice %arg4[%add3A, %dma_start3A_258, %dma_start3A_259] : memref<32x80x128xi32, #tpu.memory_space<hbm>> -> memref<1x80x128xi32, #tpu.memory_space<hbm>>
      %dma_start3A_261 = tpu.memref_squeeze %dma_start3A_260 : memref<1x80x128xi32, #tpu.memory_space<hbm>> -> memref<80x128xi32, #tpu.memory_space<hbm>>
      tpu.enqueue_dma source(%dma_start3A_261 : memref<80x128xi32, #tpu.memory_space<hbm>>) target(%arg6 : memref<80x128xi32, #tpu.memory_space<vmem>>) target_semaphore(%run_scoped3A_253 : memref<!tpu.dma_semaphore, #tpu.memory_space<semaphore_mem>>)
      %dma_wait3A_262 = arith.constant 0 : i32
      %dma_wait3A_263 = arith.constant 0 : i32
      %dma_wait3A_264 = tpu.memref_slice %arg4[%add3A, %dma_wait3A_262, %dma_wait3A_263] : memref<32x80x128xi32, #tpu.memory_space<hbm>> -> memref<1x80x128xi32, #tpu.memory_space<hbm>>
      %dma_wait3A_265 = tpu.memref_squeeze %dma_wait3A_264 : memref<1x80x128xi32, #tpu.memory_space<hbm>> -> memref<80x128xi32, #tpu.memory_space<hbm>>
      %dma_wait3A_266 = arith.constant 0 : i32
      %dma_wait3A_267 = arith.constant 0 : i32
      %dma_wait3A_268 = tpu.memref_slice %arg4[%add3A, %dma_wait3A_266, %dma_wait3A_267] : memref<32x80x128xi32, #tpu.memory_space<hbm>> -> memref<1x80x128xi32, #tpu.memory_space<hbm>>
      %dma_wait3A_269 = tpu.memref_squeeze %dma_wait3A_268 : memref<1x80x128xi32, #tpu.memory_space<hbm>> -> memref<80x128xi32, #tpu.memory_space<hbm>>
      tpu.wait_dma2 semaphore(%run_scoped3A_253 : memref<!tpu.dma_semaphore, #tpu.memory_space<semaphore_mem>>) src(%dma_wait3A_269 : memref<80x128xi32, #tpu.memory_space<hbm>>) dst(%arg6 : memref<80x128xi32, #tpu.memory_space<vmem>>)
      tpu.yield
    }) : () -> ()
    %scan3A = arith.constant 0 : i32
    %scan3A_1 = arith.constant 0 : i32
    %scan3A_2 = arith.constant 128 : i32
    %scan3A_3 = arith.addi %scan3A_1, %scan3A_2 : i32
    %scan3A_4 = arith.constant 1 : i32
    scf.for %scan3A_253 = %scan3A_1 to %scan3A_3 step %scan3A_4  : i32 {
      %broadcast_in_dim3A = arith.constant 0.000000e+00 : f32
      %broadcast_in_dim3A_254 = vector.broadcast %broadcast_in_dim3A : f32 to vector<16xf32>
      %swap3A = arith.constant 0 : i32
      %swap3A_255 = arith.index_cast %swap3A : i32 to index
      %swap3A_256 = arith.index_cast %scan3A_253 : i32 to index
      %swap3A_257 = arith.constant 0 : index
      %swap3A_258 = tpu.vector_load %arg8[%swap3A_255, %swap3A_256, %swap3A_257] {strides = array<i32>} : memref<2x128x128xf32, #tpu.memory_space<vmem>>, vector<1x1x16xf32>,
      %swap3A_259 = vector.shape_cast %swap3A_258 : vector<1x1x16xf32> to vector<16xf32>
      %swap3A_260 = vector.shape_cast %broadcast_in_dim3A_254 : vector<16xf32> to vector<1x1x16xf32>
      tpu.vector_store %arg8[%swap3A_255, %swap3A_256, %swap3A_257], %swap3A_260 {strides = array<i32>} : memref<2x128x128xf32, #tpu.memory_space<vmem>>, vector<1x1x16xf32>,
      %broadcast_in_dim3A_261 = arith.constant 0.000000e+00 : f32
      %broadcast_in_dim3A_262 = vector.broadcast %broadcast_in_dim3A_261 : f32 to vector<16xf32>
      %swap3A_263 = arith.constant 0 : i32
      %swap3A_264 = arith.index_cast %swap3A_263 : i32 to index
      %swap3A_265 = arith.index_cast %scan3A_253 : i32 to index
      %swap3A_266 = arith.constant 16 : index
      %swap3A_267 = tpu.vector_load %arg8[%swap3A_264, %swap3A_265, %swap3A_266] {strides = array<i32>} : memref<2x128x128xf32, #tpu.memory_space<vmem>>, vector<1x1x16xf32>,
      %swap3A_268 = vector.shape_cast %swap3A_267 : vector<1x1x16xf32> to vector<16xf32>
      %swap3A_269 = vector.shape_cast %broadcast_in_dim3A_262 : vector<16xf32> to vector<1x1x16xf32>
      tpu.vector_store %arg8[%swap3A_264, %swap3A_265, %swap3A_266], %swap3A_269 {strides = array<i32>} : memref<2x128x128xf32, #tpu.memory_space<vmem>>, vector<1x1x16xf32>,
      %broadcast_in_dim3A_270 = arith.constant 0.000000e+00 : f32
      %broadcast_in_dim3A_271 = vector.broadcast %broadcast_in_dim3A_270 : f32 to vector<16xf32>
      %swap3A_272 = arith.constant 0 : i32
      %swap3A_273 = arith.index_cast %swap3A_272 : i32 to index
      %swap3A_274 = arith.index_cast %scan3A_253 : i32 to index
      %swap3A_275 = arith.constant 32 : index
      %swap3A_276 = tpu.vector_load %arg8[%swap3A_273, %swap3A_274, %swap3A_275] {strides = array<i32>} : memref<2x128x128xf32, #tpu.memory_space<vmem>>, vector<1x1x16xf32>,
      %swap3A_277 = vector.shape_cast %swap3A_276 : vector<1x1x16xf32> to vector<16xf32>
      %swap3A_278 = vector.shape_cast %broadcast_in_dim3A_271 : vector<16xf32> to vector<1x1x16xf32>
      tpu.vector_store %arg8[%swap3A_273, %swap3A_274, %swap3A_275], %swap3A_278 {strides = array<i32>} : memref<2x128x128xf32, #tpu.memory_space<vmem>>, vector<1x1x16xf32>,
      %broadcast_in_dim3A_279 = arith.constant 0.000000e+00 : f32
      %broadcast_in_dim3A_280 = vector.broadcast %broadcast_in_dim3A_279 : f32 to vector<16xf32>
      %swap3A_281 = arith.constant 0 : i32
      %swap3A_282 = arith.index_cast %swap3A_281 : i32 to index
      %swap3A_283 = arith.index_cast %scan3A_253 : i32 to index
      %swap3A_284 = arith.constant 48 : index
      %swap3A_285 = tpu.vector_load %arg8[%swap3A_282, %swap3A_283, %swap3A_284] {strides = array<i32>} : memref<2x128x128xf32, #tpu.memory_space<vmem>>, vector<1x1x16xf32>,
      %swap3A_286 = vector.shape_cast %swap3A_285 : vector<1x1x16xf32> to vector<16xf32>
      %swap3A_287 = vector.shape_cast %broadcast_in_dim3A_280 : vector<16xf32> to vector<1x1x16xf32>
      tpu.vector_store %arg8[%swap3A_282, %swap3A_283, %swap3A_284], %swap3A_287 {strides = array<i32>} : memref<2x128x128xf32, #tpu.memory_space<vmem>>, vector<1x1x16xf32>,
      %broadcast_in_dim3A_288 = arith.constant 0.000000e+00 : f32
      %broadcast_in_dim3A_289 = vector.broadcast %broadcast_in_dim3A_288 : f32 to vector<16xf32>
      %swap3A_290 = arith.constant 0 : i32
      %swap3A_291 = arith.index_cast %swap3A_290 : i32 to index
      %swap3A_292 = arith.index_cast %scan3A_253 : i32 to index
      %swap3A_293 = arith.constant 64 : index
      %swap3A_294 = tpu.vector_load %arg8[%swap3A_291, %swap3A_292, %swap3A_293] {strides = array<i32>} : memref<2x128x128xf32, #tpu.memory_space<vmem>>, vector<1x1x16xf32>,
      %swap3A_295 = vector.shape_cast %swap3A_294 : vector<1x1x16xf32> to vector<16xf32>
      %swap3A_296 = vector.shape_cast %broadcast_in_dim3A_289 : vector<16xf32> to vector<1x1x16xf32>
      tpu.vector_store %arg8[%swap3A_291, %swap3A_292, %swap3A_293], %swap3A_296 {strides = array<i32>} : memref<2x128x128xf32, #tpu.memory_space<vmem>>, vector<1x1x16xf32>,
      %broadcast_in_dim3A_297 = arith.constant 0.000000e+00 : f32
      %broadcast_in_dim3A_298 = vector.broadcast %broadcast_in_dim3A_297 : f32 to vector<16xf32>
      %swap3A_299 = arith.constant 0 : i32
      %swap3A_300 = arith.index_cast %swap3A_299 : i32 to index
      %swap3A_301 = arith.index_cast %scan3A_253 : i32 to index
      %swap3A_302 = arith.constant 80 : index
      %swap3A_303 = tpu.vector_load %arg8[%swap3A_300, %swap3A_301, %swap3A_302] {strides = array<i32>} : memref<2x128x128xf32, #tpu.memory_space<vmem>>, vector<1x1x16xf32>,
      %swap3A_304 = vector.shape_cast %swap3A_303 : vector<1x1x16xf32> to vector<16xf32>
      %swap3A_305 = vector.shape_cast %broadcast_in_dim3A_298 : vector<16xf32> to vector<1x1x16xf32>
      tpu.vector_store %arg8[%swap3A_300, %swap3A_301, %swap3A_302], %swap3A_305 {strides = array<i32>} : memref<2x128x128xf32, #tpu.memory_space<vmem>>, vector<1x1x16xf32>,
      %broadcast_in_dim3A_306 = arith.constant 0.000000e+00 : f32
      %broadcast_in_dim3A_307 = vector.broadcast %broadcast_in_dim3A_306 : f32 to vector<16xf32>
      %swap3A_308 = arith.constant 0 : i32
      %swap3A_309 = arith.index_cast %swap3A_308 : i32 to index
      %swap3A_310 = arith.index_cast %scan3A_253 : i32 to index
      %swap3A_311 = arith.constant 96 : index
      %swap3A_312 = tpu.vector_load %arg8[%swap3A_309, %swap3A_310, %swap3A_311] {strides = array<i32>} : memref<2x128x128xf32, #tpu.memory_space<vmem>>, vector<1x1x16xf32>,
      %swap3A_313 = vector.shape_cast %swap3A_312 : vector<1x1x16xf32> to vector<16xf32>
      %swap3A_314 = vector.shape_cast %broadcast_in_dim3A_307 : vector<16xf32> to vector<1x1x16xf32>
      tpu.vector_store %arg8[%swap3A_309, %swap3A_310, %swap3A_311], %swap3A_314 {strides = array<i32>} : memref<2x128x128xf32, #tpu.memory_space<vmem>>, vector<1x1x16xf32>,
      %broadcast_in_dim3A_315 = arith.constant 0.000000e+00 : f32
      %broadcast_in_dim3A_316 = vector.broadcast %broadcast_in_dim3A_315 : f32 to vector<16xf32>
      %swap3A_317 = arith.constant 0 : i32
      %swap3A_318 = arith.index_cast %swap3A_317 : i32 to index
      %swap3A_319 = arith.index_cast %scan3A_253 : i32 to index
      %swap3A_320 = arith.constant 112 : index
      %swap3A_321 = tpu.vector_load %arg8[%swap3A_318, %swap3A_319, %swap3A_320] {strides = array<i32>} : memref<2x128x128xf32, #tpu.memory_space<vmem>>, vector<1x1x16xf32>,
      %swap3A_322 = vector.shape_cast %swap3A_321 : vector<1x1x16xf32> to vector<16xf32>
      %swap3A_323 = vector.shape_cast %broadcast_in_dim3A_316 : vector<16xf32> to vector<1x1x16xf32>
      tpu.vector_store %arg8[%swap3A_318, %swap3A_319, %swap3A_320], %swap3A_323 {strides = array<i32>} : memref<2x128x128xf32, #tpu.memory_space<vmem>>, vector<1x1x16xf32>,
    }
    %scan3A_5 = arith.constant 128 : i32
    %mul3A_6 = arith.constant 640 : i32
    %mul3A_7 = arith.muli %arg1, %mul3A_6 : i32
    %add3A_8 = arith.constant 0 : i32
    %add3A_9 = arith.addi %mul3A_7, %add3A_8 : i32
    %run_scoped3A = arith.constant 0 : i32
    "tpu.region"() ({
      %run_scoped3A_253 = tpu.sem_alloc : memref<!tpu.dma_semaphore, #tpu.memory_space<semaphore_mem>>
      %dma_start3A_254 = arith.constant 0 : i32
      %dma_start3A_255 = arith.constant 0 : i32
      %dma_start3A_256 = tpu.memref_slice %arg8[%run_scoped3A, %dma_start3A_254, %dma_start3A_255] : memref<2x128x128xf32, #tpu.memory_space<vmem>> -> memref<1x128x128xf32, #tpu.memory_space<vmem>>
      %dma_start3A_257 = tpu.memref_squeeze %dma_start3A_256 : memref<1x128x128xf32, #tpu.memory_space<vmem>> -> memref<128x128xf32, #tpu.memory_space<vmem>>
      %dma_start3A_258 = arith.constant 0 : i32
      %dma_start3A_259 = tpu.memref_slice %arg15[%add3A_9, %dma_start3A_258] : memref<10240x128xf32, #tpu.memory_space<vmem_shared>> -> memref<128x128xf32, #tpu.memory_space<vmem_shared>>
      %dma_start3A_260 = arith.constant 0 : i32
      %dma_start3A_261 = tpu.memref_slice %arg15[%add3A_9, %dma_start3A_260] : memref<10240x128xf32, #tpu.memory_space<vmem_shared>> -> memref<128x128xf32, #tpu.memory_space<vmem_shared>>
      %dma_start3A_262 = arith.constant 0 : i32
      %dma_start3A_263 = arith.constant 0 : i32
      %dma_start3A_264 = tpu.memref_slice %arg8[%run_scoped3A, %dma_start3A_262, %dma_start3A_263] : memref<2x128x128xf32, #tpu.memory_space<vmem>> -> memref<1x128x128xf32, #tpu.memory_space<vmem>>
      %dma_start3A_265 = tpu.memref_squeeze %dma_start3A_264 : memref<1x128x128xf32, #tpu.memory_space<vmem>> -> memref<128x128xf32, #tpu.memory_space<vmem>>
      tpu.enqueue_dma source(%dma_start3A_265 : memref<128x128xf32, #tpu.memory_space<vmem>>) target(%dma_start3A_261 : memref<128x128xf32, #tpu.memory_space<vmem_shared>>) target_semaphore(%run_scoped3A_253 : memref<!tpu.dma_semaphore, #tpu.memory_space<semaphore_mem>>)
      %dma_wait3A_266 = arith.constant 0 : i32
      %dma_wait3A_267 = arith.constant 0 : i32
      %dma_wait3A_268 = tpu.memref_slice %arg8[%run_scoped3A, %dma_wait3A_266, %dma_wait3A_267] : memref<2x128x128xf32, #tpu.memory_space<vmem>> -> memref<1x128x128xf32, #tpu.memory_space<vmem>>
      %dma_wait3A_269 = tpu.memref_squeeze %dma_wait3A_268 : memref<1x128x128xf32, #tpu.memory_space<vmem>> -> memref<128x128xf32, #tpu.memory_space<vmem>>
      %dma_wait3A_270 = arith.constant 0 : i32
      %dma_wait3A_271 = tpu.memref_slice %arg15[%add3A_9, %dma_wait3A_270] : memref<10240x128xf32, #tpu.memory_space<vmem_shared>> -> memref<128x128xf32, #tpu.memory_space<vmem_shared>>
      %dma_wait3A_272 = arith.constant 0 : i32
      %dma_wait3A_273 = tpu.memref_slice %arg15[%add3A_9, %dma_wait3A_272] : memref<10240x128xf32, #tpu.memory_space<vmem_shared>> -> memref<128x128xf32, #tpu.memory_space<vmem_shared>>
      %dma_wait3A_274 = arith.constant 0 : i32
      %dma_wait3A_275 = arith.constant 0 : i32
      %dma_wait3A_276 = tpu.memref_slice %arg8[%run_scoped3A, %dma_wait3A_274, %dma_wait3A_275] : memref<2x128x128xf32, #tpu.memory_space<vmem>> -> memref<1x128x128xf32, #tpu.memory_space<vmem>>
      %dma_wait3A_277 = tpu.memref_squeeze %dma_wait3A_276 : memref<1x128x128xf32, #tpu.memory_space<vmem>> -> memref<128x128xf32, #tpu.memory_space<vmem>>
      tpu.wait_dma2 semaphore(%run_scoped3A_253 : memref<!tpu.dma_semaphore, #tpu.memory_space<semaphore_mem>>) src(%dma_wait3A_277 : memref<128x128xf32, #tpu.memory_space<vmem>>) dst(%dma_wait3A_273 : memref<128x128xf32, #tpu.memory_space<vmem_shared>>)
      tpu.yield
    }) : () -> ()
    %add3A_10 = arith.constant 128 : i32
    %add3A_11 = arith.addi %mul3A_7, %add3A_10 : i32
    %run_scoped3A_12 = arith.constant 0 : i32
    "tpu.region"() ({
      %run_scoped3A_253 = tpu.sem_alloc : memref<!tpu.dma_semaphore, #tpu.memory_space<semaphore_mem>>
      %dma_start3A_254 = arith.constant 0 : i32
      %dma_start3A_255 = arith.constant 0 : i32
      %dma_start3A_256 = tpu.memref_slice %arg8[%run_scoped3A_12, %dma_start3A_254, %dma_start3A_255] : memref<2x128x128xf32, #tpu.memory_space<vmem>> -> memref<1x128x128xf32, #tpu.memory_space<vmem>>
      %dma_start3A_257 = tpu.memref_squeeze %dma_start3A_256 : memref<1x128x128xf32, #tpu.memory_space<vmem>> -> memref<128x128xf32, #tpu.memory_space<vmem>>
      %dma_start3A_258 = arith.constant 0 : i32
      %dma_start3A_259 = tpu.memref_slice %arg15[%add3A_11, %dma_start3A_258] : memref<10240x128xf32, #tpu.memory_space<vmem_shared>> -> memref<128x128xf32, #tpu.memory_space<vmem_shared>>
      %dma_start3A_260 = arith.constant 0 : i32
      %dma_start3A_261 = tpu.memref_slice %arg15[%add3A_11, %dma_start3A_260] : memref<10240x128xf32, #tpu.memory_space<vmem_shared>> -> memref<128x128xf32, #tpu.memory_space<vmem_shared>>
      %dma_start3A_262 = arith.constant 0 : i32
      %dma_start3A_263 = arith.constant 0 : i32
      %dma_start3A_264 = tpu.memref_slice %arg8[%run_scoped3A_12, %dma_start3A_262, %dma_start3A_263] : memref<2x128x128xf32, #tpu.memory_space<vmem>> -> memref<1x128x128xf32, #tpu.memory_space<vmem>>
      %dma_start3A_265 = tpu.memref_squeeze %dma_start3A_264 : memref<1x128x128xf32, #tpu.memory_space<vmem>> -> memref<128x128xf32, #tpu.memory_space<vmem>>
      tpu.enqueue_dma source(%dma_start3A_265 : memref<128x128xf32, #tpu.memory_space<vmem>>) target(%dma_start3A_261 : memref<128x128xf32, #tpu.memory_space<vmem_shared>>) target_semaphore(%run_scoped3A_253 : memref<!tpu.dma_semaphore, #tpu.memory_space<semaphore_mem>>)
      %dma_wait3A_266 = arith.constant 0 : i32
      %dma_wait3A_267 = arith.constant 0 : i32
      %dma_wait3A_268 = tpu.memref_slice %arg8[%run_scoped3A_12, %dma_wait3A_266, %dma_wait3A_267] : memref<2x128x128xf32, #tpu.memory_space<vmem>> -> memref<1x128x128xf32, #tpu.memory_space<vmem>>
      %dma_wait3A_269 = tpu.memref_squeeze %dma_wait3A_268 : memref<1x128x128xf32, #tpu.memory_space<vmem>> -> memref<128x128xf32, #tpu.memory_space<vmem>>
      %dma_wait3A_270 = arith.constant 0 : i32
      %dma_wait3A_271 = tpu.memref_slice %arg15[%add3A_11, %dma_wait3A_270] : memref<10240x128xf32, #tpu.memory_space<vmem_shared>> -> memref<128x128xf32, #tpu.memory_space<vmem_shared>>
      %dma_wait3A_272 = arith.constant 0 : i32
      %dma_wait3A_273 = tpu.memref_slice %arg15[%add3A_11, %dma_wait3A_272] : memref<10240x128xf32, #tpu.memory_space<vmem_shared>> -> memref<128x128xf32, #tpu.memory_space<vmem_shared>>
      %dma_wait3A_274 = arith.constant 0 : i32
      %dma_wait3A_275 = arith.constant 0 : i32
      %dma_wait3A_276 = tpu.memref_slice %arg8[%run_scoped3A_12, %dma_wait3A_274, %dma_wait3A_275] : memref<2x128x128xf32, #tpu.memory_space<vmem>> -> memref<1x128x128xf32, #tpu.memory_space<vmem>>
      %dma_wait3A_277 = tpu.memref_squeeze %dma_wait3A_276 : memref<1x128x128xf32, #tpu.memory_space<vmem>> -> memref<128x128xf32, #tpu.memory_space<vmem>>
      tpu.wait_dma2 semaphore(%run_scoped3A_253 : memref<!tpu.dma_semaphore, #tpu.memory_space<semaphore_mem>>) src(%dma_wait3A_277 : memref<128x128xf32, #tpu.memory_space<vmem>>) dst(%dma_wait3A_273 : memref<128x128xf32, #tpu.memory_space<vmem_shared>>)
      tpu.yield
    }) : () -> ()
    %add3A_13 = arith.constant 256 : i32
    %add3A_14 = arith.addi %mul3A_7, %add3A_13 : i32
    %run_scoped3A_15 = arith.constant 0 : i32
    "tpu.region"() ({
      %run_scoped3A_253 = tpu.sem_alloc : memref<!tpu.dma_semaphore, #tpu.memory_space<semaphore_mem>>
      %dma_start3A_254 = arith.constant 0 : i32
      %dma_start3A_255 = arith.constant 0 : i32
      %dma_start3A_256 = tpu.memref_slice %arg8[%run_scoped3A_15, %dma_start3A_254, %dma_start3A_255] : memref<2x128x128xf32, #tpu.memory_space<vmem>> -> memref<1x128x128xf32, #tpu.memory_space<vmem>>
      %dma_start3A_257 = tpu.memref_squeeze %dma_start3A_256 : memref<1x128x128xf32, #tpu.memory_space<vmem>> -> memref<128x128xf32, #tpu.memory_space<vmem>>
      %dma_start3A_258 = arith.constant 0 : i32
      %dma_start3A_259 = tpu.memref_slice %arg15[%add3A_14, %dma_start3A_258] : memref<10240x128xf32, #tpu.memory_space<vmem_shared>> -> memref<128x128xf32, #tpu.memory_space<vmem_shared>>
      %dma_start3A_260 = arith.constant 0 : i32
      %dma_start3A_261 = tpu.memref_slice %arg15[%add3A_14, %dma_start3A_260] : memref<10240x128xf32, #tpu.memory_space<vmem_shared>> -> memref<128x128xf32, #tpu.memory_space<vmem_shared>>
      %dma_start3A_262 = arith.constant 0 : i32
      %dma_start3A_263 = arith.constant 0 : i32
      %dma_start3A_264 = tpu.memref_slice %arg8[%run_scoped3A_15, %dma_start3A_262, %dma_start3A_263] : memref<2x128x128xf32, #tpu.memory_space<vmem>> -> memref<1x128x128xf32, #tpu.memory_space<vmem>>
      %dma_start3A_265 = tpu.memref_squeeze %dma_start3A_264 : memref<1x128x128xf32, #tpu.memory_space<vmem>> -> memref<128x128xf32, #tpu.memory_space<vmem>>
      tpu.enqueue_dma source(%dma_start3A_265 : memref<128x128xf32, #tpu.memory_space<vmem>>) target(%dma_start3A_261 : memref<128x128xf32, #tpu.memory_space<vmem_shared>>) target_semaphore(%run_scoped3A_253 : memref<!tpu.dma_semaphore, #tpu.memory_space<semaphore_mem>>)
      %dma_wait3A_266 = arith.constant 0 : i32
      %dma_wait3A_267 = arith.constant 0 : i32
      %dma_wait3A_268 = tpu.memref_slice %arg8[%run_scoped3A_15, %dma_wait3A_266, %dma_wait3A_267] : memref<2x128x128xf32, #tpu.memory_space<vmem>> -> memref<1x128x128xf32, #tpu.memory_space<vmem>>
      %dma_wait3A_269 = tpu.memref_squeeze %dma_wait3A_268 : memref<1x128x128xf32, #tpu.memory_space<vmem>> -> memref<128x128xf32, #tpu.memory_space<vmem>>
      %dma_wait3A_270 = arith.constant 0 : i32
      %dma_wait3A_271 = tpu.memref_slice %arg15[%add3A_14, %dma_wait3A_270] : memref<10240x128xf32, #tpu.memory_space<vmem_shared>> -> memref<128x128xf32, #tpu.memory_space<vmem_shared>>
      %dma_wait3A_272 = arith.constant 0 : i32
      %dma_wait3A_273 = tpu.memref_slice %arg15[%add3A_14, %dma_wait3A_272] : memref<10240x128xf32, #tpu.memory_space<vmem_shared>> -> memref<128x128xf32, #tpu.memory_space<vmem_shared>>
      %dma_wait3A_274 = arith.constant 0 : i32
      %dma_wait3A_275 = arith.constant 0 : i32
      %dma_wait3A_276 = tpu.memref_slice %arg8[%run_scoped3A_15, %dma_wait3A_274, %dma_wait3A_275] : memref<2x128x128xf32, #tpu.memory_space<vmem>> -> memref<1x128x128xf32, #tpu.memory_space<vmem>>
      %dma_wait3A_277 = tpu.memref_squeeze %dma_wait3A_276 : memref<1x128x128xf32, #tpu.memory_space<vmem>> -> memref<128x128xf32, #tpu.memory_space<vmem>>
      tpu.wait_dma2 semaphore(%run_scoped3A_253 : memref<!tpu.dma_semaphore, #tpu.memory_space<semaphore_mem>>) src(%dma_wait3A_277 : memref<128x128xf32, #tpu.memory_space<vmem>>) dst(%dma_wait3A_273 : memref<128x128xf32, #tpu.memory_space<vmem_shared>>)
      tpu.yield
    }) : () -> ()
    %add3A_16 = arith.constant 384 : i32
    %add3A_17 = arith.addi %mul3A_7, %add3A_16 : i32
    %run_scoped3A_18 = arith.constant 0 : i32
    "tpu.region"() ({
      %run_scoped3A_253 = tpu.sem_alloc : memref<!tpu.dma_semaphore, #tpu.memory_space<semaphore_mem>>
      %dma_start3A_254 = arith.constant 0 : i32
      %dma_start3A_255 = arith.constant 0 : i32
      %dma_start3A_256 = tpu.memref_slice %arg8[%run_scoped3A_18, %dma_start3A_254, %dma_start3A_255] : memref<2x128x128xf32, #tpu.memory_space<vmem>> -> memref<1x128x128xf32, #tpu.memory_space<vmem>>
      %dma_start3A_257 = tpu.memref_squeeze %dma_start3A_256 : memref<1x128x128xf32, #tpu.memory_space<vmem>> -> memref<128x128xf32, #tpu.memory_space<vmem>>
      %dma_start3A_258 = arith.constant 0 : i32
      %dma_start3A_259 = tpu.memref_slice %arg15[%add3A_17, %dma_start3A_258] : memref<10240x128xf32, #tpu.memory_space<vmem_shared>> -> memref<128x128xf32, #tpu.memory_space<vmem_shared>>
      %dma_start3A_260 = arith.constant 0 : i32
      %dma_start3A_261 = tpu.memref_slice %arg15[%add3A_17, %dma_start3A_260] : memref<10240x128xf32, #tpu.memory_space<vmem_shared>> -> memref<128x128xf32, #tpu.memory_space<vmem_shared>>
      %dma_start3A_262 = arith.constant 0 : i32
      %dma_start3A_263 = arith.constant 0 : i32
      %dma_start3A_264 = tpu.memref_slice %arg8[%run_scoped3A_18, %dma_start3A_262, %dma_start3A_263] : memref<2x128x128xf32, #tpu.memory_space<vmem>> -> memref<1x128x128xf32, #tpu.memory_space<vmem>>
      %dma_start3A_265 = tpu.memref_squeeze %dma_start3A_264 : memref<1x128x128xf32, #tpu.memory_space<vmem>> -> memref<128x128xf32, #tpu.memory_space<vmem>>
      tpu.enqueue_dma source(%dma_start3A_265 : memref<128x128xf32, #tpu.memory_space<vmem>>) target(%dma_start3A_261 : memref<128x128xf32, #tpu.memory_space<vmem_shared>>) target_semaphore(%run_scoped3A_253 : memref<!tpu.dma_semaphore, #tpu.memory_space<semaphore_mem>>)
      %dma_wait3A_266 = arith.constant 0 : i32
      %dma_wait3A_267 = arith.constant 0 : i32
      %dma_wait3A_268 = tpu.memref_slice %arg8[%run_scoped3A_18, %dma_wait3A_266, %dma_wait3A_267] : memref<2x128x128xf32, #tpu.memory_space<vmem>> -> memref<1x128x128xf32, #tpu.memory_space<vmem>>
      %dma_wait3A_269 = tpu.memref_squeeze %dma_wait3A_268 : memref<1x128x128xf32, #tpu.memory_space<vmem>> -> memref<128x128xf32, #tpu.memory_space<vmem>>
      %dma_wait3A_270 = arith.constant 0 : i32
      %dma_wait3A_271 = tpu.memref_slice %arg15[%add3A_17, %dma_wait3A_270] : memref<10240x128xf32, #tpu.memory_space<vmem_shared>> -> memref<128x128xf32, #tpu.memory_space<vmem_shared>>
      %dma_wait3A_272 = arith.constant 0 : i32
      %dma_wait3A_273 = tpu.memref_slice %arg15[%add3A_17, %dma_wait3A_272] : memref<10240x128xf32, #tpu.memory_space<vmem_shared>> -> memref<128x128xf32, #tpu.memory_space<vmem_shared>>
      %dma_wait3A_274 = arith.constant 0 : i32
      %dma_wait3A_275 = arith.constant 0 : i32
      %dma_wait3A_276 = tpu.memref_slice %arg8[%run_scoped3A_18, %dma_wait3A_274, %dma_wait3A_275] : memref<2x128x128xf32, #tpu.memory_space<vmem>> -> memref<1x128x128xf32, #tpu.memory_space<vmem>>
      %dma_wait3A_277 = tpu.memref_squeeze %dma_wait3A_276 : memref<1x128x128xf32, #tpu.memory_space<vmem>> -> memref<128x128xf32, #tpu.memory_space<vmem>>
      tpu.wait_dma2 semaphore(%run_scoped3A_253 : memref<!tpu.dma_semaphore, #tpu.memory_space<semaphore_mem>>) src(%dma_wait3A_277 : memref<128x128xf32, #tpu.memory_space<vmem>>) dst(%dma_wait3A_273 : memref<128x128xf32, #tpu.memory_space<vmem_shared>>)
      tpu.yield
    }) : () -> ()
    %add3A_19 = arith.constant 512 : i32
    %add3A_20 = arith.addi %mul3A_7, %add3A_19 : i32
    %run_scoped3A_21 = arith.constant 0 : i32
    "tpu.region"() ({
      %run_scoped3A_253 = tpu.sem_alloc : memref<!tpu.dma_semaphore, #tpu.memory_space<semaphore_mem>>
      %dma_start3A_254 = arith.constant 0 : i32
      %dma_start3A_255 = arith.constant 0 : i32
      %dma_start3A_256 = tpu.memref_slice %arg8[%run_scoped3A_21, %dma_start3A_254, %dma_start3A_255] : memref<2x128x128xf32, #tpu.memory_space<vmem>> -> memref<1x128x128xf32, #tpu.memory_space<vmem>>
      %dma_start3A_257 = tpu.memref_squeeze %dma_start3A_256 : memref<1x128x128xf32, #tpu.memory_space<vmem>> -> memref<128x128xf32, #tpu.memory_space<vmem>>
      %dma_start3A_258 = arith.constant 0 : i32
      %dma_start3A_259 = tpu.memref_slice %arg15[%add3A_20, %dma_start3A_258] : memref<10240x128xf32, #tpu.memory_space<vmem_shared>> -> memref<128x128xf32, #tpu.memory_space<vmem_shared>>
      %dma_start3A_260 = arith.constant 0 : i32
      %dma_start3A_261 = tpu.memref_slice %arg15[%add3A_20, %dma_start3A_260] : memref<10240x128xf32, #tpu.memory_space<vmem_shared>> -> memref<128x128xf32, #tpu.memory_space<vmem_shared>>
      %dma_start3A_262 = arith.constant 0 : i32
      %dma_start3A_263 = arith.constant 0 : i32
      %dma_start3A_264 = tpu.memref_slice %arg8[%run_scoped3A_21, %dma_start3A_262, %dma_start3A_263] : memref<2x128x128xf32, #tpu.memory_space<vmem>> -> memref<1x128x128xf32, #tpu.memory_space<vmem>>
      %dma_start3A_265 = tpu.memref_squeeze %dma_start3A_264 : memref<1x128x128xf32, #tpu.memory_space<vmem>> -> memref<128x128xf32, #tpu.memory_space<vmem>>
      tpu.enqueue_dma source(%dma_start3A_265 : memref<128x128xf32, #tpu.memory_space<vmem>>) target(%dma_start3A_261 : memref<128x128xf32, #tpu.memory_space<vmem_shared>>) target_semaphore(%run_scoped3A_253 : memref<!tpu.dma_semaphore, #tpu.memory_space<semaphore_mem>>)
      %dma_wait3A_266 = arith.constant 0 : i32
      %dma_wait3A_267 = arith.constant 0 : i32
      %dma_wait3A_268 = tpu.memref_slice %arg8[%run_scoped3A_21, %dma_wait3A_266, %dma_wait3A_267] : memref<2x128x128xf32, #tpu.memory_space<vmem>> -> memref<1x128x128xf32, #tpu.memory_space<vmem>>
      %dma_wait3A_269 = tpu.memref_squeeze %dma_wait3A_268 : memref<1x128x128xf32, #tpu.memory_space<vmem>> -> memref<128x128xf32, #tpu.memory_space<vmem>>
      %dma_wait3A_270 = arith.constant 0 : i32
      %dma_wait3A_271 = tpu.memref_slice %arg15[%add3A_20, %dma_wait3A_270] : memref<10240x128xf32, #tpu.memory_space<vmem_shared>> -> memref<128x128xf32, #tpu.memory_space<vmem_shared>>
      %dma_wait3A_272 = arith.constant 0 : i32
      %dma_wait3A_273 = tpu.memref_slice %arg15[%add3A_20, %dma_wait3A_272] : memref<10240x128xf32, #tpu.memory_space<vmem_shared>> -> memref<128x128xf32, #tpu.memory_space<vmem_shared>>
      %dma_wait3A_274 = arith.constant 0 : i32
      %dma_wait3A_275 = arith.constant 0 : i32
      %dma_wait3A_276 = tpu.memref_slice %arg8[%run_scoped3A_21, %dma_wait3A_274, %dma_wait3A_275] : memref<2x128x128xf32, #tpu.memory_space<vmem>> -> memref<1x128x128xf32, #tpu.memory_space<vmem>>
      %dma_wait3A_277 = tpu.memref_squeeze %dma_wait3A_276 : memref<1x128x128xf32, #tpu.memory_space<vmem>> -> memref<128x128xf32, #tpu.memory_space<vmem>>
      tpu.wait_dma2 semaphore(%run_scoped3A_253 : memref<!tpu.dma_semaphore, #tpu.memory_space<semaphore_mem>>) src(%dma_wait3A_277 : memref<128x128xf32, #tpu.memory_space<vmem>>) dst(%dma_wait3A_273 : memref<128x128xf32, #tpu.memory_space<vmem_shared>>)
      tpu.yield
    }) : () -> ()
    %barrier3A = arith.constant 0 : index
    tpu.barrier barrier_id(%barrier3A)
    %dma_start3A = arith.constant 0 : i32
    %dma_start3A_22 = arith.constant 0 : i32
    %dma_start3A_23 = arith.constant 0 : i32
    %dma_start3A_24 = tpu.memref_slice %arg7[%dma_start3A_22, %dma_start3A_23] : memref<4x128xi32, #tpu.memory_space<vmem>> -> memref<1x128xi32, #tpu.memory_space<vmem>>
    %dma_start3A_25 = tpu.memref_squeeze %dma_start3A_24 : memref<1x128xi32, #tpu.memory_space<vmem>> -> memref<128xi32, #tpu.memory_space<vmem>>
    %dma_start3A_26 = arith.constant 0 : i32
    %dma_start3A_27 = tpu.memref_slice %arg3[%add3A, %dma_start3A, %dma_start3A_26] : memref<32x80x128xi32, #tpu.memory_space<hbm>> -> memref<1x1x128xi32, #tpu.memory_space<hbm>>
    %dma_start3A_28 = tpu.memref_squeeze %dma_start3A_27 : memref<1x1x128xi32, #tpu.memory_space<hbm>> -> memref<128xi32, #tpu.memory_space<hbm>>
    %dma_start3A_29 = arith.constant 0 : i32
    %dma_start3A_30 = tpu.memref_slice %arg7[%dma_start3A_22, %dma_start3A_29] : memref<4x128xi32, #tpu.memory_space<vmem>> -> memref<1x128xi32, #tpu.memory_space<vmem>>
    %dma_start3A_31 = tpu.memref_squeeze %dma_start3A_30 : memref<1x128xi32, #tpu.memory_space<vmem>> -> memref<128xi32, #tpu.memory_space<vmem>>
    %dma_start3A_32 = arith.constant 0 : i32
    %dma_start3A_33 = tpu.memref_slice %arg3[%add3A, %dma_start3A, %dma_start3A_32] : memref<32x80x128xi32, #tpu.memory_space<hbm>> -> memref<1x1x128xi32, #tpu.memory_space<hbm>>
    %dma_start3A_34 = tpu.memref_squeeze %dma_start3A_33 : memref<1x1x128xi32, #tpu.memory_space<hbm>> -> memref<128xi32, #tpu.memory_space<hbm>>
    tpu.enqueue_dma source(%dma_start3A_34 : memref<128xi32, #tpu.memory_space<hbm>>) target(%dma_start3A_31 : memref<128xi32, #tpu.memory_space<vmem>>) target_semaphore(%arg11 : memref<!tpu.dma_semaphore, #tpu.memory_space<semaphore_mem>>)
    %dma_start3A_35 = arith.constant 1 : i32
    %dma_start3A_36 = arith.constant 1 : i32
    %dma_start3A_37 = arith.constant 0 : i32
    %dma_start3A_38 = tpu.memref_slice %arg7[%dma_start3A_36, %dma_start3A_37] : memref<4x128xi32, #tpu.memory_space<vmem>> -> memref<1x128xi32, #tpu.memory_space<vmem>>
    %dma_start3A_39 = tpu.memref_squeeze %dma_start3A_38 : memref<1x128xi32, #tpu.memory_space<vmem>> -> memref<128xi32, #tpu.memory_space<vmem>>
    %dma_start3A_40 = arith.constant 0 : i32
    %dma_start3A_41 = tpu.memref_slice %arg3[%add3A, %dma_start3A_35, %dma_start3A_40] : memref<32x80x128xi32, #tpu.memory_space<hbm>> -> memref<1x1x128xi32, #tpu.memory_space<hbm>>
    %dma_start3A_42 = tpu.memref_squeeze %dma_start3A_41 : memref<1x1x128xi32, #tpu.memory_space<hbm>> -> memref<128xi32, #tpu.memory_space<hbm>>
    %dma_start3A_43 = arith.constant 0 : i32
    %dma_start3A_44 = tpu.memref_slice %arg7[%dma_start3A_36, %dma_start3A_43] : memref<4x128xi32, #tpu.memory_space<vmem>> -> memref<1x128xi32, #tpu.memory_space<vmem>>
    %dma_start3A_45 = tpu.memref_squeeze %dma_start3A_44 : memref<1x128xi32, #tpu.memory_space<vmem>> -> memref<128xi32, #tpu.memory_space<vmem>>
    %dma_start3A_46 = arith.constant 0 : i32
    %dma_start3A_47 = tpu.memref_slice %arg3[%add3A, %dma_start3A_35, %dma_start3A_46] : memref<32x80x128xi32, #tpu.memory_space<hbm>> -> memref<1x1x128xi32, #tpu.memory_space<hbm>>
    %dma_start3A_48 = tpu.memref_squeeze %dma_start3A_47 : memref<1x1x128xi32, #tpu.memory_space<hbm>> -> memref<128xi32, #tpu.memory_space<hbm>>
    tpu.enqueue_dma source(%dma_start3A_48 : memref<128xi32, #tpu.memory_space<hbm>>) target(%dma_start3A_45 : memref<128xi32, #tpu.memory_space<vmem>>) target_semaphore(%arg12 : memref<!tpu.dma_semaphore, #tpu.memory_space<semaphore_mem>>)
    %dma_start3A_49 = arith.constant 2 : i32
    %dma_start3A_50 = arith.constant 2 : i32
    %dma_start3A_51 = arith.constant 0 : i32
    %dma_start3A_52 = tpu.memref_slice %arg7[%dma_start3A_50, %dma_start3A_51] : memref<4x128xi32, #tpu.memory_space<vmem>> -> memref<1x128xi32, #tpu.memory_space<vmem>>
    %dma_start3A_53 = tpu.memref_squeeze %dma_start3A_52 : memref<1x128xi32, #tpu.memory_space<vmem>> -> memref<128xi32, #tpu.memory_space<vmem>>
    %dma_start3A_54 = arith.constant 0 : i32
    %dma_start3A_55 = tpu.memref_slice %arg3[%add3A, %dma_start3A_49, %dma_start3A_54] : memref<32x80x128xi32, #tpu.memory_space<hbm>> -> memref<1x1x128xi32, #tpu.memory_space<hbm>>
    %dma_start3A_56 = tpu.memref_squeeze %dma_start3A_55 : memref<1x1x128xi32, #tpu.memory_space<hbm>> -> memref<128xi32, #tpu.memory_space<hbm>>
    %dma_start3A_57 = arith.constant 0 : i32
    %dma_start3A_58 = tpu.memref_slice %arg7[%dma_start3A_50, %dma_start3A_57] : memref<4x128xi32, #tpu.memory_space<vmem>> -> memref<1x128xi32, #tpu.memory_space<vmem>>
    %dma_start3A_59 = tpu.memref_squeeze %dma_start3A_58 : memref<1x128xi32, #tpu.memory_space<vmem>> -> memref<128xi32, #tpu.memory_space<vmem>>
    %dma_start3A_60 = arith.constant 0 : i32
    %dma_start3A_61 = tpu.memref_slice %arg3[%add3A, %dma_start3A_49, %dma_start3A_60] : memref<32x80x128xi32, #tpu.memory_space<hbm>> -> memref<1x1x128xi32, #tpu.memory_space<hbm>>
    %dma_start3A_62 = tpu.memref_squeeze %dma_start3A_61 : memref<1x1x128xi32, #tpu.memory_space<hbm>> -> memref<128xi32, #tpu.memory_space<hbm>>
    tpu.enqueue_dma source(%dma_start3A_62 : memref<128xi32, #tpu.memory_space<hbm>>) target(%dma_start3A_59 : memref<128xi32, #tpu.memory_space<vmem>>) target_semaphore(%arg13 : memref<!tpu.dma_semaphore, #tpu.memory_space<semaphore_mem>>)
    %dma_start3A_63 = arith.constant 3 : i32
    %dma_start3A_64 = arith.constant 3 : i32
    %dma_start3A_65 = arith.constant 0 : i32
    %dma_start3A_66 = tpu.memref_slice %arg7[%dma_start3A_64, %dma_start3A_65] : memref<4x128xi32, #tpu.memory_space<vmem>> -> memref<1x128xi32, #tpu.memory_space<vmem>>
    %dma_start3A_67 = tpu.memref_squeeze %dma_start3A_66 : memref<1x128xi32, #tpu.memory_space<vmem>> -> memref<128xi32, #tpu.memory_space<vmem>>
    %dma_start3A_68 = arith.constant 0 : i32
    %dma_start3A_69 = tpu.memref_slice %arg3[%add3A, %dma_start3A_63, %dma_start3A_68] : memref<32x80x128xi32, #tpu.memory_space<hbm>> -> memref<1x1x128xi32, #tpu.memory_space<hbm>>
    %dma_start3A_70 = tpu.memref_squeeze %dma_start3A_69 : memref<1x1x128xi32, #tpu.memory_space<hbm>> -> memref<128xi32, #tpu.memory_space<hbm>>
    %dma_start3A_71 = arith.constant 0 : i32
    %dma_start3A_72 = tpu.memref_slice %arg7[%dma_start3A_64, %dma_start3A_71] : memref<4x128xi32, #tpu.memory_space<vmem>> -> memref<1x128xi32, #tpu.memory_space<vmem>>
    %dma_start3A_73 = tpu.memref_squeeze %dma_start3A_72 : memref<1x128xi32, #tpu.memory_space<vmem>> -> memref<128xi32, #tpu.memory_space<vmem>>
    %dma_start3A_74 = arith.constant 0 : i32
    %dma_start3A_75 = tpu.memref_slice %arg3[%add3A, %dma_start3A_63, %dma_start3A_74] : memref<32x80x128xi32, #tpu.memory_space<hbm>> -> memref<1x1x128xi32, #tpu.memory_space<hbm>>
    %dma_start3A_76 = tpu.memref_squeeze %dma_start3A_75 : memref<1x1x128xi32, #tpu.memory_space<hbm>> -> memref<128xi32, #tpu.memory_space<hbm>>
    tpu.enqueue_dma source(%dma_start3A_76 : memref<128xi32, #tpu.memory_space<hbm>>) target(%dma_start3A_73 : memref<128xi32, #tpu.memory_space<vmem>>) target_semaphore(%arg14 : memref<!tpu.dma_semaphore, #tpu.memory_space<semaphore_mem>>)
    %dma_wait3A = arith.constant 0 : i32
    %dma_wait3A_77 = arith.constant 0 : i32
    %dma_wait3A_78 = arith.constant 0 : i32
    %dma_wait3A_79 = arith.constant 0 : i32
    %dma_wait3A_80 = tpu.memref_slice %arg7[%dma_wait3A_78, %dma_wait3A_79] : memref<4x128xi32, #tpu.memory_space<vmem>> -> memref<1x128xi32, #tpu.memory_space<vmem>>
    %dma_wait3A_81 = tpu.memref_squeeze %dma_wait3A_80 : memref<1x128xi32, #tpu.memory_space<vmem>> -> memref<128xi32, #tpu.memory_space<vmem>>
    %dma_wait3A_82 = arith.constant 0 : i32
    %dma_wait3A_83 = tpu.memref_slice %arg3[%dma_wait3A, %dma_wait3A_77, %dma_wait3A_82] : memref<32x80x128xi32, #tpu.memory_space<hbm>> -> memref<1x1x128xi32, #tpu.memory_space<hbm>>
    %dma_wait3A_84 = tpu.memref_squeeze %dma_wait3A_83 : memref<1x1x128xi32, #tpu.memory_space<hbm>> -> memref<128xi32, #tpu.memory_space<hbm>>
    %dma_wait3A_85 = arith.constant 0 : i32
    %dma_wait3A_86 = tpu.memref_slice %arg7[%dma_wait3A_78, %dma_wait3A_85] : memref<4x128xi32, #tpu.memory_space<vmem>> -> memref<1x128xi32, #tpu.memory_space<vmem>>
    %dma_wait3A_87 = tpu.memref_squeeze %dma_wait3A_86 : memref<1x128xi32, #tpu.memory_space<vmem>> -> memref<128xi32, #tpu.memory_space<vmem>>
    %dma_wait3A_88 = arith.constant 0 : i32
    %dma_wait3A_89 = tpu.memref_slice %arg3[%dma_wait3A, %dma_wait3A_77, %dma_wait3A_88] : memref<32x80x128xi32, #tpu.memory_space<hbm>> -> memref<1x1x128xi32, #tpu.memory_space<hbm>>
    %dma_wait3A_90 = tpu.memref_squeeze %dma_wait3A_89 : memref<1x1x128xi32, #tpu.memory_space<hbm>> -> memref<128xi32, #tpu.memory_space<hbm>>
    tpu.wait_dma2 semaphore(%arg11 : memref<!tpu.dma_semaphore, #tpu.memory_space<semaphore_mem>>) src(%dma_wait3A_90 : memref<128xi32, #tpu.memory_space<hbm>>) dst(%dma_wait3A_87 : memref<128xi32, #tpu.memory_space<vmem>>)
    %dma_start3A_91 = arith.constant 0 : i32
    %dma_start3A_92 = arith.constant 0 : i32
    %dma_start3A_93 = arith.constant 0 : i32
    %dma_start3A_94 = arith.constant 0 : i32
    %dma_start3A_95 = tpu.memref_slice %arg8[%dma_start3A_92, %dma_start3A_93, %dma_start3A_94] : memref<2x128x128xf32, #tpu.memory_space<vmem>> -> memref<1x128x128xf32, #tpu.memory_space<vmem>>
    %dma_start3A_96 = tpu.memref_squeeze %dma_start3A_95 : memref<1x128x128xf32, #tpu.memory_space<vmem>> -> memref<128x128xf32, #tpu.memory_space<vmem>>
    %dma_start3A_97 = arith.constant 0 : i32
    %dma_start3A_98 = tpu.memref_slice %arg7[%dma_start3A_91, %dma_start3A_97] : memref<4x128xi32, #tpu.memory_space<vmem>> -> memref<1x128xi32, #tpu.memory_space<vmem>>
    %dma_start3A_99 = tpu.memref_squeeze %dma_start3A_98 : memref<1x128xi32, #tpu.memory_space<vmem>> -> memref<128xi32, #tpu.memory_space<vmem>>
    %dma_start3A_100 = arith.constant 0 : i32
    %dma_start3A_101 = arith.constant 0 : i32
    %dma_start3A_102 = tpu.memref_slice %arg2[%dma_start3A_100, %dma_start3A_101] : memref<10000x128xf32, #tpu.memory_space<hbm>> -> memref<10000x128xf32, #tpu.memory_space<hbm>>
    tpu.enqueue_indirect_dma source(%dma_start3A_102 : memref<10000x128xf32, #tpu.memory_space<hbm>>) target(%dma_start3A_96 : memref<128x128xf32, #tpu.memory_space<vmem>>) offsets(%dma_start3A_99 : memref<128xi32, #tpu.memory_space<vmem>>) semaphore(%arg9 : memref<!tpu.dma_semaphore, #tpu.memory_space<semaphore_mem>>)
    %dma_wait3A_103 = arith.constant 0 : i32
    %dma_wait3A_104 = arith.constant 0 : i32
    %dma_wait3A_105 = arith.constant 1 : i32
    %dma_wait3A_106 = arith.constant 0 : i32
    %dma_wait3A_107 = tpu.memref_slice %arg7[%dma_wait3A_105, %dma_wait3A_106] : memref<4x128xi32, #tpu.memory_space<vmem>> -> memref<1x128xi32, #tpu.memory_space<vmem>>
    %dma_wait3A_108 = tpu.memref_squeeze %dma_wait3A_107 : memref<1x128xi32, #tpu.memory_space<vmem>> -> memref<128xi32, #tpu.memory_space<vmem>>
    %dma_wait3A_109 = arith.constant 0 : i32
    %dma_wait3A_110 = tpu.memref_slice %arg3[%dma_wait3A_103, %dma_wait3A_104, %dma_wait3A_109] : memref<32x80x128xi32, #tpu.memory_space<hbm>> -> memref<1x1x128xi32, #tpu.memory_space<hbm>>
    %dma_wait3A_111 = tpu.memref_squeeze %dma_wait3A_110 : memref<1x1x128xi32, #tpu.memory_space<hbm>> -> memref<128xi32, #tpu.memory_space<hbm>>
    %dma_wait3A_112 = arith.constant 0 : i32
    %dma_wait3A_113 = tpu.memref_slice %arg7[%dma_wait3A_105, %dma_wait3A_112] : memref<4x128xi32, #tpu.memory_space<vmem>> -> memref<1x128xi32, #tpu.memory_space<vmem>>
    %dma_wait3A_114 = tpu.memref_squeeze %dma_wait3A_113 : memref<1x128xi32, #tpu.memory_space<vmem>> -> memref<128xi32, #tpu.memory_space<vmem>>
    %dma_wait3A_115 = arith.constant 0 : i32
    %dma_wait3A_116 = tpu.memref_slice %arg3[%dma_wait3A_103, %dma_wait3A_104, %dma_wait3A_115] : memref<32x80x128xi32, #tpu.memory_space<hbm>> -> memref<1x1x128xi32, #tpu.memory_space<hbm>>
    %dma_wait3A_117 = tpu.memref_squeeze %dma_wait3A_116 : memref<1x1x128xi32, #tpu.memory_space<hbm>> -> memref<128xi32, #tpu.memory_space<hbm>>
    tpu.wait_dma2 semaphore(%arg12 : memref<!tpu.dma_semaphore, #tpu.memory_space<semaphore_mem>>) src(%dma_wait3A_117 : memref<128xi32, #tpu.memory_space<hbm>>) dst(%dma_wait3A_114 : memref<128xi32, #tpu.memory_space<vmem>>)
    %dma_start3A_118 = arith.constant 1 : i32
    %dma_start3A_119 = arith.constant 1 : i32
    %dma_start3A_120 = arith.constant 0 : i32
    %dma_start3A_121 = arith.constant 0 : i32
    %dma_start3A_122 = tpu.memref_slice %arg8[%dma_start3A_119, %dma_start3A_120, %dma_start3A_121] : memref<2x128x128xf32, #tpu.memory_space<vmem>> -> memref<1x128x128xf32, #tpu.memory_space<vmem>>
    %dma_start3A_123 = tpu.memref_squeeze %dma_start3A_122 : memref<1x128x128xf32, #tpu.memory_space<vmem>> -> memref<128x128xf32, #tpu.memory_space<vmem>>
    %dma_start3A_124 = arith.constant 0 : i32
    %dma_start3A_125 = tpu.memref_slice %arg7[%dma_start3A_118, %dma_start3A_124] : memref<4x128xi32, #tpu.memory_space<vmem>> -> memref<1x128xi32, #tpu.memory_space<vmem>>
    %dma_start3A_126 = tpu.memref_squeeze %dma_start3A_125 : memref<1x128xi32, #tpu.memory_space<vmem>> -> memref<128xi32, #tpu.memory_space<vmem>>
    %dma_start3A_127 = arith.constant 0 : i32
    %dma_start3A_128 = arith.constant 0 : i32
    %dma_start3A_129 = tpu.memref_slice %arg2[%dma_start3A_127, %dma_start3A_128] : memref<10000x128xf32, #tpu.memory_space<hbm>> -> memref<10000x128xf32, #tpu.memory_space<hbm>>
    tpu.enqueue_indirect_dma source(%dma_start3A_129 : memref<10000x128xf32, #tpu.memory_space<hbm>>) target(%dma_start3A_123 : memref<128x128xf32, #tpu.memory_space<vmem>>) offsets(%dma_start3A_126 : memref<128xi32, #tpu.memory_space<vmem>>) semaphore(%arg10 : memref<!tpu.dma_semaphore, #tpu.memory_space<semaphore_mem>>)
    %scan3A_130 = arith.constant 0 : i32
    %scan3A_131 = arith.constant 0 : i32
    %scan3A_132 = arith.constant 19 : i32
    %scan3A_133 = arith.addi %scan3A_131, %scan3A_132 : i32
    %scan3A_134 = arith.constant 1 : i32
    scf.for %scan3A_253 = %scan3A_131 to %scan3A_133 step %scan3A_134  : i32 {
      %mul3A_254 = arith.constant 4 : i32
      %mul3A_255 = arith.muli %mul3A_254, %scan3A_253 : i32
      %dma_wait3A_256 = arith.constant 0 : i32
      %dma_wait3A_257 = arith.constant 0 : i32
      %dma_wait3A_258 = arith.constant 0 : i32
      %dma_wait3A_259 = arith.constant 0 : i32
      %dma_wait3A_260 = tpu.memref_slice %arg8[%dma_wait3A_257, %dma_wait3A_258, %dma_wait3A_259] : memref<2x128x128xf32, #tpu.memory_space<vmem>> -> memref<1x128x128xf32, #tpu.memory_space<vmem>>
      %dma_wait3A_261 = tpu.memref_squeeze %dma_wait3A_260 : memref<1x128x128xf32, #tpu.memory_space<vmem>> -> memref<128x128xf32, #tpu.memory_space<vmem>>
      %dma_wait3A_262 = arith.constant 0 : i32
      %dma_wait3A_263 = tpu.memref_slice %arg7[%dma_wait3A_256, %dma_wait3A_262] : memref<4x128xi32, #tpu.memory_space<vmem>> -> memref<1x128xi32, #tpu.memory_space<vmem>>
      %dma_wait3A_264 = tpu.memref_squeeze %dma_wait3A_263 : memref<1x128xi32, #tpu.memory_space<vmem>> -> memref<128xi32, #tpu.memory_space<vmem>>
      %dma_wait3A_265 = arith.constant 0 : i32
      %dma_wait3A_266 = arith.constant 0 : i32
      %dma_wait3A_267 = tpu.memref_slice %arg2[%dma_wait3A_265, %dma_wait3A_266] : memref<10000x128xf32, #tpu.memory_space<hbm>> -> memref<10000x128xf32, #tpu.memory_space<hbm>>
      tpu.wait_indirect_dma semaphore(%arg9 : memref<!tpu.dma_semaphore, #tpu.memory_space<semaphore_mem>>) src(%dma_wait3A_267 : memref<10000x128xf32, #tpu.memory_space<hbm>>) dst(%dma_wait3A_261 : memref<128x128xf32, #tpu.memory_space<vmem>>)
      %run_scoped3A_268 = arith.constant 0 : i32
      "tpu.region"() ({
        %run_scoped3A_482 = tpu.sem_alloc : memref<!tpu.dma_semaphore, #tpu.memory_space<semaphore_mem>>
        %dma_start3A_483 = arith.constant 0 : i32
        %dma_start3A_484 = arith.constant 0 : i32
        %dma_start3A_485 = tpu.memref_slice %arg8[%run_scoped3A_268, %dma_start3A_483, %dma_start3A_484] : memref<2x128x128xf32, #tpu.memory_space<vmem>> -> memref<1x128x128xf32, #tpu.memory_space<vmem>>
        %dma_start3A_486 = tpu.memref_squeeze %dma_start3A_485 : memref<1x128x128xf32, #tpu.memory_space<vmem>> -> memref<128x128xf32, #tpu.memory_space<vmem>>
        %dma_start3A_487 = arith.constant 0 : i32
        %dma_start3A_488 = tpu.memref_slice %arg6[%mul3A_255, %dma_start3A_487] : memref<80x128xi32, #tpu.memory_space<vmem>> -> memref<1x128xi32, #tpu.memory_space<vmem>>
        %dma_start3A_489 = tpu.memref_squeeze %dma_start3A_488 : memref<1x128xi32, #tpu.memory_space<vmem>> -> memref<128xi32, #tpu.memory_space<vmem>>
        %dma_start3A_490 = arith.constant 0 : i32
        %dma_start3A_491 = arith.constant 0 : i32
        %dma_start3A_492 = tpu.memref_slice %arg15[%dma_start3A_490, %dma_start3A_491] : memref<10240x128xf32, #tpu.memory_space<vmem_shared>> -> memref<10240x128xf32, #tpu.memory_space<vmem_shared>>
        tpu.enqueue_indirect_dma source(%dma_start3A_486 : memref<128x128xf32, #tpu.memory_space<vmem>>) target(%dma_start3A_492 : memref<10240x128xf32, #tpu.memory_space<vmem_shared>>) offsets(%dma_start3A_489 : memref<128xi32, #tpu.memory_space<vmem>>) semaphore(%run_scoped3A_482 : memref<!tpu.dma_semaphore, #tpu.memory_space<semaphore_mem>>) {add = true}
        %dma_wait3A_493 = arith.constant 0 : i32
        %dma_wait3A_494 = arith.constant 0 : i32
        %dma_wait3A_495 = tpu.memref_slice %arg8[%run_scoped3A_268, %dma_wait3A_493, %dma_wait3A_494] : memref<2x128x128xf32, #tpu.memory_space<vmem>> -> memref<1x128x128xf32, #tpu.memory_space<vmem>>
        %dma_wait3A_496 = tpu.memref_squeeze %dma_wait3A_495 : memref<1x128x128xf32, #tpu.memory_space<vmem>> -> memref<128x128xf32, #tpu.memory_space<vmem>>
        %dma_wait3A_497 = arith.constant 0 : i32
        %dma_wait3A_498 = tpu.memref_slice %arg6[%mul3A_255, %dma_wait3A_497] : memref<80x128xi32, #tpu.memory_space<vmem>> -> memref<1x128xi32, #tpu.memory_space<vmem>>
        %dma_wait3A_499 = tpu.memref_squeeze %dma_wait3A_498 : memref<1x128xi32, #tpu.memory_space<vmem>> -> memref<128xi32, #tpu.memory_space<vmem>>
        %dma_wait3A_500 = arith.constant 0 : i32
        %dma_wait3A_501 = arith.constant 0 : i32
        %dma_wait3A_502 = tpu.memref_slice %arg15[%dma_wait3A_500, %dma_wait3A_501] : memref<10240x128xf32, #tpu.memory_space<vmem_shared>> -> memref<10240x128xf32, #tpu.memory_space<vmem_shared>>
        tpu.wait_indirect_dma semaphore(%run_scoped3A_482 : memref<!tpu.dma_semaphore, #tpu.memory_space<semaphore_mem>>) src(%dma_wait3A_496 : memref<128x128xf32, #tpu.memory_space<vmem>>) dst(%dma_wait3A_502 : memref<10240x128xf32, #tpu.memory_space<vmem_shared>>)
        tpu.yield
      }) : () -> ()
      %dma_wait3A_269 = arith.constant 0 : i32
      %dma_wait3A_270 = arith.constant 0 : i32
      %dma_wait3A_271 = arith.constant 2 : i32
      %dma_wait3A_272 = arith.constant 0 : i32
      %dma_wait3A_273 = tpu.memref_slice %arg7[%dma_wait3A_271, %dma_wait3A_272] : memref<4x128xi32, #tpu.memory_space<vmem>> -> memref<1x128xi32, #tpu.memory_space<vmem>>
      %dma_wait3A_274 = tpu.memref_squeeze %dma_wait3A_273 : memref<1x128xi32, #tpu.memory_space<vmem>> -> memref<128xi32, #tpu.memory_space<vmem>>
      %dma_wait3A_275 = arith.constant 0 : i32
      %dma_wait3A_276 = tpu.memref_slice %arg3[%dma_wait3A_269, %dma_wait3A_270, %dma_wait3A_275] : memref<32x80x128xi32, #tpu.memory_space<hbm>> -> memref<1x1x128xi32, #tpu.memory_space<hbm>>
      %dma_wait3A_277 = tpu.memref_squeeze %dma_wait3A_276 : memref<1x1x128xi32, #tpu.memory_space<hbm>> -> memref<128xi32, #tpu.memory_space<hbm>>
      %dma_wait3A_278 = arith.constant 0 : i32
      %dma_wait3A_279 = tpu.memref_slice %arg7[%dma_wait3A_271, %dma_wait3A_278] : memref<4x128xi32, #tpu.memory_space<vmem>> -> memref<1x128xi32, #tpu.memory_space<vmem>>
      %dma_wait3A_280 = tpu.memref_squeeze %dma_wait3A_279 : memref<1x128xi32, #tpu.memory_space<vmem>> -> memref<128xi32, #tpu.memory_space<vmem>>
      %dma_wait3A_281 = arith.constant 0 : i32
      %dma_wait3A_282 = tpu.memref_slice %arg3[%dma_wait3A_269, %dma_wait3A_270, %dma_wait3A_281] : memref<32x80x128xi32, #tpu.memory_space<hbm>> -> memref<1x1x128xi32, #tpu.memory_space<hbm>>
      %dma_wait3A_283 = tpu.memref_squeeze %dma_wait3A_282 : memref<1x1x128xi32, #tpu.memory_space<hbm>> -> memref<128xi32, #tpu.memory_space<hbm>>
      tpu.wait_dma2 semaphore(%arg13 : memref<!tpu.dma_semaphore, #tpu.memory_space<semaphore_mem>>) src(%dma_wait3A_283 : memref<128xi32, #tpu.memory_space<hbm>>) dst(%dma_wait3A_280 : memref<128xi32, #tpu.memory_space<vmem>>)
      %dma_start3A_284 = arith.constant 2 : i32
      %dma_start3A_285 = arith.constant 0 : i32
      %dma_start3A_286 = arith.constant 0 : i32
      %dma_start3A_287 = arith.constant 0 : i32
      %dma_start3A_288 = tpu.memref_slice %arg8[%dma_start3A_285, %dma_start3A_286, %dma_start3A_287] : memref<2x128x128xf32, #tpu.memory_space<vmem>> -> memref<1x128x128xf32, #tpu.memory_space<vmem>>
      %dma_start3A_289 = tpu.memref_squeeze %dma_start3A_288 : memref<1x128x128xf32, #tpu.memory_space<vmem>> -> memref<128x128xf32, #tpu.memory_space<vmem>>
      %dma_start3A_290 = arith.constant 0 : i32
      %dma_start3A_291 = tpu.memref_slice %arg7[%dma_start3A_284, %dma_start3A_290] : memref<4x128xi32, #tpu.memory_space<vmem>> -> memref<1x128xi32, #tpu.memory_space<vmem>>
      %dma_start3A_292 = tpu.memref_squeeze %dma_start3A_291 : memref<1x128xi32, #tpu.memory_space<vmem>> -> memref<128xi32, #tpu.memory_space<vmem>>
      %dma_start3A_293 = arith.constant 0 : i32
      %dma_start3A_294 = arith.constant 0 : i32
      %dma_start3A_295 = tpu.memref_slice %arg2[%dma_start3A_293, %dma_start3A_294] : memref<10000x128xf32, #tpu.memory_space<hbm>> -> memref<10000x128xf32, #tpu.memory_space<hbm>>
      tpu.enqueue_indirect_dma source(%dma_start3A_295 : memref<10000x128xf32, #tpu.memory_space<hbm>>) target(%dma_start3A_289 : memref<128x128xf32, #tpu.memory_space<vmem>>) offsets(%dma_start3A_292 : memref<128xi32, #tpu.memory_space<vmem>>) semaphore(%arg9 : memref<!tpu.dma_semaphore, #tpu.memory_space<semaphore_mem>>)
      %add3A_296 = arith.constant 4 : i32
      %add3A_297 = arith.addi %mul3A_255, %add3A_296 : i32
      %dma_start3A_298 = arith.constant 0 : i32
      %dma_start3A_299 = arith.constant 0 : i32
      %dma_start3A_300 = tpu.memref_slice %arg7[%dma_start3A_298, %dma_start3A_299] : memref<4x128xi32, #tpu.memory_space<vmem>> -> memref<1x128xi32, #tpu.memory_space<vmem>>
      %dma_start3A_301 = tpu.memref_squeeze %dma_start3A_300 : memref<1x128xi32, #tpu.memory_space<vmem>> -> memref<128xi32, #tpu.memory_space<vmem>>
      %dma_start3A_302 = arith.constant 0 : i32
      %dma_start3A_303 = tpu.memref_slice %arg3[%add3A, %add3A_297, %dma_start3A_302] : memref<32x80x128xi32, #tpu.memory_space<hbm>> -> memref<1x1x128xi32, #tpu.memory_space<hbm>>
      %dma_start3A_304 = tpu.memref_squeeze %dma_start3A_303 : memref<1x1x128xi32, #tpu.memory_space<hbm>> -> memref<128xi32, #tpu.memory_space<hbm>>
      %dma_start3A_305 = arith.constant 0 : i32
      %dma_start3A_306 = tpu.memref_slice %arg7[%dma_start3A_298, %dma_start3A_305] : memref<4x128xi32, #tpu.memory_space<vmem>> -> memref<1x128xi32, #tpu.memory_space<vmem>>
      %dma_start3A_307 = tpu.memref_squeeze %dma_start3A_306 : memref<1x128xi32, #tpu.memory_space<vmem>> -> memref<128xi32, #tpu.memory_space<vmem>>
      %dma_start3A_308 = arith.constant 0 : i32
      %dma_start3A_309 = tpu.memref_slice %arg3[%add3A, %add3A_297, %dma_start3A_308] : memref<32x80x128xi32, #tpu.memory_space<hbm>> -> memref<1x1x128xi32, #tpu.memory_space<hbm>>
      %dma_start3A_310 = tpu.memref_squeeze %dma_start3A_309 : memref<1x1x128xi32, #tpu.memory_space<hbm>> -> memref<128xi32, #tpu.memory_space<hbm>>
      tpu.enqueue_dma source(%dma_start3A_310 : memref<128xi32, #tpu.memory_space<hbm>>) target(%dma_start3A_307 : memref<128xi32, #tpu.memory_space<vmem>>) target_semaphore(%arg11 : memref<!tpu.dma_semaphore, #tpu.memory_space<semaphore_mem>>)
      %dma_wait3A_311 = arith.constant 0 : i32
      %dma_wait3A_312 = arith.constant 1 : i32
      %dma_wait3A_313 = arith.constant 0 : i32
      %dma_wait3A_314 = arith.constant 0 : i32
      %dma_wait3A_315 = tpu.memref_slice %arg8[%dma_wait3A_312, %dma_wait3A_313, %dma_wait3A_314] : memref<2x128x128xf32, #tpu.memory_space<vmem>> -> memref<1x128x128xf32, #tpu.memory_space<vmem>>
      %dma_wait3A_316 = tpu.memref_squeeze %dma_wait3A_315 : memref<1x128x128xf32, #tpu.memory_space<vmem>> -> memref<128x128xf32, #tpu.memory_space<vmem>>
      %dma_wait3A_317 = arith.constant 0 : i32
      %dma_wait3A_318 = tpu.memref_slice %arg7[%dma_wait3A_311, %dma_wait3A_317] : memref<4x128xi32, #tpu.memory_space<vmem>> -> memref<1x128xi32, #tpu.memory_space<vmem>>
      %dma_wait3A_319 = tpu.memref_squeeze %dma_wait3A_318 : memref<1x128xi32, #tpu.memory_space<vmem>> -> memref<128xi32, #tpu.memory_space<vmem>>
      %dma_wait3A_320 = arith.constant 0 : i32
      %dma_wait3A_321 = arith.constant 0 : i32
      %dma_wait3A_322 = tpu.memref_slice %arg2[%dma_wait3A_320, %dma_wait3A_321] : memref<10000x128xf32, #tpu.memory_space<hbm>> -> memref<10000x128xf32, #tpu.memory_space<hbm>>
      tpu.wait_indirect_dma semaphore(%arg10 : memref<!tpu.dma_semaphore, #tpu.memory_space<semaphore_mem>>) src(%dma_wait3A_322 : memref<10000x128xf32, #tpu.memory_space<hbm>>) dst(%dma_wait3A_316 : memref<128x128xf32, #tpu.memory_space<vmem>>)
      %add3A_323 = arith.constant 1 : i32
      %add3A_324 = arith.addi %mul3A_255, %add3A_323 : i32
      %run_scoped3A_325 = arith.constant 1 : i32
      "tpu.region"() ({
        %run_scoped3A_482 = tpu.sem_alloc : memref<!tpu.dma_semaphore, #tpu.memory_space<semaphore_mem>>
        %dma_start3A_483 = arith.constant 0 : i32
        %dma_start3A_484 = arith.constant 0 : i32
        %dma_start3A_485 = tpu.memref_slice %arg8[%run_scoped3A_325, %dma_start3A_483, %dma_start3A_484] : memref<2x128x128xf32, #tpu.memory_space<vmem>> -> memref<1x128x128xf32, #tpu.memory_space<vmem>>
        %dma_start3A_486 = tpu.memref_squeeze %dma_start3A_485 : memref<1x128x128xf32, #tpu.memory_space<vmem>> -> memref<128x128xf32, #tpu.memory_space<vmem>>
        %dma_start3A_487 = arith.constant 0 : i32
        %dma_start3A_488 = tpu.memref_slice %arg6[%add3A_324, %dma_start3A_487] : memref<80x128xi32, #tpu.memory_space<vmem>> -> memref<1x128xi32, #tpu.memory_space<vmem>>
        %dma_start3A_489 = tpu.memref_squeeze %dma_start3A_488 : memref<1x128xi32, #tpu.memory_space<vmem>> -> memref<128xi32, #tpu.memory_space<vmem>>
        %dma_start3A_490 = arith.constant 0 : i32
        %dma_start3A_491 = arith.constant 0 : i32
        %dma_start3A_492 = tpu.memref_slice %arg15[%dma_start3A_490, %dma_start3A_491] : memref<10240x128xf32, #tpu.memory_space<vmem_shared>> -> memref<10240x128xf32, #tpu.memory_space<vmem_shared>>
        tpu.enqueue_indirect_dma source(%dma_start3A_486 : memref<128x128xf32, #tpu.memory_space<vmem>>) target(%dma_start3A_492 : memref<10240x128xf32, #tpu.memory_space<vmem_shared>>) offsets(%dma_start3A_489 : memref<128xi32, #tpu.memory_space<vmem>>) semaphore(%run_scoped3A_482 : memref<!tpu.dma_semaphore, #tpu.memory_space<semaphore_mem>>) {add = true}
        %dma_wait3A_493 = arith.constant 0 : i32
        %dma_wait3A_494 = arith.constant 0 : i32
        %dma_wait3A_495 = tpu.memref_slice %arg8[%run_scoped3A_325, %dma_wait3A_493, %dma_wait3A_494] : memref<2x128x128xf32, #tpu.memory_space<vmem>> -> memref<1x128x128xf32, #tpu.memory_space<vmem>>
        %dma_wait3A_496 = tpu.memref_squeeze %dma_wait3A_495 : memref<1x128x128xf32, #tpu.memory_space<vmem>> -> memref<128x128xf32, #tpu.memory_space<vmem>>
        %dma_wait3A_497 = arith.constant 0 : i32
        %dma_wait3A_498 = tpu.memref_slice %arg6[%add3A_324, %dma_wait3A_497] : memref<80x128xi32, #tpu.memory_space<vmem>> -> memref<1x128xi32, #tpu.memory_space<vmem>>
        %dma_wait3A_499 = tpu.memref_squeeze %dma_wait3A_498 : memref<1x128xi32, #tpu.memory_space<vmem>> -> memref<128xi32, #tpu.memory_space<vmem>>
        %dma_wait3A_500 = arith.constant 0 : i32
        %dma_wait3A_501 = arith.constant 0 : i32
        %dma_wait3A_502 = tpu.memref_slice %arg15[%dma_wait3A_500, %dma_wait3A_501] : memref<10240x128xf32, #tpu.memory_space<vmem_shared>> -> memref<10240x128xf32, #tpu.memory_space<vmem_shared>>
        tpu.wait_indirect_dma semaphore(%run_scoped3A_482 : memref<!tpu.dma_semaphore, #tpu.memory_space<semaphore_mem>>) src(%dma_wait3A_496 : memref<128x128xf32, #tpu.memory_space<vmem>>) dst(%dma_wait3A_502 : memref<10240x128xf32, #tpu.memory_space<vmem_shared>>)
        tpu.yield
      }) : () -> ()
      %dma_wait3A_326 = arith.constant 0 : i32
      %dma_wait3A_327 = arith.constant 0 : i32
      %dma_wait3A_328 = arith.constant 3 : i32
      %dma_wait3A_329 = arith.constant 0 : i32
      %dma_wait3A_330 = tpu.memref_slice %arg7[%dma_wait3A_328, %dma_wait3A_329] : memref<4x128xi32, #tpu.memory_space<vmem>> -> memref<1x128xi32, #tpu.memory_space<vmem>>
      %dma_wait3A_331 = tpu.memref_squeeze %dma_wait3A_330 : memref<1x128xi32, #tpu.memory_space<vmem>> -> memref<128xi32, #tpu.memory_space<vmem>>
      %dma_wait3A_332 = arith.constant 0 : i32
      %dma_wait3A_333 = tpu.memref_slice %arg3[%dma_wait3A_326, %dma_wait3A_327, %dma_wait3A_332] : memref<32x80x128xi32, #tpu.memory_space<hbm>> -> memref<1x1x128xi32, #tpu.memory_space<hbm>>
      %dma_wait3A_334 = tpu.memref_squeeze %dma_wait3A_333 : memref<1x1x128xi32, #tpu.memory_space<hbm>> -> memref<128xi32, #tpu.memory_space<hbm>>
      %dma_wait3A_335 = arith.constant 0 : i32
      %dma_wait3A_336 = tpu.memref_slice %arg7[%dma_wait3A_328, %dma_wait3A_335] : memref<4x128xi32, #tpu.memory_space<vmem>> -> memref<1x128xi32, #tpu.memory_space<vmem>>
      %dma_wait3A_337 = tpu.memref_squeeze %dma_wait3A_336 : memref<1x128xi32, #tpu.memory_space<vmem>> -> memref<128xi32, #tpu.memory_space<vmem>>
      %dma_wait3A_338 = arith.constant 0 : i32
      %dma_wait3A_339 = tpu.memref_slice %arg3[%dma_wait3A_326, %dma_wait3A_327, %dma_wait3A_338] : memref<32x80x128xi32, #tpu.memory_space<hbm>> -> memref<1x1x128xi32, #tpu.memory_space<hbm>>
      %dma_wait3A_340 = tpu.memref_squeeze %dma_wait3A_339 : memref<1x1x128xi32, #tpu.memory_space<hbm>> -> memref<128xi32, #tpu.memory_space<hbm>>
      tpu.wait_dma2 semaphore(%arg14 : memref<!tpu.dma_semaphore, #tpu.memory_space<semaphore_mem>>) src(%dma_wait3A_340 : memref<128xi32, #tpu.memory_space<hbm>>) dst(%dma_wait3A_337 : memref<128xi32, #tpu.memory_space<vmem>>)
      %dma_start3A_341 = arith.constant 3 : i32
      %dma_start3A_342 = arith.constant 1 : i32
      %dma_start3A_343 = arith.constant 0 : i32
      %dma_start3A_344 = arith.constant 0 : i32
      %dma_start3A_345 = tpu.memref_slice %arg8[%dma_start3A_342, %dma_start3A_343, %dma_start3A_344] : memref<2x128x128xf32, #tpu.memory_space<vmem>> -> memref<1x128x128xf32, #tpu.memory_space<vmem>>
      %dma_start3A_346 = tpu.memref_squeeze %dma_start3A_345 : memref<1x128x128xf32, #tpu.memory_space<vmem>> -> memref<128x128xf32, #tpu.memory_space<vmem>>
      %dma_start3A_347 = arith.constant 0 : i32
      %dma_start3A_348 = tpu.memref_slice %arg7[%dma_start3A_341, %dma_start3A_347] : memref<4x128xi32, #tpu.memory_space<vmem>> -> memref<1x128xi32, #tpu.memory_space<vmem>>
      %dma_start3A_349 = tpu.memref_squeeze %dma_start3A_348 : memref<1x128xi32, #tpu.memory_space<vmem>> -> memref<128xi32, #tpu.memory_space<vmem>>
      %dma_start3A_350 = arith.constant 0 : i32
      %dma_start3A_351 = arith.constant 0 : i32
      %dma_start3A_352 = tpu.memref_slice %arg2[%dma_start3A_350, %dma_start3A_351] : memref<10000x128xf32, #tpu.memory_space<hbm>> -> memref<10000x128xf32, #tpu.memory_space<hbm>>
      tpu.enqueue_indirect_dma source(%dma_start3A_352 : memref<10000x128xf32, #tpu.memory_space<hbm>>) target(%dma_start3A_346 : memref<128x128xf32, #tpu.memory_space<vmem>>) offsets(%dma_start3A_349 : memref<128xi32, #tpu.memory_space<vmem>>) semaphore(%arg10 : memref<!tpu.dma_semaphore, #tpu.memory_space<semaphore_mem>>)
      %add3A_353 = arith.constant 5 : i32
      %add3A_354 = arith.addi %mul3A_255, %add3A_353 : i32
      %dma_start3A_355 = arith.constant 1 : i32
      %dma_start3A_356 = arith.constant 0 : i32
      %dma_start3A_357 = tpu.memref_slice %arg7[%dma_start3A_355, %dma_start3A_356] : memref<4x128xi32, #tpu.memory_space<vmem>> -> memref<1x128xi32, #tpu.memory_space<vmem>>
      %dma_start3A_358 = tpu.memref_squeeze %dma_start3A_357 : memref<1x128xi32, #tpu.memory_space<vmem>> -> memref<128xi32, #tpu.memory_space<vmem>>
      %dma_start3A_359 = arith.constant 0 : i32
      %dma_start3A_360 = tpu.memref_slice %arg3[%add3A, %add3A_354, %dma_start3A_359] : memref<32x80x128xi32, #tpu.memory_space<hbm>> -> memref<1x1x128xi32, #tpu.memory_space<hbm>>
      %dma_start3A_361 = tpu.memref_squeeze %dma_start3A_360 : memref<1x1x128xi32, #tpu.memory_space<hbm>> -> memref<128xi32, #tpu.memory_space<hbm>>
      %dma_start3A_362 = arith.constant 0 : i32
      %dma_start3A_363 = tpu.memref_slice %arg7[%dma_start3A_355, %dma_start3A_362] : memref<4x128xi32, #tpu.memory_space<vmem>> -> memref<1x128xi32, #tpu.memory_space<vmem>>
      %dma_start3A_364 = tpu.memref_squeeze %dma_start3A_363 : memref<1x128xi32, #tpu.memory_space<vmem>> -> memref<128xi32, #tpu.memory_space<vmem>>
      %dma_start3A_365 = arith.constant 0 : i32
      %dma_start3A_366 = tpu.memref_slice %arg3[%add3A, %add3A_354, %dma_start3A_365] : memref<32x80x128xi32, #tpu.memory_space<hbm>> -> memref<1x1x128xi32, #tpu.memory_space<hbm>>
      %dma_start3A_367 = tpu.memref_squeeze %dma_start3A_366 : memref<1x1x128xi32, #tpu.memory_space<hbm>> -> memref<128xi32, #tpu.memory_space<hbm>>
      tpu.enqueue_dma source(%dma_start3A_367 : memref<128xi32, #tpu.memory_space<hbm>>) target(%dma_start3A_364 : memref<128xi32, #tpu.memory_space<vmem>>) target_semaphore(%arg12 : memref<!tpu.dma_semaphore, #tpu.memory_space<semaphore_mem>>)
      %dma_wait3A_368 = arith.constant 0 : i32
      %dma_wait3A_369 = arith.constant 0 : i32
      %dma_wait3A_370 = arith.constant 0 : i32
      %dma_wait3A_371 = arith.constant 0 : i32
      %dma_wait3A_372 = tpu.memref_slice %arg8[%dma_wait3A_369, %dma_wait3A_370, %dma_wait3A_371] : memref<2x128x128xf32, #tpu.memory_space<vmem>> -> memref<1x128x128xf32, #tpu.memory_space<vmem>>
      %dma_wait3A_373 = tpu.memref_squeeze %dma_wait3A_372 : memref<1x128x128xf32, #tpu.memory_space<vmem>> -> memref<128x128xf32, #tpu.memory_space<vmem>>
      %dma_wait3A_374 = arith.constant 0 : i32
      %dma_wait3A_375 = tpu.memref_slice %arg7[%dma_wait3A_368, %dma_wait3A_374] : memref<4x128xi32, #tpu.memory_space<vmem>> -> memref<1x128xi32, #tpu.memory_space<vmem>>
      %dma_wait3A_376 = tpu.memref_squeeze %dma_wait3A_375 : memref<1x128xi32, #tpu.memory_space<vmem>> -> memref<128xi32, #tpu.memory_space<vmem>>
      %dma_wait3A_377 = arith.constant 0 : i32
      %dma_wait3A_378 = arith.constant 0 : i32
      %dma_wait3A_379 = tpu.memref_slice %arg2[%dma_wait3A_377, %dma_wait3A_378] : memref<10000x128xf32, #tpu.memory_space<hbm>> -> memref<10000x128xf32, #tpu.memory_space<hbm>>
      tpu.wait_indirect_dma semaphore(%arg9 : memref<!tpu.dma_semaphore, #tpu.memory_space<semaphore_mem>>) src(%dma_wait3A_379 : memref<10000x128xf32, #tpu.memory_space<hbm>>) dst(%dma_wait3A_373 : memref<128x128xf32, #tpu.memory_space<vmem>>)
      %add3A_380 = arith.constant 2 : i32
      %add3A_381 = arith.addi %mul3A_255, %add3A_380 : i32
      %run_scoped3A_382 = arith.constant 0 : i32
      "tpu.region"() ({
        %run_scoped3A_482 = tpu.sem_alloc : memref<!tpu.dma_semaphore, #tpu.memory_space<semaphore_mem>>
        %dma_start3A_483 = arith.constant 0 : i32
        %dma_start3A_484 = arith.constant 0 : i32
        %dma_start3A_485 = tpu.memref_slice %arg8[%run_scoped3A_382, %dma_start3A_483, %dma_start3A_484] : memref<2x128x128xf32, #tpu.memory_space<vmem>> -> memref<1x128x128xf32, #tpu.memory_space<vmem>>
        %dma_start3A_486 = tpu.memref_squeeze %dma_start3A_485 : memref<1x128x128xf32, #tpu.memory_space<vmem>> -> memref<128x128xf32, #tpu.memory_space<vmem>>
        %dma_start3A_487 = arith.constant 0 : i32
        %dma_start3A_488 = tpu.memref_slice %arg6[%add3A_381, %dma_start3A_487] : memref<80x128xi32, #tpu.memory_space<vmem>> -> memref<1x128xi32, #tpu.memory_space<vmem>>
        %dma_start3A_489 = tpu.memref_squeeze %dma_start3A_488 : memref<1x128xi32, #tpu.memory_space<vmem>> -> memref<128xi32, #tpu.memory_space<vmem>>
        %dma_start3A_490 = arith.constant 0 : i32
        %dma_start3A_491 = arith.constant 0 : i32
        %dma_start3A_492 = tpu.memref_slice %arg15[%dma_start3A_490, %dma_start3A_491] : memref<10240x128xf32, #tpu.memory_space<vmem_shared>> -> memref<10240x128xf32, #tpu.memory_space<vmem_shared>>
        tpu.enqueue_indirect_dma source(%dma_start3A_486 : memref<128x128xf32, #tpu.memory_space<vmem>>) target(%dma_start3A_492 : memref<10240x128xf32, #tpu.memory_space<vmem_shared>>) offsets(%dma_start3A_489 : memref<128xi32, #tpu.memory_space<vmem>>) semaphore(%run_scoped3A_482 : memref<!tpu.dma_semaphore, #tpu.memory_space<semaphore_mem>>) {add = true}
        %dma_wait3A_493 = arith.constant 0 : i32
        %dma_wait3A_494 = arith.constant 0 : i32
        %dma_wait3A_495 = tpu.memref_slice %arg8[%run_scoped3A_382, %dma_wait3A_493, %dma_wait3A_494] : memref<2x128x128xf32, #tpu.memory_space<vmem>> -> memref<1x128x128xf32, #tpu.memory_space<vmem>>
        %dma_wait3A_496 = tpu.memref_squeeze %dma_wait3A_495 : memref<1x128x128xf32, #tpu.memory_space<vmem>> -> memref<128x128xf32, #tpu.memory_space<vmem>>
        %dma_wait3A_497 = arith.constant 0 : i32
        %dma_wait3A_498 = tpu.memref_slice %arg6[%add3A_381, %dma_wait3A_497] : memref<80x128xi32, #tpu.memory_space<vmem>> -> memref<1x128xi32, #tpu.memory_space<vmem>>
        %dma_wait3A_499 = tpu.memref_squeeze %dma_wait3A_498 : memref<1x128xi32, #tpu.memory_space<vmem>> -> memref<128xi32, #tpu.memory_space<vmem>>
        %dma_wait3A_500 = arith.constant 0 : i32
        %dma_wait3A_501 = arith.constant 0 : i32
        %dma_wait3A_502 = tpu.memref_slice %arg15[%dma_wait3A_500, %dma_wait3A_501] : memref<10240x128xf32, #tpu.memory_space<vmem_shared>> -> memref<10240x128xf32, #tpu.memory_space<vmem_shared>>
        tpu.wait_indirect_dma semaphore(%run_scoped3A_482 : memref<!tpu.dma_semaphore, #tpu.memory_space<semaphore_mem>>) src(%dma_wait3A_496 : memref<128x128xf32, #tpu.memory_space<vmem>>) dst(%dma_wait3A_502 : memref<10240x128xf32, #tpu.memory_space<vmem_shared>>)
        tpu.yield
      }) : () -> ()
      %dma_wait3A_383 = arith.constant 0 : i32
      %dma_wait3A_384 = arith.constant 0 : i32
      %dma_wait3A_385 = arith.constant 0 : i32
      %dma_wait3A_386 = arith.constant 0 : i32
      %dma_wait3A_387 = tpu.memref_slice %arg7[%dma_wait3A_385, %dma_wait3A_386] : memref<4x128xi32, #tpu.memory_space<vmem>> -> memref<1x128xi32, #tpu.memory_space<vmem>>
      %dma_wait3A_388 = tpu.memref_squeeze %dma_wait3A_387 : memref<1x128xi32, #tpu.memory_space<vmem>> -> memref<128xi32, #tpu.memory_space<vmem>>
      %dma_wait3A_389 = arith.constant 0 : i32
      %dma_wait3A_390 = tpu.memref_slice %arg3[%dma_wait3A_383, %dma_wait3A_384, %dma_wait3A_389] : memref<32x80x128xi32, #tpu.memory_space<hbm>> -> memref<1x1x128xi32, #tpu.memory_space<hbm>>
      %dma_wait3A_391 = tpu.memref_squeeze %dma_wait3A_390 : memref<1x1x128xi32, #tpu.memory_space<hbm>> -> memref<128xi32, #tpu.memory_space<hbm>>
      %dma_wait3A_392 = arith.constant 0 : i32
      %dma_wait3A_393 = tpu.memref_slice %arg7[%dma_wait3A_385, %dma_wait3A_392] : memref<4x128xi32, #tpu.memory_space<vmem>> -> memref<1x128xi32, #tpu.memory_space<vmem>>
      %dma_wait3A_394 = tpu.memref_squeeze %dma_wait3A_393 : memref<1x128xi32, #tpu.memory_space<vmem>> -> memref<128xi32, #tpu.memory_space<vmem>>
      %dma_wait3A_395 = arith.constant 0 : i32
      %dma_wait3A_396 = tpu.memref_slice %arg3[%dma_wait3A_383, %dma_wait3A_384, %dma_wait3A_395] : memref<32x80x128xi32, #tpu.memory_space<hbm>> -> memref<1x1x128xi32, #tpu.memory_space<hbm>>
      %dma_wait3A_397 = tpu.memref_squeeze %dma_wait3A_396 : memref<1x1x128xi32, #tpu.memory_space<hbm>> -> memref<128xi32, #tpu.memory_space<hbm>>
      tpu.wait_dma2 semaphore(%arg11 : memref<!tpu.dma_semaphore, #tpu.memory_space<semaphore_mem>>) src(%dma_wait3A_397 : memref<128xi32, #tpu.memory_space<hbm>>) dst(%dma_wait3A_394 : memref<128xi32, #tpu.memory_space<vmem>>)
      %dma_start3A_398 = arith.constant 0 : i32
      %dma_start3A_399 = arith.constant 0 : i32
      %dma_start3A_400 = arith.constant 0 : i32
      %dma_start3A_401 = arith.constant 0 : i32
      %dma_start3A_402 = tpu.memref_slice %arg8[%dma_start3A_399, %dma_start3A_400, %dma_start3A_401] : memref<2x128x128xf32, #tpu.memory_space<vmem>> -> memref<1x128x128xf32, #tpu.memory_space<vmem>>
      %dma_start3A_403 = tpu.memref_squeeze %dma_start3A_402 : memref<1x128x128xf32, #tpu.memory_space<vmem>> -> memref<128x128xf32, #tpu.memory_space<vmem>>
      %dma_start3A_404 = arith.constant 0 : i32
      %dma_start3A_405 = tpu.memref_slice %arg7[%dma_start3A_398, %dma_start3A_404] : memref<4x128xi32, #tpu.memory_space<vmem>> -> memref<1x128xi32, #tpu.memory_space<vmem>>
      %dma_start3A_406 = tpu.memref_squeeze %dma_start3A_405 : memref<1x128xi32, #tpu.memory_space<vmem>> -> memref<128xi32, #tpu.memory_space<vmem>>
      %dma_start3A_407 = arith.constant 0 : i32
      %dma_start3A_408 = arith.constant 0 : i32
      %dma_start3A_409 = tpu.memref_slice %arg2[%dma_start3A_407, %dma_start3A_408] : memref<10000x128xf32, #tpu.memory_space<hbm>> -> memref<10000x128xf32, #tpu.memory_space<hbm>>
      tpu.enqueue_indirect_dma source(%dma_start3A_409 : memref<10000x128xf32, #tpu.memory_space<hbm>>) target(%dma_start3A_403 : memref<128x128xf32, #tpu.memory_space<vmem>>) offsets(%dma_start3A_406 : memref<128xi32, #tpu.memory_space<vmem>>) semaphore(%arg9 : memref<!tpu.dma_semaphore, #tpu.memory_space<semaphore_mem>>)
      %add3A_410 = arith.constant 6 : i32
      %add3A_411 = arith.addi %mul3A_255, %add3A_410 : i32
      %dma_start3A_412 = arith.constant 2 : i32
      %dma_start3A_413 = arith.constant 0 : i32
      %dma_start3A_414 = tpu.memref_slice %arg7[%dma_start3A_412, %dma_start3A_413] : memref<4x128xi32, #tpu.memory_space<vmem>> -> memref<1x128xi32, #tpu.memory_space<vmem>>
      %dma_start3A_415 = tpu.memref_squeeze %dma_start3A_414 : memref<1x128xi32, #tpu.memory_space<vmem>> -> memref<128xi32, #tpu.memory_space<vmem>>
      %dma_start3A_416 = arith.constant 0 : i32
      %dma_start3A_417 = tpu.memref_slice %arg3[%add3A, %add3A_411, %dma_start3A_416] : memref<32x80x128xi32, #tpu.memory_space<hbm>> -> memref<1x1x128xi32, #tpu.memory_space<hbm>>
      %dma_start3A_418 = tpu.memref_squeeze %dma_start3A_417 : memref<1x1x128xi32, #tpu.memory_space<hbm>> -> memref<128xi32, #tpu.memory_space<hbm>>
      %dma_start3A_419 = arith.constant 0 : i32
      %dma_start3A_420 = tpu.memref_slice %arg7[%dma_start3A_412, %dma_start3A_419] : memref<4x128xi32, #tpu.memory_space<vmem>> -> memref<1x128xi32, #tpu.memory_space<vmem>>
      %dma_start3A_421 = tpu.memref_squeeze %dma_start3A_420 : memref<1x128xi32, #tpu.memory_space<vmem>> -> memref<128xi32, #tpu.memory_space<vmem>>
      %dma_start3A_422 = arith.constant 0 : i32
      %dma_start3A_423 = tpu.memref_slice %arg3[%add3A, %add3A_411, %dma_start3A_422] : memref<32x80x128xi32, #tpu.memory_space<hbm>> -> memref<1x1x128xi32, #tpu.memory_space<hbm>>
      %dma_start3A_424 = tpu.memref_squeeze %dma_start3A_423 : memref<1x1x128xi32, #tpu.memory_space<hbm>> -> memref<128xi32, #tpu.memory_space<hbm>>
      tpu.enqueue_dma source(%dma_start3A_424 : memref<128xi32, #tpu.memory_space<hbm>>) target(%dma_start3A_421 : memref<128xi32, #tpu.memory_space<vmem>>) target_semaphore(%arg13 : memref<!tpu.dma_semaphore, #tpu.memory_space<semaphore_mem>>)
      %dma_wait3A_425 = arith.constant 0 : i32
      %dma_wait3A_426 = arith.constant 1 : i32
      %dma_wait3A_427 = arith.constant 0 : i32
      %dma_wait3A_428 = arith.constant 0 : i32
      %dma_wait3A_429 = tpu.memref_slice %arg8[%dma_wait3A_426, %dma_wait3A_427, %dma_wait3A_428] : memref<2x128x128xf32, #tpu.memory_space<vmem>> -> memref<1x128x128xf32, #tpu.memory_space<vmem>>
      %dma_wait3A_430 = tpu.memref_squeeze %dma_wait3A_429 : memref<1x128x128xf32, #tpu.memory_space<vmem>> -> memref<128x128xf32, #tpu.memory_space<vmem>>
      %dma_wait3A_431 = arith.constant 0 : i32
      %dma_wait3A_432 = tpu.memref_slice %arg7[%dma_wait3A_425, %dma_wait3A_431] : memref<4x128xi32, #tpu.memory_space<vmem>> -> memref<1x128xi32, #tpu.memory_space<vmem>>
      %dma_wait3A_433 = tpu.memref_squeeze %dma_wait3A_432 : memref<1x128xi32, #tpu.memory_space<vmem>> -> memref<128xi32, #tpu.memory_space<vmem>>
      %dma_wait3A_434 = arith.constant 0 : i32
      %dma_wait3A_435 = arith.constant 0 : i32
      %dma_wait3A_436 = tpu.memref_slice %arg2[%dma_wait3A_434, %dma_wait3A_435] : memref<10000x128xf32, #tpu.memory_space<hbm>> -> memref<10000x128xf32, #tpu.memory_space<hbm>>
      tpu.wait_indirect_dma semaphore(%arg10 : memref<!tpu.dma_semaphore, #tpu.memory_space<semaphore_mem>>) src(%dma_wait3A_436 : memref<10000x128xf32, #tpu.memory_space<hbm>>) dst(%dma_wait3A_430 : memref<128x128xf32, #tpu.memory_space<vmem>>)
      %add3A_437 = arith.constant 3 : i32
      %add3A_438 = arith.addi %mul3A_255, %add3A_437 : i32
      %run_scoped3A_439 = arith.constant 1 : i32
      "tpu.region"() ({
        %run_scoped3A_482 = tpu.sem_alloc : memref<!tpu.dma_semaphore, #tpu.memory_space<semaphore_mem>>
        %dma_start3A_483 = arith.constant 0 : i32
        %dma_start3A_484 = arith.constant 0 : i32
        %dma_start3A_485 = tpu.memref_slice %arg8[%run_scoped3A_439, %dma_start3A_483, %dma_start3A_484] : memref<2x128x128xf32, #tpu.memory_space<vmem>> -> memref<1x128x128xf32, #tpu.memory_space<vmem>>
        %dma_start3A_486 = tpu.memref_squeeze %dma_start3A_485 : memref<1x128x128xf32, #tpu.memory_space<vmem>> -> memref<128x128xf32, #tpu.memory_space<vmem>>
        %dma_start3A_487 = arith.constant 0 : i32
        %dma_start3A_488 = tpu.memref_slice %arg6[%add3A_438, %dma_start3A_487] : memref<80x128xi32, #tpu.memory_space<vmem>> -> memref<1x128xi32, #tpu.memory_space<vmem>>
        %dma_start3A_489 = tpu.memref_squeeze %dma_start3A_488 : memref<1x128xi32, #tpu.memory_space<vmem>> -> memref<128xi32, #tpu.memory_space<vmem>>
        %dma_start3A_490 = arith.constant 0 : i32
        %dma_start3A_491 = arith.constant 0 : i32
        %dma_start3A_492 = tpu.memref_slice %arg15[%dma_start3A_490, %dma_start3A_491] : memref<10240x128xf32, #tpu.memory_space<vmem_shared>> -> memref<10240x128xf32, #tpu.memory_space<vmem_shared>>
        tpu.enqueue_indirect_dma source(%dma_start3A_486 : memref<128x128xf32, #tpu.memory_space<vmem>>) target(%dma_start3A_492 : memref<10240x128xf32, #tpu.memory_space<vmem_shared>>) offsets(%dma_start3A_489 : memref<128xi32, #tpu.memory_space<vmem>>) semaphore(%run_scoped3A_482 : memref<!tpu.dma_semaphore, #tpu.memory_space<semaphore_mem>>) {add = true}
        %dma_wait3A_493 = arith.constant 0 : i32
        %dma_wait3A_494 = arith.constant 0 : i32
        %dma_wait3A_495 = tpu.memref_slice %arg8[%run_scoped3A_439, %dma_wait3A_493, %dma_wait3A_494] : memref<2x128x128xf32, #tpu.memory_space<vmem>> -> memref<1x128x128xf32, #tpu.memory_space<vmem>>
        %dma_wait3A_496 = tpu.memref_squeeze %dma_wait3A_495 : memref<1x128x128xf32, #tpu.memory_space<vmem>> -> memref<128x128xf32, #tpu.memory_space<vmem>>
        %dma_wait3A_497 = arith.constant 0 : i32
        %dma_wait3A_498 = tpu.memref_slice %arg6[%add3A_438, %dma_wait3A_497] : memref<80x128xi32, #tpu.memory_space<vmem>> -> memref<1x128xi32, #tpu.memory_space<vmem>>
        %dma_wait3A_499 = tpu.memref_squeeze %dma_wait3A_498 : memref<1x128xi32, #tpu.memory_space<vmem>> -> memref<128xi32, #tpu.memory_space<vmem>>
        %dma_wait3A_500 = arith.constant 0 : i32
        %dma_wait3A_501 = arith.constant 0 : i32
        %dma_wait3A_502 = tpu.memref_slice %arg15[%dma_wait3A_500, %dma_wait3A_501] : memref<10240x128xf32, #tpu.memory_space<vmem_shared>> -> memref<10240x128xf32, #tpu.memory_space<vmem_shared>>
        tpu.wait_indirect_dma semaphore(%run_scoped3A_482 : memref<!tpu.dma_semaphore, #tpu.memory_space<semaphore_mem>>) src(%dma_wait3A_496 : memref<128x128xf32, #tpu.memory_space<vmem>>) dst(%dma_wait3A_502 : memref<10240x128xf32, #tpu.memory_space<vmem_shared>>)
        tpu.yield
      }) : () -> ()
      %dma_wait3A_440 = arith.constant 0 : i32
      %dma_wait3A_441 = arith.constant 0 : i32
      %dma_wait3A_442 = arith.constant 1 : i32
      %dma_wait3A_443 = arith.constant 0 : i32
      %dma_wait3A_444 = tpu.memref_slice %arg7[%dma_wait3A_442, %dma_wait3A_443] : memref<4x128xi32, #tpu.memory_space<vmem>> -> memref<1x128xi32, #tpu.memory_space<vmem>>
      %dma_wait3A_445 = tpu.memref_squeeze %dma_wait3A_444 : memref<1x128xi32, #tpu.memory_space<vmem>> -> memref<128xi32, #tpu.memory_space<vmem>>
      %dma_wait3A_446 = arith.constant 0 : i32
      %dma_wait3A_447 = tpu.memref_slice %arg3[%dma_wait3A_440, %dma_wait3A_441, %dma_wait3A_446] : memref<32x80x128xi32, #tpu.memory_space<hbm>> -> memref<1x1x128xi32, #tpu.memory_space<hbm>>
      %dma_wait3A_448 = tpu.memref_squeeze %dma_wait3A_447 : memref<1x1x128xi32, #tpu.memory_space<hbm>> -> memref<128xi32, #tpu.memory_space<hbm>>
      %dma_wait3A_449 = arith.constant 0 : i32
      %dma_wait3A_450 = tpu.memref_slice %arg7[%dma_wait3A_442, %dma_wait3A_449] : memref<4x128xi32, #tpu.memory_space<vmem>> -> memref<1x128xi32, #tpu.memory_space<vmem>>
      %dma_wait3A_451 = tpu.memref_squeeze %dma_wait3A_450 : memref<1x128xi32, #tpu.memory_space<vmem>> -> memref<128xi32, #tpu.memory_space<vmem>>
      %dma_wait3A_452 = arith.constant 0 : i32
      %dma_wait3A_453 = tpu.memref_slice %arg3[%dma_wait3A_440, %dma_wait3A_441, %dma_wait3A_452] : memref<32x80x128xi32, #tpu.memory_space<hbm>> -> memref<1x1x128xi32, #tpu.memory_space<hbm>>
      %dma_wait3A_454 = tpu.memref_squeeze %dma_wait3A_453 : memref<1x1x128xi32, #tpu.memory_space<hbm>> -> memref<128xi32, #tpu.memory_space<hbm>>
      tpu.wait_dma2 semaphore(%arg12 : memref<!tpu.dma_semaphore, #tpu.memory_space<semaphore_mem>>) src(%dma_wait3A_454 : memref<128xi32, #tpu.memory_space<hbm>>) dst(%dma_wait3A_451 : memref<128xi32, #tpu.memory_space<vmem>>)
      %dma_start3A_455 = arith.constant 1 : i32
      %dma_start3A_456 = arith.constant 1 : i32
      %dma_start3A_457 = arith.constant 0 : i32
      %dma_start3A_458 = arith.constant 0 : i32
      %dma_start3A_459 = tpu.memref_slice %arg8[%dma_start3A_456, %dma_start3A_457, %dma_start3A_458] : memref<2x128x128xf32, #tpu.memory_space<vmem>> -> memref<1x128x128xf32, #tpu.memory_space<vmem>>
      %dma_start3A_460 = tpu.memref_squeeze %dma_start3A_459 : memref<1x128x128xf32, #tpu.memory_space<vmem>> -> memref<128x128xf32, #tpu.memory_space<vmem>>
      %dma_start3A_461 = arith.constant 0 : i32
      %dma_start3A_462 = tpu.memref_slice %arg7[%dma_start3A_455, %dma_start3A_461] : memref<4x128xi32, #tpu.memory_space<vmem>> -> memref<1x128xi32, #tpu.memory_space<vmem>>
      %dma_start3A_463 = tpu.memref_squeeze %dma_start3A_462 : memref<1x128xi32, #tpu.memory_space<vmem>> -> memref<128xi32, #tpu.memory_space<vmem>>
      %dma_start3A_464 = arith.constant 0 : i32
      %dma_start3A_465 = arith.constant 0 : i32
      %dma_start3A_466 = tpu.memref_slice %arg2[%dma_start3A_464, %dma_start3A_465] : memref<10000x128xf32, #tpu.memory_space<hbm>> -> memref<10000x128xf32, #tpu.memory_space<hbm>>
      tpu.enqueue_indirect_dma source(%dma_start3A_466 : memref<10000x128xf32, #tpu.memory_space<hbm>>) target(%dma_start3A_460 : memref<128x128xf32, #tpu.memory_space<vmem>>) offsets(%dma_start3A_463 : memref<128xi32, #tpu.memory_space<vmem>>) semaphore(%arg10 : memref<!tpu.dma_semaphore, #tpu.memory_space<semaphore_mem>>)
      %add3A_467 = arith.constant 7 : i32
      %add3A_468 = arith.addi %mul3A_255, %add3A_467 : i32
      %dma_start3A_469 = arith.constant 3 : i32
      %dma_start3A_470 = arith.constant 0 : i32
      %dma_start3A_471 = tpu.memref_slice %arg7[%dma_start3A_469, %dma_start3A_470] : memref<4x128xi32, #tpu.memory_space<vmem>> -> memref<1x128xi32, #tpu.memory_space<vmem>>
      %dma_start3A_472 = tpu.memref_squeeze %dma_start3A_471 : memref<1x128xi32, #tpu.memory_space<vmem>> -> memref<128xi32, #tpu.memory_space<vmem>>
      %dma_start3A_473 = arith.constant 0 : i32
      %dma_start3A_474 = tpu.memref_slice %arg3[%add3A, %add3A_468, %dma_start3A_473] : memref<32x80x128xi32, #tpu.memory_space<hbm>> -> memref<1x1x128xi32, #tpu.memory_space<hbm>>
      %dma_start3A_475 = tpu.memref_squeeze %dma_start3A_474 : memref<1x1x128xi32, #tpu.memory_space<hbm>> -> memref<128xi32, #tpu.memory_space<hbm>>
      %dma_start3A_476 = arith.constant 0 : i32
      %dma_start3A_477 = tpu.memref_slice %arg7[%dma_start3A_469, %dma_start3A_476] : memref<4x128xi32, #tpu.memory_space<vmem>> -> memref<1x128xi32, #tpu.memory_space<vmem>>
      %dma_start3A_478 = tpu.memref_squeeze %dma_start3A_477 : memref<1x128xi32, #tpu.memory_space<vmem>> -> memref<128xi32, #tpu.memory_space<vmem>>
      %dma_start3A_479 = arith.constant 0 : i32
      %dma_start3A_480 = tpu.memref_slice %arg3[%add3A, %add3A_468, %dma_start3A_479] : memref<32x80x128xi32, #tpu.memory_space<hbm>> -> memref<1x1x128xi32, #tpu.memory_space<hbm>>
      %dma_start3A_481 = tpu.memref_squeeze %dma_start3A_480 : memref<1x1x128xi32, #tpu.memory_space<hbm>> -> memref<128xi32, #tpu.memory_space<hbm>>
      tpu.enqueue_dma source(%dma_start3A_481 : memref<128xi32, #tpu.memory_space<hbm>>) target(%dma_start3A_478 : memref<128xi32, #tpu.memory_space<vmem>>) target_semaphore(%arg14 : memref<!tpu.dma_semaphore, #tpu.memory_space<semaphore_mem>>)
    }
    %scan3A_135 = arith.constant 19 : i32
    %dma_wait3A_136 = arith.constant 0 : i32
    %dma_wait3A_137 = arith.constant 0 : i32
    %dma_wait3A_138 = arith.constant 0 : i32
    %dma_wait3A_139 = arith.constant 0 : i32
    %dma_wait3A_140 = tpu.memref_slice %arg8[%dma_wait3A_137, %dma_wait3A_138, %dma_wait3A_139] : memref<2x128x128xf32, #tpu.memory_space<vmem>> -> memref<1x128x128xf32, #tpu.memory_space<vmem>>
    %dma_wait3A_141 = tpu.memref_squeeze %dma_wait3A_140 : memref<1x128x128xf32, #tpu.memory_space<vmem>> -> memref<128x128xf32, #tpu.memory_space<vmem>>
    %dma_wait3A_142 = arith.constant 0 : i32
    %dma_wait3A_143 = tpu.memref_slice %arg7[%dma_wait3A_136, %dma_wait3A_142] : memref<4x128xi32, #tpu.memory_space<vmem>> -> memref<1x128xi32, #tpu.memory_space<vmem>>
    %dma_wait3A_144 = tpu.memref_squeeze %dma_wait3A_143 : memref<1x128xi32, #tpu.memory_space<vmem>> -> memref<128xi32, #tpu.memory_space<vmem>>
    %dma_wait3A_145 = arith.constant 0 : i32
    %dma_wait3A_146 = arith.constant 0 : i32
    %dma_wait3A_147 = tpu.memref_slice %arg2[%dma_wait3A_145, %dma_wait3A_146] : memref<10000x128xf32, #tpu.memory_space<hbm>> -> memref<10000x128xf32, #tpu.memory_space<hbm>>
    tpu.wait_indirect_dma semaphore(%arg9 : memref<!tpu.dma_semaphore, #tpu.memory_space<semaphore_mem>>) src(%dma_wait3A_147 : memref<10000x128xf32, #tpu.memory_space<hbm>>) dst(%dma_wait3A_141 : memref<128x128xf32, #tpu.memory_space<vmem>>)
    %run_scoped3A_148 = arith.constant 0 : i32
    %run_scoped3A_149 = arith.constant 76 : i32
    "tpu.region"() ({
      %run_scoped3A_253 = tpu.sem_alloc : memref<!tpu.dma_semaphore, #tpu.memory_space<semaphore_mem>>
      %dma_start3A_254 = arith.constant 0 : i32
      %dma_start3A_255 = arith.constant 0 : i32
      %dma_start3A_256 = tpu.memref_slice %arg8[%run_scoped3A_148, %dma_start3A_254, %dma_start3A_255] : memref<2x128x128xf32, #tpu.memory_space<vmem>> -> memref<1x128x128xf32, #tpu.memory_space<vmem>>
      %dma_start3A_257 = tpu.memref_squeeze %dma_start3A_256 : memref<1x128x128xf32, #tpu.memory_space<vmem>> -> memref<128x128xf32, #tpu.memory_space<vmem>>
      %dma_start3A_258 = arith.constant 0 : i32
      %dma_start3A_259 = tpu.memref_slice %arg6[%run_scoped3A_149, %dma_start3A_258] : memref<80x128xi32, #tpu.memory_space<vmem>> -> memref<1x128xi32, #tpu.memory_space<vmem>>
      %dma_start3A_260 = tpu.memref_squeeze %dma_start3A_259 : memref<1x128xi32, #tpu.memory_space<vmem>> -> memref<128xi32, #tpu.memory_space<vmem>>
      %dma_start3A_261 = arith.constant 0 : i32
      %dma_start3A_262 = arith.constant 0 : i32
      %dma_start3A_263 = tpu.memref_slice %arg15[%dma_start3A_261, %dma_start3A_262] : memref<10240x128xf32, #tpu.memory_space<vmem_shared>> -> memref<10240x128xf32, #tpu.memory_space<vmem_shared>>
      tpu.enqueue_indirect_dma source(%dma_start3A_257 : memref<128x128xf32, #tpu.memory_space<vmem>>) target(%dma_start3A_263 : memref<10240x128xf32, #tpu.memory_space<vmem_shared>>) offsets(%dma_start3A_260 : memref<128xi32, #tpu.memory_space<vmem>>) semaphore(%run_scoped3A_253 : memref<!tpu.dma_semaphore, #tpu.memory_space<semaphore_mem>>) {add = true}
      %dma_wait3A_264 = arith.constant 0 : i32
      %dma_wait3A_265 = arith.constant 0 : i32
      %dma_wait3A_266 = tpu.memref_slice %arg8[%run_scoped3A_148, %dma_wait3A_264, %dma_wait3A_265] : memref<2x128x128xf32, #tpu.memory_space<vmem>> -> memref<1x128x128xf32, #tpu.memory_space<vmem>>
      %dma_wait3A_267 = tpu.memref_squeeze %dma_wait3A_266 : memref<1x128x128xf32, #tpu.memory_space<vmem>> -> memref<128x128xf32, #tpu.memory_space<vmem>>
      %dma_wait3A_268 = arith.constant 0 : i32
      %dma_wait3A_269 = tpu.memref_slice %arg6[%run_scoped3A_149, %dma_wait3A_268] : memref<80x128xi32, #tpu.memory_space<vmem>> -> memref<1x128xi32, #tpu.memory_space<vmem>>
      %dma_wait3A_270 = tpu.memref_squeeze %dma_wait3A_269 : memref<1x128xi32, #tpu.memory_space<vmem>> -> memref<128xi32, #tpu.memory_space<vmem>>
      %dma_wait3A_271 = arith.constant 0 : i32
      %dma_wait3A_272 = arith.constant 0 : i32
      %dma_wait3A_273 = tpu.memref_slice %arg15[%dma_wait3A_271, %dma_wait3A_272] : memref<10240x128xf32, #tpu.memory_space<vmem_shared>> -> memref<10240x128xf32, #tpu.memory_space<vmem_shared>>
      tpu.wait_indirect_dma semaphore(%run_scoped3A_253 : memref<!tpu.dma_semaphore, #tpu.memory_space<semaphore_mem>>) src(%dma_wait3A_267 : memref<128x128xf32, #tpu.memory_space<vmem>>) dst(%dma_wait3A_273 : memref<10240x128xf32, #tpu.memory_space<vmem_shared>>)
      tpu.yield
    }) : () -> ()
    %dma_wait3A_150 = arith.constant 0 : i32
    %dma_wait3A_151 = arith.constant 0 : i32
    %dma_wait3A_152 = arith.constant 2 : i32
    %dma_wait3A_153 = arith.constant 0 : i32
    %dma_wait3A_154 = tpu.memref_slice %arg7[%dma_wait3A_152, %dma_wait3A_153] : memref<4x128xi32, #tpu.memory_space<vmem>> -> memref<1x128xi32, #tpu.memory_space<vmem>>
    %dma_wait3A_155 = tpu.memref_squeeze %dma_wait3A_154 : memref<1x128xi32, #tpu.memory_space<vmem>> -> memref<128xi32, #tpu.memory_space<vmem>>
    %dma_wait3A_156 = arith.constant 0 : i32
    %dma_wait3A_157 = tpu.memref_slice %arg3[%dma_wait3A_150, %dma_wait3A_151, %dma_wait3A_156] : memref<32x80x128xi32, #tpu.memory_space<hbm>> -> memref<1x1x128xi32, #tpu.memory_space<hbm>>
    %dma_wait3A_158 = tpu.memref_squeeze %dma_wait3A_157 : memref<1x1x128xi32, #tpu.memory_space<hbm>> -> memref<128xi32, #tpu.memory_space<hbm>>
    %dma_wait3A_159 = arith.constant 0 : i32
    %dma_wait3A_160 = tpu.memref_slice %arg7[%dma_wait3A_152, %dma_wait3A_159] : memref<4x128xi32, #tpu.memory_space<vmem>> -> memref<1x128xi32, #tpu.memory_space<vmem>>
    %dma_wait3A_161 = tpu.memref_squeeze %dma_wait3A_160 : memref<1x128xi32, #tpu.memory_space<vmem>> -> memref<128xi32, #tpu.memory_space<vmem>>
    %dma_wait3A_162 = arith.constant 0 : i32
    %dma_wait3A_163 = tpu.memref_slice %arg3[%dma_wait3A_150, %dma_wait3A_151, %dma_wait3A_162] : memref<32x80x128xi32, #tpu.memory_space<hbm>> -> memref<1x1x128xi32, #tpu.memory_space<hbm>>
    %dma_wait3A_164 = tpu.memref_squeeze %dma_wait3A_163 : memref<1x1x128xi32, #tpu.memory_space<hbm>> -> memref<128xi32, #tpu.memory_space<hbm>>
    tpu.wait_dma2 semaphore(%arg13 : memref<!tpu.dma_semaphore, #tpu.memory_space<semaphore_mem>>) src(%dma_wait3A_164 : memref<128xi32, #tpu.memory_space<hbm>>) dst(%dma_wait3A_161 : memref<128xi32, #tpu.memory_space<vmem>>)
    %dma_start3A_165 = arith.constant 2 : i32
    %dma_start3A_166 = arith.constant 0 : i32
    %dma_start3A_167 = arith.constant 0 : i32
    %dma_start3A_168 = arith.constant 0 : i32
    %dma_start3A_169 = tpu.memref_slice %arg8[%dma_start3A_166, %dma_start3A_167, %dma_start3A_168] : memref<2x128x128xf32, #tpu.memory_space<vmem>> -> memref<1x128x128xf32, #tpu.memory_space<vmem>>
    %dma_start3A_170 = tpu.memref_squeeze %dma_start3A_169 : memref<1x128x128xf32, #tpu.memory_space<vmem>> -> memref<128x128xf32, #tpu.memory_space<vmem>>
    %dma_start3A_171 = arith.constant 0 : i32
    %dma_start3A_172 = tpu.memref_slice %arg7[%dma_start3A_165, %dma_start3A_171] : memref<4x128xi32, #tpu.memory_space<vmem>> -> memref<1x128xi32, #tpu.memory_space<vmem>>
    %dma_start3A_173 = tpu.memref_squeeze %dma_start3A_172 : memref<1x128xi32, #tpu.memory_space<vmem>> -> memref<128xi32, #tpu.memory_space<vmem>>
    %dma_start3A_174 = arith.constant 0 : i32
    %dma_start3A_175 = arith.constant 0 : i32
    %dma_start3A_176 = tpu.memref_slice %arg2[%dma_start3A_174, %dma_start3A_175] : memref<10000x128xf32, #tpu.memory_space<hbm>> -> memref<10000x128xf32, #tpu.memory_space<hbm>>
    tpu.enqueue_indirect_dma source(%dma_start3A_176 : memref<10000x128xf32, #tpu.memory_space<hbm>>) target(%dma_start3A_170 : memref<128x128xf32, #tpu.memory_space<vmem>>) offsets(%dma_start3A_173 : memref<128xi32, #tpu.memory_space<vmem>>) semaphore(%arg9 : memref<!tpu.dma_semaphore, #tpu.memory_space<semaphore_mem>>)
    %dma_wait3A_177 = arith.constant 0 : i32
    %dma_wait3A_178 = arith.constant 1 : i32
    %dma_wait3A_179 = arith.constant 0 : i32
    %dma_wait3A_180 = arith.constant 0 : i32
    %dma_wait3A_181 = tpu.memref_slice %arg8[%dma_wait3A_178, %dma_wait3A_179, %dma_wait3A_180] : memref<2x128x128xf32, #tpu.memory_space<vmem>> -> memref<1x128x128xf32, #tpu.memory_space<vmem>>
    %dma_wait3A_182 = tpu.memref_squeeze %dma_wait3A_181 : memref<1x128x128xf32, #tpu.memory_space<vmem>> -> memref<128x128xf32, #tpu.memory_space<vmem>>
    %dma_wait3A_183 = arith.constant 0 : i32
    %dma_wait3A_184 = tpu.memref_slice %arg7[%dma_wait3A_177, %dma_wait3A_183] : memref<4x128xi32, #tpu.memory_space<vmem>> -> memref<1x128xi32, #tpu.memory_space<vmem>>
    %dma_wait3A_185 = tpu.memref_squeeze %dma_wait3A_184 : memref<1x128xi32, #tpu.memory_space<vmem>> -> memref<128xi32, #tpu.memory_space<vmem>>
    %dma_wait3A_186 = arith.constant 0 : i32
    %dma_wait3A_187 = arith.constant 0 : i32
    %dma_wait3A_188 = tpu.memref_slice %arg2[%dma_wait3A_186, %dma_wait3A_187] : memref<10000x128xf32, #tpu.memory_space<hbm>> -> memref<10000x128xf32, #tpu.memory_space<hbm>>
    tpu.wait_indirect_dma semaphore(%arg10 : memref<!tpu.dma_semaphore, #tpu.memory_space<semaphore_mem>>) src(%dma_wait3A_188 : memref<10000x128xf32, #tpu.memory_space<hbm>>) dst(%dma_wait3A_182 : memref<128x128xf32, #tpu.memory_space<vmem>>)
    %run_scoped3A_189 = arith.constant 1 : i32
    %run_scoped3A_190 = arith.constant 77 : i32
    "tpu.region"() ({
      %run_scoped3A_253 = tpu.sem_alloc : memref<!tpu.dma_semaphore, #tpu.memory_space<semaphore_mem>>
      %dma_start3A_254 = arith.constant 0 : i32
      %dma_start3A_255 = arith.constant 0 : i32
      %dma_start3A_256 = tpu.memref_slice %arg8[%run_scoped3A_189, %dma_start3A_254, %dma_start3A_255] : memref<2x128x128xf32, #tpu.memory_space<vmem>> -> memref<1x128x128xf32, #tpu.memory_space<vmem>>
      %dma_start3A_257 = tpu.memref_squeeze %dma_start3A_256 : memref<1x128x128xf32, #tpu.memory_space<vmem>> -> memref<128x128xf32, #tpu.memory_space<vmem>>
      %dma_start3A_258 = arith.constant 0 : i32
      %dma_start3A_259 = tpu.memref_slice %arg6[%run_scoped3A_190, %dma_start3A_258] : memref<80x128xi32, #tpu.memory_space<vmem>> -> memref<1x128xi32, #tpu.memory_space<vmem>>
      %dma_start3A_260 = tpu.memref_squeeze %dma_start3A_259 : memref<1x128xi32, #tpu.memory_space<vmem>> -> memref<128xi32, #tpu.memory_space<vmem>>
      %dma_start3A_261 = arith.constant 0 : i32
      %dma_start3A_262 = arith.constant 0 : i32
      %dma_start3A_263 = tpu.memref_slice %arg15[%dma_start3A_261, %dma_start3A_262] : memref<10240x128xf32, #tpu.memory_space<vmem_shared>> -> memref<10240x128xf32, #tpu.memory_space<vmem_shared>>
      tpu.enqueue_indirect_dma source(%dma_start3A_257 : memref<128x128xf32, #tpu.memory_space<vmem>>) target(%dma_start3A_263 : memref<10240x128xf32, #tpu.memory_space<vmem_shared>>) offsets(%dma_start3A_260 : memref<128xi32, #tpu.memory_space<vmem>>) semaphore(%run_scoped3A_253 : memref<!tpu.dma_semaphore, #tpu.memory_space<semaphore_mem>>) {add = true}
      %dma_wait3A_264 = arith.constant 0 : i32
      %dma_wait3A_265 = arith.constant 0 : i32
      %dma_wait3A_266 = tpu.memref_slice %arg8[%run_scoped3A_189, %dma_wait3A_264, %dma_wait3A_265] : memref<2x128x128xf32, #tpu.memory_space<vmem>> -> memref<1x128x128xf32, #tpu.memory_space<vmem>>
      %dma_wait3A_267 = tpu.memref_squeeze %dma_wait3A_266 : memref<1x128x128xf32, #tpu.memory_space<vmem>> -> memref<128x128xf32, #tpu.memory_space<vmem>>
      %dma_wait3A_268 = arith.constant 0 : i32
      %dma_wait3A_269 = tpu.memref_slice %arg6[%run_scoped3A_190, %dma_wait3A_268] : memref<80x128xi32, #tpu.memory_space<vmem>> -> memref<1x128xi32, #tpu.memory_space<vmem>>
      %dma_wait3A_270 = tpu.memref_squeeze %dma_wait3A_269 : memref<1x128xi32, #tpu.memory_space<vmem>> -> memref<128xi32, #tpu.memory_space<vmem>>
      %dma_wait3A_271 = arith.constant 0 : i32
      %dma_wait3A_272 = arith.constant 0 : i32
      %dma_wait3A_273 = tpu.memref_slice %arg15[%dma_wait3A_271, %dma_wait3A_272] : memref<10240x128xf32, #tpu.memory_space<vmem_shared>> -> memref<10240x128xf32, #tpu.memory_space<vmem_shared>>
      tpu.wait_indirect_dma semaphore(%run_scoped3A_253 : memref<!tpu.dma_semaphore, #tpu.memory_space<semaphore_mem>>) src(%dma_wait3A_267 : memref<128x128xf32, #tpu.memory_space<vmem>>) dst(%dma_wait3A_273 : memref<10240x128xf32, #tpu.memory_space<vmem_shared>>)
      tpu.yield
    }) : () -> ()
    %dma_wait3A_191 = arith.constant 0 : i32
    %dma_wait3A_192 = arith.constant 0 : i32
    %dma_wait3A_193 = arith.constant 3 : i32
    %dma_wait3A_194 = arith.constant 0 : i32
    %dma_wait3A_195 = tpu.memref_slice %arg7[%dma_wait3A_193, %dma_wait3A_194] : memref<4x128xi32, #tpu.memory_space<vmem>> -> memref<1x128xi32, #tpu.memory_space<vmem>>
    %dma_wait3A_196 = tpu.memref_squeeze %dma_wait3A_195 : memref<1x128xi32, #tpu.memory_space<vmem>> -> memref<128xi32, #tpu.memory_space<vmem>>
    %dma_wait3A_197 = arith.constant 0 : i32
    %dma_wait3A_198 = tpu.memref_slice %arg3[%dma_wait3A_191, %dma_wait3A_192, %dma_wait3A_197] : memref<32x80x128xi32, #tpu.memory_space<hbm>> -> memref<1x1x128xi32, #tpu.memory_space<hbm>>
    %dma_wait3A_199 = tpu.memref_squeeze %dma_wait3A_198 : memref<1x1x128xi32, #tpu.memory_space<hbm>> -> memref<128xi32, #tpu.memory_space<hbm>>
    %dma_wait3A_200 = arith.constant 0 : i32
    %dma_wait3A_201 = tpu.memref_slice %arg7[%dma_wait3A_193, %dma_wait3A_200] : memref<4x128xi32, #tpu.memory_space<vmem>> -> memref<1x128xi32, #tpu.memory_space<vmem>>
    %dma_wait3A_202 = tpu.memref_squeeze %dma_wait3A_201 : memref<1x128xi32, #tpu.memory_space<vmem>> -> memref<128xi32, #tpu.memory_space<vmem>>
    %dma_wait3A_203 = arith.constant 0 : i32
    %dma_wait3A_204 = tpu.memref_slice %arg3[%dma_wait3A_191, %dma_wait3A_192, %dma_wait3A_203] : memref<32x80x128xi32, #tpu.memory_space<hbm>> -> memref<1x1x128xi32, #tpu.memory_space<hbm>>
    %dma_wait3A_205 = tpu.memref_squeeze %dma_wait3A_204 : memref<1x1x128xi32, #tpu.memory_space<hbm>> -> memref<128xi32, #tpu.memory_space<hbm>>
    tpu.wait_dma2 semaphore(%arg14 : memref<!tpu.dma_semaphore, #tpu.memory_space<semaphore_mem>>) src(%dma_wait3A_205 : memref<128xi32, #tpu.memory_space<hbm>>) dst(%dma_wait3A_202 : memref<128xi32, #tpu.memory_space<vmem>>)
    %dma_start3A_206 = arith.constant 3 : i32
    %dma_start3A_207 = arith.constant 1 : i32
    %dma_start3A_208 = arith.constant 0 : i32
    %dma_start3A_209 = arith.constant 0 : i32
    %dma_start3A_210 = tpu.memref_slice %arg8[%dma_start3A_207, %dma_start3A_208, %dma_start3A_209] : memref<2x128x128xf32, #tpu.memory_space<vmem>> -> memref<1x128x128xf32, #tpu.memory_space<vmem>>
    %dma_start3A_211 = tpu.memref_squeeze %dma_start3A_210 : memref<1x128x128xf32, #tpu.memory_space<vmem>> -> memref<128x128xf32, #tpu.memory_space<vmem>>
    %dma_start3A_212 = arith.constant 0 : i32
    %dma_start3A_213 = tpu.memref_slice %arg7[%dma_start3A_206, %dma_start3A_212] : memref<4x128xi32, #tpu.memory_space<vmem>> -> memref<1x128xi32, #tpu.memory_space<vmem>>
    %dma_start3A_214 = tpu.memref_squeeze %dma_start3A_213 : memref<1x128xi32, #tpu.memory_space<vmem>> -> memref<128xi32, #tpu.memory_space<vmem>>
    %dma_start3A_215 = arith.constant 0 : i32
    %dma_start3A_216 = arith.constant 0 : i32
    %dma_start3A_217 = tpu.memref_slice %arg2[%dma_start3A_215, %dma_start3A_216] : memref<10000x128xf32, #tpu.memory_space<hbm>> -> memref<10000x128xf32, #tpu.memory_space<hbm>>
    tpu.enqueue_indirect_dma source(%dma_start3A_217 : memref<10000x128xf32, #tpu.memory_space<hbm>>) target(%dma_start3A_211 : memref<128x128xf32, #tpu.memory_space<vmem>>) offsets(%dma_start3A_214 : memref<128xi32, #tpu.memory_space<vmem>>) semaphore(%arg10 : memref<!tpu.dma_semaphore, #tpu.memory_space<semaphore_mem>>)
    %dma_wait3A_218 = arith.constant 0 : i32
    %dma_wait3A_219 = arith.constant 0 : i32
    %dma_wait3A_220 = arith.constant 0 : i32
    %dma_wait3A_221 = arith.constant 0 : i32
    %dma_wait3A_222 = tpu.memref_slice %arg8[%dma_wait3A_219, %dma_wait3A_220, %dma_wait3A_221] : memref<2x128x128xf32, #tpu.memory_space<vmem>> -> memref<1x128x128xf32, #tpu.memory_space<vmem>>
    %dma_wait3A_223 = tpu.memref_squeeze %dma_wait3A_222 : memref<1x128x128xf32, #tpu.memory_space<vmem>> -> memref<128x128xf32, #tpu.memory_space<vmem>>
    %dma_wait3A_224 = arith.constant 0 : i32
    %dma_wait3A_225 = tpu.memref_slice %arg7[%dma_wait3A_218, %dma_wait3A_224] : memref<4x128xi32, #tpu.memory_space<vmem>> -> memref<1x128xi32, #tpu.memory_space<vmem>>
    %dma_wait3A_226 = tpu.memref_squeeze %dma_wait3A_225 : memref<1x128xi32, #tpu.memory_space<vmem>> -> memref<128xi32, #tpu.memory_space<vmem>>
    %dma_wait3A_227 = arith.constant 0 : i32
    %dma_wait3A_228 = arith.constant 0 : i32
    %dma_wait3A_229 = tpu.memref_slice %arg2[%dma_wait3A_227, %dma_wait3A_228] : memref<10000x128xf32, #tpu.memory_space<hbm>> -> memref<10000x128xf32, #tpu.memory_space<hbm>>
    tpu.wait_indirect_dma semaphore(%arg9 : memref<!tpu.dma_semaphore, #tpu.memory_space<semaphore_mem>>) src(%dma_wait3A_229 : memref<10000x128xf32, #tpu.memory_space<hbm>>) dst(%dma_wait3A_223 : memref<128x128xf32, #tpu.memory_space<vmem>>)
    %run_scoped3A_230 = arith.constant 0 : i32
    %run_scoped3A_231 = arith.constant 78 : i32
    "tpu.region"() ({
      %run_scoped3A_253 = tpu.sem_alloc : memref<!tpu.dma_semaphore, #tpu.memory_space<semaphore_mem>>
      %dma_start3A_254 = arith.constant 0 : i32
      %dma_start3A_255 = arith.constant 0 : i32
      %dma_start3A_256 = tpu.memref_slice %arg8[%run_scoped3A_230, %dma_start3A_254, %dma_start3A_255] : memref<2x128x128xf32, #tpu.memory_space<vmem>> -> memref<1x128x128xf32, #tpu.memory_space<vmem>>
      %dma_start3A_257 = tpu.memref_squeeze %dma_start3A_256 : memref<1x128x128xf32, #tpu.memory_space<vmem>> -> memref<128x128xf32, #tpu.memory_space<vmem>>
      %dma_start3A_258 = arith.constant 0 : i32
      %dma_start3A_259 = tpu.memref_slice %arg6[%run_scoped3A_231, %dma_start3A_258] : memref<80x128xi32, #tpu.memory_space<vmem>> -> memref<1x128xi32, #tpu.memory_space<vmem>>
      %dma_start3A_260 = tpu.memref_squeeze %dma_start3A_259 : memref<1x128xi32, #tpu.memory_space<vmem>> -> memref<128xi32, #tpu.memory_space<vmem>>
      %dma_start3A_261 = arith.constant 0 : i32
      %dma_start3A_262 = arith.constant 0 : i32
      %dma_start3A_263 = tpu.memref_slice %arg15[%dma_start3A_261, %dma_start3A_262] : memref<10240x128xf32, #tpu.memory_space<vmem_shared>> -> memref<10240x128xf32, #tpu.memory_space<vmem_shared>>
      tpu.enqueue_indirect_dma source(%dma_start3A_257 : memref<128x128xf32, #tpu.memory_space<vmem>>) target(%dma_start3A_263 : memref<10240x128xf32, #tpu.memory_space<vmem_shared>>) offsets(%dma_start3A_260 : memref<128xi32, #tpu.memory_space<vmem>>) semaphore(%run_scoped3A_253 : memref<!tpu.dma_semaphore, #tpu.memory_space<semaphore_mem>>) {add = true}
      %dma_wait3A_264 = arith.constant 0 : i32
      %dma_wait3A_265 = arith.constant 0 : i32
      %dma_wait3A_266 = tpu.memref_slice %arg8[%run_scoped3A_230, %dma_wait3A_264, %dma_wait3A_265] : memref<2x128x128xf32, #tpu.memory_space<vmem>> -> memref<1x128x128xf32, #tpu.memory_space<vmem>>
      %dma_wait3A_267 = tpu.memref_squeeze %dma_wait3A_266 : memref<1x128x128xf32, #tpu.memory_space<vmem>> -> memref<128x128xf32, #tpu.memory_space<vmem>>
      %dma_wait3A_268 = arith.constant 0 : i32
      %dma_wait3A_269 = tpu.memref_slice %arg6[%run_scoped3A_231, %dma_wait3A_268] : memref<80x128xi32, #tpu.memory_space<vmem>> -> memref<1x128xi32, #tpu.memory_space<vmem>>
      %dma_wait3A_270 = tpu.memref_squeeze %dma_wait3A_269 : memref<1x128xi32, #tpu.memory_space<vmem>> -> memref<128xi32, #tpu.memory_space<vmem>>
      %dma_wait3A_271 = arith.constant 0 : i32
      %dma_wait3A_272 = arith.constant 0 : i32
      %dma_wait3A_273 = tpu.memref_slice %arg15[%dma_wait3A_271, %dma_wait3A_272] : memref<10240x128xf32, #tpu.memory_space<vmem_shared>> -> memref<10240x128xf32, #tpu.memory_space<vmem_shared>>
      tpu.wait_indirect_dma semaphore(%run_scoped3A_253 : memref<!tpu.dma_semaphore, #tpu.memory_space<semaphore_mem>>) src(%dma_wait3A_267 : memref<128x128xf32, #tpu.memory_space<vmem>>) dst(%dma_wait3A_273 : memref<10240x128xf32, #tpu.memory_space<vmem_shared>>)
      tpu.yield
    }) : () -> ()
    %dma_wait3A_232 = arith.constant 0 : i32
    %dma_wait3A_233 = arith.constant 1 : i32
    %dma_wait3A_234 = arith.constant 0 : i32
    %dma_wait3A_235 = arith.constant 0 : i32
    %dma_wait3A_236 = tpu.memref_slice %arg8[%dma_wait3A_233, %dma_wait3A_234, %dma_wait3A_235] : memref<2x128x128xf32, #tpu.memory_space<vmem>> -> memref<1x128x128xf32, #tpu.memory_space<vmem>>
    %dma_wait3A_237 = tpu.memref_squeeze %dma_wait3A_236 : memref<1x128x128xf32, #tpu.memory_space<vmem>> -> memref<128x128xf32, #tpu.memory_space<vmem>>
    %dma_wait3A_238 = arith.constant 0 : i32
    %dma_wait3A_239 = tpu.memref_slice %arg7[%dma_wait3A_232, %dma_wait3A_238] : memref<4x128xi32, #tpu.memory_space<vmem>> -> memref<1x128xi32, #tpu.memory_space<vmem>>
    %dma_wait3A_240 = tpu.memref_squeeze %dma_wait3A_239 : memref<1x128xi32, #tpu.memory_space<vmem>> -> memref<128xi32, #tpu.memory_space<vmem>>
    %dma_wait3A_241 = arith.constant 0 : i32
    %dma_wait3A_242 = arith.constant 0 : i32
    %dma_wait3A_243 = tpu.memref_slice %arg2[%dma_wait3A_241, %dma_wait3A_242] : memref<10000x128xf32, #tpu.memory_space<hbm>> -> memref<10000x128xf32, #tpu.memory_space<hbm>>
    tpu.wait_indirect_dma semaphore(%arg10 : memref<!tpu.dma_semaphore, #tpu.memory_space<semaphore_mem>>) src(%dma_wait3A_243 : memref<10000x128xf32, #tpu.memory_space<hbm>>) dst(%dma_wait3A_237 : memref<128x128xf32, #tpu.memory_space<vmem>>)
    %run_scoped3A_244 = arith.constant 1 : i32
    %run_scoped3A_245 = arith.constant 79 : i32
    "tpu.region"() ({
      %run_scoped3A_253 = tpu.sem_alloc : memref<!tpu.dma_semaphore, #tpu.memory_space<semaphore_mem>>
      %dma_start3A_254 = arith.constant 0 : i32
      %dma_start3A_255 = arith.constant 0 : i32
      %dma_start3A_256 = tpu.memref_slice %arg8[%run_scoped3A_244, %dma_start3A_254, %dma_start3A_255] : memref<2x128x128xf32, #tpu.memory_space<vmem>> -> memref<1x128x128xf32, #tpu.memory_space<vmem>>
      %dma_start3A_257 = tpu.memref_squeeze %dma_start3A_256 : memref<1x128x128xf32, #tpu.memory_space<vmem>> -> memref<128x128xf32, #tpu.memory_space<vmem>>
      %dma_start3A_258 = arith.constant 0 : i32
      %dma_start3A_259 = tpu.memref_slice %arg6[%run_scoped3A_245, %dma_start3A_258] : memref<80x128xi32, #tpu.memory_space<vmem>> -> memref<1x128xi32, #tpu.memory_space<vmem>>
      %dma_start3A_260 = tpu.memref_squeeze %dma_start3A_259 : memref<1x128xi32, #tpu.memory_space<vmem>> -> memref<128xi32, #tpu.memory_space<vmem>>
      %dma_start3A_261 = arith.constant 0 : i32
      %dma_start3A_262 = arith.constant 0 : i32
      %dma_start3A_263 = tpu.memref_slice %arg15[%dma_start3A_261, %dma_start3A_262] : memref<10240x128xf32, #tpu.memory_space<vmem_shared>> -> memref<10240x128xf32, #tpu.memory_space<vmem_shared>>
      tpu.enqueue_indirect_dma source(%dma_start3A_257 : memref<128x128xf32, #tpu.memory_space<vmem>>) target(%dma_start3A_263 : memref<10240x128xf32, #tpu.memory_space<vmem_shared>>) offsets(%dma_start3A_260 : memref<128xi32, #tpu.memory_space<vmem>>) semaphore(%run_scoped3A_253 : memref<!tpu.dma_semaphore, #tpu.memory_space<semaphore_mem>>) {add = true}
      %dma_wait3A_264 = arith.constant 0 : i32
      %dma_wait3A_265 = arith.constant 0 : i32
      %dma_wait3A_266 = tpu.memref_slice %arg8[%run_scoped3A_244, %dma_wait3A_264, %dma_wait3A_265] : memref<2x128x128xf32, #tpu.memory_space<vmem>> -> memref<1x128x128xf32, #tpu.memory_space<vmem>>
      %dma_wait3A_267 = tpu.memref_squeeze %dma_wait3A_266 : memref<1x128x128xf32, #tpu.memory_space<vmem>> -> memref<128x128xf32, #tpu.memory_space<vmem>>
      %dma_wait3A_268 = arith.constant 0 : i32
      %dma_wait3A_269 = tpu.memref_slice %arg6[%run_scoped3A_245, %dma_wait3A_268] : memref<80x128xi32, #tpu.memory_space<vmem>> -> memref<1x128xi32, #tpu.memory_space<vmem>>
      %dma_wait3A_270 = tpu.memref_squeeze %dma_wait3A_269 : memref<1x128xi32, #tpu.memory_space<vmem>> -> memref<128xi32, #tpu.memory_space<vmem>>
      %dma_wait3A_271 = arith.constant 0 : i32
      %dma_wait3A_272 = arith.constant 0 : i32
      %dma_wait3A_273 = tpu.memref_slice %arg15[%dma_wait3A_271, %dma_wait3A_272] : memref<10240x128xf32, #tpu.memory_space<vmem_shared>> -> memref<10240x128xf32, #tpu.memory_space<vmem_shared>>
      tpu.wait_indirect_dma semaphore(%run_scoped3A_253 : memref<!tpu.dma_semaphore, #tpu.memory_space<semaphore_mem>>) src(%dma_wait3A_267 : memref<128x128xf32, #tpu.memory_space<vmem>>) dst(%dma_wait3A_273 : memref<10240x128xf32, #tpu.memory_space<vmem_shared>>)
      tpu.yield
    }) : () -> ()
    %barrier3A_246 = arith.constant 0 : index
    tpu.barrier barrier_id(%barrier3A_246)
    %scan3A_247 = arith.constant 0 : i32
    %scan3A_248 = arith.constant 0 : i32
    %scan3A_249 = arith.constant 5 : i32
    %scan3A_250 = arith.addi %scan3A_248, %scan3A_249 : i32
    %scan3A_251 = arith.constant 1 : i32
    scf.for %scan3A_253 = %scan3A_248 to %scan3A_250 step %scan3A_251  : i32 {
      %mul3A_254 = arith.constant 128 : i32
      %mul3A_255 = arith.muli %scan3A_253, %mul3A_254 : i32
      %add3A_256 = arith.addi %mul3A_7, %mul3A_255 : i32
      %run_scoped3A_257 = arith.constant 0 : i32
      "tpu.region"() ({
        %run_scoped3A_262 = tpu.sem_alloc : memref<!tpu.dma_semaphore, #tpu.memory_space<semaphore_mem>>
        %dma_start3A_263 = arith.constant 0 : i32
        %dma_start3A_264 = arith.constant 0 : i32
        %dma_start3A_265 = tpu.memref_slice %arg8[%run_scoped3A_257, %dma_start3A_263, %dma_start3A_264] : memref<2x128x128xf32, #tpu.memory_space<vmem>> -> memref<1x128x128xf32, #tpu.memory_space<vmem>>
        %dma_start3A_266 = tpu.memref_squeeze %dma_start3A_265 : memref<1x128x128xf32, #tpu.memory_space<vmem>> -> memref<128x128xf32, #tpu.memory_space<vmem>>
        %dma_start3A_267 = arith.constant 0 : i32
        %dma_start3A_268 = tpu.memref_slice %arg15[%add3A_256, %dma_start3A_267] : memref<10240x128xf32, #tpu.memory_space<vmem_shared>> -> memref<128x128xf32, #tpu.memory_space<vmem_shared>>
        %dma_start3A_269 = arith.constant 0 : i32
        %dma_start3A_270 = arith.constant 0 : i32
        %dma_start3A_271 = tpu.memref_slice %arg8[%run_scoped3A_257, %dma_start3A_269, %dma_start3A_270] : memref<2x128x128xf32, #tpu.memory_space<vmem>> -> memref<1x128x128xf32, #tpu.memory_space<vmem>>
        %dma_start3A_272 = tpu.memref_squeeze %dma_start3A_271 : memref<1x128x128xf32, #tpu.memory_space<vmem>> -> memref<128x128xf32, #tpu.memory_space<vmem>>
        %dma_start3A_273 = arith.constant 0 : i32
        %dma_start3A_274 = tpu.memref_slice %arg15[%add3A_256, %dma_start3A_273] : memref<10240x128xf32, #tpu.memory_space<vmem_shared>> -> memref<128x128xf32, #tpu.memory_space<vmem_shared>>
        tpu.enqueue_dma source(%dma_start3A_274 : memref<128x128xf32, #tpu.memory_space<vmem_shared>>) target(%dma_start3A_272 : memref<128x128xf32, #tpu.memory_space<vmem>>) target_semaphore(%run_scoped3A_262 : memref<!tpu.dma_semaphore, #tpu.memory_space<semaphore_mem>>)
        %dma_wait3A_275 = arith.constant 0 : i32
        %dma_wait3A_276 = arith.constant 0 : i32
        %dma_wait3A_277 = tpu.memref_slice %arg8[%run_scoped3A_257, %dma_wait3A_275, %dma_wait3A_276] : memref<2x128x128xf32, #tpu.memory_space<vmem>> -> memref<1x128x128xf32, #tpu.memory_space<vmem>>
        %dma_wait3A_278 = tpu.memref_squeeze %dma_wait3A_277 : memref<1x128x128xf32, #tpu.memory_space<vmem>> -> memref<128x128xf32, #tpu.memory_space<vmem>>
        %dma_wait3A_279 = arith.constant 0 : i32
        %dma_wait3A_280 = tpu.memref_slice %arg15[%add3A_256, %dma_wait3A_279] : memref<10240x128xf32, #tpu.memory_space<vmem_shared>> -> memref<128x128xf32, #tpu.memory_space<vmem_shared>>
        %dma_wait3A_281 = arith.constant 0 : i32
        %dma_wait3A_282 = arith.constant 0 : i32
        %dma_wait3A_283 = tpu.memref_slice %arg8[%run_scoped3A_257, %dma_wait3A_281, %dma_wait3A_282] : memref<2x128x128xf32, #tpu.memory_space<vmem>> -> memref<1x128x128xf32, #tpu.memory_space<vmem>>
        %dma_wait3A_284 = tpu.memref_squeeze %dma_wait3A_283 : memref<1x128x128xf32, #tpu.memory_space<vmem>> -> memref<128x128xf32, #tpu.memory_space<vmem>>
        %dma_wait3A_285 = arith.constant 0 : i32
        %dma_wait3A_286 = tpu.memref_slice %arg15[%add3A_256, %dma_wait3A_285] : memref<10240x128xf32, #tpu.memory_space<vmem_shared>> -> memref<128x128xf32, #tpu.memory_space<vmem_shared>>
        tpu.wait_dma2 semaphore(%run_scoped3A_262 : memref<!tpu.dma_semaphore, #tpu.memory_space<semaphore_mem>>) src(%dma_wait3A_286 : memref<128x128xf32, #tpu.memory_space<vmem_shared>>) dst(%dma_wait3A_284 : memref<128x128xf32, #tpu.memory_space<vmem>>)
        tpu.yield
      }) : () -> ()
      %mul3A_258 = arith.constant 128 : i32
      %mul3A_259 = arith.muli %scan3A_253, %mul3A_258 : i32
      %add3A_260 = arith.addi %mul3A_7, %mul3A_259 : i32
      %run_scoped3A_261 = arith.constant 0 : i32
      "tpu.region"() ({
        %run_scoped3A_262 = tpu.sem_alloc : memref<!tpu.dma_semaphore, #tpu.memory_space<semaphore_mem>>
        %dma_start3A_263 = arith.constant 0 : i32
        %dma_start3A_264 = arith.constant 0 : i32
        %dma_start3A_265 = tpu.memref_slice %arg8[%run_scoped3A_261, %dma_start3A_263, %dma_start3A_264] : memref<2x128x128xf32, #tpu.memory_space<vmem>> -> memref<1x128x128xf32, #tpu.memory_space<vmem>>
        %dma_start3A_266 = tpu.memref_squeeze %dma_start3A_265 : memref<1x128x128xf32, #tpu.memory_space<vmem>> -> memref<128x128xf32, #tpu.memory_space<vmem>>
        %dma_start3A_267 = arith.constant 0 : i32
        %dma_start3A_268 = tpu.memref_slice %arg5[%arg0, %add3A_260, %dma_start3A_267] : memref<2x10240x128xf32, #tpu.memory_space<hbm>> -> memref<1x128x128xf32, #tpu.memory_space<hbm>>
        %dma_start3A_269 = tpu.memref_squeeze %dma_start3A_268 : memref<1x128x128xf32, #tpu.memory_space<hbm>> -> memref<128x128xf32, #tpu.memory_space<hbm>>
        %dma_start3A_270 = arith.constant 0 : i32
        %dma_start3A_271 = tpu.memref_slice %arg5[%arg0, %add3A_260, %dma_start3A_270] : memref<2x10240x128xf32, #tpu.memory_space<hbm>> -> memref<1x128x128xf32, #tpu.memory_space<hbm>>
        %dma_start3A_272 = tpu.memref_squeeze %dma_start3A_271 : memref<1x128x128xf32, #tpu.memory_space<hbm>> -> memref<128x128xf32, #tpu.memory_space<hbm>>
        %dma_start3A_273 = arith.constant 0 : i32
        %dma_start3A_274 = arith.constant 0 : i32
        %dma_start3A_275 = tpu.memref_slice %arg8[%run_scoped3A_261, %dma_start3A_273, %dma_start3A_274] : memref<2x128x128xf32, #tpu.memory_space<vmem>> -> memref<1x128x128xf32, #tpu.memory_space<vmem>>
        %dma_start3A_276 = tpu.memref_squeeze %dma_start3A_275 : memref<1x128x128xf32, #tpu.memory_space<vmem>> -> memref<128x128xf32, #tpu.memory_space<vmem>>
        tpu.enqueue_dma source(%dma_start3A_276 : memref<128x128xf32, #tpu.memory_space<vmem>>) target(%dma_start3A_272 : memref<128x128xf32, #tpu.memory_space<hbm>>) target_semaphore(%run_scoped3A_262 : memref<!tpu.dma_semaphore, #tpu.memory_space<semaphore_mem>>)
        %dma_wait3A_277 = arith.constant 0 : i32
        %dma_wait3A_278 = arith.constant 0 : i32
        %dma_wait3A_279 = tpu.memref_slice %arg8[%run_scoped3A_261, %dma_wait3A_277, %dma_wait3A_278] : memref<2x128x128xf32, #tpu.memory_space<vmem>> -> memref<1x128x128xf32, #tpu.memory_space<vmem>>
        %dma_wait3A_280 = tpu.memref_squeeze %dma_wait3A_279 : memref<1x128x128xf32, #tpu.memory_space<vmem>> -> memref<128x128xf32, #tpu.memory_space<vmem>>
        %dma_wait3A_281 = arith.constant 0 : i32
        %dma_wait3A_282 = tpu.memref_slice %arg5[%arg0, %add3A_260, %dma_wait3A_281] : memref<2x10240x128xf32, #tpu.memory_space<hbm>> -> memref<1x128x128xf32, #tpu.memory_space<hbm>>
        %dma_wait3A_283 = tpu.memref_squeeze %dma_wait3A_282 : memref<1x128x128xf32, #tpu.memory_space<hbm>> -> memref<128x128xf32, #tpu.memory_space<hbm>>
        %dma_wait3A_284 = arith.constant 0 : i32
        %dma_wait3A_285 = tpu.memref_slice %arg5[%arg0, %add3A_260, %dma_wait3A_284] : memref<2x10240x128xf32, #tpu.memory_space<hbm>> -> memref<1x128x128xf32, #tpu.memory_space<hbm>>
        %dma_wait3A_286 = tpu.memref_squeeze %dma_wait3A_285 : memref<1x128x128xf32, #tpu.memory_space<hbm>> -> memref<128x128xf32, #tpu.memory_space<hbm>>
        %dma_wait3A_287 = arith.constant 0 : i32
        %dma_wait3A_288 = arith.constant 0 : i32
        %dma_wait3A_289 = tpu.memref_slice %arg8[%run_scoped3A_261, %dma_wait3A_287, %dma_wait3A_288] : memref<2x128x128xf32, #tpu.memory_space<vmem>> -> memref<1x128x128xf32, #tpu.memory_space<vmem>>
        %dma_wait3A_290 = tpu.memref_squeeze %dma_wait3A_289 : memref<1x128x128xf32, #tpu.memory_space<vmem>> -> memref<128x128xf32, #tpu.memory_space<vmem>>
        tpu.wait_dma2 semaphore(%run_scoped3A_262 : memref<!tpu.dma_semaphore, #tpu.memory_space<semaphore_mem>>) src(%dma_wait3A_290 : memref<128x128xf32, #tpu.memory_space<vmem>>) dst(%dma_wait3A_286 : memref<128x128xf32, #tpu.memory_space<hbm>>)
        tpu.yield
      }) : () -> ()
    }
    %scan3A_252 = arith.constant 5 : i32
    return
  }
}

#map = affine_map<(d0, d1) -> (0, 0)>
#map1 = affine_map<(d0, d1) -> (0, 0, 0)>
module attributes {stable_mosaic.version = 14 : i64} {
  func.func @_scatter_body(%arg0: i32, %arg1: i32, %arg2: memref<10000x128xf32, #tpu.memory_space<hbm>>, %arg3: memref<32x80x128xi32, #tpu.memory_space<hbm>>, %arg4: memref<32x80x128xi32, #tpu.memory_space<hbm>>, %arg5: memref<2x10240x128xf32, #tpu.memory_space<hbm>>, %arg6: memref<80x128xi32, #tpu.memory_space<vmem>>, %arg7: memref<4x128xi32, #tpu.memory_space<vmem>>, %arg8: memref<2x128x128xf32, #tpu.memory_space<vmem>>, %arg9: memref<!tpu.dma_semaphore, #tpu.memory_space<semaphore_mem>>, %arg10: memref<!tpu.dma_semaphore, #tpu.memory_space<semaphore_mem>>, %arg11: memref<!tpu.dma_semaphore, #tpu.memory_space<semaphore_mem>>, %arg12: memref<!tpu.dma_semaphore, #tpu.memory_space<semaphore_mem>>, %arg13: memref<!tpu.dma_semaphore, #tpu.memory_space<semaphore_mem>>, %arg14: memref<!tpu.dma_semaphore, #tpu.memory_space<semaphore_mem>>, %arg15: memref<10240x128xf32, #tpu.memory_space<vmem_shared>>) attributes {dimension_semantics = [#tpu.dimension_semantics<core_parallel>, #tpu.dimension_semantics<subcore_parallel>], iteration_bounds = array<i64: 2, 16>, scalar_prefetch = 0 : i64, scratch_operands = 10 : i64, tpu.core_type = #tpu.core_type<sc_vector_subcore>, window_params = [{transform_indices = #map}, {transform_indices = #map1}, {transform_indices = #map1}, {transform_indices = #map1}]} {
    %mul3A = arith.constant 16 : i32
    %mul3A_0 = arith.muli %arg0, %mul3A : i32
    %add3A = arith.addi %mul3A_0, %arg1 : i32
    "tpu.region"() ({
      %run_scoped3A_253 = tpu.sem_alloc : memref<!tpu.dma_semaphore, #tpu.memory_space<semaphore_mem>>
      %dma_start3A_254 = arith.constant 0 : i32
      %dma_start3A_255 = arith.constant 0 : i32
      %dma_start3A_256 = tpu.memref_slice %arg4[%add3A, %dma_start3A_254, %dma_start3A_255] : memref<32x80x128xi32, #tpu.memory_space<hbm>> -> memref<1x80x128xi32, #tpu.memory_space<hbm>>
      %dma_start3A_257 = tpu.memref_squeeze %dma_start3A_256 : memref<1x80x128xi32, #tpu.memory_space<hbm>> -> memref<80x128xi32, #tpu.memory_space<hbm>>
      %dma_start3A_258 = arith.constant 0 : i32
      %dma_start3A_259 = arith.constant 0 : i32
      %dma_start3A_260 = tpu.memref_slice %arg4[%add3A, %dma_start3A_258, %dma_start3A_259] : memref<32x80x128xi32, #tpu.memory_space<hbm>> -> memref<1x80x128xi32, #tpu.memory_space<hbm>>
      %dma_start3A_261 = tpu.memref_squeeze %dma_start3A_260 : memref<1x80x128xi32, #tpu.memory_space<hbm>> -> memref<80x128xi32, #tpu.memory_space<hbm>>
      tpu.enqueue_dma source(%dma_start3A_261 : memref<80x128xi32, #tpu.memory_space<hbm>>) target(%arg6 : memref<80x128xi32, #tpu.memory_space<vmem>>) target_semaphore(%run_scoped3A_253 : memref<!tpu.dma_semaphore, #tpu.memory_space<semaphore_mem>>)
      %dma_wait3A_262 = arith.constant 0 : i32
      %dma_wait3A_263 = arith.constant 0 : i32
      %dma_wait3A_264 = tpu.memref_slice %arg4[%add3A, %dma_wait3A_262, %dma_wait3A_263] : memref<32x80x128xi32, #tpu.memory_space<hbm>> -> memref<1x80x128xi32, #tpu.memory_space<hbm>>
      %dma_wait3A_265 = tpu.memref_squeeze %dma_wait3A_264 : memref<1x80x128xi32, #tpu.memory_space<hbm>> -> memref<80x128xi32, #tpu.memory_space<hbm>>
      %dma_wait3A_266 = arith.constant 0 : i32
      %dma_wait3A_267 = arith.constant 0 : i32
      %dma_wait3A_268 = tpu.memref_slice %arg4[%add3A, %dma_wait3A_266, %dma_wait3A_267] : memref<32x80x128xi32, #tpu.memory_space<hbm>> -> memref<1x80x128xi32, #tpu.memory_space<hbm>>
      %dma_wait3A_269 = tpu.memref_squeeze %dma_wait3A_268 : memref<1x80x128xi32, #tpu.memory_space<hbm>> -> memref<80x128xi32, #tpu.memory_space<hbm>>
      tpu.wait_dma2 semaphore(%run_scoped3A_253 : memref<!tpu.dma_semaphore, #tpu.memory_space<semaphore_mem>>) src(%dma_wait3A_269 : memref<80x128xi32, #tpu.memory_space<hbm>>) dst(%arg6 : memref<80x128xi32, #tpu.memory_space<vmem>>)
      tpu.yield
    }) : () -> ()
    %scan3A = arith.constant 0 : i32
    %scan3A_1 = arith.constant 0 : i32
    %scan3A_2 = arith.constant 128 : i32
    %scan3A_3 = arith.addi %scan3A_1, %scan3A_2 : i32
    %scan3A_4 = arith.constant 1 : i32
    scf.for %scan3A_253 = %scan3A_1 to %scan3A_3 step %scan3A_4  : i32 {
      %broadcast_in_dim3A = arith.constant 0.000000e+00 : f32
      %broadcast_in_dim3A_254 = vector.broadcast %broadcast_in_dim3A : f32 to vector<16xf32>
      %swap3A = arith.constant 0 : i32
      %swap3A_255 = arith.index_cast %swap3A : i32 to index
      %swap3A_256 = arith.index_cast %scan3A_253 : i32 to index
      %swap3A_257 = arith.constant 0 : index
      %swap3A_258 = tpu.vector_load %arg8[%swap3A_255, %swap3A_256, %swap3A_257] {strides = array<i32>} : memref<2x128x128xf32, #tpu.memory_space<vmem>>, vector<1x1x16xf32>,
      %swap3A_259 = vector.shape_cast %swap3A_258 : vector<1x1x16xf32> to vector<16xf32>
      %swap3A_260 = vector.shape_cast %broadcast_in_dim3A_254 : vector<16xf32> to vector<1x1x16xf32>
      tpu.vector_store %arg8[%swap3A_255, %swap3A_256, %swap3A_257], %swap3A_260 {strides = array<i32>} : memref<2x128x128xf32, #tpu.memory_space<vmem>>, vector<1x1x16xf32>,
      %broadcast_in_dim3A_261 = arith.constant 0.000000e+00 : f32
      %broadcast_in_dim3A_262 = vector.broadcast %broadcast_in_dim3A_261 : f32 to vector<16xf32>
      %swap3A_263 = arith.constant 0 : i32
      %swap3A_264 = arith.index_cast %swap3A_263 : i32 to index
      %swap3A_265 = arith.index_cast %scan3A_253 : i32 to index
      %swap3A_266 = arith.constant 16 : index
      %swap3A_267 = tpu.vector_load %arg8[%swap3A_264, %swap3A_265, %swap3A_266] {strides = array<i32>} : memref<2x128x128xf32, #tpu.memory_space<vmem>>, vector<1x1x16xf32>,
      %swap3A_268 = vector.shape_cast %swap3A_267 : vector<1x1x16xf32> to vector<16xf32>
      %swap3A_269 = vector.shape_cast %broadcast_in_dim3A_262 : vector<16xf32> to vector<1x1x16xf32>
      tpu.vector_store %arg8[%swap3A_264, %swap3A_265, %swap3A_266], %swap3A_269 {strides = array<i32>} : memref<2x128x128xf32, #tpu.memory_space<vmem>>, vector<1x1x16xf32>,
      %broadcast_in_dim3A_270 = arith.constant 0.000000e+00 : f32
      %broadcast_in_dim3A_271 = vector.broadcast %broadcast_in_dim3A_270 : f32 to vector<16xf32>
      %swap3A_272 = arith.constant 0 : i32
      %swap3A_273 = arith.index_cast %swap3A_272 : i32 to index
      %swap3A_274 = arith.index_cast %scan3A_253 : i32 to index
      %swap3A_275 = arith.constant 32 : index
      %swap3A_276 = tpu.vector_load %arg8[%swap3A_273, %swap3A_274, %swap3A_275] {strides = array<i32>} : memref<2x128x128xf32, #tpu.memory_space<vmem>>, vector<1x1x16xf32>,
      %swap3A_277 = vector.shape_cast %swap3A_276 : vector<1x1x16xf32> to vector<16xf32>
      %swap3A_278 = vector.shape_cast %broadcast_in_dim3A_271 : vector<16xf32> to vector<1x1x16xf32>
      tpu.vector_store %arg8[%swap3A_273, %swap3A_274, %swap3A_275], %swap3A_278 {strides = array<i32>} : memref<2x128x128xf32, #tpu.memory_space<vmem>>, vector<1x1x16xf32>,
      %broadcast_in_dim3A_279 = arith.constant 0.000000e+00 : f32
      %broadcast_in_dim3A_280 = vector.broadcast %broadcast_in_dim3A_279 : f32 to vector<16xf32>
      %swap3A_281 = arith.constant 0 : i32
      %swap3A_282 = arith.index_cast %swap3A_281 : i32 to index
      %swap3A_283 = arith.index_cast %scan3A_253 : i32 to index
      %swap3A_284 = arith.constant 48 : index
      %swap3A_285 = tpu.vector_load %arg8[%swap3A_282, %swap3A_283, %swap3A_284] {strides = array<i32>} : memref<2x128x128xf32, #tpu.memory_space<vmem>>, vector<1x1x16xf32>,
      %swap3A_286 = vector.shape_cast %swap3A_285 : vector<1x1x16xf32> to vector<16xf32>
      %swap3A_287 = vector.shape_cast %broadcast_in_dim3A_280 : vector<16xf32> to vector<1x1x16xf32>
      tpu.vector_store %arg8[%swap3A_282, %swap3A_283, %swap3A_284], %swap3A_287 {strides = array<i32>} : memref<2x128x128xf32, #tpu.memory_space<vmem>>, vector<1x1x16xf32>,
      %broadcast_in_dim3A_288 = arith.constant 0.000000e+00 : f32
      %broadcast_in_dim3A_289 = vector.broadcast %broadcast_in_dim3A_288 : f32 to vector<16xf32>
      %swap3A_290 = arith.constant 0 : i32
      %swap3A_291 = arith.index_cast %swap3A_290 : i32 to index
      %swap3A_292 = arith.index_cast %scan3A_253 : i32 to index
      %swap3A_293 = arith.constant 64 : index
      %swap3A_294 = tpu.vector_load %arg8[%swap3A_291, %swap3A_292, %swap3A_293] {strides = array<i32>} : memref<2x128x128xf32, #tpu.memory_space<vmem>>, vector<1x1x16xf32>,
      %swap3A_295 = vector.shape_cast %swap3A_294 : vector<1x1x16xf32> to vector<16xf32>
      %swap3A_296 = vector.shape_cast %broadcast_in_dim3A_289 : vector<16xf32> to vector<1x1x16xf32>
      tpu.vector_store %arg8[%swap3A_291, %swap3A_292, %swap3A_293], %swap3A_296 {strides = array<i32>} : memref<2x128x128xf32, #tpu.memory_space<vmem>>, vector<1x1x16xf32>,
      %broadcast_in_dim3A_297 = arith.constant 0.000000e+00 : f32
      %broadcast_in_dim3A_298 = vector.broadcast %broadcast_in_dim3A_297 : f32 to vector<16xf32>
      %swap3A_299 = arith.constant 0 : i32
      %swap3A_300 = arith.index_cast %swap3A_299 : i32 to index
      %swap3A_301 = arith.index_cast %scan3A_253 : i32 to index
      %swap3A_302 = arith.constant 80 : index
      %swap3A_303 = tpu.vector_load %arg8[%swap3A_300, %swap3A_301, %swap3A_302] {strides = array<i32>} : memref<2x128x128xf32, #tpu.memory_space<vmem>>, vector<1x1x16xf32>,
      %swap3A_304 = vector.shape_cast %swap3A_303 : vector<1x1x16xf32> to vector<16xf32>
      %swap3A_305 = vector.shape_cast %broadcast_in_dim3A_298 : vector<16xf32> to vector<1x1x16xf32>
      tpu.vector_store %arg8[%swap3A_300, %swap3A_301, %swap3A_302], %swap3A_305 {strides = array<i32>} : memref<2x128x128xf32, #tpu.memory_space<vmem>>, vector<1x1x16xf32>,
      %broadcast_in_dim3A_306 = arith.constant 0.000000e+00 : f32
      %broadcast_in_dim3A_307 = vector.broadcast %broadcast_in_dim3A_306 : f32 to vector<16xf32>
      %swap3A_308 = arith.constant 0 : i32
      %swap3A_309 = arith.index_cast %swap3A_308 : i32 to index
      %swap3A_310 = arith.index_cast %scan3A_253 : i32 to index
      %swap3A_311 = arith.constant 96 : index
      %swap3A_312 = tpu.vector_load %arg8[%swap3A_309, %swap3A_310, %swap3A_311] {strides = array<i32>} : memref<2x128x128xf32, #tpu.memory_space<vmem>>, vector<1x1x16xf32>,
      %swap3A_313 = vector.shape_cast %swap3A_312 : vector<1x1x16xf32> to vector<16xf32>
      %swap3A_314 = vector.shape_cast %broadcast_in_dim3A_307 : vector<16xf32> to vector<1x1x16xf32>
      tpu.vector_store %arg8[%swap3A_309, %swap3A_310, %swap3A_311], %swap3A_314 {strides = array<i32>} : memref<2x128x128xf32, #tpu.memory_space<vmem>>, vector<1x1x16xf32>,
      %broadcast_in_dim3A_315 = arith.constant 0.000000e+00 : f32
      %broadcast_in_dim3A_316 = vector.broadcast %broadcast_in_dim3A_315 : f32 to vector<16xf32>
      %swap3A_317 = arith.constant 0 : i32
      %swap3A_318 = arith.index_cast %swap3A_317 : i32 to index
      %swap3A_319 = arith.index_cast %scan3A_253 : i32 to index
      %swap3A_320 = arith.constant 112 : index
      %swap3A_321 = tpu.vector_load %arg8[%swap3A_318, %swap3A_319, %swap3A_320] {strides = array<i32>} : memref<2x128x128xf32, #tpu.memory_space<vmem>>, vector<1x1x16xf32>,
      %swap3A_322 = vector.shape_cast %swap3A_321 : vector<1x1x16xf32> to vector<16xf32>
      %swap3A_323 = vector.shape_cast %broadcast_in_dim3A_316 : vector<16xf32> to vector<1x1x16xf32>
      tpu.vector_store %arg8[%swap3A_318, %swap3A_319, %swap3A_320], %swap3A_323 {strides = array<i32>} : memref<2x128x128xf32, #tpu.memory_space<vmem>>, vector<1x1x16xf32>,
    }
    %scan3A_5 = arith.constant 128 : i32
    %mul3A_6 = arith.constant 640 : i32
    %mul3A_7 = arith.muli %arg1, %mul3A_6 : i32
    %add3A_8 = arith.constant 0 : i32
    %add3A_9 = arith.addi %mul3A_7, %add3A_8 : i32
    %run_scoped3A = arith.constant 0 : i32
    "tpu.region"() ({
      %run_scoped3A_253 = tpu.sem_alloc : memref<!tpu.dma_semaphore, #tpu.memory_space<semaphore_mem>>
      %dma_start3A_254 = arith.constant 0 : i32
      %dma_start3A_255 = arith.constant 0 : i32
      %dma_start3A_256 = tpu.memref_slice %arg8[%run_scoped3A, %dma_start3A_254, %dma_start3A_255] : memref<2x128x128xf32, #tpu.memory_space<vmem>> -> memref<1x128x128xf32, #tpu.memory_space<vmem>>
      %dma_start3A_257 = tpu.memref_squeeze %dma_start3A_256 : memref<1x128x128xf32, #tpu.memory_space<vmem>> -> memref<128x128xf32, #tpu.memory_space<vmem>>
      %dma_start3A_258 = arith.constant 0 : i32
      %dma_start3A_259 = tpu.memref_slice %arg15[%add3A_9, %dma_start3A_258] : memref<10240x128xf32, #tpu.memory_space<vmem_shared>> -> memref<128x128xf32, #tpu.memory_space<vmem_shared>>
      %dma_start3A_260 = arith.constant 0 : i32
      %dma_start3A_261 = tpu.memref_slice %arg15[%add3A_9, %dma_start3A_260] : memref<10240x128xf32, #tpu.memory_space<vmem_shared>> -> memref<128x128xf32, #tpu.memory_space<vmem_shared>>
      %dma_start3A_262 = arith.constant 0 : i32
      %dma_start3A_263 = arith.constant 0 : i32
      %dma_start3A_264 = tpu.memref_slice %arg8[%run_scoped3A, %dma_start3A_262, %dma_start3A_263] : memref<2x128x128xf32, #tpu.memory_space<vmem>> -> memref<1x128x128xf32, #tpu.memory_space<vmem>>
      %dma_start3A_265 = tpu.memref_squeeze %dma_start3A_264 : memref<1x128x128xf32, #tpu.memory_space<vmem>> -> memref<128x128xf32, #tpu.memory_space<vmem>>
      tpu.enqueue_dma source(%dma_start3A_265 : memref<128x128xf32, #tpu.memory_space<vmem>>) target(%dma_start3A_261 : memref<128x128xf32, #tpu.memory_space<vmem_shared>>) target_semaphore(%run_scoped3A_253 : memref<!tpu.dma_semaphore, #tpu.memory_space<semaphore_mem>>)
      %dma_wait3A_266 = arith.constant 0 : i32
      %dma_wait3A_267 = arith.constant 0 : i32
      %dma_wait3A_268 = tpu.memref_slice %arg8[%run_scoped3A, %dma_wait3A_266, %dma_wait3A_267] : memref<2x128x128xf32, #tpu.memory_space<vmem>> -> memref<1x128x128xf32, #tpu.memory_space<vmem>>
      %dma_wait3A_269 = tpu.memref_squeeze %dma_wait3A_268 : memref<1x128x128xf32, #tpu.memory_space<vmem>> -> memref<128x128xf32, #tpu.memory_space<vmem>>
      %dma_wait3A_270 = arith.constant 0 : i32
      %dma_wait3A_271 = tpu.memref_slice %arg15[%add3A_9, %dma_wait3A_270] : memref<10240x128xf32, #tpu.memory_space<vmem_shared>> -> memref<128x128xf32, #tpu.memory_space<vmem_shared>>
      %dma_wait3A_272 = arith.constant 0 : i32
      %dma_wait3A_273 = tpu.memref_slice %arg15[%add3A_9, %dma_wait3A_272] : memref<10240x128xf32, #tpu.memory_space<vmem_shared>> -> memref<128x128xf32, #tpu.memory_space<vmem_shared>>
      %dma_wait3A_274 = arith.constant 0 : i32
      %dma_wait3A_275 = arith.constant 0 : i32
      %dma_wait3A_276 = tpu.memref_slice %arg8[%run_scoped3A, %dma_wait3A_274, %dma_wait3A_275] : memref<2x128x128xf32, #tpu.memory_space<vmem>> -> memref<1x128x128xf32, #tpu.memory_space<vmem>>
      %dma_wait3A_277 = tpu.memref_squeeze %dma_wait3A_276 : memref<1x128x128xf32, #tpu.memory_space<vmem>> -> memref<128x128xf32, #tpu.memory_space<vmem>>
      tpu.wait_dma2 semaphore(%run_scoped3A_253 : memref<!tpu.dma_semaphore, #tpu.memory_space<semaphore_mem>>) src(%dma_wait3A_277 : memref<128x128xf32, #tpu.memory_space<vmem>>) dst(%dma_wait3A_273 : memref<128x128xf32, #tpu.memory_space<vmem_shared>>)
      tpu.yield
    }) : () -> ()
    %add3A_10 = arith.constant 128 : i32
    %add3A_11 = arith.addi %mul3A_7, %add3A_10 : i32
    %run_scoped3A_12 = arith.constant 0 : i32
    "tpu.region"() ({
      %run_scoped3A_253 = tpu.sem_alloc : memref<!tpu.dma_semaphore, #tpu.memory_space<semaphore_mem>>
      %dma_start3A_254 = arith.constant 0 : i32
      %dma_start3A_255 = arith.constant 0 : i32
      %dma_start3A_256 = tpu.memref_slice %arg8[%run_scoped3A_12, %dma_start3A_254, %dma_start3A_255] : memref<2x128x128xf32, #tpu.memory_space<vmem>> -> memref<1x128x128xf32, #tpu.memory_space<vmem>>
      %dma_start3A_257 = tpu.memref_squeeze %dma_start3A_256 : memref<1x128x128xf32, #tpu.memory_space<vmem>> -> memref<128x128xf32, #tpu.memory_space<vmem>>
      %dma_start3A_258 = arith.constant 0 : i32
      %dma_start3A_259 = tpu.memref_slice %arg15[%add3A_11, %dma_start3A_258] : memref<10240x128xf32, #tpu.memory_space<vmem_shared>> -> memref<128x128xf32, #tpu.memory_space<vmem_shared>>
      %dma_start3A_260 = arith.constant 0 : i32
      %dma_start3A_261 = tpu.memref_slice %arg15[%add3A_11, %dma_start3A_260] : memref<10240x128xf32, #tpu.memory_space<vmem_shared>> -> memref<128x128xf32, #tpu.memory_space<vmem_shared>>
      %dma_start3A_262 = arith.constant 0 : i32
      %dma_start3A_263 = arith.constant 0 : i32
      %dma_start3A_264 = tpu.memref_slice %arg8[%run_scoped3A_12, %dma_start3A_262, %dma_start3A_263] : memref<2x128x128xf32, #tpu.memory_space<vmem>> -> memref<1x128x128xf32, #tpu.memory_space<vmem>>
      %dma_start3A_265 = tpu.memref_squeeze %dma_start3A_264 : memref<1x128x128xf32, #tpu.memory_space<vmem>> -> memref<128x128xf32, #tpu.memory_space<vmem>>
      tpu.enqueue_dma source(%dma_start3A_265 : memref<128x128xf32, #tpu.memory_space<vmem>>) target(%dma_start3A_261 : memref<128x128xf32, #tpu.memory_space<vmem_shared>>) target_semaphore(%run_scoped3A_253 : memref<!tpu.dma_semaphore, #tpu.memory_space<semaphore_mem>>)
      %dma_wait3A_266 = arith.constant 0 : i32
      %dma_wait3A_267 = arith.constant 0 : i32
      %dma_wait3A_268 = tpu.memref_slice %arg8[%run_scoped3A_12, %dma_wait3A_266, %dma_wait3A_267] : memref<2x128x128xf32, #tpu.memory_space<vmem>> -> memref<1x128x128xf32, #tpu.memory_space<vmem>>
      %dma_wait3A_269 = tpu.memref_squeeze %dma_wait3A_268 : memref<1x128x128xf32, #tpu.memory_space<vmem>> -> memref<128x128xf32, #tpu.memory_space<vmem>>
      %dma_wait3A_270 = arith.constant 0 : i32
      %dma_wait3A_271 = tpu.memref_slice %arg15[%add3A_11, %dma_wait3A_270] : memref<10240x128xf32, #tpu.memory_space<vmem_shared>> -> memref<128x128xf32, #tpu.memory_space<vmem_shared>>
      %dma_wait3A_272 = arith.constant 0 : i32
      %dma_wait3A_273 = tpu.memref_slice %arg15[%add3A_11, %dma_wait3A_272] : memref<10240x128xf32, #tpu.memory_space<vmem_shared>> -> memref<128x128xf32, #tpu.memory_space<vmem_shared>>
      %dma_wait3A_274 = arith.constant 0 : i32
      %dma_wait3A_275 = arith.constant 0 : i32
      %dma_wait3A_276 = tpu.memref_slice %arg8[%run_scoped3A_12, %dma_wait3A_274, %dma_wait3A_275] : memref<2x128x128xf32, #tpu.memory_space<vmem>> -> memref<1x128x128xf32, #tpu.memory_space<vmem>>
      %dma_wait3A_277 = tpu.memref_squeeze %dma_wait3A_276 : memref<1x128x128xf32, #tpu.memory_space<vmem>> -> memref<128x128xf32, #tpu.memory_space<vmem>>
      tpu.wait_dma2 semaphore(%run_scoped3A_253 : memref<!tpu.dma_semaphore, #tpu.memory_space<semaphore_mem>>) src(%dma_wait3A_277 : memref<128x128xf32, #tpu.memory_space<vmem>>) dst(%dma_wait3A_273 : memref<128x128xf32, #tpu.memory_space<vmem_shared>>)
      tpu.yield
    }) : () -> ()
    %add3A_13 = arith.constant 256 : i32
    %add3A_14 = arith.addi %mul3A_7, %add3A_13 : i32
    %run_scoped3A_15 = arith.constant 0 : i32
    "tpu.region"() ({
      %run_scoped3A_253 = tpu.sem_alloc : memref<!tpu.dma_semaphore, #tpu.memory_space<semaphore_mem>>
      %dma_start3A_254 = arith.constant 0 : i32
      %dma_start3A_255 = arith.constant 0 : i32
      %dma_start3A_256 = tpu.memref_slice %arg8[%run_scoped3A_15, %dma_start3A_254, %dma_start3A_255] : memref<2x128x128xf32, #tpu.memory_space<vmem>> -> memref<1x128x128xf32, #tpu.memory_space<vmem>>
      %dma_start3A_257 = tpu.memref_squeeze %dma_start3A_256 : memref<1x128x128xf32, #tpu.memory_space<vmem>> -> memref<128x128xf32, #tpu.memory_space<vmem>>
      %dma_start3A_258 = arith.constant 0 : i32
      %dma_start3A_259 = tpu.memref_slice %arg15[%add3A_14, %dma_start3A_258] : memref<10240x128xf32, #tpu.memory_space<vmem_shared>> -> memref<128x128xf32, #tpu.memory_space<vmem_shared>>
      %dma_start3A_260 = arith.constant 0 : i32
      %dma_start3A_261 = tpu.memref_slice %arg15[%add3A_14, %dma_start3A_260] : memref<10240x128xf32, #tpu.memory_space<vmem_shared>> -> memref<128x128xf32, #tpu.memory_space<vmem_shared>>
      %dma_start3A_262 = arith.constant 0 : i32
      %dma_start3A_263 = arith.constant 0 : i32
      %dma_start3A_264 = tpu.memref_slice %arg8[%run_scoped3A_15, %dma_start3A_262, %dma_start3A_263] : memref<2x128x128xf32, #tpu.memory_space<vmem>> -> memref<1x128x128xf32, #tpu.memory_space<vmem>>
      %dma_start3A_265 = tpu.memref_squeeze %dma_start3A_264 : memref<1x128x128xf32, #tpu.memory_space<vmem>> -> memref<128x128xf32, #tpu.memory_space<vmem>>
      tpu.enqueue_dma source(%dma_start3A_265 : memref<128x128xf32, #tpu.memory_space<vmem>>) target(%dma_start3A_261 : memref<128x128xf32, #tpu.memory_space<vmem_shared>>) target_semaphore(%run_scoped3A_253 : memref<!tpu.dma_semaphore, #tpu.memory_space<semaphore_mem>>)
      %dma_wait3A_266 = arith.constant 0 : i32
      %dma_wait3A_267 = arith.constant 0 : i32
      %dma_wait3A_268 = tpu.memref_slice %arg8[%run_scoped3A_15, %dma_wait3A_266, %dma_wait3A_267] : memref<2x128x128xf32, #tpu.memory_space<vmem>> -> memref<1x128x128xf32, #tpu.memory_space<vmem>>
      %dma_wait3A_269 = tpu.memref_squeeze %dma_wait3A_268 : memref<1x128x128xf32, #tpu.memory_space<vmem>> -> memref<128x128xf32, #tpu.memory_space<vmem>>
      %dma_wait3A_270 = arith.constant 0 : i32
      %dma_wait3A_271 = tpu.memref_slice %arg15[%add3A_14, %dma_wait3A_270] : memref<10240x128xf32, #tpu.memory_space<vmem_shared>> -> memref<128x128xf32, #tpu.memory_space<vmem_shared>>
      %dma_wait3A_272 = arith.constant 0 : i32
      %dma_wait3A_273 = tpu.memref_slice %arg15[%add3A_14, %dma_wait3A_272] : memref<10240x128xf32, #tpu.memory_space<vmem_shared>> -> memref<128x128xf32, #tpu.memory_space<vmem_shared>>
      %dma_wait3A_274 = arith.constant 0 : i32
      %dma_wait3A_275 = arith.constant 0 : i32
      %dma_wait3A_276 = tpu.memref_slice %arg8[%run_scoped3A_15, %dma_wait3A_274, %dma_wait3A_275] : memref<2x128x128xf32, #tpu.memory_space<vmem>> -> memref<1x128x128xf32, #tpu.memory_space<vmem>>
      %dma_wait3A_277 = tpu.memref_squeeze %dma_wait3A_276 : memref<1x128x128xf32, #tpu.memory_space<vmem>> -> memref<128x128xf32, #tpu.memory_space<vmem>>
      tpu.wait_dma2 semaphore(%run_scoped3A_253 : memref<!tpu.dma_semaphore, #tpu.memory_space<semaphore_mem>>) src(%dma_wait3A_277 : memref<128x128xf32, #tpu.memory_space<vmem>>) dst(%dma_wait3A_273 : memref<128x128xf32, #tpu.memory_space<vmem_shared>>)
      tpu.yield
    }) : () -> ()
    %add3A_16 = arith.constant 384 : i32
    %add3A_17 = arith.addi %mul3A_7, %add3A_16 : i32
    %run_scoped3A_18 = arith.constant 0 : i32
    "tpu.region"() ({
      %run_scoped3A_253 = tpu.sem_alloc : memref<!tpu.dma_semaphore, #tpu.memory_space<semaphore_mem>>
      %dma_start3A_254 = arith.constant 0 : i32
      %dma_start3A_255 = arith.constant 0 : i32
      %dma_start3A_256 = tpu.memref_slice %arg8[%run_scoped3A_18, %dma_start3A_254, %dma_start3A_255] : memref<2x128x128xf32, #tpu.memory_space<vmem>> -> memref<1x128x128xf32, #tpu.memory_space<vmem>>
      %dma_start3A_257 = tpu.memref_squeeze %dma_start3A_256 : memref<1x128x128xf32, #tpu.memory_space<vmem>> -> memref<128x128xf32, #tpu.memory_space<vmem>>
      %dma_start3A_258 = arith.constant 0 : i32
      %dma_start3A_259 = tpu.memref_slice %arg15[%add3A_17, %dma_start3A_258] : memref<10240x128xf32, #tpu.memory_space<vmem_shared>> -> memref<128x128xf32, #tpu.memory_space<vmem_shared>>
      %dma_start3A_260 = arith.constant 0 : i32
      %dma_start3A_261 = tpu.memref_slice %arg15[%add3A_17, %dma_start3A_260] : memref<10240x128xf32, #tpu.memory_space<vmem_shared>> -> memref<128x128xf32, #tpu.memory_space<vmem_shared>>
      %dma_start3A_262 = arith.constant 0 : i32
      %dma_start3A_263 = arith.constant 0 : i32
      %dma_start3A_264 = tpu.memref_slice %arg8[%run_scoped3A_18, %dma_start3A_262, %dma_start3A_263] : memref<2x128x128xf32, #tpu.memory_space<vmem>> -> memref<1x128x128xf32, #tpu.memory_space<vmem>>
      %dma_start3A_265 = tpu.memref_squeeze %dma_start3A_264 : memref<1x128x128xf32, #tpu.memory_space<vmem>> -> memref<128x128xf32, #tpu.memory_space<vmem>>
      tpu.enqueue_dma source(%dma_start3A_265 : memref<128x128xf32, #tpu.memory_space<vmem>>) target(%dma_start3A_261 : memref<128x128xf32, #tpu.memory_space<vmem_shared>>) target_semaphore(%run_scoped3A_253 : memref<!tpu.dma_semaphore, #tpu.memory_space<semaphore_mem>>)
      %dma_wait3A_266 = arith.constant 0 : i32
      %dma_wait3A_267 = arith.constant 0 : i32
      %dma_wait3A_268 = tpu.memref_slice %arg8[%run_scoped3A_18, %dma_wait3A_266, %dma_wait3A_267] : memref<2x128x128xf32, #tpu.memory_space<vmem>> -> memref<1x128x128xf32, #tpu.memory_space<vmem>>
      %dma_wait3A_269 = tpu.memref_squeeze %dma_wait3A_268 : memref<1x128x128xf32, #tpu.memory_space<vmem>> -> memref<128x128xf32, #tpu.memory_space<vmem>>
      %dma_wait3A_270 = arith.constant 0 : i32
      %dma_wait3A_271 = tpu.memref_slice %arg15[%add3A_17, %dma_wait3A_270] : memref<10240x128xf32, #tpu.memory_space<vmem_shared>> -> memref<128x128xf32, #tpu.memory_space<vmem_shared>>
      %dma_wait3A_272 = arith.constant 0 : i32
      %dma_wait3A_273 = tpu.memref_slice %arg15[%add3A_17, %dma_wait3A_272] : memref<10240x128xf32, #tpu.memory_space<vmem_shared>> -> memref<128x128xf32, #tpu.memory_space<vmem_shared>>
      %dma_wait3A_274 = arith.constant 0 : i32
      %dma_wait3A_275 = arith.constant 0 : i32
      %dma_wait3A_276 = tpu.memref_slice %arg8[%run_scoped3A_18, %dma_wait3A_274, %dma_wait3A_275] : memref<2x128x128xf32, #tpu.memory_space<vmem>> -> memref<1x128x128xf32, #tpu.memory_space<vmem>>
      %dma_wait3A_277 = tpu.memref_squeeze %dma_wait3A_276 : memref<1x128x128xf32, #tpu.memory_space<vmem>> -> memref<128x128xf32, #tpu.memory_space<vmem>>
      tpu.wait_dma2 semaphore(%run_scoped3A_253 : memref<!tpu.dma_semaphore, #tpu.memory_space<semaphore_mem>>) src(%dma_wait3A_277 : memref<128x128xf32, #tpu.memory_space<vmem>>) dst(%dma_wait3A_273 : memref<128x128xf32, #tpu.memory_space<vmem_shared>>)
      tpu.yield
    }) : () -> ()
    %add3A_19 = arith.constant 512 : i32
    %add3A_20 = arith.addi %mul3A_7, %add3A_19 : i32
    %run_scoped3A_21 = arith.constant 0 : i32
    "tpu.region"() ({
      %run_scoped3A_253 = tpu.sem_alloc : memref<!tpu.dma_semaphore, #tpu.memory_space<semaphore_mem>>
      %dma_start3A_254 = arith.constant 0 : i32
      %dma_start3A_255 = arith.constant 0 : i32
      %dma_start3A_256 = tpu.memref_slice %arg8[%run_scoped3A_21, %dma_start3A_254, %dma_start3A_255] : memref<2x128x128xf32, #tpu.memory_space<vmem>> -> memref<1x128x128xf32, #tpu.memory_space<vmem>>
      %dma_start3A_257 = tpu.memref_squeeze %dma_start3A_256 : memref<1x128x128xf32, #tpu.memory_space<vmem>> -> memref<128x128xf32, #tpu.memory_space<vmem>>
      %dma_start3A_258 = arith.constant 0 : i32
      %dma_start3A_259 = tpu.memref_slice %arg15[%add3A_20, %dma_start3A_258] : memref<10240x128xf32, #tpu.memory_space<vmem_shared>> -> memref<128x128xf32, #tpu.memory_space<vmem_shared>>
      %dma_start3A_260 = arith.constant 0 : i32
      %dma_start3A_261 = tpu.memref_slice %arg15[%add3A_20, %dma_start3A_260] : memref<10240x128xf32, #tpu.memory_space<vmem_shared>> -> memref<128x128xf32, #tpu.memory_space<vmem_shared>>
      %dma_start3A_262 = arith.constant 0 : i32
      %dma_start3A_263 = arith.constant 0 : i32
      %dma_start3A_264 = tpu.memref_slice %arg8[%run_scoped3A_21, %dma_start3A_262, %dma_start3A_263] : memref<2x128x128xf32, #tpu.memory_space<vmem>> -> memref<1x128x128xf32, #tpu.memory_space<vmem>>
      %dma_start3A_265 = tpu.memref_squeeze %dma_start3A_264 : memref<1x128x128xf32, #tpu.memory_space<vmem>> -> memref<128x128xf32, #tpu.memory_space<vmem>>
      tpu.enqueue_dma source(%dma_start3A_265 : memref<128x128xf32, #tpu.memory_space<vmem>>) target(%dma_start3A_261 : memref<128x128xf32, #tpu.memory_space<vmem_shared>>) target_semaphore(%run_scoped3A_253 : memref<!tpu.dma_semaphore, #tpu.memory_space<semaphore_mem>>)
      %dma_wait3A_266 = arith.constant 0 : i32
      %dma_wait3A_267 = arith.constant 0 : i32
      %dma_wait3A_268 = tpu.memref_slice %arg8[%run_scoped3A_21, %dma_wait3A_266, %dma_wait3A_267] : memref<2x128x128xf32, #tpu.memory_space<vmem>> -> memref<1x128x128xf32, #tpu.memory_space<vmem>>
      %dma_wait3A_269 = tpu.memref_squeeze %dma_wait3A_268 : memref<1x128x128xf32, #tpu.memory_space<vmem>> -> memref<128x128xf32, #tpu.memory_space<vmem>>
      %dma_wait3A_270 = arith.constant 0 : i32
      %dma_wait3A_271 = tpu.memref_slice %arg15[%add3A_20, %dma_wait3A_270] : memref<10240x128xf32, #tpu.memory_space<vmem_shared>> -> memref<128x128xf32, #tpu.memory_space<vmem_shared>>
      %dma_wait3A_272 = arith.constant 0 : i32
      %dma_wait3A_273 = tpu.memref_slice %arg15[%add3A_20, %dma_wait3A_272] : memref<10240x128xf32, #tpu.memory_space<vmem_shared>> -> memref<128x128xf32, #tpu.memory_space<vmem_shared>>
      %dma_wait3A_274 = arith.constant 0 : i32
      %dma_wait3A_275 = arith.constant 0 : i32
      %dma_wait3A_276 = tpu.memref_slice %arg8[%run_scoped3A_21, %dma_wait3A_274, %dma_wait3A_275] : memref<2x128x128xf32, #tpu.memory_space<vmem>> -> memref<1x128x128xf32, #tpu.memory_space<vmem>>
      %dma_wait3A_277 = tpu.memref_squeeze %dma_wait3A_276 : memref<1x128x128xf32, #tpu.memory_space<vmem>> -> memref<128x128xf32, #tpu.memory_space<vmem>>
      tpu.wait_dma2 semaphore(%run_scoped3A_253 : memref<!tpu.dma_semaphore, #tpu.memory_space<semaphore_mem>>) src(%dma_wait3A_277 : memref<128x128xf32, #tpu.memory_space<vmem>>) dst(%dma_wait3A_273 : memref<128x128xf32, #tpu.memory_space<vmem_shared>>)
      tpu.yield
    }) : () -> ()
    %barrier3A = arith.constant 0 : index
    tpu.barrier barrier_id(%barrier3A)
    %dma_start3A = arith.constant 0 : i32
    %dma_start3A_22 = arith.constant 0 : i32
    %dma_start3A_23 = arith.constant 0 : i32
    %dma_start3A_24 = tpu.memref_slice %arg7[%dma_start3A_22, %dma_start3A_23] : memref<4x128xi32, #tpu.memory_space<vmem>> -> memref<1x128xi32, #tpu.memory_space<vmem>>
    %dma_start3A_25 = tpu.memref_squeeze %dma_start3A_24 : memref<1x128xi32, #tpu.memory_space<vmem>> -> memref<128xi32, #tpu.memory_space<vmem>>
    %dma_start3A_26 = arith.constant 0 : i32
    %dma_start3A_27 = tpu.memref_slice %arg3[%add3A, %dma_start3A, %dma_start3A_26] : memref<32x80x128xi32, #tpu.memory_space<hbm>> -> memref<1x1x128xi32, #tpu.memory_space<hbm>>
    %dma_start3A_28 = tpu.memref_squeeze %dma_start3A_27 : memref<1x1x128xi32, #tpu.memory_space<hbm>> -> memref<128xi32, #tpu.memory_space<hbm>>
    %dma_start3A_29 = arith.constant 0 : i32
    %dma_start3A_30 = tpu.memref_slice %arg7[%dma_start3A_22, %dma_start3A_29] : memref<4x128xi32, #tpu.memory_space<vmem>> -> memref<1x128xi32, #tpu.memory_space<vmem>>
    %dma_start3A_31 = tpu.memref_squeeze %dma_start3A_30 : memref<1x128xi32, #tpu.memory_space<vmem>> -> memref<128xi32, #tpu.memory_space<vmem>>
    %dma_start3A_32 = arith.constant 0 : i32
    %dma_start3A_33 = tpu.memref_slice %arg3[%add3A, %dma_start3A, %dma_start3A_32] : memref<32x80x128xi32, #tpu.memory_space<hbm>> -> memref<1x1x128xi32, #tpu.memory_space<hbm>>
    %dma_start3A_34 = tpu.memref_squeeze %dma_start3A_33 : memref<1x1x128xi32, #tpu.memory_space<hbm>> -> memref<128xi32, #tpu.memory_space<hbm>>
    tpu.enqueue_dma source(%dma_start3A_34 : memref<128xi32, #tpu.memory_space<hbm>>) target(%dma_start3A_31 : memref<128xi32, #tpu.memory_space<vmem>>) target_semaphore(%arg11 : memref<!tpu.dma_semaphore, #tpu.memory_space<semaphore_mem>>)
    %dma_start3A_35 = arith.constant 1 : i32
    %dma_start3A_36 = arith.constant 1 : i32
    %dma_start3A_37 = arith.constant 0 : i32
    %dma_start3A_38 = tpu.memref_slice %arg7[%dma_start3A_36, %dma_start3A_37] : memref<4x128xi32, #tpu.memory_space<vmem>> -> memref<1x128xi32, #tpu.memory_space<vmem>>
    %dma_start3A_39 = tpu.memref_squeeze %dma_start3A_38 : memref<1x128xi32, #tpu.memory_space<vmem>> -> memref<128xi32, #tpu.memory_space<vmem>>
    %dma_start3A_40 = arith.constant 0 : i32
    %dma_start3A_41 = tpu.memref_slice %arg3[%add3A, %dma_start3A_35, %dma_start3A_40] : memref<32x80x128xi32, #tpu.memory_space<hbm>> -> memref<1x1x128xi32, #tpu.memory_space<hbm>>
    %dma_start3A_42 = tpu.memref_squeeze %dma_start3A_41 : memref<1x1x128xi32, #tpu.memory_space<hbm>> -> memref<128xi32, #tpu.memory_space<hbm>>
    %dma_start3A_43 = arith.constant 0 : i32
    %dma_start3A_44 = tpu.memref_slice %arg7[%dma_start3A_36, %dma_start3A_43] : memref<4x128xi32, #tpu.memory_space<vmem>> -> memref<1x128xi32, #tpu.memory_space<vmem>>
    %dma_start3A_45 = tpu.memref_squeeze %dma_start3A_44 : memref<1x128xi32, #tpu.memory_space<vmem>> -> memref<128xi32, #tpu.memory_space<vmem>>
    %dma_start3A_46 = arith.constant 0 : i32
    %dma_start3A_47 = tpu.memref_slice %arg3[%add3A, %dma_start3A_35, %dma_start3A_46] : memref<32x80x128xi32, #tpu.memory_space<hbm>> -> memref<1x1x128xi32, #tpu.memory_space<hbm>>
    %dma_start3A_48 = tpu.memref_squeeze %dma_start3A_47 : memref<1x1x128xi32, #tpu.memory_space<hbm>> -> memref<128xi32, #tpu.memory_space<hbm>>
    tpu.enqueue_dma source(%dma_start3A_48 : memref<128xi32, #tpu.memory_space<hbm>>) target(%dma_start3A_45 : memref<128xi32, #tpu.memory_space<vmem>>) target_semaphore(%arg12 : memref<!tpu.dma_semaphore, #tpu.memory_space<semaphore_mem>>)
    %dma_start3A_49 = arith.constant 2 : i32
    %dma_start3A_50 = arith.constant 2 : i32
    %dma_start3A_51 = arith.constant 0 : i32
    %dma_start3A_52 = tpu.memref_slice %arg7[%dma_start3A_50, %dma_start3A_51] : memref<4x128xi32, #tpu.memory_space<vmem>> -> memref<1x128xi32, #tpu.memory_space<vmem>>
    %dma_start3A_53 = tpu.memref_squeeze %dma_start3A_52 : memref<1x128xi32, #tpu.memory_space<vmem>> -> memref<128xi32, #tpu.memory_space<vmem>>
    %dma_start3A_54 = arith.constant 0 : i32
    %dma_start3A_55 = tpu.memref_slice %arg3[%add3A, %dma_start3A_49, %dma_start3A_54] : memref<32x80x128xi32, #tpu.memory_space<hbm>> -> memref<1x1x128xi32, #tpu.memory_space<hbm>>
    %dma_start3A_56 = tpu.memref_squeeze %dma_start3A_55 : memref<1x1x128xi32, #tpu.memory_space<hbm>> -> memref<128xi32, #tpu.memory_space<hbm>>
    %dma_start3A_57 = arith.constant 0 : i32
    %dma_start3A_58 = tpu.memref_slice %arg7[%dma_start3A_50, %dma_start3A_57] : memref<4x128xi32, #tpu.memory_space<vmem>> -> memref<1x128xi32, #tpu.memory_space<vmem>>
    %dma_start3A_59 = tpu.memref_squeeze %dma_start3A_58 : memref<1x128xi32, #tpu.memory_space<vmem>> -> memref<128xi32, #tpu.memory_space<vmem>>
    %dma_start3A_60 = arith.constant 0 : i32
    %dma_start3A_61 = tpu.memref_slice %arg3[%add3A, %dma_start3A_49, %dma_start3A_60] : memref<32x80x128xi32, #tpu.memory_space<hbm>> -> memref<1x1x128xi32, #tpu.memory_space<hbm>>
    %dma_start3A_62 = tpu.memref_squeeze %dma_start3A_61 : memref<1x1x128xi32, #tpu.memory_space<hbm>> -> memref<128xi32, #tpu.memory_space<hbm>>
    tpu.enqueue_dma source(%dma_start3A_62 : memref<128xi32, #tpu.memory_space<hbm>>) target(%dma_start3A_59 : memref<128xi32, #tpu.memory_space<vmem>>) target_semaphore(%arg13 : memref<!tpu.dma_semaphore, #tpu.memory_space<semaphore_mem>>)
    %dma_start3A_63 = arith.constant 3 : i32
    %dma_start3A_64 = arith.constant 3 : i32
    %dma_start3A_65 = arith.constant 0 : i32
    %dma_start3A_66 = tpu.memref_slice %arg7[%dma_start3A_64, %dma_start3A_65] : memref<4x128xi32, #tpu.memory_space<vmem>> -> memref<1x128xi32, #tpu.memory_space<vmem>>
    %dma_start3A_67 = tpu.memref_squeeze %dma_start3A_66 : memref<1x128xi32, #tpu.memory_space<vmem>> -> memref<128xi32, #tpu.memory_space<vmem>>
    %dma_start3A_68 = arith.constant 0 : i32
    %dma_start3A_69 = tpu.memref_slice %arg3[%add3A, %dma_start3A_63, %dma_start3A_68] : memref<32x80x128xi32, #tpu.memory_space<hbm>> -> memref<1x1x128xi32, #tpu.memory_space<hbm>>
    %dma_start3A_70 = tpu.memref_squeeze %dma_start3A_69 : memref<1x1x128xi32, #tpu.memory_space<hbm>> -> memref<128xi32, #tpu.memory_space<hbm>>
    %dma_start3A_71 = arith.constant 0 : i32
    %dma_start3A_72 = tpu.memref_slice %arg7[%dma_start3A_64, %dma_start3A_71] : memref<4x128xi32, #tpu.memory_space<vmem>> -> memref<1x128xi32, #tpu.memory_space<vmem>>
    %dma_start3A_73 = tpu.memref_squeeze %dma_start3A_72 : memref<1x128xi32, #tpu.memory_space<vmem>> -> memref<128xi32, #tpu.memory_space<vmem>>
    %dma_start3A_74 = arith.constant 0 : i32
    %dma_start3A_75 = tpu.memref_slice %arg3[%add3A, %dma_start3A_63, %dma_start3A_74] : memref<32x80x128xi32, #tpu.memory_space<hbm>> -> memref<1x1x128xi32, #tpu.memory_space<hbm>>
    %dma_start3A_76 = tpu.memref_squeeze %dma_start3A_75 : memref<1x1x128xi32, #tpu.memory_space<hbm>> -> memref<128xi32, #tpu.memory_space<hbm>>
    tpu.enqueue_dma source(%dma_start3A_76 : memref<128xi32, #tpu.memory_space<hbm>>) target(%dma_start3A_73 : memref<128xi32, #tpu.memory_space<vmem>>) target_semaphore(%arg14 : memref<!tpu.dma_semaphore, #tpu.memory_space<semaphore_mem>>)
    %dma_wait3A = arith.constant 0 : i32
    %dma_wait3A_77 = arith.constant 0 : i32
    %dma_wait3A_78 = arith.constant 0 : i32
    %dma_wait3A_79 = arith.constant 0 : i32
    %dma_wait3A_80 = tpu.memref_slice %arg7[%dma_wait3A_78, %dma_wait3A_79] : memref<4x128xi32, #tpu.memory_space<vmem>> -> memref<1x128xi32, #tpu.memory_space<vmem>>
    %dma_wait3A_81 = tpu.memref_squeeze %dma_wait3A_80 : memref<1x128xi32, #tpu.memory_space<vmem>> -> memref<128xi32, #tpu.memory_space<vmem>>
    %dma_wait3A_82 = arith.constant 0 : i32
    %dma_wait3A_83 = tpu.memref_slice %arg3[%dma_wait3A, %dma_wait3A_77, %dma_wait3A_82] : memref<32x80x128xi32, #tpu.memory_space<hbm>> -> memref<1x1x128xi32, #tpu.memory_space<hbm>>
    %dma_wait3A_84 = tpu.memref_squeeze %dma_wait3A_83 : memref<1x1x128xi32, #tpu.memory_space<hbm>> -> memref<128xi32, #tpu.memory_space<hbm>>
    %dma_wait3A_85 = arith.constant 0 : i32
    %dma_wait3A_86 = tpu.memref_slice %arg7[%dma_wait3A_78, %dma_wait3A_85] : memref<4x128xi32, #tpu.memory_space<vmem>> -> memref<1x128xi32, #tpu.memory_space<vmem>>
    %dma_wait3A_87 = tpu.memref_squeeze %dma_wait3A_86 : memref<1x128xi32, #tpu.memory_space<vmem>> -> memref<128xi32, #tpu.memory_space<vmem>>
    %dma_wait3A_88 = arith.constant 0 : i32
    %dma_wait3A_89 = tpu.memref_slice %arg3[%dma_wait3A, %dma_wait3A_77, %dma_wait3A_88] : memref<32x80x128xi32, #tpu.memory_space<hbm>> -> memref<1x1x128xi32, #tpu.memory_space<hbm>>
    %dma_wait3A_90 = tpu.memref_squeeze %dma_wait3A_89 : memref<1x1x128xi32, #tpu.memory_space<hbm>> -> memref<128xi32, #tpu.memory_space<hbm>>
    tpu.wait_dma2 semaphore(%arg11 : memref<!tpu.dma_semaphore, #tpu.memory_space<semaphore_mem>>) src(%dma_wait3A_90 : memref<128xi32, #tpu.memory_space<hbm>>) dst(%dma_wait3A_87 : memref<128xi32, #tpu.memory_space<vmem>>)
    %dma_start3A_91 = arith.constant 0 : i32
    %dma_start3A_92 = arith.constant 0 : i32
    %dma_start3A_93 = arith.constant 0 : i32
    %dma_start3A_94 = arith.constant 0 : i32
    %dma_start3A_95 = tpu.memref_slice %arg8[%dma_start3A_92, %dma_start3A_93, %dma_start3A_94] : memref<2x128x128xf32, #tpu.memory_space<vmem>> -> memref<1x128x128xf32, #tpu.memory_space<vmem>>
    %dma_start3A_96 = tpu.memref_squeeze %dma_start3A_95 : memref<1x128x128xf32, #tpu.memory_space<vmem>> -> memref<128x128xf32, #tpu.memory_space<vmem>>
    %dma_start3A_97 = arith.constant 0 : i32
    %dma_start3A_98 = tpu.memref_slice %arg7[%dma_start3A_91, %dma_start3A_97] : memref<4x128xi32, #tpu.memory_space<vmem>> -> memref<1x128xi32, #tpu.memory_space<vmem>>
    %dma_start3A_99 = tpu.memref_squeeze %dma_start3A_98 : memref<1x128xi32, #tpu.memory_space<vmem>> -> memref<128xi32, #tpu.memory_space<vmem>>
    %dma_start3A_100 = arith.constant 0 : i32
    %dma_start3A_101 = arith.constant 0 : i32
    %dma_start3A_102 = tpu.memref_slice %arg2[%dma_start3A_100, %dma_start3A_101] : memref<10000x128xf32, #tpu.memory_space<hbm>> -> memref<10000x128xf32, #tpu.memory_space<hbm>>
    tpu.enqueue_indirect_dma source(%dma_start3A_102 : memref<10000x128xf32, #tpu.memory_space<hbm>>) target(%dma_start3A_96 : memref<128x128xf32, #tpu.memory_space<vmem>>) offsets(%dma_start3A_99 : memref<128xi32, #tpu.memory_space<vmem>>) semaphore(%arg9 : memref<!tpu.dma_semaphore, #tpu.memory_space<semaphore_mem>>)
    %dma_wait3A_103 = arith.constant 0 : i32
    %dma_wait3A_104 = arith.constant 0 : i32
    %dma_wait3A_105 = arith.constant 1 : i32
    %dma_wait3A_106 = arith.constant 0 : i32
    %dma_wait3A_107 = tpu.memref_slice %arg7[%dma_wait3A_105, %dma_wait3A_106] : memref<4x128xi32, #tpu.memory_space<vmem>> -> memref<1x128xi32, #tpu.memory_space<vmem>>
    %dma_wait3A_108 = tpu.memref_squeeze %dma_wait3A_107 : memref<1x128xi32, #tpu.memory_space<vmem>> -> memref<128xi32, #tpu.memory_space<vmem>>
    %dma_wait3A_109 = arith.constant 0 : i32
    %dma_wait3A_110 = tpu.memref_slice %arg3[%dma_wait3A_103, %dma_wait3A_104, %dma_wait3A_109] : memref<32x80x128xi32, #tpu.memory_space<hbm>> -> memref<1x1x128xi32, #tpu.memory_space<hbm>>
    %dma_wait3A_111 = tpu.memref_squeeze %dma_wait3A_110 : memref<1x1x128xi32, #tpu.memory_space<hbm>> -> memref<128xi32, #tpu.memory_space<hbm>>
    %dma_wait3A_112 = arith.constant 0 : i32
    %dma_wait3A_113 = tpu.memref_slice %arg7[%dma_wait3A_105, %dma_wait3A_112] : memref<4x128xi32, #tpu.memory_space<vmem>> -> memref<1x128xi32, #tpu.memory_space<vmem>>
    %dma_wait3A_114 = tpu.memref_squeeze %dma_wait3A_113 : memref<1x128xi32, #tpu.memory_space<vmem>> -> memref<128xi32, #tpu.memory_space<vmem>>
    %dma_wait3A_115 = arith.constant 0 : i32
    %dma_wait3A_116 = tpu.memref_slice %arg3[%dma_wait3A_103, %dma_wait3A_104, %dma_wait3A_115] : memref<32x80x128xi32, #tpu.memory_space<hbm>> -> memref<1x1x128xi32, #tpu.memory_space<hbm>>
    %dma_wait3A_117 = tpu.memref_squeeze %dma_wait3A_116 : memref<1x1x128xi32, #tpu.memory_space<hbm>> -> memref<128xi32, #tpu.memory_space<hbm>>
    tpu.wait_dma2 semaphore(%arg12 : memref<!tpu.dma_semaphore, #tpu.memory_space<semaphore_mem>>) src(%dma_wait3A_117 : memref<128xi32, #tpu.memory_space<hbm>>) dst(%dma_wait3A_114 : memref<128xi32, #tpu.memory_space<vmem>>)
    %dma_start3A_118 = arith.constant 1 : i32
    %dma_start3A_119 = arith.constant 1 : i32
    %dma_start3A_120 = arith.constant 0 : i32
    %dma_start3A_121 = arith.constant 0 : i32
    %dma_start3A_122 = tpu.memref_slice %arg8[%dma_start3A_119, %dma_start3A_120, %dma_start3A_121] : memref<2x128x128xf32, #tpu.memory_space<vmem>> -> memref<1x128x128xf32, #tpu.memory_space<vmem>>
    %dma_start3A_123 = tpu.memref_squeeze %dma_start3A_122 : memref<1x128x128xf32, #tpu.memory_space<vmem>> -> memref<128x128xf32, #tpu.memory_space<vmem>>
    %dma_start3A_124 = arith.constant 0 : i32
    %dma_start3A_125 = tpu.memref_slice %arg7[%dma_start3A_118, %dma_start3A_124] : memref<4x128xi32, #tpu.memory_space<vmem>> -> memref<1x128xi32, #tpu.memory_space<vmem>>
    %dma_start3A_126 = tpu.memref_squeeze %dma_start3A_125 : memref<1x128xi32, #tpu.memory_space<vmem>> -> memref<128xi32, #tpu.memory_space<vmem>>
    %dma_start3A_127 = arith.constant 0 : i32
    %dma_start3A_128 = arith.constant 0 : i32
    %dma_start3A_129 = tpu.memref_slice %arg2[%dma_start3A_127, %dma_start3A_128] : memref<10000x128xf32, #tpu.memory_space<hbm>> -> memref<10000x128xf32, #tpu.memory_space<hbm>>
    tpu.enqueue_indirect_dma source(%dma_start3A_129 : memref<10000x128xf32, #tpu.memory_space<hbm>>) target(%dma_start3A_123 : memref<128x128xf32, #tpu.memory_space<vmem>>) offsets(%dma_start3A_126 : memref<128xi32, #tpu.memory_space<vmem>>) semaphore(%arg10 : memref<!tpu.dma_semaphore, #tpu.memory_space<semaphore_mem>>)
    %scan3A_130 = arith.constant 0 : i32
    %scan3A_131 = arith.constant 0 : i32
    %scan3A_132 = arith.constant 19 : i32
    %scan3A_133 = arith.addi %scan3A_131, %scan3A_132 : i32
    %scan3A_134 = arith.constant 1 : i32
    scf.for %scan3A_253 = %scan3A_131 to %scan3A_133 step %scan3A_134  : i32 {
      %mul3A_254 = arith.constant 4 : i32
      %mul3A_255 = arith.muli %mul3A_254, %scan3A_253 : i32
      %dma_wait3A_256 = arith.constant 0 : i32
      %dma_wait3A_257 = arith.constant 0 : i32
      %dma_wait3A_258 = arith.constant 0 : i32
      %dma_wait3A_259 = arith.constant 0 : i32
      %dma_wait3A_260 = tpu.memref_slice %arg8[%dma_wait3A_257, %dma_wait3A_258, %dma_wait3A_259] : memref<2x128x128xf32, #tpu.memory_space<vmem>> -> memref<1x128x128xf32, #tpu.memory_space<vmem>>
      %dma_wait3A_261 = tpu.memref_squeeze %dma_wait3A_260 : memref<1x128x128xf32, #tpu.memory_space<vmem>> -> memref<128x128xf32, #tpu.memory_space<vmem>>
      %dma_wait3A_262 = arith.constant 0 : i32
      %dma_wait3A_263 = tpu.memref_slice %arg7[%dma_wait3A_256, %dma_wait3A_262] : memref<4x128xi32, #tpu.memory_space<vmem>> -> memref<1x128xi32, #tpu.memory_space<vmem>>
      %dma_wait3A_264 = tpu.memref_squeeze %dma_wait3A_263 : memref<1x128xi32, #tpu.memory_space<vmem>> -> memref<128xi32, #tpu.memory_space<vmem>>
      %dma_wait3A_265 = arith.constant 0 : i32
      %dma_wait3A_266 = arith.constant 0 : i32
      %dma_wait3A_267 = tpu.memref_slice %arg2[%dma_wait3A_265, %dma_wait3A_266] : memref<10000x128xf32, #tpu.memory_space<hbm>> -> memref<10000x128xf32, #tpu.memory_space<hbm>>
      tpu.wait_indirect_dma semaphore(%arg9 : memref<!tpu.dma_semaphore, #tpu.memory_space<semaphore_mem>>) src(%dma_wait3A_267 : memref<10000x128xf32, #tpu.memory_space<hbm>>) dst(%dma_wait3A_261 : memref<128x128xf32, #tpu.memory_space<vmem>>)
      %run_scoped3A_268 = arith.constant 0 : i32
      "tpu.region"() ({
        %run_scoped3A_482 = tpu.sem_alloc : memref<!tpu.dma_semaphore, #tpu.memory_space<semaphore_mem>>
        %dma_start3A_483 = arith.constant 0 : i32
        %dma_start3A_484 = arith.constant 0 : i32
        %dma_start3A_485 = tpu.memref_slice %arg8[%run_scoped3A_268, %dma_start3A_483, %dma_start3A_484] : memref<2x128x128xf32, #tpu.memory_space<vmem>> -> memref<1x128x128xf32, #tpu.memory_space<vmem>>
        %dma_start3A_486 = tpu.memref_squeeze %dma_start3A_485 : memref<1x128x128xf32, #tpu.memory_space<vmem>> -> memref<128x128xf32, #tpu.memory_space<vmem>>
        %dma_start3A_487 = arith.constant 0 : i32
        %dma_start3A_488 = tpu.memref_slice %arg6[%mul3A_255, %dma_start3A_487] : memref<80x128xi32, #tpu.memory_space<vmem>> -> memref<1x128xi32, #tpu.memory_space<vmem>>
        %dma_start3A_489 = tpu.memref_squeeze %dma_start3A_488 : memref<1x128xi32, #tpu.memory_space<vmem>> -> memref<128xi32, #tpu.memory_space<vmem>>
        %dma_start3A_490 = arith.constant 0 : i32
        %dma_start3A_491 = arith.constant 0 : i32
        %dma_start3A_492 = tpu.memref_slice %arg15[%dma_start3A_490, %dma_start3A_491] : memref<10240x128xf32, #tpu.memory_space<vmem_shared>> -> memref<10240x128xf32, #tpu.memory_space<vmem_shared>>
        tpu.enqueue_indirect_dma source(%dma_start3A_486 : memref<128x128xf32, #tpu.memory_space<vmem>>) target(%dma_start3A_492 : memref<10240x128xf32, #tpu.memory_space<vmem_shared>>) offsets(%dma_start3A_489 : memref<128xi32, #tpu.memory_space<vmem>>) semaphore(%run_scoped3A_482 : memref<!tpu.dma_semaphore, #tpu.memory_space<semaphore_mem>>) {add = true}
        %dma_wait3A_493 = arith.constant 0 : i32
        %dma_wait3A_494 = arith.constant 0 : i32
        %dma_wait3A_495 = tpu.memref_slice %arg8[%run_scoped3A_268, %dma_wait3A_493, %dma_wait3A_494] : memref<2x128x128xf32, #tpu.memory_space<vmem>> -> memref<1x128x128xf32, #tpu.memory_space<vmem>>
        %dma_wait3A_496 = tpu.memref_squeeze %dma_wait3A_495 : memref<1x128x128xf32, #tpu.memory_space<vmem>> -> memref<128x128xf32, #tpu.memory_space<vmem>>
        %dma_wait3A_497 = arith.constant 0 : i32
        %dma_wait3A_498 = tpu.memref_slice %arg6[%mul3A_255, %dma_wait3A_497] : memref<80x128xi32, #tpu.memory_space<vmem>> -> memref<1x128xi32, #tpu.memory_space<vmem>>
        %dma_wait3A_499 = tpu.memref_squeeze %dma_wait3A_498 : memref<1x128xi32, #tpu.memory_space<vmem>> -> memref<128xi32, #tpu.memory_space<vmem>>
        %dma_wait3A_500 = arith.constant 0 : i32
        %dma_wait3A_501 = arith.constant 0 : i32
        %dma_wait3A_502 = tpu.memref_slice %arg15[%dma_wait3A_500, %dma_wait3A_501] : memref<10240x128xf32, #tpu.memory_space<vmem_shared>> -> memref<10240x128xf32, #tpu.memory_space<vmem_shared>>
        tpu.wait_indirect_dma semaphore(%run_scoped3A_482 : memref<!tpu.dma_semaphore, #tpu.memory_space<semaphore_mem>>) src(%dma_wait3A_496 : memref<128x128xf32, #tpu.memory_space<vmem>>) dst(%dma_wait3A_502 : memref<10240x128xf32, #tpu.memory_space<vmem_shared>>)
        tpu.yield
      }) : () -> ()
      %dma_wait3A_269 = arith.constant 0 : i32
      %dma_wait3A_270 = arith.constant 0 : i32
      %dma_wait3A_271 = arith.constant 2 : i32
      %dma_wait3A_272 = arith.constant 0 : i32
      %dma_wait3A_273 = tpu.memref_slice %arg7[%dma_wait3A_271, %dma_wait3A_272] : memref<4x128xi32, #tpu.memory_space<vmem>> -> memref<1x128xi32, #tpu.memory_space<vmem>>
      %dma_wait3A_274 = tpu.memref_squeeze %dma_wait3A_273 : memref<1x128xi32, #tpu.memory_space<vmem>> -> memref<128xi32, #tpu.memory_space<vmem>>
      %dma_wait3A_275 = arith.constant 0 : i32
      %dma_wait3A_276 = tpu.memref_slice %arg3[%dma_wait3A_269, %dma_wait3A_270, %dma_wait3A_275] : memref<32x80x128xi32, #tpu.memory_space<hbm>> -> memref<1x1x128xi32, #tpu.memory_space<hbm>>
      %dma_wait3A_277 = tpu.memref_squeeze %dma_wait3A_276 : memref<1x1x128xi32, #tpu.memory_space<hbm>> -> memref<128xi32, #tpu.memory_space<hbm>>
      %dma_wait3A_278 = arith.constant 0 : i32
      %dma_wait3A_279 = tpu.memref_slice %arg7[%dma_wait3A_271, %dma_wait3A_278] : memref<4x128xi32, #tpu.memory_space<vmem>> -> memref<1x128xi32, #tpu.memory_space<vmem>>
      %dma_wait3A_280 = tpu.memref_squeeze %dma_wait3A_279 : memref<1x128xi32, #tpu.memory_space<vmem>> -> memref<128xi32, #tpu.memory_space<vmem>>
      %dma_wait3A_281 = arith.constant 0 : i32
      %dma_wait3A_282 = tpu.memref_slice %arg3[%dma_wait3A_269, %dma_wait3A_270, %dma_wait3A_281] : memref<32x80x128xi32, #tpu.memory_space<hbm>> -> memref<1x1x128xi32, #tpu.memory_space<hbm>>
      %dma_wait3A_283 = tpu.memref_squeeze %dma_wait3A_282 : memref<1x1x128xi32, #tpu.memory_space<hbm>> -> memref<128xi32, #tpu.memory_space<hbm>>
      tpu.wait_dma2 semaphore(%arg13 : memref<!tpu.dma_semaphore, #tpu.memory_space<semaphore_mem>>) src(%dma_wait3A_283 : memref<128xi32, #tpu.memory_space<hbm>>) dst(%dma_wait3A_280 : memref<128xi32, #tpu.memory_space<vmem>>)
      %dma_start3A_284 = arith.constant 2 : i32
      %dma_start3A_285 = arith.constant 0 : i32
      %dma_start3A_286 = arith.constant 0 : i32
      %dma_start3A_287 = arith.constant 0 : i32
      %dma_start3A_288 = tpu.memref_slice %arg8[%dma_start3A_285, %dma_start3A_286, %dma_start3A_287] : memref<2x128x128xf32, #tpu.memory_space<vmem>> -> memref<1x128x128xf32, #tpu.memory_space<vmem>>
      %dma_start3A_289 = tpu.memref_squeeze %dma_start3A_288 : memref<1x128x128xf32, #tpu.memory_space<vmem>> -> memref<128x128xf32, #tpu.memory_space<vmem>>
      %dma_start3A_290 = arith.constant 0 : i32
      %dma_start3A_291 = tpu.memref_slice %arg7[%dma_start3A_284, %dma_start3A_290] : memref<4x128xi32, #tpu.memory_space<vmem>> -> memref<1x128xi32, #tpu.memory_space<vmem>>
      %dma_start3A_292 = tpu.memref_squeeze %dma_start3A_291 : memref<1x128xi32, #tpu.memory_space<vmem>> -> memref<128xi32, #tpu.memory_space<vmem>>
      %dma_start3A_293 = arith.constant 0 : i32
      %dma_start3A_294 = arith.constant 0 : i32
      %dma_start3A_295 = tpu.memref_slice %arg2[%dma_start3A_293, %dma_start3A_294] : memref<10000x128xf32, #tpu.memory_space<hbm>> -> memref<10000x128xf32, #tpu.memory_space<hbm>>
      tpu.enqueue_indirect_dma source(%dma_start3A_295 : memref<10000x128xf32, #tpu.memory_space<hbm>>) target(%dma_start3A_289 : memref<128x128xf32, #tpu.memory_space<vmem>>) offsets(%dma_start3A_292 : memref<128xi32, #tpu.memory_space<vmem>>) semaphore(%arg9 : memref<!tpu.dma_semaphore, #tpu.memory_space<semaphore_mem>>)
      %add3A_296 = arith.constant 4 : i32
      %add3A_297 = arith.addi %mul3A_255, %add3A_296 : i32
      %dma_start3A_298 = arith.constant 0 : i32
      %dma_start3A_299 = arith.constant 0 : i32
      %dma_start3A_300 = tpu.memref_slice %arg7[%dma_start3A_298, %dma_start3A_299] : memref<4x128xi32, #tpu.memory_space<vmem>> -> memref<1x128xi32, #tpu.memory_space<vmem>>
      %dma_start3A_301 = tpu.memref_squeeze %dma_start3A_300 : memref<1x128xi32, #tpu.memory_space<vmem>> -> memref<128xi32, #tpu.memory_space<vmem>>
      %dma_start3A_302 = arith.constant 0 : i32
      %dma_start3A_303 = tpu.memref_slice %arg3[%add3A, %add3A_297, %dma_start3A_302] : memref<32x80x128xi32, #tpu.memory_space<hbm>> -> memref<1x1x128xi32, #tpu.memory_space<hbm>>
      %dma_start3A_304 = tpu.memref_squeeze %dma_start3A_303 : memref<1x1x128xi32, #tpu.memory_space<hbm>> -> memref<128xi32, #tpu.memory_space<hbm>>
      %dma_start3A_305 = arith.constant 0 : i32
      %dma_start3A_306 = tpu.memref_slice %arg7[%dma_start3A_298, %dma_start3A_305] : memref<4x128xi32, #tpu.memory_space<vmem>> -> memref<1x128xi32, #tpu.memory_space<vmem>>
      %dma_start3A_307 = tpu.memref_squeeze %dma_start3A_306 : memref<1x128xi32, #tpu.memory_space<vmem>> -> memref<128xi32, #tpu.memory_space<vmem>>
      %dma_start3A_308 = arith.constant 0 : i32
      %dma_start3A_309 = tpu.memref_slice %arg3[%add3A, %add3A_297, %dma_start3A_308] : memref<32x80x128xi32, #tpu.memory_space<hbm>> -> memref<1x1x128xi32, #tpu.memory_space<hbm>>
      %dma_start3A_310 = tpu.memref_squeeze %dma_start3A_309 : memref<1x1x128xi32, #tpu.memory_space<hbm>> -> memref<128xi32, #tpu.memory_space<hbm>>
      tpu.enqueue_dma source(%dma_start3A_310 : memref<128xi32, #tpu.memory_space<hbm>>) target(%dma_start3A_307 : memref<128xi32, #tpu.memory_space<vmem>>) target_semaphore(%arg11 : memref<!tpu.dma_semaphore, #tpu.memory_space<semaphore_mem>>)
      %dma_wait3A_311 = arith.constant 0 : i32
      %dma_wait3A_312 = arith.constant 1 : i32
      %dma_wait3A_313 = arith.constant 0 : i32
      %dma_wait3A_314 = arith.constant 0 : i32
      %dma_wait3A_315 = tpu.memref_slice %arg8[%dma_wait3A_312, %dma_wait3A_313, %dma_wait3A_314] : memref<2x128x128xf32, #tpu.memory_space<vmem>> -> memref<1x128x128xf32, #tpu.memory_space<vmem>>
      %dma_wait3A_316 = tpu.memref_squeeze %dma_wait3A_315 : memref<1x128x128xf32, #tpu.memory_space<vmem>> -> memref<128x128xf32, #tpu.memory_space<vmem>>
      %dma_wait3A_317 = arith.constant 0 : i32
      %dma_wait3A_318 = tpu.memref_slice %arg7[%dma_wait3A_311, %dma_wait3A_317] : memref<4x128xi32, #tpu.memory_space<vmem>> -> memref<1x128xi32, #tpu.memory_space<vmem>>
      %dma_wait3A_319 = tpu.memref_squeeze %dma_wait3A_318 : memref<1x128xi32, #tpu.memory_space<vmem>> -> memref<128xi32, #tpu.memory_space<vmem>>
      %dma_wait3A_320 = arith.constant 0 : i32
      %dma_wait3A_321 = arith.constant 0 : i32
      %dma_wait3A_322 = tpu.memref_slice %arg2[%dma_wait3A_320, %dma_wait3A_321] : memref<10000x128xf32, #tpu.memory_space<hbm>> -> memref<10000x128xf32, #tpu.memory_space<hbm>>
      tpu.wait_indirect_dma semaphore(%arg10 : memref<!tpu.dma_semaphore, #tpu.memory_space<semaphore_mem>>) src(%dma_wait3A_322 : memref<10000x128xf32, #tpu.memory_space<hbm>>) dst(%dma_wait3A_316 : memref<128x128xf32, #tpu.memory_space<vmem>>)
      %add3A_323 = arith.constant 1 : i32
      %add3A_324 = arith.addi %mul3A_255, %add3A_323 : i32
      %run_scoped3A_325 = arith.constant 1 : i32
      "tpu.region"() ({
        %run_scoped3A_482 = tpu.sem_alloc : memref<!tpu.dma_semaphore, #tpu.memory_space<semaphore_mem>>
        %dma_start3A_483 = arith.constant 0 : i32
        %dma_start3A_484 = arith.constant 0 : i32
        %dma_start3A_485 = tpu.memref_slice %arg8[%run_scoped3A_325, %dma_start3A_483, %dma_start3A_484] : memref<2x128x128xf32, #tpu.memory_space<vmem>> -> memref<1x128x128xf32, #tpu.memory_space<vmem>>
        %dma_start3A_486 = tpu.memref_squeeze %dma_start3A_485 : memref<1x128x128xf32, #tpu.memory_space<vmem>> -> memref<128x128xf32, #tpu.memory_space<vmem>>
        %dma_start3A_487 = arith.constant 0 : i32
        %dma_start3A_488 = tpu.memref_slice %arg6[%add3A_324, %dma_start3A_487] : memref<80x128xi32, #tpu.memory_space<vmem>> -> memref<1x128xi32, #tpu.memory_space<vmem>>
        %dma_start3A_489 = tpu.memref_squeeze %dma_start3A_488 : memref<1x128xi32, #tpu.memory_space<vmem>> -> memref<128xi32, #tpu.memory_space<vmem>>
        %dma_start3A_490 = arith.constant 0 : i32
        %dma_start3A_491 = arith.constant 0 : i32
        %dma_start3A_492 = tpu.memref_slice %arg15[%dma_start3A_490, %dma_start3A_491] : memref<10240x128xf32, #tpu.memory_space<vmem_shared>> -> memref<10240x128xf32, #tpu.memory_space<vmem_shared>>
        tpu.enqueue_indirect_dma source(%dma_start3A_486 : memref<128x128xf32, #tpu.memory_space<vmem>>) target(%dma_start3A_492 : memref<10240x128xf32, #tpu.memory_space<vmem_shared>>) offsets(%dma_start3A_489 : memref<128xi32, #tpu.memory_space<vmem>>) semaphore(%run_scoped3A_482 : memref<!tpu.dma_semaphore, #tpu.memory_space<semaphore_mem>>) {add = true}
        %dma_wait3A_493 = arith.constant 0 : i32
        %dma_wait3A_494 = arith.constant 0 : i32
        %dma_wait3A_495 = tpu.memref_slice %arg8[%run_scoped3A_325, %dma_wait3A_493, %dma_wait3A_494] : memref<2x128x128xf32, #tpu.memory_space<vmem>> -> memref<1x128x128xf32, #tpu.memory_space<vmem>>
        %dma_wait3A_496 = tpu.memref_squeeze %dma_wait3A_495 : memref<1x128x128xf32, #tpu.memory_space<vmem>> -> memref<128x128xf32, #tpu.memory_space<vmem>>
        %dma_wait3A_497 = arith.constant 0 : i32
        %dma_wait3A_498 = tpu.memref_slice %arg6[%add3A_324, %dma_wait3A_497] : memref<80x128xi32, #tpu.memory_space<vmem>> -> memref<1x128xi32, #tpu.memory_space<vmem>>
        %dma_wait3A_499 = tpu.memref_squeeze %dma_wait3A_498 : memref<1x128xi32, #tpu.memory_space<vmem>> -> memref<128xi32, #tpu.memory_space<vmem>>
        %dma_wait3A_500 = arith.constant 0 : i32
        %dma_wait3A_501 = arith.constant 0 : i32
        %dma_wait3A_502 = tpu.memref_slice %arg15[%dma_wait3A_500, %dma_wait3A_501] : memref<10240x128xf32, #tpu.memory_space<vmem_shared>> -> memref<10240x128xf32, #tpu.memory_space<vmem_shared>>
        tpu.wait_indirect_dma semaphore(%run_scoped3A_482 : memref<!tpu.dma_semaphore, #tpu.memory_space<semaphore_mem>>) src(%dma_wait3A_496 : memref<128x128xf32, #tpu.memory_space<vmem>>) dst(%dma_wait3A_502 : memref<10240x128xf32, #tpu.memory_space<vmem_shared>>)
        tpu.yield
      }) : () -> ()
      %dma_wait3A_326 = arith.constant 0 : i32
      %dma_wait3A_327 = arith.constant 0 : i32
      %dma_wait3A_328 = arith.constant 3 : i32
      %dma_wait3A_329 = arith.constant 0 : i32
      %dma_wait3A_330 = tpu.memref_slice %arg7[%dma_wait3A_328, %dma_wait3A_329] : memref<4x128xi32, #tpu.memory_space<vmem>> -> memref<1x128xi32, #tpu.memory_space<vmem>>
      %dma_wait3A_331 = tpu.memref_squeeze %dma_wait3A_330 : memref<1x128xi32, #tpu.memory_space<vmem>> -> memref<128xi32, #tpu.memory_space<vmem>>
      %dma_wait3A_332 = arith.constant 0 : i32
      %dma_wait3A_333 = tpu.memref_slice %arg3[%dma_wait3A_326, %dma_wait3A_327, %dma_wait3A_332] : memref<32x80x128xi32, #tpu.memory_space<hbm>> -> memref<1x1x128xi32, #tpu.memory_space<hbm>>
      %dma_wait3A_334 = tpu.memref_squeeze %dma_wait3A_333 : memref<1x1x128xi32, #tpu.memory_space<hbm>> -> memref<128xi32, #tpu.memory_space<hbm>>
      %dma_wait3A_335 = arith.constant 0 : i32
      %dma_wait3A_336 = tpu.memref_slice %arg7[%dma_wait3A_328, %dma_wait3A_335] : memref<4x128xi32, #tpu.memory_space<vmem>> -> memref<1x128xi32, #tpu.memory_space<vmem>>
      %dma_wait3A_337 = tpu.memref_squeeze %dma_wait3A_336 : memref<1x128xi32, #tpu.memory_space<vmem>> -> memref<128xi32, #tpu.memory_space<vmem>>
      %dma_wait3A_338 = arith.constant 0 : i32
      %dma_wait3A_339 = tpu.memref_slice %arg3[%dma_wait3A_326, %dma_wait3A_327, %dma_wait3A_338] : memref<32x80x128xi32, #tpu.memory_space<hbm>> -> memref<1x1x128xi32, #tpu.memory_space<hbm>>
      %dma_wait3A_340 = tpu.memref_squeeze %dma_wait3A_339 : memref<1x1x128xi32, #tpu.memory_space<hbm>> -> memref<128xi32, #tpu.memory_space<hbm>>
      tpu.wait_dma2 semaphore(%arg14 : memref<!tpu.dma_semaphore, #tpu.memory_space<semaphore_mem>>) src(%dma_wait3A_340 : memref<128xi32, #tpu.memory_space<hbm>>) dst(%dma_wait3A_337 : memref<128xi32, #tpu.memory_space<vmem>>)
      %dma_start3A_341 = arith.constant 3 : i32
      %dma_start3A_342 = arith.constant 1 : i32
      %dma_start3A_343 = arith.constant 0 : i32
      %dma_start3A_344 = arith.constant 0 : i32
      %dma_start3A_345 = tpu.memref_slice %arg8[%dma_start3A_342, %dma_start3A_343, %dma_start3A_344] : memref<2x128x128xf32, #tpu.memory_space<vmem>> -> memref<1x128x128xf32, #tpu.memory_space<vmem>>
      %dma_start3A_346 = tpu.memref_squeeze %dma_start3A_345 : memref<1x128x128xf32, #tpu.memory_space<vmem>> -> memref<128x128xf32, #tpu.memory_space<vmem>>
      %dma_start3A_347 = arith.constant 0 : i32
      %dma_start3A_348 = tpu.memref_slice %arg7[%dma_start3A_341, %dma_start3A_347] : memref<4x128xi32, #tpu.memory_space<vmem>> -> memref<1x128xi32, #tpu.memory_space<vmem>>
      %dma_start3A_349 = tpu.memref_squeeze %dma_start3A_348 : memref<1x128xi32, #tpu.memory_space<vmem>> -> memref<128xi32, #tpu.memory_space<vmem>>
      %dma_start3A_350 = arith.constant 0 : i32
      %dma_start3A_351 = arith.constant 0 : i32
      %dma_start3A_352 = tpu.memref_slice %arg2[%dma_start3A_350, %dma_start3A_351] : memref<10000x128xf32, #tpu.memory_space<hbm>> -> memref<10000x128xf32, #tpu.memory_space<hbm>>
      tpu.enqueue_indirect_dma source(%dma_start3A_352 : memref<10000x128xf32, #tpu.memory_space<hbm>>) target(%dma_start3A_346 : memref<128x128xf32, #tpu.memory_space<vmem>>) offsets(%dma_start3A_349 : memref<128xi32, #tpu.memory_space<vmem>>) semaphore(%arg10 : memref<!tpu.dma_semaphore, #tpu.memory_space<semaphore_mem>>)
      %add3A_353 = arith.constant 5 : i32
      %add3A_354 = arith.addi %mul3A_255, %add3A_353 : i32
      %dma_start3A_355 = arith.constant 1 : i32
      %dma_start3A_356 = arith.constant 0 : i32
      %dma_start3A_357 = tpu.memref_slice %arg7[%dma_start3A_355, %dma_start3A_356] : memref<4x128xi32, #tpu.memory_space<vmem>> -> memref<1x128xi32, #tpu.memory_space<vmem>>
      %dma_start3A_358 = tpu.memref_squeeze %dma_start3A_357 : memref<1x128xi32, #tpu.memory_space<vmem>> -> memref<128xi32, #tpu.memory_space<vmem>>
      %dma_start3A_359 = arith.constant 0 : i32
      %dma_start3A_360 = tpu.memref_slice %arg3[%add3A, %add3A_354, %dma_start3A_359] : memref<32x80x128xi32, #tpu.memory_space<hbm>> -> memref<1x1x128xi32, #tpu.memory_space<hbm>>
      %dma_start3A_361 = tpu.memref_squeeze %dma_start3A_360 : memref<1x1x128xi32, #tpu.memory_space<hbm>> -> memref<128xi32, #tpu.memory_space<hbm>>
      %dma_start3A_362 = arith.constant 0 : i32
      %dma_start3A_363 = tpu.memref_slice %arg7[%dma_start3A_355, %dma_start3A_362] : memref<4x128xi32, #tpu.memory_space<vmem>> -> memref<1x128xi32, #tpu.memory_space<vmem>>
      %dma_start3A_364 = tpu.memref_squeeze %dma_start3A_363 : memref<1x128xi32, #tpu.memory_space<vmem>> -> memref<128xi32, #tpu.memory_space<vmem>>
      %dma_start3A_365 = arith.constant 0 : i32
      %dma_start3A_366 = tpu.memref_slice %arg3[%add3A, %add3A_354, %dma_start3A_365] : memref<32x80x128xi32, #tpu.memory_space<hbm>> -> memref<1x1x128xi32, #tpu.memory_space<hbm>>
      %dma_start3A_367 = tpu.memref_squeeze %dma_start3A_366 : memref<1x1x128xi32, #tpu.memory_space<hbm>> -> memref<128xi32, #tpu.memory_space<hbm>>
      tpu.enqueue_dma source(%dma_start3A_367 : memref<128xi32, #tpu.memory_space<hbm>>) target(%dma_start3A_364 : memref<128xi32, #tpu.memory_space<vmem>>) target_semaphore(%arg12 : memref<!tpu.dma_semaphore, #tpu.memory_space<semaphore_mem>>)
      %dma_wait3A_368 = arith.constant 0 : i32
      %dma_wait3A_369 = arith.constant 0 : i32
      %dma_wait3A_370 = arith.constant 0 : i32
      %dma_wait3A_371 = arith.constant 0 : i32
      %dma_wait3A_372 = tpu.memref_slice %arg8[%dma_wait3A_369, %dma_wait3A_370, %dma_wait3A_371] : memref<2x128x128xf32, #tpu.memory_space<vmem>> -> memref<1x128x128xf32, #tpu.memory_space<vmem>>
      %dma_wait3A_373 = tpu.memref_squeeze %dma_wait3A_372 : memref<1x128x128xf32, #tpu.memory_space<vmem>> -> memref<128x128xf32, #tpu.memory_space<vmem>>
      %dma_wait3A_374 = arith.constant 0 : i32
      %dma_wait3A_375 = tpu.memref_slice %arg7[%dma_wait3A_368, %dma_wait3A_374] : memref<4x128xi32, #tpu.memory_space<vmem>> -> memref<1x128xi32, #tpu.memory_space<vmem>>
      %dma_wait3A_376 = tpu.memref_squeeze %dma_wait3A_375 : memref<1x128xi32, #tpu.memory_space<vmem>> -> memref<128xi32, #tpu.memory_space<vmem>>
      %dma_wait3A_377 = arith.constant 0 : i32
      %dma_wait3A_378 = arith.constant 0 : i32
      %dma_wait3A_379 = tpu.memref_slice %arg2[%dma_wait3A_377, %dma_wait3A_378] : memref<10000x128xf32, #tpu.memory_space<hbm>> -> memref<10000x128xf32, #tpu.memory_space<hbm>>
      tpu.wait_indirect_dma semaphore(%arg9 : memref<!tpu.dma_semaphore, #tpu.memory_space<semaphore_mem>>) src(%dma_wait3A_379 : memref<10000x128xf32, #tpu.memory_space<hbm>>) dst(%dma_wait3A_373 : memref<128x128xf32, #tpu.memory_space<vmem>>)
      %add3A_380 = arith.constant 2 : i32
      %add3A_381 = arith.addi %mul3A_255, %add3A_380 : i32
      %run_scoped3A_382 = arith.constant 0 : i32
      "tpu.region"() ({
        %run_scoped3A_482 = tpu.sem_alloc : memref<!tpu.dma_semaphore, #tpu.memory_space<semaphore_mem>>
        %dma_start3A_483 = arith.constant 0 : i32
        %dma_start3A_484 = arith.constant 0 : i32
        %dma_start3A_485 = tpu.memref_slice %arg8[%run_scoped3A_382, %dma_start3A_483, %dma_start3A_484] : memref<2x128x128xf32, #tpu.memory_space<vmem>> -> memref<1x128x128xf32, #tpu.memory_space<vmem>>
        %dma_start3A_486 = tpu.memref_squeeze %dma_start3A_485 : memref<1x128x128xf32, #tpu.memory_space<vmem>> -> memref<128x128xf32, #tpu.memory_space<vmem>>
        %dma_start3A_487 = arith.constant 0 : i32
        %dma_start3A_488 = tpu.memref_slice %arg6[%add3A_381, %dma_start3A_487] : memref<80x128xi32, #tpu.memory_space<vmem>> -> memref<1x128xi32, #tpu.memory_space<vmem>>
        %dma_start3A_489 = tpu.memref_squeeze %dma_start3A_488 : memref<1x128xi32, #tpu.memory_space<vmem>> -> memref<128xi32, #tpu.memory_space<vmem>>
        %dma_start3A_490 = arith.constant 0 : i32
        %dma_start3A_491 = arith.constant 0 : i32
        %dma_start3A_492 = tpu.memref_slice %arg15[%dma_start3A_490, %dma_start3A_491] : memref<10240x128xf32, #tpu.memory_space<vmem_shared>> -> memref<10240x128xf32, #tpu.memory_space<vmem_shared>>
        tpu.enqueue_indirect_dma source(%dma_start3A_486 : memref<128x128xf32, #tpu.memory_space<vmem>>) target(%dma_start3A_492 : memref<10240x128xf32, #tpu.memory_space<vmem_shared>>) offsets(%dma_start3A_489 : memref<128xi32, #tpu.memory_space<vmem>>) semaphore(%run_scoped3A_482 : memref<!tpu.dma_semaphore, #tpu.memory_space<semaphore_mem>>) {add = true}
        %dma_wait3A_493 = arith.constant 0 : i32
        %dma_wait3A_494 = arith.constant 0 : i32
        %dma_wait3A_495 = tpu.memref_slice %arg8[%run_scoped3A_382, %dma_wait3A_493, %dma_wait3A_494] : memref<2x128x128xf32, #tpu.memory_space<vmem>> -> memref<1x128x128xf32, #tpu.memory_space<vmem>>
        %dma_wait3A_496 = tpu.memref_squeeze %dma_wait3A_495 : memref<1x128x128xf32, #tpu.memory_space<vmem>> -> memref<128x128xf32, #tpu.memory_space<vmem>>
        %dma_wait3A_497 = arith.constant 0 : i32
        %dma_wait3A_498 = tpu.memref_slice %arg6[%add3A_381, %dma_wait3A_497] : memref<80x128xi32, #tpu.memory_space<vmem>> -> memref<1x128xi32, #tpu.memory_space<vmem>>
        %dma_wait3A_499 = tpu.memref_squeeze %dma_wait3A_498 : memref<1x128xi32, #tpu.memory_space<vmem>> -> memref<128xi32, #tpu.memory_space<vmem>>
        %dma_wait3A_500 = arith.constant 0 : i32
        %dma_wait3A_501 = arith.constant 0 : i32
        %dma_wait3A_502 = tpu.memref_slice %arg15[%dma_wait3A_500, %dma_wait3A_501] : memref<10240x128xf32, #tpu.memory_space<vmem_shared>> -> memref<10240x128xf32, #tpu.memory_space<vmem_shared>>
        tpu.wait_indirect_dma semaphore(%run_scoped3A_482 : memref<!tpu.dma_semaphore, #tpu.memory_space<semaphore_mem>>) src(%dma_wait3A_496 : memref<128x128xf32, #tpu.memory_space<vmem>>) dst(%dma_wait3A_502 : memref<10240x128xf32, #tpu.memory_space<vmem_shared>>)
        tpu.yield
      }) : () -> ()
      %dma_wait3A_383 = arith.constant 0 : i32
      %dma_wait3A_384 = arith.constant 0 : i32
      %dma_wait3A_385 = arith.constant 0 : i32
      %dma_wait3A_386 = arith.constant 0 : i32
      %dma_wait3A_387 = tpu.memref_slice %arg7[%dma_wait3A_385, %dma_wait3A_386] : memref<4x128xi32, #tpu.memory_space<vmem>> -> memref<1x128xi32, #tpu.memory_space<vmem>>
      %dma_wait3A_388 = tpu.memref_squeeze %dma_wait3A_387 : memref<1x128xi32, #tpu.memory_space<vmem>> -> memref<128xi32, #tpu.memory_space<vmem>>
      %dma_wait3A_389 = arith.constant 0 : i32
      %dma_wait3A_390 = tpu.memref_slice %arg3[%dma_wait3A_383, %dma_wait3A_384, %dma_wait3A_389] : memref<32x80x128xi32, #tpu.memory_space<hbm>> -> memref<1x1x128xi32, #tpu.memory_space<hbm>>
      %dma_wait3A_391 = tpu.memref_squeeze %dma_wait3A_390 : memref<1x1x128xi32, #tpu.memory_space<hbm>> -> memref<128xi32, #tpu.memory_space<hbm>>
      %dma_wait3A_392 = arith.constant 0 : i32
      %dma_wait3A_393 = tpu.memref_slice %arg7[%dma_wait3A_385, %dma_wait3A_392] : memref<4x128xi32, #tpu.memory_space<vmem>> -> memref<1x128xi32, #tpu.memory_space<vmem>>
      %dma_wait3A_394 = tpu.memref_squeeze %dma_wait3A_393 : memref<1x128xi32, #tpu.memory_space<vmem>> -> memref<128xi32, #tpu.memory_space<vmem>>
      %dma_wait3A_395 = arith.constant 0 : i32
      %dma_wait3A_396 = tpu.memref_slice %arg3[%dma_wait3A_383, %dma_wait3A_384, %dma_wait3A_395] : memref<32x80x128xi32, #tpu.memory_space<hbm>> -> memref<1x1x128xi32, #tpu.memory_space<hbm>>
      %dma_wait3A_397 = tpu.memref_squeeze %dma_wait3A_396 : memref<1x1x128xi32, #tpu.memory_space<hbm>> -> memref<128xi32, #tpu.memory_space<hbm>>
      tpu.wait_dma2 semaphore(%arg11 : memref<!tpu.dma_semaphore, #tpu.memory_space<semaphore_mem>>) src(%dma_wait3A_397 : memref<128xi32, #tpu.memory_space<hbm>>) dst(%dma_wait3A_394 : memref<128xi32, #tpu.memory_space<vmem>>)
      %dma_start3A_398 = arith.constant 0 : i32
      %dma_start3A_399 = arith.constant 0 : i32
      %dma_start3A_400 = arith.constant 0 : i32
      %dma_start3A_401 = arith.constant 0 : i32
      %dma_start3A_402 = tpu.memref_slice %arg8[%dma_start3A_399, %dma_start3A_400, %dma_start3A_401] : memref<2x128x128xf32, #tpu.memory_space<vmem>> -> memref<1x128x128xf32, #tpu.memory_space<vmem>>
      %dma_start3A_403 = tpu.memref_squeeze %dma_start3A_402 : memref<1x128x128xf32, #tpu.memory_space<vmem>> -> memref<128x128xf32, #tpu.memory_space<vmem>>
      %dma_start3A_404 = arith.constant 0 : i32
      %dma_start3A_405 = tpu.memref_slice %arg7[%dma_start3A_398, %dma_start3A_404] : memref<4x128xi32, #tpu.memory_space<vmem>> -> memref<1x128xi32, #tpu.memory_space<vmem>>
      %dma_start3A_406 = tpu.memref_squeeze %dma_start3A_405 : memref<1x128xi32, #tpu.memory_space<vmem>> -> memref<128xi32, #tpu.memory_space<vmem>>
      %dma_start3A_407 = arith.constant 0 : i32
      %dma_start3A_408 = arith.constant 0 : i32
      %dma_start3A_409 = tpu.memref_slice %arg2[%dma_start3A_407, %dma_start3A_408] : memref<10000x128xf32, #tpu.memory_space<hbm>> -> memref<10000x128xf32, #tpu.memory_space<hbm>>
      tpu.enqueue_indirect_dma source(%dma_start3A_409 : memref<10000x128xf32, #tpu.memory_space<hbm>>) target(%dma_start3A_403 : memref<128x128xf32, #tpu.memory_space<vmem>>) offsets(%dma_start3A_406 : memref<128xi32, #tpu.memory_space<vmem>>) semaphore(%arg9 : memref<!tpu.dma_semaphore, #tpu.memory_space<semaphore_mem>>)
      %add3A_410 = arith.constant 6 : i32
      %add3A_411 = arith.addi %mul3A_255, %add3A_410 : i32
      %dma_start3A_412 = arith.constant 2 : i32
      %dma_start3A_413 = arith.constant 0 : i32
      %dma_start3A_414 = tpu.memref_slice %arg7[%dma_start3A_412, %dma_start3A_413] : memref<4x128xi32, #tpu.memory_space<vmem>> -> memref<1x128xi32, #tpu.memory_space<vmem>>
      %dma_start3A_415 = tpu.memref_squeeze %dma_start3A_414 : memref<1x128xi32, #tpu.memory_space<vmem>> -> memref<128xi32, #tpu.memory_space<vmem>>
      %dma_start3A_416 = arith.constant 0 : i32
      %dma_start3A_417 = tpu.memref_slice %arg3[%add3A, %add3A_411, %dma_start3A_416] : memref<32x80x128xi32, #tpu.memory_space<hbm>> -> memref<1x1x128xi32, #tpu.memory_space<hbm>>
      %dma_start3A_418 = tpu.memref_squeeze %dma_start3A_417 : memref<1x1x128xi32, #tpu.memory_space<hbm>> -> memref<128xi32, #tpu.memory_space<hbm>>
      %dma_start3A_419 = arith.constant 0 : i32
      %dma_start3A_420 = tpu.memref_slice %arg7[%dma_start3A_412, %dma_start3A_419] : memref<4x128xi32, #tpu.memory_space<vmem>> -> memref<1x128xi32, #tpu.memory_space<vmem>>
      %dma_start3A_421 = tpu.memref_squeeze %dma_start3A_420 : memref<1x128xi32, #tpu.memory_space<vmem>> -> memref<128xi32, #tpu.memory_space<vmem>>
      %dma_start3A_422 = arith.constant 0 : i32
      %dma_start3A_423 = tpu.memref_slice %arg3[%add3A, %add3A_411, %dma_start3A_422] : memref<32x80x128xi32, #tpu.memory_space<hbm>> -> memref<1x1x128xi32, #tpu.memory_space<hbm>>
      %dma_start3A_424 = tpu.memref_squeeze %dma_start3A_423 : memref<1x1x128xi32, #tpu.memory_space<hbm>> -> memref<128xi32, #tpu.memory_space<hbm>>
      tpu.enqueue_dma source(%dma_start3A_424 : memref<128xi32, #tpu.memory_space<hbm>>) target(%dma_start3A_421 : memref<128xi32, #tpu.memory_space<vmem>>) target_semaphore(%arg13 : memref<!tpu.dma_semaphore, #tpu.memory_space<semaphore_mem>>)
      %dma_wait3A_425 = arith.constant 0 : i32
      %dma_wait3A_426 = arith.constant 1 : i32
      %dma_wait3A_427 = arith.constant 0 : i32
      %dma_wait3A_428 = arith.constant 0 : i32
      %dma_wait3A_429 = tpu.memref_slice %arg8[%dma_wait3A_426, %dma_wait3A_427, %dma_wait3A_428] : memref<2x128x128xf32, #tpu.memory_space<vmem>> -> memref<1x128x128xf32, #tpu.memory_space<vmem>>
      %dma_wait3A_430 = tpu.memref_squeeze %dma_wait3A_429 : memref<1x128x128xf32, #tpu.memory_space<vmem>> -> memref<128x128xf32, #tpu.memory_space<vmem>>
      %dma_wait3A_431 = arith.constant 0 : i32
      %dma_wait3A_432 = tpu.memref_slice %arg7[%dma_wait3A_425, %dma_wait3A_431] : memref<4x128xi32, #tpu.memory_space<vmem>> -> memref<1x128xi32, #tpu.memory_space<vmem>>
      %dma_wait3A_433 = tpu.memref_squeeze %dma_wait3A_432 : memref<1x128xi32, #tpu.memory_space<vmem>> -> memref<128xi32, #tpu.memory_space<vmem>>
      %dma_wait3A_434 = arith.constant 0 : i32
      %dma_wait3A_435 = arith.constant 0 : i32
      %dma_wait3A_436 = tpu.memref_slice %arg2[%dma_wait3A_434, %dma_wait3A_435] : memref<10000x128xf32, #tpu.memory_space<hbm>> -> memref<10000x128xf32, #tpu.memory_space<hbm>>
      tpu.wait_indirect_dma semaphore(%arg10 : memref<!tpu.dma_semaphore, #tpu.memory_space<semaphore_mem>>) src(%dma_wait3A_436 : memref<10000x128xf32, #tpu.memory_space<hbm>>) dst(%dma_wait3A_430 : memref<128x128xf32, #tpu.memory_space<vmem>>)
      %add3A_437 = arith.constant 3 : i32
      %add3A_438 = arith.addi %mul3A_255, %add3A_437 : i32
      %run_scoped3A_439 = arith.constant 1 : i32
      "tpu.region"() ({
        %run_scoped3A_482 = tpu.sem_alloc : memref<!tpu.dma_semaphore, #tpu.memory_space<semaphore_mem>>
        %dma_start3A_483 = arith.constant 0 : i32
        %dma_start3A_484 = arith.constant 0 : i32
        %dma_start3A_485 = tpu.memref_slice %arg8[%run_scoped3A_439, %dma_start3A_483, %dma_start3A_484] : memref<2x128x128xf32, #tpu.memory_space<vmem>> -> memref<1x128x128xf32, #tpu.memory_space<vmem>>
        %dma_start3A_486 = tpu.memref_squeeze %dma_start3A_485 : memref<1x128x128xf32, #tpu.memory_space<vmem>> -> memref<128x128xf32, #tpu.memory_space<vmem>>
        %dma_start3A_487 = arith.constant 0 : i32
        %dma_start3A_488 = tpu.memref_slice %arg6[%add3A_438, %dma_start3A_487] : memref<80x128xi32, #tpu.memory_space<vmem>> -> memref<1x128xi32, #tpu.memory_space<vmem>>
        %dma_start3A_489 = tpu.memref_squeeze %dma_start3A_488 : memref<1x128xi32, #tpu.memory_space<vmem>> -> memref<128xi32, #tpu.memory_space<vmem>>
        %dma_start3A_490 = arith.constant 0 : i32
        %dma_start3A_491 = arith.constant 0 : i32
        %dma_start3A_492 = tpu.memref_slice %arg15[%dma_start3A_490, %dma_start3A_491] : memref<10240x128xf32, #tpu.memory_space<vmem_shared>> -> memref<10240x128xf32, #tpu.memory_space<vmem_shared>>
        tpu.enqueue_indirect_dma source(%dma_start3A_486 : memref<128x128xf32, #tpu.memory_space<vmem>>) target(%dma_start3A_492 : memref<10240x128xf32, #tpu.memory_space<vmem_shared>>) offsets(%dma_start3A_489 : memref<128xi32, #tpu.memory_space<vmem>>) semaphore(%run_scoped3A_482 : memref<!tpu.dma_semaphore, #tpu.memory_space<semaphore_mem>>) {add = true}
        %dma_wait3A_493 = arith.constant 0 : i32
        %dma_wait3A_494 = arith.constant 0 : i32
        %dma_wait3A_495 = tpu.memref_slice %arg8[%run_scoped3A_439, %dma_wait3A_493, %dma_wait3A_494] : memref<2x128x128xf32, #tpu.memory_space<vmem>> -> memref<1x128x128xf32, #tpu.memory_space<vmem>>
        %dma_wait3A_496 = tpu.memref_squeeze %dma_wait3A_495 : memref<1x128x128xf32, #tpu.memory_space<vmem>> -> memref<128x128xf32, #tpu.memory_space<vmem>>
        %dma_wait3A_497 = arith.constant 0 : i32
        %dma_wait3A_498 = tpu.memref_slice %arg6[%add3A_438, %dma_wait3A_497] : memref<80x128xi32, #tpu.memory_space<vmem>> -> memref<1x128xi32, #tpu.memory_space<vmem>>
        %dma_wait3A_499 = tpu.memref_squeeze %dma_wait3A_498 : memref<1x128xi32, #tpu.memory_space<vmem>> -> memref<128xi32, #tpu.memory_space<vmem>>
        %dma_wait3A_500 = arith.constant 0 : i32
        %dma_wait3A_501 = arith.constant 0 : i32
        %dma_wait3A_502 = tpu.memref_slice %arg15[%dma_wait3A_500, %dma_wait3A_501] : memref<10240x128xf32, #tpu.memory_space<vmem_shared>> -> memref<10240x128xf32, #tpu.memory_space<vmem_shared>>
        tpu.wait_indirect_dma semaphore(%run_scoped3A_482 : memref<!tpu.dma_semaphore, #tpu.memory_space<semaphore_mem>>) src(%dma_wait3A_496 : memref<128x128xf32, #tpu.memory_space<vmem>>) dst(%dma_wait3A_502 : memref<10240x128xf32, #tpu.memory_space<vmem_shared>>)
        tpu.yield
      }) : () -> ()
      %dma_wait3A_440 = arith.constant 0 : i32
      %dma_wait3A_441 = arith.constant 0 : i32
      %dma_wait3A_442 = arith.constant 1 : i32
      %dma_wait3A_443 = arith.constant 0 : i32
      %dma_wait3A_444 = tpu.memref_slice %arg7[%dma_wait3A_442, %dma_wait3A_443] : memref<4x128xi32, #tpu.memory_space<vmem>> -> memref<1x128xi32, #tpu.memory_space<vmem>>
      %dma_wait3A_445 = tpu.memref_squeeze %dma_wait3A_444 : memref<1x128xi32, #tpu.memory_space<vmem>> -> memref<128xi32, #tpu.memory_space<vmem>>
      %dma_wait3A_446 = arith.constant 0 : i32
      %dma_wait3A_447 = tpu.memref_slice %arg3[%dma_wait3A_440, %dma_wait3A_441, %dma_wait3A_446] : memref<32x80x128xi32, #tpu.memory_space<hbm>> -> memref<1x1x128xi32, #tpu.memory_space<hbm>>
      %dma_wait3A_448 = tpu.memref_squeeze %dma_wait3A_447 : memref<1x1x128xi32, #tpu.memory_space<hbm>> -> memref<128xi32, #tpu.memory_space<hbm>>
      %dma_wait3A_449 = arith.constant 0 : i32
      %dma_wait3A_450 = tpu.memref_slice %arg7[%dma_wait3A_442, %dma_wait3A_449] : memref<4x128xi32, #tpu.memory_space<vmem>> -> memref<1x128xi32, #tpu.memory_space<vmem>>
      %dma_wait3A_451 = tpu.memref_squeeze %dma_wait3A_450 : memref<1x128xi32, #tpu.memory_space<vmem>> -> memref<128xi32, #tpu.memory_space<vmem>>
      %dma_wait3A_452 = arith.constant 0 : i32
      %dma_wait3A_453 = tpu.memref_slice %arg3[%dma_wait3A_440, %dma_wait3A_441, %dma_wait3A_452] : memref<32x80x128xi32, #tpu.memory_space<hbm>> -> memref<1x1x128xi32, #tpu.memory_space<hbm>>
      %dma_wait3A_454 = tpu.memref_squeeze %dma_wait3A_453 : memref<1x1x128xi32, #tpu.memory_space<hbm>> -> memref<128xi32, #tpu.memory_space<hbm>>
      tpu.wait_dma2 semaphore(%arg12 : memref<!tpu.dma_semaphore, #tpu.memory_space<semaphore_mem>>) src(%dma_wait3A_454 : memref<128xi32, #tpu.memory_space<hbm>>) dst(%dma_wait3A_451 : memref<128xi32, #tpu.memory_space<vmem>>)
      %dma_start3A_455 = arith.constant 1 : i32
      %dma_start3A_456 = arith.constant 1 : i32
      %dma_start3A_457 = arith.constant 0 : i32
      %dma_start3A_458 = arith.constant 0 : i32
      %dma_start3A_459 = tpu.memref_slice %arg8[%dma_start3A_456, %dma_start3A_457, %dma_start3A_458] : memref<2x128x128xf32, #tpu.memory_space<vmem>> -> memref<1x128x128xf32, #tpu.memory_space<vmem>>
      %dma_start3A_460 = tpu.memref_squeeze %dma_start3A_459 : memref<1x128x128xf32, #tpu.memory_space<vmem>> -> memref<128x128xf32, #tpu.memory_space<vmem>>
      %dma_start3A_461 = arith.constant 0 : i32
      %dma_start3A_462 = tpu.memref_slice %arg7[%dma_start3A_455, %dma_start3A_461] : memref<4x128xi32, #tpu.memory_space<vmem>> -> memref<1x128xi32, #tpu.memory_space<vmem>>
      %dma_start3A_463 = tpu.memref_squeeze %dma_start3A_462 : memref<1x128xi32, #tpu.memory_space<vmem>> -> memref<128xi32, #tpu.memory_space<vmem>>
      %dma_start3A_464 = arith.constant 0 : i32
      %dma_start3A_465 = arith.constant 0 : i32
      %dma_start3A_466 = tpu.memref_slice %arg2[%dma_start3A_464, %dma_start3A_465] : memref<10000x128xf32, #tpu.memory_space<hbm>> -> memref<10000x128xf32, #tpu.memory_space<hbm>>
      tpu.enqueue_indirect_dma source(%dma_start3A_466 : memref<10000x128xf32, #tpu.memory_space<hbm>>) target(%dma_start3A_460 : memref<128x128xf32, #tpu.memory_space<vmem>>) offsets(%dma_start3A_463 : memref<128xi32, #tpu.memory_space<vmem>>) semaphore(%arg10 : memref<!tpu.dma_semaphore, #tpu.memory_space<semaphore_mem>>)
      %add3A_467 = arith.constant 7 : i32
      %add3A_468 = arith.addi %mul3A_255, %add3A_467 : i32
      %dma_start3A_469 = arith.constant 3 : i32
      %dma_start3A_470 = arith.constant 0 : i32
      %dma_start3A_471 = tpu.memref_slice %arg7[%dma_start3A_469, %dma_start3A_470] : memref<4x128xi32, #tpu.memory_space<vmem>> -> memref<1x128xi32, #tpu.memory_space<vmem>>
      %dma_start3A_472 = tpu.memref_squeeze %dma_start3A_471 : memref<1x128xi32, #tpu.memory_space<vmem>> -> memref<128xi32, #tpu.memory_space<vmem>>
      %dma_start3A_473 = arith.constant 0 : i32
      %dma_start3A_474 = tpu.memref_slice %arg3[%add3A, %add3A_468, %dma_start3A_473] : memref<32x80x128xi32, #tpu.memory_space<hbm>> -> memref<1x1x128xi32, #tpu.memory_space<hbm>>
      %dma_start3A_475 = tpu.memref_squeeze %dma_start3A_474 : memref<1x1x128xi32, #tpu.memory_space<hbm>> -> memref<128xi32, #tpu.memory_space<hbm>>
      %dma_start3A_476 = arith.constant 0 : i32
      %dma_start3A_477 = tpu.memref_slice %arg7[%dma_start3A_469, %dma_start3A_476] : memref<4x128xi32, #tpu.memory_space<vmem>> -> memref<1x128xi32, #tpu.memory_space<vmem>>
      %dma_start3A_478 = tpu.memref_squeeze %dma_start3A_477 : memref<1x128xi32, #tpu.memory_space<vmem>> -> memref<128xi32, #tpu.memory_space<vmem>>
      %dma_start3A_479 = arith.constant 0 : i32
      %dma_start3A_480 = tpu.memref_slice %arg3[%add3A, %add3A_468, %dma_start3A_479] : memref<32x80x128xi32, #tpu.memory_space<hbm>> -> memref<1x1x128xi32, #tpu.memory_space<hbm>>
      %dma_start3A_481 = tpu.memref_squeeze %dma_start3A_480 : memref<1x1x128xi32, #tpu.memory_space<hbm>> -> memref<128xi32, #tpu.memory_space<hbm>>
      tpu.enqueue_dma source(%dma_start3A_481 : memref<128xi32, #tpu.memory_space<hbm>>) target(%dma_start3A_478 : memref<128xi32, #tpu.memory_space<vmem>>) target_semaphore(%arg14 : memref<!tpu.dma_semaphore, #tpu.memory_space<semaphore_mem>>)
    }
    %scan3A_135 = arith.constant 19 : i32
    %dma_wait3A_136 = arith.constant 0 : i32
    %dma_wait3A_137 = arith.constant 0 : i32
    %dma_wait3A_138 = arith.constant 0 : i32
    %dma_wait3A_139 = arith.constant 0 : i32
    %dma_wait3A_140 = tpu.memref_slice %arg8[%dma_wait3A_137, %dma_wait3A_138, %dma_wait3A_139] : memref<2x128x128xf32, #tpu.memory_space<vmem>> -> memref<1x128x128xf32, #tpu.memory_space<vmem>>
    %dma_wait3A_141 = tpu.memref_squeeze %dma_wait3A_140 : memref<1x128x128xf32, #tpu.memory_space<vmem>> -> memref<128x128xf32, #tpu.memory_space<vmem>>
    %dma_wait3A_142 = arith.constant 0 : i32
    %dma_wait3A_143 = tpu.memref_slice %arg7[%dma_wait3A_136, %dma_wait3A_142] : memref<4x128xi32, #tpu.memory_space<vmem>> -> memref<1x128xi32, #tpu.memory_space<vmem>>
    %dma_wait3A_144 = tpu.memref_squeeze %dma_wait3A_143 : memref<1x128xi32, #tpu.memory_space<vmem>> -> memref<128xi32, #tpu.memory_space<vmem>>
    %dma_wait3A_145 = arith.constant 0 : i32
    %dma_wait3A_146 = arith.constant 0 : i32
    %dma_wait3A_147 = tpu.memref_slice %arg2[%dma_wait3A_145, %dma_wait3A_146] : memref<10000x128xf32, #tpu.memory_space<hbm>> -> memref<10000x128xf32, #tpu.memory_space<hbm>>
    tpu.wait_indirect_dma semaphore(%arg9 : memref<!tpu.dma_semaphore, #tpu.memory_space<semaphore_mem>>) src(%dma_wait3A_147 : memref<10000x128xf32, #tpu.memory_space<hbm>>) dst(%dma_wait3A_141 : memref<128x128xf32, #tpu.memory_space<vmem>>)
    %run_scoped3A_148 = arith.constant 0 : i32
    %run_scoped3A_149 = arith.constant 76 : i32
    "tpu.region"() ({
      %run_scoped3A_253 = tpu.sem_alloc : memref<!tpu.dma_semaphore, #tpu.memory_space<semaphore_mem>>
      %dma_start3A_254 = arith.constant 0 : i32
      %dma_start3A_255 = arith.constant 0 : i32
      %dma_start3A_256 = tpu.memref_slice %arg8[%run_scoped3A_148, %dma_start3A_254, %dma_start3A_255] : memref<2x128x128xf32, #tpu.memory_space<vmem>> -> memref<1x128x128xf32, #tpu.memory_space<vmem>>
      %dma_start3A_257 = tpu.memref_squeeze %dma_start3A_256 : memref<1x128x128xf32, #tpu.memory_space<vmem>> -> memref<128x128xf32, #tpu.memory_space<vmem>>
      %dma_start3A_258 = arith.constant 0 : i32
      %dma_start3A_259 = tpu.memref_slice %arg6[%run_scoped3A_149, %dma_start3A_258] : memref<80x128xi32, #tpu.memory_space<vmem>> -> memref<1x128xi32, #tpu.memory_space<vmem>>
      %dma_start3A_260 = tpu.memref_squeeze %dma_start3A_259 : memref<1x128xi32, #tpu.memory_space<vmem>> -> memref<128xi32, #tpu.memory_space<vmem>>
      %dma_start3A_261 = arith.constant 0 : i32
      %dma_start3A_262 = arith.constant 0 : i32
      %dma_start3A_263 = tpu.memref_slice %arg15[%dma_start3A_261, %dma_start3A_262] : memref<10240x128xf32, #tpu.memory_space<vmem_shared>> -> memref<10240x128xf32, #tpu.memory_space<vmem_shared>>
      tpu.enqueue_indirect_dma source(%dma_start3A_257 : memref<128x128xf32, #tpu.memory_space<vmem>>) target(%dma_start3A_263 : memref<10240x128xf32, #tpu.memory_space<vmem_shared>>) offsets(%dma_start3A_260 : memref<128xi32, #tpu.memory_space<vmem>>) semaphore(%run_scoped3A_253 : memref<!tpu.dma_semaphore, #tpu.memory_space<semaphore_mem>>) {add = true}
      %dma_wait3A_264 = arith.constant 0 : i32
      %dma_wait3A_265 = arith.constant 0 : i32
      %dma_wait3A_266 = tpu.memref_slice %arg8[%run_scoped3A_148, %dma_wait3A_264, %dma_wait3A_265] : memref<2x128x128xf32, #tpu.memory_space<vmem>> -> memref<1x128x128xf32, #tpu.memory_space<vmem>>
      %dma_wait3A_267 = tpu.memref_squeeze %dma_wait3A_266 : memref<1x128x128xf32, #tpu.memory_space<vmem>> -> memref<128x128xf32, #tpu.memory_space<vmem>>
      %dma_wait3A_268 = arith.constant 0 : i32
      %dma_wait3A_269 = tpu.memref_slice %arg6[%run_scoped3A_149, %dma_wait3A_268] : memref<80x128xi32, #tpu.memory_space<vmem>> -> memref<1x128xi32, #tpu.memory_space<vmem>>
      %dma_wait3A_270 = tpu.memref_squeeze %dma_wait3A_269 : memref<1x128xi32, #tpu.memory_space<vmem>> -> memref<128xi32, #tpu.memory_space<vmem>>
      %dma_wait3A_271 = arith.constant 0 : i32
      %dma_wait3A_272 = arith.constant 0 : i32
      %dma_wait3A_273 = tpu.memref_slice %arg15[%dma_wait3A_271, %dma_wait3A_272] : memref<10240x128xf32, #tpu.memory_space<vmem_shared>> -> memref<10240x128xf32, #tpu.memory_space<vmem_shared>>
      tpu.wait_indirect_dma semaphore(%run_scoped3A_253 : memref<!tpu.dma_semaphore, #tpu.memory_space<semaphore_mem>>) src(%dma_wait3A_267 : memref<128x128xf32, #tpu.memory_space<vmem>>) dst(%dma_wait3A_273 : memref<10240x128xf32, #tpu.memory_space<vmem_shared>>)
      tpu.yield
    }) : () -> ()
    %dma_wait3A_150 = arith.constant 0 : i32
    %dma_wait3A_151 = arith.constant 0 : i32
    %dma_wait3A_152 = arith.constant 2 : i32
    %dma_wait3A_153 = arith.constant 0 : i32
    %dma_wait3A_154 = tpu.memref_slice %arg7[%dma_wait3A_152, %dma_wait3A_153] : memref<4x128xi32, #tpu.memory_space<vmem>> -> memref<1x128xi32, #tpu.memory_space<vmem>>
    %dma_wait3A_155 = tpu.memref_squeeze %dma_wait3A_154 : memref<1x128xi32, #tpu.memory_space<vmem>> -> memref<128xi32, #tpu.memory_space<vmem>>
    %dma_wait3A_156 = arith.constant 0 : i32
    %dma_wait3A_157 = tpu.memref_slice %arg3[%dma_wait3A_150, %dma_wait3A_151, %dma_wait3A_156] : memref<32x80x128xi32, #tpu.memory_space<hbm>> -> memref<1x1x128xi32, #tpu.memory_space<hbm>>
    %dma_wait3A_158 = tpu.memref_squeeze %dma_wait3A_157 : memref<1x1x128xi32, #tpu.memory_space<hbm>> -> memref<128xi32, #tpu.memory_space<hbm>>
    %dma_wait3A_159 = arith.constant 0 : i32
    %dma_wait3A_160 = tpu.memref_slice %arg7[%dma_wait3A_152, %dma_wait3A_159] : memref<4x128xi32, #tpu.memory_space<vmem>> -> memref<1x128xi32, #tpu.memory_space<vmem>>
    %dma_wait3A_161 = tpu.memref_squeeze %dma_wait3A_160 : memref<1x128xi32, #tpu.memory_space<vmem>> -> memref<128xi32, #tpu.memory_space<vmem>>
    %dma_wait3A_162 = arith.constant 0 : i32
    %dma_wait3A_163 = tpu.memref_slice %arg3[%dma_wait3A_150, %dma_wait3A_151, %dma_wait3A_162] : memref<32x80x128xi32, #tpu.memory_space<hbm>> -> memref<1x1x128xi32, #tpu.memory_space<hbm>>
    %dma_wait3A_164 = tpu.memref_squeeze %dma_wait3A_163 : memref<1x1x128xi32, #tpu.memory_space<hbm>> -> memref<128xi32, #tpu.memory_space<hbm>>
    tpu.wait_dma2 semaphore(%arg13 : memref<!tpu.dma_semaphore, #tpu.memory_space<semaphore_mem>>) src(%dma_wait3A_164 : memref<128xi32, #tpu.memory_space<hbm>>) dst(%dma_wait3A_161 : memref<128xi32, #tpu.memory_space<vmem>>)
    %dma_start3A_165 = arith.constant 2 : i32
    %dma_start3A_166 = arith.constant 0 : i32
    %dma_start3A_167 = arith.constant 0 : i32
    %dma_start3A_168 = arith.constant 0 : i32
    %dma_start3A_169 = tpu.memref_slice %arg8[%dma_start3A_166, %dma_start3A_167, %dma_start3A_168] : memref<2x128x128xf32, #tpu.memory_space<vmem>> -> memref<1x128x128xf32, #tpu.memory_space<vmem>>
    %dma_start3A_170 = tpu.memref_squeeze %dma_start3A_169 : memref<1x128x128xf32, #tpu.memory_space<vmem>> -> memref<128x128xf32, #tpu.memory_space<vmem>>
    %dma_start3A_171 = arith.constant 0 : i32
    %dma_start3A_172 = tpu.memref_slice %arg7[%dma_start3A_165, %dma_start3A_171] : memref<4x128xi32, #tpu.memory_space<vmem>> -> memref<1x128xi32, #tpu.memory_space<vmem>>
    %dma_start3A_173 = tpu.memref_squeeze %dma_start3A_172 : memref<1x128xi32, #tpu.memory_space<vmem>> -> memref<128xi32, #tpu.memory_space<vmem>>
    %dma_start3A_174 = arith.constant 0 : i32
    %dma_start3A_175 = arith.constant 0 : i32
    %dma_start3A_176 = tpu.memref_slice %arg2[%dma_start3A_174, %dma_start3A_175] : memref<10000x128xf32, #tpu.memory_space<hbm>> -> memref<10000x128xf32, #tpu.memory_space<hbm>>
    tpu.enqueue_indirect_dma source(%dma_start3A_176 : memref<10000x128xf32, #tpu.memory_space<hbm>>) target(%dma_start3A_170 : memref<128x128xf32, #tpu.memory_space<vmem>>) offsets(%dma_start3A_173 : memref<128xi32, #tpu.memory_space<vmem>>) semaphore(%arg9 : memref<!tpu.dma_semaphore, #tpu.memory_space<semaphore_mem>>)
    %dma_wait3A_177 = arith.constant 0 : i32
    %dma_wait3A_178 = arith.constant 1 : i32
    %dma_wait3A_179 = arith.constant 0 : i32
    %dma_wait3A_180 = arith.constant 0 : i32
    %dma_wait3A_181 = tpu.memref_slice %arg8[%dma_wait3A_178, %dma_wait3A_179, %dma_wait3A_180] : memref<2x128x128xf32, #tpu.memory_space<vmem>> -> memref<1x128x128xf32, #tpu.memory_space<vmem>>
    %dma_wait3A_182 = tpu.memref_squeeze %dma_wait3A_181 : memref<1x128x128xf32, #tpu.memory_space<vmem>> -> memref<128x128xf32, #tpu.memory_space<vmem>>
    %dma_wait3A_183 = arith.constant 0 : i32
    %dma_wait3A_184 = tpu.memref_slice %arg7[%dma_wait3A_177, %dma_wait3A_183] : memref<4x128xi32, #tpu.memory_space<vmem>> -> memref<1x128xi32, #tpu.memory_space<vmem>>
    %dma_wait3A_185 = tpu.memref_squeeze %dma_wait3A_184 : memref<1x128xi32, #tpu.memory_space<vmem>> -> memref<128xi32, #tpu.memory_space<vmem>>
    %dma_wait3A_186 = arith.constant 0 : i32
    %dma_wait3A_187 = arith.constant 0 : i32
    %dma_wait3A_188 = tpu.memref_slice %arg2[%dma_wait3A_186, %dma_wait3A_187] : memref<10000x128xf32, #tpu.memory_space<hbm>> -> memref<10000x128xf32, #tpu.memory_space<hbm>>
    tpu.wait_indirect_dma semaphore(%arg10 : memref<!tpu.dma_semaphore, #tpu.memory_space<semaphore_mem>>) src(%dma_wait3A_188 : memref<10000x128xf32, #tpu.memory_space<hbm>>) dst(%dma_wait3A_182 : memref<128x128xf32, #tpu.memory_space<vmem>>)
    %run_scoped3A_189 = arith.constant 1 : i32
    %run_scoped3A_190 = arith.constant 77 : i32
    "tpu.region"() ({
      %run_scoped3A_253 = tpu.sem_alloc : memref<!tpu.dma_semaphore, #tpu.memory_space<semaphore_mem>>
      %dma_start3A_254 = arith.constant 0 : i32
      %dma_start3A_255 = arith.constant 0 : i32
      %dma_start3A_256 = tpu.memref_slice %arg8[%run_scoped3A_189, %dma_start3A_254, %dma_start3A_255] : memref<2x128x128xf32, #tpu.memory_space<vmem>> -> memref<1x128x128xf32, #tpu.memory_space<vmem>>
      %dma_start3A_257 = tpu.memref_squeeze %dma_start3A_256 : memref<1x128x128xf32, #tpu.memory_space<vmem>> -> memref<128x128xf32, #tpu.memory_space<vmem>>
      %dma_start3A_258 = arith.constant 0 : i32
      %dma_start3A_259 = tpu.memref_slice %arg6[%run_scoped3A_190, %dma_start3A_258] : memref<80x128xi32, #tpu.memory_space<vmem>> -> memref<1x128xi32, #tpu.memory_space<vmem>>
      %dma_start3A_260 = tpu.memref_squeeze %dma_start3A_259 : memref<1x128xi32, #tpu.memory_space<vmem>> -> memref<128xi32, #tpu.memory_space<vmem>>
      %dma_start3A_261 = arith.constant 0 : i32
      %dma_start3A_262 = arith.constant 0 : i32
      %dma_start3A_263 = tpu.memref_slice %arg15[%dma_start3A_261, %dma_start3A_262] : memref<10240x128xf32, #tpu.memory_space<vmem_shared>> -> memref<10240x128xf32, #tpu.memory_space<vmem_shared>>
      tpu.enqueue_indirect_dma source(%dma_start3A_257 : memref<128x128xf32, #tpu.memory_space<vmem>>) target(%dma_start3A_263 : memref<10240x128xf32, #tpu.memory_space<vmem_shared>>) offsets(%dma_start3A_260 : memref<128xi32, #tpu.memory_space<vmem>>) semaphore(%run_scoped3A_253 : memref<!tpu.dma_semaphore, #tpu.memory_space<semaphore_mem>>) {add = true}
      %dma_wait3A_264 = arith.constant 0 : i32
      %dma_wait3A_265 = arith.constant 0 : i32
      %dma_wait3A_266 = tpu.memref_slice %arg8[%run_scoped3A_189, %dma_wait3A_264, %dma_wait3A_265] : memref<2x128x128xf32, #tpu.memory_space<vmem>> -> memref<1x128x128xf32, #tpu.memory_space<vmem>>
      %dma_wait3A_267 = tpu.memref_squeeze %dma_wait3A_266 : memref<1x128x128xf32, #tpu.memory_space<vmem>> -> memref<128x128xf32, #tpu.memory_space<vmem>>
      %dma_wait3A_268 = arith.constant 0 : i32
      %dma_wait3A_269 = tpu.memref_slice %arg6[%run_scoped3A_190, %dma_wait3A_268] : memref<80x128xi32, #tpu.memory_space<vmem>> -> memref<1x128xi32, #tpu.memory_space<vmem>>
      %dma_wait3A_270 = tpu.memref_squeeze %dma_wait3A_269 : memref<1x128xi32, #tpu.memory_space<vmem>> -> memref<128xi32, #tpu.memory_space<vmem>>
      %dma_wait3A_271 = arith.constant 0 : i32
      %dma_wait3A_272 = arith.constant 0 : i32
      %dma_wait3A_273 = tpu.memref_slice %arg15[%dma_wait3A_271, %dma_wait3A_272] : memref<10240x128xf32, #tpu.memory_space<vmem_shared>> -> memref<10240x128xf32, #tpu.memory_space<vmem_shared>>
      tpu.wait_indirect_dma semaphore(%run_scoped3A_253 : memref<!tpu.dma_semaphore, #tpu.memory_space<semaphore_mem>>) src(%dma_wait3A_267 : memref<128x128xf32, #tpu.memory_space<vmem>>) dst(%dma_wait3A_273 : memref<10240x128xf32, #tpu.memory_space<vmem_shared>>)
      tpu.yield
    }) : () -> ()
    %dma_wait3A_191 = arith.constant 0 : i32
    %dma_wait3A_192 = arith.constant 0 : i32
    %dma_wait3A_193 = arith.constant 3 : i32
    %dma_wait3A_194 = arith.constant 0 : i32
    %dma_wait3A_195 = tpu.memref_slice %arg7[%dma_wait3A_193, %dma_wait3A_194] : memref<4x128xi32, #tpu.memory_space<vmem>> -> memref<1x128xi32, #tpu.memory_space<vmem>>
    %dma_wait3A_196 = tpu.memref_squeeze %dma_wait3A_195 : memref<1x128xi32, #tpu.memory_space<vmem>> -> memref<128xi32, #tpu.memory_space<vmem>>
    %dma_wait3A_197 = arith.constant 0 : i32
    %dma_wait3A_198 = tpu.memref_slice %arg3[%dma_wait3A_191, %dma_wait3A_192, %dma_wait3A_197] : memref<32x80x128xi32, #tpu.memory_space<hbm>> -> memref<1x1x128xi32, #tpu.memory_space<hbm>>
    %dma_wait3A_199 = tpu.memref_squeeze %dma_wait3A_198 : memref<1x1x128xi32, #tpu.memory_space<hbm>> -> memref<128xi32, #tpu.memory_space<hbm>>
    %dma_wait3A_200 = arith.constant 0 : i32
    %dma_wait3A_201 = tpu.memref_slice %arg7[%dma_wait3A_193, %dma_wait3A_200] : memref<4x128xi32, #tpu.memory_space<vmem>> -> memref<1x128xi32, #tpu.memory_space<vmem>>
    %dma_wait3A_202 = tpu.memref_squeeze %dma_wait3A_201 : memref<1x128xi32, #tpu.memory_space<vmem>> -> memref<128xi32, #tpu.memory_space<vmem>>
    %dma_wait3A_203 = arith.constant 0 : i32
    %dma_wait3A_204 = tpu.memref_slice %arg3[%dma_wait3A_191, %dma_wait3A_192, %dma_wait3A_203] : memref<32x80x128xi32, #tpu.memory_space<hbm>> -> memref<1x1x128xi32, #tpu.memory_space<hbm>>
    %dma_wait3A_205 = tpu.memref_squeeze %dma_wait3A_204 : memref<1x1x128xi32, #tpu.memory_space<hbm>> -> memref<128xi32, #tpu.memory_space<hbm>>
    tpu.wait_dma2 semaphore(%arg14 : memref<!tpu.dma_semaphore, #tpu.memory_space<semaphore_mem>>) src(%dma_wait3A_205 : memref<128xi32, #tpu.memory_space<hbm>>) dst(%dma_wait3A_202 : memref<128xi32, #tpu.memory_space<vmem>>)
    %dma_start3A_206 = arith.constant 3 : i32
    %dma_start3A_207 = arith.constant 1 : i32
    %dma_start3A_208 = arith.constant 0 : i32
    %dma_start3A_209 = arith.constant 0 : i32
    %dma_start3A_210 = tpu.memref_slice %arg8[%dma_start3A_207, %dma_start3A_208, %dma_start3A_209] : memref<2x128x128xf32, #tpu.memory_space<vmem>> -> memref<1x128x128xf32, #tpu.memory_space<vmem>>
    %dma_start3A_211 = tpu.memref_squeeze %dma_start3A_210 : memref<1x128x128xf32, #tpu.memory_space<vmem>> -> memref<128x128xf32, #tpu.memory_space<vmem>>
    %dma_start3A_212 = arith.constant 0 : i32
    %dma_start3A_213 = tpu.memref_slice %arg7[%dma_start3A_206, %dma_start3A_212] : memref<4x128xi32, #tpu.memory_space<vmem>> -> memref<1x128xi32, #tpu.memory_space<vmem>>
    %dma_start3A_214 = tpu.memref_squeeze %dma_start3A_213 : memref<1x128xi32, #tpu.memory_space<vmem>> -> memref<128xi32, #tpu.memory_space<vmem>>
    %dma_start3A_215 = arith.constant 0 : i32
    %dma_start3A_216 = arith.constant 0 : i32
    %dma_start3A_217 = tpu.memref_slice %arg2[%dma_start3A_215, %dma_start3A_216] : memref<10000x128xf32, #tpu.memory_space<hbm>> -> memref<10000x128xf32, #tpu.memory_space<hbm>>
    tpu.enqueue_indirect_dma source(%dma_start3A_217 : memref<10000x128xf32, #tpu.memory_space<hbm>>) target(%dma_start3A_211 : memref<128x128xf32, #tpu.memory_space<vmem>>) offsets(%dma_start3A_214 : memref<128xi32, #tpu.memory_space<vmem>>) semaphore(%arg10 : memref<!tpu.dma_semaphore, #tpu.memory_space<semaphore_mem>>)
    %dma_wait3A_218 = arith.constant 0 : i32
    %dma_wait3A_219 = arith.constant 0 : i32
    %dma_wait3A_220 = arith.constant 0 : i32
    %dma_wait3A_221 = arith.constant 0 : i32
    %dma_wait3A_222 = tpu.memref_slice %arg8[%dma_wait3A_219, %dma_wait3A_220, %dma_wait3A_221] : memref<2x128x128xf32, #tpu.memory_space<vmem>> -> memref<1x128x128xf32, #tpu.memory_space<vmem>>
    %dma_wait3A_223 = tpu.memref_squeeze %dma_wait3A_222 : memref<1x128x128xf32, #tpu.memory_space<vmem>> -> memref<128x128xf32, #tpu.memory_space<vmem>>
    %dma_wait3A_224 = arith.constant 0 : i32
    %dma_wait3A_225 = tpu.memref_slice %arg7[%dma_wait3A_218, %dma_wait3A_224] : memref<4x128xi32, #tpu.memory_space<vmem>> -> memref<1x128xi32, #tpu.memory_space<vmem>>
    %dma_wait3A_226 = tpu.memref_squeeze %dma_wait3A_225 : memref<1x128xi32, #tpu.memory_space<vmem>> -> memref<128xi32, #tpu.memory_space<vmem>>
    %dma_wait3A_227 = arith.constant 0 : i32
    %dma_wait3A_228 = arith.constant 0 : i32
    %dma_wait3A_229 = tpu.memref_slice %arg2[%dma_wait3A_227, %dma_wait3A_228] : memref<10000x128xf32, #tpu.memory_space<hbm>> -> memref<10000x128xf32, #tpu.memory_space<hbm>>
    tpu.wait_indirect_dma semaphore(%arg9 : memref<!tpu.dma_semaphore, #tpu.memory_space<semaphore_mem>>) src(%dma_wait3A_229 : memref<10000x128xf32, #tpu.memory_space<hbm>>) dst(%dma_wait3A_223 : memref<128x128xf32, #tpu.memory_space<vmem>>)
    %run_scoped3A_230 = arith.constant 0 : i32
    %run_scoped3A_231 = arith.constant 78 : i32
    "tpu.region"() ({
      %run_scoped3A_253 = tpu.sem_alloc : memref<!tpu.dma_semaphore, #tpu.memory_space<semaphore_mem>>
      %dma_start3A_254 = arith.constant 0 : i32
      %dma_start3A_255 = arith.constant 0 : i32
      %dma_start3A_256 = tpu.memref_slice %arg8[%run_scoped3A_230, %dma_start3A_254, %dma_start3A_255] : memref<2x128x128xf32, #tpu.memory_space<vmem>> -> memref<1x128x128xf32, #tpu.memory_space<vmem>>
      %dma_start3A_257 = tpu.memref_squeeze %dma_start3A_256 : memref<1x128x128xf32, #tpu.memory_space<vmem>> -> memref<128x128xf32, #tpu.memory_space<vmem>>
      %dma_start3A_258 = arith.constant 0 : i32
      %dma_start3A_259 = tpu.memref_slice %arg6[%run_scoped3A_231, %dma_start3A_258] : memref<80x128xi32, #tpu.memory_space<vmem>> -> memref<1x128xi32, #tpu.memory_space<vmem>>
      %dma_start3A_260 = tpu.memref_squeeze %dma_start3A_259 : memref<1x128xi32, #tpu.memory_space<vmem>> -> memref<128xi32, #tpu.memory_space<vmem>>
      %dma_start3A_261 = arith.constant 0 : i32
      %dma_start3A_262 = arith.constant 0 : i32
      %dma_start3A_263 = tpu.memref_slice %arg15[%dma_start3A_261, %dma_start3A_262] : memref<10240x128xf32, #tpu.memory_space<vmem_shared>> -> memref<10240x128xf32, #tpu.memory_space<vmem_shared>>
      tpu.enqueue_indirect_dma source(%dma_start3A_257 : memref<128x128xf32, #tpu.memory_space<vmem>>) target(%dma_start3A_263 : memref<10240x128xf32, #tpu.memory_space<vmem_shared>>) offsets(%dma_start3A_260 : memref<128xi32, #tpu.memory_space<vmem>>) semaphore(%run_scoped3A_253 : memref<!tpu.dma_semaphore, #tpu.memory_space<semaphore_mem>>) {add = true}
      %dma_wait3A_264 = arith.constant 0 : i32
      %dma_wait3A_265 = arith.constant 0 : i32
      %dma_wait3A_266 = tpu.memref_slice %arg8[%run_scoped3A_230, %dma_wait3A_264, %dma_wait3A_265] : memref<2x128x128xf32, #tpu.memory_space<vmem>> -> memref<1x128x128xf32, #tpu.memory_space<vmem>>
      %dma_wait3A_267 = tpu.memref_squeeze %dma_wait3A_266 : memref<1x128x128xf32, #tpu.memory_space<vmem>> -> memref<128x128xf32, #tpu.memory_space<vmem>>
      %dma_wait3A_268 = arith.constant 0 : i32
      %dma_wait3A_269 = tpu.memref_slice %arg6[%run_scoped3A_231, %dma_wait3A_268] : memref<80x128xi32, #tpu.memory_space<vmem>> -> memref<1x128xi32, #tpu.memory_space<vmem>>
      %dma_wait3A_270 = tpu.memref_squeeze %dma_wait3A_269 : memref<1x128xi32, #tpu.memory_space<vmem>> -> memref<128xi32, #tpu.memory_space<vmem>>
      %dma_wait3A_271 = arith.constant 0 : i32
      %dma_wait3A_272 = arith.constant 0 : i32
      %dma_wait3A_273 = tpu.memref_slice %arg15[%dma_wait3A_271, %dma_wait3A_272] : memref<10240x128xf32, #tpu.memory_space<vmem_shared>> -> memref<10240x128xf32, #tpu.memory_space<vmem_shared>>
      tpu.wait_indirect_dma semaphore(%run_scoped3A_253 : memref<!tpu.dma_semaphore, #tpu.memory_space<semaphore_mem>>) src(%dma_wait3A_267 : memref<128x128xf32, #tpu.memory_space<vmem>>) dst(%dma_wait3A_273 : memref<10240x128xf32, #tpu.memory_space<vmem_shared>>)
      tpu.yield
    }) : () -> ()
    %dma_wait3A_232 = arith.constant 0 : i32
    %dma_wait3A_233 = arith.constant 1 : i32
    %dma_wait3A_234 = arith.constant 0 : i32
    %dma_wait3A_235 = arith.constant 0 : i32
    %dma_wait3A_236 = tpu.memref_slice %arg8[%dma_wait3A_233, %dma_wait3A_234, %dma_wait3A_235] : memref<2x128x128xf32, #tpu.memory_space<vmem>> -> memref<1x128x128xf32, #tpu.memory_space<vmem>>
    %dma_wait3A_237 = tpu.memref_squeeze %dma_wait3A_236 : memref<1x128x128xf32, #tpu.memory_space<vmem>> -> memref<128x128xf32, #tpu.memory_space<vmem>>
    %dma_wait3A_238 = arith.constant 0 : i32
    %dma_wait3A_239 = tpu.memref_slice %arg7[%dma_wait3A_232, %dma_wait3A_238] : memref<4x128xi32, #tpu.memory_space<vmem>> -> memref<1x128xi32, #tpu.memory_space<vmem>>
    %dma_wait3A_240 = tpu.memref_squeeze %dma_wait3A_239 : memref<1x128xi32, #tpu.memory_space<vmem>> -> memref<128xi32, #tpu.memory_space<vmem>>
    %dma_wait3A_241 = arith.constant 0 : i32
    %dma_wait3A_242 = arith.constant 0 : i32
    %dma_wait3A_243 = tpu.memref_slice %arg2[%dma_wait3A_241, %dma_wait3A_242] : memref<10000x128xf32, #tpu.memory_space<hbm>> -> memref<10000x128xf32, #tpu.memory_space<hbm>>
    tpu.wait_indirect_dma semaphore(%arg10 : memref<!tpu.dma_semaphore, #tpu.memory_space<semaphore_mem>>) src(%dma_wait3A_243 : memref<10000x128xf32, #tpu.memory_space<hbm>>) dst(%dma_wait3A_237 : memref<128x128xf32, #tpu.memory_space<vmem>>)
    %run_scoped3A_244 = arith.constant 1 : i32
    %run_scoped3A_245 = arith.constant 79 : i32
    "tpu.region"() ({
      %run_scoped3A_253 = tpu.sem_alloc : memref<!tpu.dma_semaphore, #tpu.memory_space<semaphore_mem>>
      %dma_start3A_254 = arith.constant 0 : i32
      %dma_start3A_255 = arith.constant 0 : i32
      %dma_start3A_256 = tpu.memref_slice %arg8[%run_scoped3A_244, %dma_start3A_254, %dma_start3A_255] : memref<2x128x128xf32, #tpu.memory_space<vmem>> -> memref<1x128x128xf32, #tpu.memory_space<vmem>>
      %dma_start3A_257 = tpu.memref_squeeze %dma_start3A_256 : memref<1x128x128xf32, #tpu.memory_space<vmem>> -> memref<128x128xf32, #tpu.memory_space<vmem>>
      %dma_start3A_258 = arith.constant 0 : i32
      %dma_start3A_259 = tpu.memref_slice %arg6[%run_scoped3A_245, %dma_start3A_258] : memref<80x128xi32, #tpu.memory_space<vmem>> -> memref<1x128xi32, #tpu.memory_space<vmem>>
      %dma_start3A_260 = tpu.memref_squeeze %dma_start3A_259 : memref<1x128xi32, #tpu.memory_space<vmem>> -> memref<128xi32, #tpu.memory_space<vmem>>
      %dma_start3A_261 = arith.constant 0 : i32
      %dma_start3A_262 = arith.constant 0 : i32
      %dma_start3A_263 = tpu.memref_slice %arg15[%dma_start3A_261, %dma_start3A_262] : memref<10240x128xf32, #tpu.memory_space<vmem_shared>> -> memref<10240x128xf32, #tpu.memory_space<vmem_shared>>
      tpu.enqueue_indirect_dma source(%dma_start3A_257 : memref<128x128xf32, #tpu.memory_space<vmem>>) target(%dma_start3A_263 : memref<10240x128xf32, #tpu.memory_space<vmem_shared>>) offsets(%dma_start3A_260 : memref<128xi32, #tpu.memory_space<vmem>>) semaphore(%run_scoped3A_253 : memref<!tpu.dma_semaphore, #tpu.memory_space<semaphore_mem>>) {add = true}
      %dma_wait3A_264 = arith.constant 0 : i32
      %dma_wait3A_265 = arith.constant 0 : i32
      %dma_wait3A_266 = tpu.memref_slice %arg8[%run_scoped3A_244, %dma_wait3A_264, %dma_wait3A_265] : memref<2x128x128xf32, #tpu.memory_space<vmem>> -> memref<1x128x128xf32, #tpu.memory_space<vmem>>
      %dma_wait3A_267 = tpu.memref_squeeze %dma_wait3A_266 : memref<1x128x128xf32, #tpu.memory_space<vmem>> -> memref<128x128xf32, #tpu.memory_space<vmem>>
      %dma_wait3A_268 = arith.constant 0 : i32
      %dma_wait3A_269 = tpu.memref_slice %arg6[%run_scoped3A_245, %dma_wait3A_268] : memref<80x128xi32, #tpu.memory_space<vmem>> -> memref<1x128xi32, #tpu.memory_space<vmem>>
      %dma_wait3A_270 = tpu.memref_squeeze %dma_wait3A_269 : memref<1x128xi32, #tpu.memory_space<vmem>> -> memref<128xi32, #tpu.memory_space<vmem>>
      %dma_wait3A_271 = arith.constant 0 : i32
      %dma_wait3A_272 = arith.constant 0 : i32
      %dma_wait3A_273 = tpu.memref_slice %arg15[%dma_wait3A_271, %dma_wait3A_272] : memref<10240x128xf32, #tpu.memory_space<vmem_shared>> -> memref<10240x128xf32, #tpu.memory_space<vmem_shared>>
      tpu.wait_indirect_dma semaphore(%run_scoped3A_253 : memref<!tpu.dma_semaphore, #tpu.memory_space<semaphore_mem>>) src(%dma_wait3A_267 : memref<128x128xf32, #tpu.memory_space<vmem>>) dst(%dma_wait3A_273 : memref<10240x128xf32, #tpu.memory_space<vmem_shared>>)
      tpu.yield
    }) : () -> ()
    %barrier3A_246 = arith.constant 0 : index
    tpu.barrier barrier_id(%barrier3A_246)
    %scan3A_247 = arith.constant 0 : i32
    %scan3A_248 = arith.constant 0 : i32
    %scan3A_249 = arith.constant 5 : i32
    %scan3A_250 = arith.addi %scan3A_248, %scan3A_249 : i32
    %scan3A_251 = arith.constant 1 : i32
    scf.for %scan3A_253 = %scan3A_248 to %scan3A_250 step %scan3A_251  : i32 {
      %mul3A_254 = arith.constant 128 : i32
      %mul3A_255 = arith.muli %scan3A_253, %mul3A_254 : i32
      %add3A_256 = arith.addi %mul3A_7, %mul3A_255 : i32
      %run_scoped3A_257 = arith.constant 0 : i32
      "tpu.region"() ({
        %run_scoped3A_262 = tpu.sem_alloc : memref<!tpu.dma_semaphore, #tpu.memory_space<semaphore_mem>>
        %dma_start3A_263 = arith.constant 0 : i32
        %dma_start3A_264 = arith.constant 0 : i32
        %dma_start3A_265 = tpu.memref_slice %arg8[%run_scoped3A_257, %dma_start3A_263, %dma_start3A_264] : memref<2x128x128xf32, #tpu.memory_space<vmem>> -> memref<1x128x128xf32, #tpu.memory_space<vmem>>
        %dma_start3A_266 = tpu.memref_squeeze %dma_start3A_265 : memref<1x128x128xf32, #tpu.memory_space<vmem>> -> memref<128x128xf32, #tpu.memory_space<vmem>>
        %dma_start3A_267 = arith.constant 0 : i32
        %dma_start3A_268 = tpu.memref_slice %arg15[%add3A_256, %dma_start3A_267] : memref<10240x128xf32, #tpu.memory_space<vmem_shared>> -> memref<128x128xf32, #tpu.memory_space<vmem_shared>>
        %dma_start3A_269 = arith.constant 0 : i32
        %dma_start3A_270 = arith.constant 0 : i32
        %dma_start3A_271 = tpu.memref_slice %arg8[%run_scoped3A_257, %dma_start3A_269, %dma_start3A_270] : memref<2x128x128xf32, #tpu.memory_space<vmem>> -> memref<1x128x128xf32, #tpu.memory_space<vmem>>
        %dma_start3A_272 = tpu.memref_squeeze %dma_start3A_271 : memref<1x128x128xf32, #tpu.memory_space<vmem>> -> memref<128x128xf32, #tpu.memory_space<vmem>>
        %dma_start3A_273 = arith.constant 0 : i32
        %dma_start3A_274 = tpu.memref_slice %arg15[%add3A_256, %dma_start3A_273] : memref<10240x128xf32, #tpu.memory_space<vmem_shared>> -> memref<128x128xf32, #tpu.memory_space<vmem_shared>>
        tpu.enqueue_dma source(%dma_start3A_274 : memref<128x128xf32, #tpu.memory_space<vmem_shared>>) target(%dma_start3A_272 : memref<128x128xf32, #tpu.memory_space<vmem>>) target_semaphore(%run_scoped3A_262 : memref<!tpu.dma_semaphore, #tpu.memory_space<semaphore_mem>>)
        %dma_wait3A_275 = arith.constant 0 : i32
        %dma_wait3A_276 = arith.constant 0 : i32
        %dma_wait3A_277 = tpu.memref_slice %arg8[%run_scoped3A_257, %dma_wait3A_275, %dma_wait3A_276] : memref<2x128x128xf32, #tpu.memory_space<vmem>> -> memref<1x128x128xf32, #tpu.memory_space<vmem>>
        %dma_wait3A_278 = tpu.memref_squeeze %dma_wait3A_277 : memref<1x128x128xf32, #tpu.memory_space<vmem>> -> memref<128x128xf32, #tpu.memory_space<vmem>>
        %dma_wait3A_279 = arith.constant 0 : i32
        %dma_wait3A_280 = tpu.memref_slice %arg15[%add3A_256, %dma_wait3A_279] : memref<10240x128xf32, #tpu.memory_space<vmem_shared>> -> memref<128x128xf32, #tpu.memory_space<vmem_shared>>
        %dma_wait3A_281 = arith.constant 0 : i32
        %dma_wait3A_282 = arith.constant 0 : i32
        %dma_wait3A_283 = tpu.memref_slice %arg8[%run_scoped3A_257, %dma_wait3A_281, %dma_wait3A_282] : memref<2x128x128xf32, #tpu.memory_space<vmem>> -> memref<1x128x128xf32, #tpu.memory_space<vmem>>
        %dma_wait3A_284 = tpu.memref_squeeze %dma_wait3A_283 : memref<1x128x128xf32, #tpu.memory_space<vmem>> -> memref<128x128xf32, #tpu.memory_space<vmem>>
        %dma_wait3A_285 = arith.constant 0 : i32
        %dma_wait3A_286 = tpu.memref_slice %arg15[%add3A_256, %dma_wait3A_285] : memref<10240x128xf32, #tpu.memory_space<vmem_shared>> -> memref<128x128xf32, #tpu.memory_space<vmem_shared>>
        tpu.wait_dma2 semaphore(%run_scoped3A_262 : memref<!tpu.dma_semaphore, #tpu.memory_space<semaphore_mem>>) src(%dma_wait3A_286 : memref<128x128xf32, #tpu.memory_space<vmem_shared>>) dst(%dma_wait3A_284 : memref<128x128xf32, #tpu.memory_space<vmem>>)
        tpu.yield
      }) : () -> ()
      %mul3A_258 = arith.constant 128 : i32
      %mul3A_259 = arith.muli %scan3A_253, %mul3A_258 : i32
      %add3A_260 = arith.addi %mul3A_7, %mul3A_259 : i32
      %run_scoped3A_261 = arith.constant 0 : i32
      "tpu.region"() ({
        %run_scoped3A_262 = tpu.sem_alloc : memref<!tpu.dma_semaphore, #tpu.memory_space<semaphore_mem>>
        %dma_start3A_263 = arith.constant 0 : i32
        %dma_start3A_264 = arith.constant 0 : i32
        %dma_start3A_265 = tpu.memref_slice %arg8[%run_scoped3A_261, %dma_start3A_263, %dma_start3A_264] : memref<2x128x128xf32, #tpu.memory_space<vmem>> -> memref<1x128x128xf32, #tpu.memory_space<vmem>>
        %dma_start3A_266 = tpu.memref_squeeze %dma_start3A_265 : memref<1x128x128xf32, #tpu.memory_space<vmem>> -> memref<128x128xf32, #tpu.memory_space<vmem>>
        %dma_start3A_267 = arith.constant 0 : i32
        %dma_start3A_268 = tpu.memref_slice %arg5[%arg0, %add3A_260, %dma_start3A_267] : memref<2x10240x128xf32, #tpu.memory_space<hbm>> -> memref<1x128x128xf32, #tpu.memory_space<hbm>>
        %dma_start3A_269 = tpu.memref_squeeze %dma_start3A_268 : memref<1x128x128xf32, #tpu.memory_space<hbm>> -> memref<128x128xf32, #tpu.memory_space<hbm>>
        %dma_start3A_270 = arith.constant 0 : i32
        %dma_start3A_271 = tpu.memref_slice %arg5[%arg0, %add3A_260, %dma_start3A_270] : memref<2x10240x128xf32, #tpu.memory_space<hbm>> -> memref<1x128x128xf32, #tpu.memory_space<hbm>>
        %dma_start3A_272 = tpu.memref_squeeze %dma_start3A_271 : memref<1x128x128xf32, #tpu.memory_space<hbm>> -> memref<128x128xf32, #tpu.memory_space<hbm>>
        %dma_start3A_273 = arith.constant 0 : i32
        %dma_start3A_274 = arith.constant 0 : i32
        %dma_start3A_275 = tpu.memref_slice %arg8[%run_scoped3A_261, %dma_start3A_273, %dma_start3A_274] : memref<2x128x128xf32, #tpu.memory_space<vmem>> -> memref<1x128x128xf32, #tpu.memory_space<vmem>>
        %dma_start3A_276 = tpu.memref_squeeze %dma_start3A_275 : memref<1x128x128xf32, #tpu.memory_space<vmem>> -> memref<128x128xf32, #tpu.memory_space<vmem>>
        tpu.enqueue_dma source(%dma_start3A_276 : memref<128x128xf32, #tpu.memory_space<vmem>>) target(%dma_start3A_272 : memref<128x128xf32, #tpu.memory_space<hbm>>) target_semaphore(%run_scoped3A_262 : memref<!tpu.dma_semaphore, #tpu.memory_space<semaphore_mem>>)
        %dma_wait3A_277 = arith.constant 0 : i32
        %dma_wait3A_278 = arith.constant 0 : i32
        %dma_wait3A_279 = tpu.memref_slice %arg8[%run_scoped3A_261, %dma_wait3A_277, %dma_wait3A_278] : memref<2x128x128xf32, #tpu.memory_space<vmem>> -> memref<1x128x128xf32, #tpu.memory_space<vmem>>
        %dma_wait3A_280 = tpu.memref_squeeze %dma_wait3A_279 : memref<1x128x128xf32, #tpu.memory_space<vmem>> -> memref<128x128xf32, #tpu.memory_space<vmem>>
        %dma_wait3A_281 = arith.constant 0 : i32
        %dma_wait3A_282 = tpu.memref_slice %arg5[%arg0, %add3A_260, %dma_wait3A_281] : memref<2x10240x128xf32, #tpu.memory_space<hbm>> -> memref<1x128x128xf32, #tpu.memory_space<hbm>>
        %dma_wait3A_283 = tpu.memref_squeeze %dma_wait3A_282 : memref<1x128x128xf32, #tpu.memory_space<hbm>> -> memref<128x128xf32, #tpu.memory_space<hbm>>
        %dma_wait3A_284 = arith.constant 0 : i32
        %dma_wait3A_285 = tpu.memref_slice %arg5[%arg0, %add3A_260, %dma_wait3A_284] : memref<2x10240x128xf32, #tpu.memory_space<hbm>> -> memref<1x128x128xf32, #tpu.memory_space<hbm>>
        %dma_wait3A_286 = tpu.memref_squeeze %dma_wait3A_285 : memref<1x128x128xf32, #tpu.memory_space<hbm>> -> memref<128x128xf32, #tpu.memory_space<hbm>>
        %dma_wait3A_287 = arith.constant 0 : i32
        %dma_wait3A_288 = arith.constant 0 : i32
        %dma_wait3A_289 = tpu.memref_slice %arg8[%run_scoped3A_261, %dma_wait3A_287, %dma_wait3A_288] : memref<2x128x128xf32, #tpu.memory_space<vmem>> -> memref<1x128x128xf32, #tpu.memory_space<vmem>>
        %dma_wait3A_290 = tpu.memref_squeeze %dma_wait3A_289 : memref<1x128x128xf32, #tpu.memory_space<vmem>> -> memref<128x128xf32, #tpu.memory_space<vmem>>
        tpu.wait_dma2 semaphore(%run_scoped3A_262 : memref<!tpu.dma_semaphore, #tpu.memory_space<semaphore_mem>>) src(%dma_wait3A_290 : memref<128x128xf32, #tpu.memory_space<vmem>>) dst(%dma_wait3A_286 : memref<128x128xf32, #tpu.memory_space<hbm>>)
        tpu.yield
      }) : () -> ()
    }
    %scan3A_252 = arith.constant 5 : i32
    return
  }
}

#map = affine_map<(d0, d1) -> (0, 0, 0)>
#map1 = affine_map<(d0, d1) -> (0, 0)>
module attributes {stable_mosaic.version = 14 : i64} {
  func.func @_deg_body(%arg0: i32, %arg1: i32, %arg2: memref<32x80x128xi32, #tpu.memory_space<hbm>>, %arg3: memref<2x10240xf32, #tpu.memory_space<hbm>>, %arg4: memref<80x128xi32, #tpu.memory_space<vmem>>, %arg5: memref<128xf32, #tpu.memory_space<vmem>>, %arg6: memref<640xf32, #tpu.memory_space<vmem>>, %arg7: memref<10240xf32, #tpu.memory_space<vmem_shared>>) attributes {dimension_semantics = [#tpu.dimension_semantics<core_parallel>, #tpu.dimension_semantics<subcore_parallel>], iteration_bounds = array<i64: 2, 16>, scalar_prefetch = 0 : i64, scratch_operands = 4 : i64, tpu.core_type = #tpu.core_type<sc_vector_subcore>, window_params = [{transform_indices = #map}, {transform_indices = #map1}]} {
    %mul3A = arith.constant 16 : i32
    %mul3A_0 = arith.muli %arg0, %mul3A : i32
    %add3A = arith.addi %mul3A_0, %arg1 : i32
    "tpu.region"() ({
      %run_scoped3A = tpu.sem_alloc : memref<!tpu.dma_semaphore, #tpu.memory_space<semaphore_mem>>
      %dma_start3A = arith.constant 0 : i32
      %dma_start3A_61 = arith.constant 0 : i32
      %dma_start3A_62 = tpu.memref_slice %arg2[%add3A, %dma_start3A, %dma_start3A_61] : memref<32x80x128xi32, #tpu.memory_space<hbm>> -> memref<1x80x128xi32, #tpu.memory_space<hbm>>
      %dma_start3A_63 = tpu.memref_squeeze %dma_start3A_62 : memref<1x80x128xi32, #tpu.memory_space<hbm>> -> memref<80x128xi32, #tpu.memory_space<hbm>>
      %dma_start3A_64 = arith.constant 0 : i32
      %dma_start3A_65 = arith.constant 0 : i32
      %dma_start3A_66 = tpu.memref_slice %arg2[%add3A, %dma_start3A_64, %dma_start3A_65] : memref<32x80x128xi32, #tpu.memory_space<hbm>> -> memref<1x80x128xi32, #tpu.memory_space<hbm>>
      %dma_start3A_67 = tpu.memref_squeeze %dma_start3A_66 : memref<1x80x128xi32, #tpu.memory_space<hbm>> -> memref<80x128xi32, #tpu.memory_space<hbm>>
      tpu.enqueue_dma source(%dma_start3A_67 : memref<80x128xi32, #tpu.memory_space<hbm>>) target(%arg4 : memref<80x128xi32, #tpu.memory_space<vmem>>) target_semaphore(%run_scoped3A : memref<!tpu.dma_semaphore, #tpu.memory_space<semaphore_mem>>)
      %dma_wait3A = arith.constant 0 : i32
      %dma_wait3A_68 = arith.constant 0 : i32
      %dma_wait3A_69 = tpu.memref_slice %arg2[%add3A, %dma_wait3A, %dma_wait3A_68] : memref<32x80x128xi32, #tpu.memory_space<hbm>> -> memref<1x80x128xi32, #tpu.memory_space<hbm>>
      %dma_wait3A_70 = tpu.memref_squeeze %dma_wait3A_69 : memref<1x80x128xi32, #tpu.memory_space<hbm>> -> memref<80x128xi32, #tpu.memory_space<hbm>>
      %dma_wait3A_71 = arith.constant 0 : i32
      %dma_wait3A_72 = arith.constant 0 : i32
      %dma_wait3A_73 = tpu.memref_slice %arg2[%add3A, %dma_wait3A_71, %dma_wait3A_72] : memref<32x80x128xi32, #tpu.memory_space<hbm>> -> memref<1x80x128xi32, #tpu.memory_space<hbm>>
      %dma_wait3A_74 = tpu.memref_squeeze %dma_wait3A_73 : memref<1x80x128xi32, #tpu.memory_space<hbm>> -> memref<80x128xi32, #tpu.memory_space<hbm>>
      tpu.wait_dma2 semaphore(%run_scoped3A : memref<!tpu.dma_semaphore, #tpu.memory_space<semaphore_mem>>) src(%dma_wait3A_74 : memref<80x128xi32, #tpu.memory_space<hbm>>) dst(%arg4 : memref<80x128xi32, #tpu.memory_space<vmem>>)
      tpu.yield
    }) : () -> ()
    %broadcast_in_dim3A = arith.constant 1.000000e+00 : f32
    %broadcast_in_dim3A_1 = vector.broadcast %broadcast_in_dim3A : f32 to vector<16xf32>
    %swap3A = arith.constant 0 : index
    %swap3A_2 = tpu.vector_load %arg5[%swap3A] {strides = array<i32>} : memref<128xf32, #tpu.memory_space<vmem>>, vector<16xf32>,
    %swap3A_3 = vector.shape_cast %swap3A_2 : vector<16xf32> to vector<16xf32>
    %swap3A_4 = vector.shape_cast %broadcast_in_dim3A_1 : vector<16xf32> to vector<16xf32>
    tpu.vector_store %arg5[%swap3A], %swap3A_4 {strides = array<i32>} : memref<128xf32, #tpu.memory_space<vmem>>, vector<16xf32>,
    %broadcast_in_dim3A_5 = arith.constant 1.000000e+00 : f32
    %broadcast_in_dim3A_6 = vector.broadcast %broadcast_in_dim3A_5 : f32 to vector<16xf32>
    %swap3A_7 = arith.constant 16 : index
    %swap3A_8 = tpu.vector_load %arg5[%swap3A_7] {strides = array<i32>} : memref<128xf32, #tpu.memory_space<vmem>>, vector<16xf32>,
    %swap3A_9 = vector.shape_cast %swap3A_8 : vector<16xf32> to vector<16xf32>
    %swap3A_10 = vector.shape_cast %broadcast_in_dim3A_6 : vector<16xf32> to vector<16xf32>
    tpu.vector_store %arg5[%swap3A_7], %swap3A_10 {strides = array<i32>} : memref<128xf32, #tpu.memory_space<vmem>>, vector<16xf32>,
    %broadcast_in_dim3A_11 = arith.constant 1.000000e+00 : f32
    %broadcast_in_dim3A_12 = vector.broadcast %broadcast_in_dim3A_11 : f32 to vector<16xf32>
    %swap3A_13 = arith.constant 32 : index
    %swap3A_14 = tpu.vector_load %arg5[%swap3A_13] {strides = array<i32>} : memref<128xf32, #tpu.memory_space<vmem>>, vector<16xf32>,
    %swap3A_15 = vector.shape_cast %swap3A_14 : vector<16xf32> to vector<16xf32>
    %swap3A_16 = vector.shape_cast %broadcast_in_dim3A_12 : vector<16xf32> to vector<16xf32>
    tpu.vector_store %arg5[%swap3A_13], %swap3A_16 {strides = array<i32>} : memref<128xf32, #tpu.memory_space<vmem>>, vector<16xf32>,
    %broadcast_in_dim3A_17 = arith.constant 1.000000e+00 : f32
    %broadcast_in_dim3A_18 = vector.broadcast %broadcast_in_dim3A_17 : f32 to vector<16xf32>
    %swap3A_19 = arith.constant 48 : index
    %swap3A_20 = tpu.vector_load %arg5[%swap3A_19] {strides = array<i32>} : memref<128xf32, #tpu.memory_space<vmem>>, vector<16xf32>,
    %swap3A_21 = vector.shape_cast %swap3A_20 : vector<16xf32> to vector<16xf32>
    %swap3A_22 = vector.shape_cast %broadcast_in_dim3A_18 : vector<16xf32> to vector<16xf32>
    tpu.vector_store %arg5[%swap3A_19], %swap3A_22 {strides = array<i32>} : memref<128xf32, #tpu.memory_space<vmem>>, vector<16xf32>,
    %broadcast_in_dim3A_23 = arith.constant 1.000000e+00 : f32
    %broadcast_in_dim3A_24 = vector.broadcast %broadcast_in_dim3A_23 : f32 to vector<16xf32>
    %swap3A_25 = arith.constant 64 : index
    %swap3A_26 = tpu.vector_load %arg5[%swap3A_25] {strides = array<i32>} : memref<128xf32, #tpu.memory_space<vmem>>, vector<16xf32>,
    %swap3A_27 = vector.shape_cast %swap3A_26 : vector<16xf32> to vector<16xf32>
    %swap3A_28 = vector.shape_cast %broadcast_in_dim3A_24 : vector<16xf32> to vector<16xf32>
    tpu.vector_store %arg5[%swap3A_25], %swap3A_28 {strides = array<i32>} : memref<128xf32, #tpu.memory_space<vmem>>, vector<16xf32>,
    %broadcast_in_dim3A_29 = arith.constant 1.000000e+00 : f32
    %broadcast_in_dim3A_30 = vector.broadcast %broadcast_in_dim3A_29 : f32 to vector<16xf32>
    %swap3A_31 = arith.constant 80 : index
    %swap3A_32 = tpu.vector_load %arg5[%swap3A_31] {strides = array<i32>} : memref<128xf32, #tpu.memory_space<vmem>>, vector<16xf32>,
    %swap3A_33 = vector.shape_cast %swap3A_32 : vector<16xf32> to vector<16xf32>
    %swap3A_34 = vector.shape_cast %broadcast_in_dim3A_30 : vector<16xf32> to vector<16xf32>
    tpu.vector_store %arg5[%swap3A_31], %swap3A_34 {strides = array<i32>} : memref<128xf32, #tpu.memory_space<vmem>>, vector<16xf32>,
    %broadcast_in_dim3A_35 = arith.constant 1.000000e+00 : f32
    %broadcast_in_dim3A_36 = vector.broadcast %broadcast_in_dim3A_35 : f32 to vector<16xf32>
    %swap3A_37 = arith.constant 96 : index
    %swap3A_38 = tpu.vector_load %arg5[%swap3A_37] {strides = array<i32>} : memref<128xf32, #tpu.memory_space<vmem>>, vector<16xf32>,
    %swap3A_39 = vector.shape_cast %swap3A_38 : vector<16xf32> to vector<16xf32>
    %swap3A_40 = vector.shape_cast %broadcast_in_dim3A_36 : vector<16xf32> to vector<16xf32>
    tpu.vector_store %arg5[%swap3A_37], %swap3A_40 {strides = array<i32>} : memref<128xf32, #tpu.memory_space<vmem>>, vector<16xf32>,
    %broadcast_in_dim3A_41 = arith.constant 1.000000e+00 : f32
    %broadcast_in_dim3A_42 = vector.broadcast %broadcast_in_dim3A_41 : f32 to vector<16xf32>
    %swap3A_43 = arith.constant 112 : index
    %swap3A_44 = tpu.vector_load %arg5[%swap3A_43] {strides = array<i32>} : memref<128xf32, #tpu.memory_space<vmem>>, vector<16xf32>,
    %swap3A_45 = vector.shape_cast %swap3A_44 : vector<16xf32> to vector<16xf32>
    %swap3A_46 = vector.shape_cast %broadcast_in_dim3A_42 : vector<16xf32> to vector<16xf32>
    tpu.vector_store %arg5[%swap3A_43], %swap3A_46 {strides = array<i32>} : memref<128xf32, #tpu.memory_space<vmem>>, vector<16xf32>,
    %scan3A = arith.constant 0 : i32
    %scan3A_47 = arith.constant 0 : i32
    %scan3A_48 = arith.constant 40 : i32
    %scan3A_49 = arith.addi %scan3A_47, %scan3A_48 : i32
    %scan3A_50 = arith.constant 1 : i32
    scf.for %scan3A_61 = %scan3A_47 to %scan3A_49 step %scan3A_50  : i32 {
      %broadcast_in_dim3A_62 = arith.constant 0.000000e+00 : f32
      %broadcast_in_dim3A_63 = vector.broadcast %broadcast_in_dim3A_62 : f32 to vector<16xf32>
      %mul3A_64 = arith.constant 16 : i32
      %mul3A_65 = arith.muli %scan3A_61, %mul3A_64 : i32
      %swap3A_66 = arith.index_cast %mul3A_65 : i32 to index
      %swap3A_67 = tpu.vector_load %arg6[%swap3A_66] {strides = array<i32>} : memref<640xf32, #tpu.memory_space<vmem>>, vector<16xf32>,
      %swap3A_68 = vector.shape_cast %swap3A_67 : vector<16xf32> to vector<16xf32>
      %swap3A_69 = vector.shape_cast %broadcast_in_dim3A_63 : vector<16xf32> to vector<16xf32>
      tpu.vector_store %arg6[%swap3A_66], %swap3A_69 {strides = array<i32>} : memref<640xf32, #tpu.memory_space<vmem>>, vector<16xf32>,
    }
    %scan3A_51 = arith.constant 40 : i32
    %mul3A_52 = arith.constant 640 : i32
    %mul3A_53 = arith.muli %arg1, %mul3A_52 : i32
    "tpu.region"() ({
      %run_scoped3A = tpu.sem_alloc : memref<!tpu.dma_semaphore, #tpu.memory_space<semaphore_mem>>
      %dma_start3A = tpu.memref_slice %arg7[%mul3A_53] : memref<10240xf32, #tpu.memory_space<vmem_shared>> -> memref<640xf32, #tpu.memory_space<vmem_shared>>
      %dma_start3A_61 = tpu.memref_slice %arg7[%mul3A_53] : memref<10240xf32, #tpu.memory_space<vmem_shared>> -> memref<640xf32, #tpu.memory_space<vmem_shared>>
      tpu.enqueue_dma source(%arg6 : memref<640xf32, #tpu.memory_space<vmem>>) target(%dma_start3A_61 : memref<640xf32, #tpu.memory_space<vmem_shared>>) target_semaphore(%run_scoped3A : memref<!tpu.dma_semaphore, #tpu.memory_space<semaphore_mem>>)
      %dma_wait3A = tpu.memref_slice %arg7[%mul3A_53] : memref<10240xf32, #tpu.memory_space<vmem_shared>> -> memref<640xf32, #tpu.memory_space<vmem_shared>>
      %dma_wait3A_62 = tpu.memref_slice %arg7[%mul3A_53] : memref<10240xf32, #tpu.memory_space<vmem_shared>> -> memref<640xf32, #tpu.memory_space<vmem_shared>>
      tpu.wait_dma2 semaphore(%run_scoped3A : memref<!tpu.dma_semaphore, #tpu.memory_space<semaphore_mem>>) src(%arg6 : memref<640xf32, #tpu.memory_space<vmem>>) dst(%dma_wait3A_62 : memref<640xf32, #tpu.memory_space<vmem_shared>>)
      tpu.yield
    }) : () -> ()
    %barrier3A = arith.constant 0 : index
    tpu.barrier barrier_id(%barrier3A)
    %scan3A_54 = arith.constant 0 : i32
    %scan3A_55 = arith.constant 0 : i32
    %scan3A_56 = arith.constant 80 : i32
    %scan3A_57 = arith.addi %scan3A_55, %scan3A_56 : i32
    %scan3A_58 = arith.constant 1 : i32
    scf.for %scan3A_61 = %scan3A_55 to %scan3A_57 step %scan3A_58  : i32 {
      "tpu.region"() ({
        %run_scoped3A = tpu.sem_alloc : memref<!tpu.dma_semaphore, #tpu.memory_space<semaphore_mem>>
        %dma_start3A = arith.constant 0 : i32
        %dma_start3A_62 = tpu.memref_slice %arg4[%scan3A_61, %dma_start3A] : memref<80x128xi32, #tpu.memory_space<vmem>> -> memref<1x128xi32, #tpu.memory_space<vmem>>
        %dma_start3A_63 = tpu.memref_squeeze %dma_start3A_62 : memref<1x128xi32, #tpu.memory_space<vmem>> -> memref<128xi32, #tpu.memory_space<vmem>>
        %dma_start3A_64 = arith.constant 0 : i32
        %dma_start3A_65 = tpu.memref_slice %arg7[%dma_start3A_64] : memref<10240xf32, #tpu.memory_space<vmem_shared>> -> memref<10240xf32, #tpu.memory_space<vmem_shared>>
        tpu.enqueue_indirect_dma source(%arg5 : memref<128xf32, #tpu.memory_space<vmem>>) target(%dma_start3A_65 : memref<10240xf32, #tpu.memory_space<vmem_shared>>) offsets(%dma_start3A_63 : memref<128xi32, #tpu.memory_space<vmem>>) semaphore(%run_scoped3A : memref<!tpu.dma_semaphore, #tpu.memory_space<semaphore_mem>>) {add = true}
        %dma_wait3A = arith.constant 0 : i32
        %dma_wait3A_66 = tpu.memref_slice %arg4[%scan3A_61, %dma_wait3A] : memref<80x128xi32, #tpu.memory_space<vmem>> -> memref<1x128xi32, #tpu.memory_space<vmem>>
        %dma_wait3A_67 = tpu.memref_squeeze %dma_wait3A_66 : memref<1x128xi32, #tpu.memory_space<vmem>> -> memref<128xi32, #tpu.memory_space<vmem>>
        %dma_wait3A_68 = arith.constant 0 : i32
        %dma_wait3A_69 = tpu.memref_slice %arg7[%dma_wait3A_68] : memref<10240xf32, #tpu.memory_space<vmem_shared>> -> memref<10240xf32, #tpu.memory_space<vmem_shared>>
        tpu.wait_indirect_dma semaphore(%run_scoped3A : memref<!tpu.dma_semaphore, #tpu.memory_space<semaphore_mem>>) src(%arg5 : memref<128xf32, #tpu.memory_space<vmem>>) dst(%dma_wait3A_69 : memref<10240xf32, #tpu.memory_space<vmem_shared>>)
        tpu.yield
      }) : () -> ()
    }
    %scan3A_59 = arith.constant 80 : i32
    %barrier3A_60 = arith.constant 0 : index
    tpu.barrier barrier_id(%barrier3A_60)
    "tpu.region"() ({
      %run_scoped3A = tpu.sem_alloc : memref<!tpu.dma_semaphore, #tpu.memory_space<semaphore_mem>>
      %dma_start3A = tpu.memref_slice %arg7[%mul3A_53] : memref<10240xf32, #tpu.memory_space<vmem_shared>> -> memref<640xf32, #tpu.memory_space<vmem_shared>>
      %dma_start3A_61 = tpu.memref_slice %arg7[%mul3A_53] : memref<10240xf32, #tpu.memory_space<vmem_shared>> -> memref<640xf32, #tpu.memory_space<vmem_shared>>
      tpu.enqueue_dma source(%dma_start3A_61 : memref<640xf32, #tpu.memory_space<vmem_shared>>) target(%arg6 : memref<640xf32, #tpu.memory_space<vmem>>) target_semaphore(%run_scoped3A : memref<!tpu.dma_semaphore, #tpu.memory_space<semaphore_mem>>)
      %dma_wait3A = tpu.memref_slice %arg7[%mul3A_53] : memref<10240xf32, #tpu.memory_space<vmem_shared>> -> memref<640xf32, #tpu.memory_space<vmem_shared>>
      %dma_wait3A_62 = tpu.memref_slice %arg7[%mul3A_53] : memref<10240xf32, #tpu.memory_space<vmem_shared>> -> memref<640xf32, #tpu.memory_space<vmem_shared>>
      tpu.wait_dma2 semaphore(%run_scoped3A : memref<!tpu.dma_semaphore, #tpu.memory_space<semaphore_mem>>) src(%dma_wait3A_62 : memref<640xf32, #tpu.memory_space<vmem_shared>>) dst(%arg6 : memref<640xf32, #tpu.memory_space<vmem>>)
      tpu.yield
    }) : () -> ()
    "tpu.region"() ({
      %run_scoped3A = tpu.sem_alloc : memref<!tpu.dma_semaphore, #tpu.memory_space<semaphore_mem>>
      %dma_start3A = tpu.memref_slice %arg3[%arg0, %mul3A_53] : memref<2x10240xf32, #tpu.memory_space<hbm>> -> memref<1x640xf32, #tpu.memory_space<hbm>>
      %dma_start3A_61 = tpu.memref_squeeze %dma_start3A : memref<1x640xf32, #tpu.memory_space<hbm>> -> memref<640xf32, #tpu.memory_space<hbm>>
      %dma_start3A_62 = tpu.memref_slice %arg3[%arg0, %mul3A_53] : memref<2x10240xf32, #tpu.memory_space<hbm>> -> memref<1x640xf32, #tpu.memory_space<hbm>>
      %dma_start3A_63 = tpu.memref_squeeze %dma_start3A_62 : memref<1x640xf32, #tpu.memory_space<hbm>> -> memref<640xf32, #tpu.memory_space<hbm>>
      tpu.enqueue_dma source(%arg6 : memref<640xf32, #tpu.memory_space<vmem>>) target(%dma_start3A_63 : memref<640xf32, #tpu.memory_space<hbm>>) target_semaphore(%run_scoped3A : memref<!tpu.dma_semaphore, #tpu.memory_space<semaphore_mem>>)
      %dma_wait3A = tpu.memref_slice %arg3[%arg0, %mul3A_53] : memref<2x10240xf32, #tpu.memory_space<hbm>> -> memref<1x640xf32, #tpu.memory_space<hbm>>
      %dma_wait3A_64 = tpu.memref_squeeze %dma_wait3A : memref<1x640xf32, #tpu.memory_space<hbm>> -> memref<640xf32, #tpu.memory_space<hbm>>
      %dma_wait3A_65 = tpu.memref_slice %arg3[%arg0, %mul3A_53] : memref<2x10240xf32, #tpu.memory_space<hbm>> -> memref<1x640xf32, #tpu.memory_space<hbm>>
      %dma_wait3A_66 = tpu.memref_squeeze %dma_wait3A_65 : memref<1x640xf32, #tpu.memory_space<hbm>> -> memref<640xf32, #tpu.memory_space<hbm>>
      tpu.wait_dma2 semaphore(%run_scoped3A : memref<!tpu.dma_semaphore, #tpu.memory_space<semaphore_mem>>) src(%arg6 : memref<640xf32, #tpu.memory_space<vmem>>) dst(%dma_wait3A_66 : memref<640xf32, #tpu.memory_space<hbm>>)
      tpu.yield
    }) : () -> ()
    return
  }
}

module attributes {stable_mosaic.version = 14 : i64} {
  func.func @_a_body(%arg0: i32, %arg1: memref<2x1000x1xf32, #tpu.memory_space<vmem>>, %arg2: memref<1000x128xf32, #tpu.memory_space<vmem>>, %arg3: memref<128x128xf32, #tpu.memory_space<vmem>>, %arg4: memref<128x128xf32, #tpu.memory_space<vmem>>, %arg5: memref<1x128xf32, #tpu.memory_space<vmem>>, %arg6: memref<1000x128xf32, #tpu.memory_space<vmem>>, %arg7: memref<1000x128xf32, #tpu.memory_space<vmem>>) attributes {dimension_semantics = [#tpu.dimension_semantics<arbitrary>], iteration_bounds = array<i64: 10>, scalar_prefetch = 0 : i64, scratch_operands = 0 : i64, tpu.core_type = #tpu.core_type<tc>, window_params = [{transform_indices = @transform_0, window_bounds = array<i64: 2, 1000, 1>}, {transform_indices = @transform_1, window_bounds = array<i64: 1000, 128>}, {pipeline_mode = #tpu.pipeline_mode<synchronous>, transform_indices = @transform_2, window_bounds = array<i64: 128, 128>}, {pipeline_mode = #tpu.pipeline_mode<synchronous>, transform_indices = @transform_3, window_bounds = array<i64: 128, 128>}, {pipeline_mode = #tpu.pipeline_mode<synchronous>, transform_indices = @transform_4, window_bounds = array<i64: 1, 128>}, {transform_indices = @transform_5, window_bounds = array<i64: 1000, 128>}, {transform_indices = @transform_6, window_bounds = array<i64: 1000, 128>}]} {
    %get3A = arith.constant 0 : index
    %get3A_0 = arith.constant 0 : index
    %get3A_1 = arith.constant 0 : index
    %get3A_2 = vector.load %arg1[%get3A, %get3A_0, %get3A_1] : memref<2x1000x1xf32, #tpu.memory_space<vmem>>, vector<1x1000x1xf32>
    %get3A_3 = vector.shape_cast %get3A_2 : vector<1x1000x1xf32> to vector<1000x1xf32>
    %get3A_4 = arith.constant 1 : index
    %get3A_5 = arith.constant 0 : index
    %get3A_6 = arith.constant 0 : index
    %get3A_7 = vector.load %arg1[%get3A_4, %get3A_5, %get3A_6] : memref<2x1000x1xf32, #tpu.memory_space<vmem>>, vector<1x1000x1xf32>
    %get3A_8 = vector.shape_cast %get3A_7 : vector<1x1000x1xf32> to vector<1000x1xf32>
    %add3A = arith.addf %get3A_3, %get3A_8 : vector<1000x1xf32>
    %add3A_9 = arith.constant 1.000000e+00 : f32
    %add3A_10 = vector.broadcast %add3A_9 : f32 to vector<1000x1xf32>
    %add3A_11 = arith.addf %add3A, %add3A_10 : vector<1000x1xf32>
    %rsqrt3A = math.rsqrt %add3A_11 : vector<1000x1xf32>
    %get3A_12 = arith.constant 0 : index
    %get3A_13 = arith.constant 0 : index
    %get3A_14 = vector.load %arg2[%get3A_12, %get3A_13] : memref<1000x128xf32, #tpu.memory_space<vmem>>, vector<1000x128xf32>
    %get3A_15 = arith.constant 0 : index
    %get3A_16 = arith.constant 0 : index
    %get3A_17 = vector.load %arg3[%get3A_15, %get3A_16] : memref<128x128xf32, #tpu.memory_space<vmem>>, vector<128x128xf32>
    %dot_general3A = arith.constant dense<0.000000e+00> : vector<1000x128xf32>
    %dot_general3A_18 = tpu.matmul %get3A_14, %get3A_17, %dot_general3A {dimension_numbers = #tpu.dot_dimension_numbers<[1], [0], [0], [1], [0, 0, 1, 1], [], []>, transpose_lhs_hint = false} : vector<1000x128xf32>, vector<128x128xf32>, vector<1000x128xf32> -> vector<1000x128xf32>
    %mul3A = vector.broadcast %rsqrt3A : vector<1000x1xf32> to vector<1000x128xf32>
    %mul3A_19 = arith.mulf %dot_general3A_18, %mul3A : vector<1000x128xf32>
    %swap3A = arith.constant 0 : index
    %swap3A_20 = arith.constant 0 : index
    %swap3A_21 = vector.load %arg6[%swap3A, %swap3A_20] : memref<1000x128xf32, #tpu.memory_space<vmem>>, vector<1000x128xf32>
    tpu.vector_store %arg6[%swap3A, %swap3A_20], %mul3A_19 {strides = array<i32>} : memref<1000x128xf32, #tpu.memory_space<vmem>>, vector<1000x128xf32>,
    %get3A_22 = arith.constant 0 : index
    %get3A_23 = arith.constant 0 : index
    %get3A_24 = vector.load %arg2[%get3A_22, %get3A_23] : memref<1000x128xf32, #tpu.memory_space<vmem>>, vector<1000x128xf32>
    %get3A_25 = arith.constant 0 : index
    %get3A_26 = arith.constant 0 : index
    %get3A_27 = vector.load %arg4[%get3A_25, %get3A_26] : memref<128x128xf32, #tpu.memory_space<vmem>>, vector<128x128xf32>
    %dot_general3A_28 = arith.constant dense<0.000000e+00> : vector<1000x128xf32>
    %dot_general3A_29 = tpu.matmul %get3A_24, %get3A_27, %dot_general3A_28 {dimension_numbers = #tpu.dot_dimension_numbers<[1], [0], [0], [1], [0, 0, 1, 1], [], []>, transpose_lhs_hint = false} : vector<1000x128xf32>, vector<128x128xf32>, vector<1000x128xf32> -> vector<1000x128xf32>
    %get3A_30 = arith.constant 0 : index
    %get3A_31 = arith.constant 0 : index
    %get3A_32 = vector.load %arg5[%get3A_30, %get3A_31] : memref<1x128xf32, #tpu.memory_space<vmem>>, vector<1x128xf32>
    %add3A_33 = vector.broadcast %get3A_32 : vector<1x128xf32> to vector<1000x128xf32>
    %add3A_34 = arith.addf %dot_general3A_29, %add3A_33 : vector<1000x128xf32>
    %swap3A_35 = arith.constant 0 : index
    %swap3A_36 = arith.constant 0 : index
    %swap3A_37 = vector.load %arg7[%swap3A_35, %swap3A_36] : memref<1000x128xf32, #tpu.memory_space<vmem>>, vector<1000x128xf32>
    tpu.vector_store %arg7[%swap3A_35, %swap3A_36], %add3A_34 {strides = array<i32>} : memref<1000x128xf32, #tpu.memory_space<vmem>>, vector<1000x128xf32>,
    return
  }
  func.func @transform_0(%arg0: i32) -> (i32, i32, i32) {
    %c0_i32 = arith.constant 0 : i32
    %c0_i32_0 = arith.constant 0 : i32
    %c0_i32_1 = arith.constant 0 : i32
    return %c0_i32, %arg0, %c0_i32_0 : i32, i32, i32
  }
  func.func @transform_1(%arg0: i32) -> (i32, i32) {
    %c0_i32 = arith.constant 0 : i32
    %c0_i32_0 = arith.constant 0 : i32
    return %arg0, %c0_i32 : i32, i32
  }
  func.func @transform_2(%arg0: i32) -> (i32, i32) {
    %c0_i32 = arith.constant 0 : i32
    %c0_i32_0 = arith.constant 0 : i32
    %c0_i32_1 = arith.constant 0 : i32
    return %c0_i32, %c0_i32_0 : i32, i32
  }
  func.func @transform_3(%arg0: i32) -> (i32, i32) {
    %c0_i32 = arith.constant 0 : i32
    %c0_i32_0 = arith.constant 0 : i32
    %c0_i32_1 = arith.constant 0 : i32
    return %c0_i32, %c0_i32_0 : i32, i32
  }
  func.func @transform_4(%arg0: i32) -> (i32, i32) {
    %c0_i32 = arith.constant 0 : i32
    %c0_i32_0 = arith.constant 0 : i32
    %c0_i32_1 = arith.constant 0 : i32
    return %c0_i32, %c0_i32_0 : i32, i32
  }
  func.func @transform_5(%arg0: i32) -> (i32, i32) {
    %c0_i32 = arith.constant 0 : i32
    %c0_i32_0 = arith.constant 0 : i32
    return %arg0, %c0_i32 : i32, i32
  }
  func.func @transform_6(%arg0: i32) -> (i32, i32) {
    %c0_i32 = arith.constant 0 : i32
    %c0_i32_0 = arith.constant 0 : i32
    return %arg0, %c0_i32 : i32, i32
  }
}

module attributes {stable_mosaic.version = 14 : i64} {
  func.func @_b_body(%arg0: i32, %arg1: memref<2x1000x1xf32, #tpu.memory_space<vmem>>, %arg2: memref<2x1000x128xf32, #tpu.memory_space<vmem>>, %arg3: memref<1000x128xf32, #tpu.memory_space<vmem>>, %arg4: memref<128x128xf32, #tpu.memory_space<vmem>>, %arg5: memref<1x128xf32, #tpu.memory_space<vmem>>, %arg6: memref<1000x128xf32, #tpu.memory_space<vmem>>) attributes {dimension_semantics = [#tpu.dimension_semantics<arbitrary>], iteration_bounds = array<i64: 10>, scalar_prefetch = 0 : i64, scratch_operands = 0 : i64, tpu.core_type = #tpu.core_type<tc>, window_params = [{transform_indices = @transform_0, window_bounds = array<i64: 2, 1000, 1>}, {transform_indices = @transform_1, window_bounds = array<i64: 2, 1000, 128>}, {transform_indices = @transform_2, window_bounds = array<i64: 1000, 128>}, {pipeline_mode = #tpu.pipeline_mode<synchronous>, transform_indices = @transform_3, window_bounds = array<i64: 128, 128>}, {pipeline_mode = #tpu.pipeline_mode<synchronous>, transform_indices = @transform_4, window_bounds = array<i64: 1, 128>}, {transform_indices = @transform_5, window_bounds = array<i64: 1000, 128>}]} {
    %get3A = arith.constant 0 : index
    %get3A_0 = arith.constant 0 : index
    %get3A_1 = arith.constant 0 : index
    %get3A_2 = vector.load %arg1[%get3A, %get3A_0, %get3A_1] : memref<2x1000x1xf32, #tpu.memory_space<vmem>>, vector<1x1000x1xf32>
    %get3A_3 = vector.shape_cast %get3A_2 : vector<1x1000x1xf32> to vector<1000x1xf32>
    %get3A_4 = arith.constant 1 : index
    %get3A_5 = arith.constant 0 : index
    %get3A_6 = arith.constant 0 : index
    %get3A_7 = vector.load %arg1[%get3A_4, %get3A_5, %get3A_6] : memref<2x1000x1xf32, #tpu.memory_space<vmem>>, vector<1x1000x1xf32>
    %get3A_8 = vector.shape_cast %get3A_7 : vector<1x1000x1xf32> to vector<1000x1xf32>
    %add3A = arith.addf %get3A_3, %get3A_8 : vector<1000x1xf32>
    %add3A_9 = arith.constant 1.000000e+00 : f32
    %add3A_10 = vector.broadcast %add3A_9 : f32 to vector<1000x1xf32>
    %add3A_11 = arith.addf %add3A, %add3A_10 : vector<1000x1xf32>
    %rsqrt3A = math.rsqrt %add3A_11 : vector<1000x1xf32>
    %get3A_12 = arith.constant 0 : index
    %get3A_13 = arith.constant 0 : index
    %get3A_14 = arith.constant 0 : index
    %get3A_15 = vector.load %arg2[%get3A_12, %get3A_13, %get3A_14] : memref<2x1000x128xf32, #tpu.memory_space<vmem>>, vector<1x1000x128xf32>
    %get3A_16 = vector.shape_cast %get3A_15 : vector<1x1000x128xf32> to vector<1000x128xf32>
    %get3A_17 = arith.constant 1 : index
    %get3A_18 = arith.constant 0 : index
    %get3A_19 = arith.constant 0 : index
    %get3A_20 = vector.load %arg2[%get3A_17, %get3A_18, %get3A_19] : memref<2x1000x128xf32, #tpu.memory_space<vmem>>, vector<1x1000x128xf32>
    %get3A_21 = vector.shape_cast %get3A_20 : vector<1x1000x128xf32> to vector<1000x128xf32>
    %add3A_22 = arith.addf %get3A_16, %get3A_21 : vector<1000x128xf32>
    %get3A_23 = arith.constant 0 : index
    %get3A_24 = arith.constant 0 : index
    %get3A_25 = vector.load %arg3[%get3A_23, %get3A_24] : memref<1000x128xf32, #tpu.memory_space<vmem>>, vector<1000x128xf32>
    %add3A_26 = arith.addf %add3A_22, %get3A_25 : vector<1000x128xf32>
    %mul3A = vector.broadcast %rsqrt3A : vector<1000x1xf32> to vector<1000x128xf32>
    %mul3A_27 = arith.mulf %add3A_26, %mul3A : vector<1000x128xf32>
    %get3A_28 = arith.constant 0 : index
    %get3A_29 = arith.constant 0 : index
    %get3A_30 = vector.load %arg5[%get3A_28, %get3A_29] : memref<1x128xf32, #tpu.memory_space<vmem>>, vector<1x128xf32>
    %add3A_31 = vector.broadcast %get3A_30 : vector<1x128xf32> to vector<1000x128xf32>
    %add3A_32 = arith.addf %mul3A_27, %add3A_31 : vector<1000x128xf32>
    %max3A = arith.constant 0.000000e+00 : f32
    %max3A_33 = vector.broadcast %max3A : f32 to vector<1000x128xf32>
    %max3A_34 = arith.maximumf %add3A_32, %max3A_33 : vector<1000x128xf32>
    %get3A_35 = arith.constant 0 : index
    %get3A_36 = arith.constant 0 : index
    %get3A_37 = vector.load %arg4[%get3A_35, %get3A_36] : memref<128x128xf32, #tpu.memory_space<vmem>>, vector<128x128xf32>
    %dot_general3A = arith.constant dense<0.000000e+00> : vector<1000x128xf32>
    %dot_general3A_38 = tpu.matmul %max3A_34, %get3A_37, %dot_general3A {dimension_numbers = #tpu.dot_dimension_numbers<[1], [0], [0], [1], [0, 0, 1, 1], [], []>, transpose_lhs_hint = false} : vector<1000x128xf32>, vector<128x128xf32>, vector<1000x128xf32> -> vector<1000x128xf32>
    %mul3A_39 = vector.broadcast %rsqrt3A : vector<1000x1xf32> to vector<1000x128xf32>
    %mul3A_40 = arith.mulf %dot_general3A_38, %mul3A_39 : vector<1000x128xf32>
    %swap3A = arith.constant 0 : index
    %swap3A_41 = arith.constant 0 : index
    %swap3A_42 = vector.load %arg6[%swap3A, %swap3A_41] : memref<1000x128xf32, #tpu.memory_space<vmem>>, vector<1000x128xf32>
    tpu.vector_store %arg6[%swap3A, %swap3A_41], %mul3A_40 {strides = array<i32>} : memref<1000x128xf32, #tpu.memory_space<vmem>>, vector<1000x128xf32>,
    return
  }
  func.func @transform_0(%arg0: i32) -> (i32, i32, i32) {
    %c0_i32 = arith.constant 0 : i32
    %c0_i32_0 = arith.constant 0 : i32
    %c0_i32_1 = arith.constant 0 : i32
    return %c0_i32, %arg0, %c0_i32_0 : i32, i32, i32
  }
  func.func @transform_1(%arg0: i32) -> (i32, i32, i32) {
    %c0_i32 = arith.constant 0 : i32
    %c0_i32_0 = arith.constant 0 : i32
    %c0_i32_1 = arith.constant 0 : i32
    return %c0_i32, %arg0, %c0_i32_0 : i32, i32, i32
  }
  func.func @transform_2(%arg0: i32) -> (i32, i32) {
    %c0_i32 = arith.constant 0 : i32
    %c0_i32_0 = arith.constant 0 : i32
    return %arg0, %c0_i32 : i32, i32
  }
  func.func @transform_3(%arg0: i32) -> (i32, i32) {
    %c0_i32 = arith.constant 0 : i32
    %c0_i32_0 = arith.constant 0 : i32
    %c0_i32_1 = arith.constant 0 : i32
    return %c0_i32, %c0_i32_0 : i32, i32
  }
  func.func @transform_4(%arg0: i32) -> (i32, i32) {
    %c0_i32 = arith.constant 0 : i32
    %c0_i32_0 = arith.constant 0 : i32
    %c0_i32_1 = arith.constant 0 : i32
    return %c0_i32, %c0_i32_0 : i32, i32
  }
  func.func @transform_5(%arg0: i32) -> (i32, i32) {
    %c0_i32 = arith.constant 0 : i32
    %c0_i32_0 = arith.constant 0 : i32
    return %arg0, %c0_i32 : i32, i32
  }
}

module attributes {stable_mosaic.version = 14 : i64} {
  func.func @_c_body(%arg0: i32, %arg1: memref<2x1000x1xf32, #tpu.memory_space<vmem>>, %arg2: memref<2x1000x128xf32, #tpu.memory_space<vmem>>, %arg3: memref<1000x128xf32, #tpu.memory_space<vmem>>, %arg4: memref<1000x128xf32, #tpu.memory_space<vmem>>, %arg5: memref<1x128xf32, #tpu.memory_space<vmem>>, %arg6: memref<1000x128xf32, #tpu.memory_space<vmem>>) attributes {dimension_semantics = [#tpu.dimension_semantics<arbitrary>], iteration_bounds = array<i64: 10>, scalar_prefetch = 0 : i64, scratch_operands = 0 : i64, tpu.core_type = #tpu.core_type<tc>, window_params = [{transform_indices = @transform_0, window_bounds = array<i64: 2, 1000, 1>}, {transform_indices = @transform_1, window_bounds = array<i64: 2, 1000, 128>}, {transform_indices = @transform_2, window_bounds = array<i64: 1000, 128>}, {transform_indices = @transform_3, window_bounds = array<i64: 1000, 128>}, {pipeline_mode = #tpu.pipeline_mode<synchronous>, transform_indices = @transform_4, window_bounds = array<i64: 1, 128>}, {transform_indices = @transform_5, window_bounds = array<i64: 1000, 128>}]} {
    %get3A = arith.constant 0 : index
    %get3A_0 = arith.constant 0 : index
    %get3A_1 = arith.constant 0 : index
    %get3A_2 = vector.load %arg1[%get3A, %get3A_0, %get3A_1] : memref<2x1000x1xf32, #tpu.memory_space<vmem>>, vector<1x1000x1xf32>
    %get3A_3 = vector.shape_cast %get3A_2 : vector<1x1000x1xf32> to vector<1000x1xf32>
    %get3A_4 = arith.constant 1 : index
    %get3A_5 = arith.constant 0 : index
    %get3A_6 = arith.constant 0 : index
    %get3A_7 = vector.load %arg1[%get3A_4, %get3A_5, %get3A_6] : memref<2x1000x1xf32, #tpu.memory_space<vmem>>, vector<1x1000x1xf32>
    %get3A_8 = vector.shape_cast %get3A_7 : vector<1x1000x1xf32> to vector<1000x1xf32>
    %add3A = arith.addf %get3A_3, %get3A_8 : vector<1000x1xf32>
    %add3A_9 = arith.constant 1.000000e+00 : f32
    %add3A_10 = vector.broadcast %add3A_9 : f32 to vector<1000x1xf32>
    %add3A_11 = arith.addf %add3A, %add3A_10 : vector<1000x1xf32>
    %rsqrt3A = math.rsqrt %add3A_11 : vector<1000x1xf32>
    %get3A_12 = arith.constant 0 : index
    %get3A_13 = arith.constant 0 : index
    %get3A_14 = arith.constant 0 : index
    %get3A_15 = vector.load %arg2[%get3A_12, %get3A_13, %get3A_14] : memref<2x1000x128xf32, #tpu.memory_space<vmem>>, vector<1x1000x128xf32>
    %get3A_16 = vector.shape_cast %get3A_15 : vector<1x1000x128xf32> to vector<1000x128xf32>
    %get3A_17 = arith.constant 1 : index
    %get3A_18 = arith.constant 0 : index
    %get3A_19 = arith.constant 0 : index
    %get3A_20 = vector.load %arg2[%get3A_17, %get3A_18, %get3A_19] : memref<2x1000x128xf32, #tpu.memory_space<vmem>>, vector<1x1000x128xf32>
    %get3A_21 = vector.shape_cast %get3A_20 : vector<1x1000x128xf32> to vector<1000x128xf32>
    %add3A_22 = arith.addf %get3A_16, %get3A_21 : vector<1000x128xf32>
    %get3A_23 = arith.constant 0 : index
    %get3A_24 = arith.constant 0 : index
    %get3A_25 = vector.load %arg3[%get3A_23, %get3A_24] : memref<1000x128xf32, #tpu.memory_space<vmem>>, vector<1000x128xf32>
    %add3A_26 = arith.addf %add3A_22, %get3A_25 : vector<1000x128xf32>
    %mul3A = vector.broadcast %rsqrt3A : vector<1000x1xf32> to vector<1000x128xf32>
    %mul3A_27 = arith.mulf %add3A_26, %mul3A : vector<1000x128xf32>
    %get3A_28 = arith.constant 0 : index
    %get3A_29 = arith.constant 0 : index
    %get3A_30 = vector.load %arg5[%get3A_28, %get3A_29] : memref<1x128xf32, #tpu.memory_space<vmem>>, vector<1x128xf32>
    %add3A_31 = vector.broadcast %get3A_30 : vector<1x128xf32> to vector<1000x128xf32>
    %add3A_32 = arith.addf %mul3A_27, %add3A_31 : vector<1000x128xf32>
    %get3A_33 = arith.constant 0 : index
    %get3A_34 = arith.constant 0 : index
    %get3A_35 = vector.load %arg4[%get3A_33, %get3A_34] : memref<1000x128xf32, #tpu.memory_space<vmem>>, vector<1000x128xf32>
    %add3A_36 = arith.addf %add3A_32, %get3A_35 : vector<1000x128xf32>
    %swap3A = arith.constant 0 : index
    %swap3A_37 = arith.constant 0 : index
    %swap3A_38 = vector.load %arg6[%swap3A, %swap3A_37] : memref<1000x128xf32, #tpu.memory_space<vmem>>, vector<1000x128xf32>
    tpu.vector_store %arg6[%swap3A, %swap3A_37], %add3A_36 {strides = array<i32>} : memref<1000x128xf32, #tpu.memory_space<vmem>>, vector<1000x128xf32>,
    return
  }
  func.func @transform_0(%arg0: i32) -> (i32, i32, i32) {
    %c0_i32 = arith.constant 0 : i32
    %c0_i32_0 = arith.constant 0 : i32
    %c0_i32_1 = arith.constant 0 : i32
    return %c0_i32, %arg0, %c0_i32_0 : i32, i32, i32
  }
  func.func @transform_1(%arg0: i32) -> (i32, i32, i32) {
    %c0_i32 = arith.constant 0 : i32
    %c0_i32_0 = arith.constant 0 : i32
    %c0_i32_1 = arith.constant 0 : i32
    return %c0_i32, %arg0, %c0_i32_0 : i32, i32, i32
  }
  func.func @transform_2(%arg0: i32) -> (i32, i32) {
    %c0_i32 = arith.constant 0 : i32
    %c0_i32_0 = arith.constant 0 : i32
    return %arg0, %c0_i32 : i32, i32
  }
  func.func @transform_3(%arg0: i32) -> (i32, i32) {
    %c0_i32 = arith.constant 0 : i32
    %c0_i32_0 = arith.constant 0 : i32
    return %arg0, %c0_i32 : i32, i32
  }
  func.func @transform_4(%arg0: i32) -> (i32, i32) {
    %c0_i32 = arith.constant 0 : i32
    %c0_i32_0 = arith.constant 0 : i32
    %c0_i32_1 = arith.constant 0 : i32
    return %c0_i32, %c0_i32_0 : i32, i32
  }
  func.func @transform_5(%arg0: i32) -> (i32, i32) {
    %c0_i32 = arith.constant 0 : i32
    %c0_i32_0 = arith.constant 0 : i32
    return %arg0, %c0_i32 : i32, i32
  }
}

</mosaic_0001>

<sc_bundles>
// kernel: kernel.11.cloned.1.call-start
scs
__scs_entry_jumppad:
0x0: {  	(pc) =	sbr.rel $0x88, $3  }
0x1: {  	(tag) =	ssettag $0x0;
	lr =	simm.s32 $0x1  }
0x2: {  	[smem:$0x3F99] =	sst lr;
	_ =	strace $0xD0000000  }
0x3: {  	_ = 	snop  }
0x4: {  	_ = 	snop  }
0x5: {  	_ = 	snop  }
0x6: {  	_ = 	snop  }
0x7: {  	_ = 	snop  }
__scs_overlays_trampoline_lowered:
0x8: {  	[smem:$0x3FA8] =	sst s0  }
0x9: {  	[smem:$0x3FA9] =	sst s1  }
0xa: {  	[smem:$0x3FAA] =	sst s2  }
0xb: {  	[smem:$0x3FAB] =	sst s3  }
0xc: {  	[smem:$0x3FAC] =	sst s4  }
0xd: {  	[smem:$0x3FAD] =	sst s5  }
0xe: {  	[smem:$0x3FAE] =	sst s6  }
0xf: {  	[smem:$0x3FAF] =	sst s7  }
0x10: {  	[smem:$0x3FB0] =	sst s8  }
0x11: {  	[smem:$0x3FB1] =	sst s9;
	s0 =	simm.s32 @!p0 $0x0  }
0x12: {  	s1 =	sld [smem:$0x3F97];
	s0 =	simm.s32 @p0 $0x1  }
0x13: {  	[smem:$0x3FB2] =	sst s0;
	s0 =	simm.s32 @!p1 $0x0  }
0x14: {  	s2 =	sld [smem:$0x3F96];
	s0 =	simm.s32 @p1 $0x1  }
0x15: {  	[smem:$0x3FB3] =	sst s0;
	s0 =	simm.s32 @!p2 $0x0  }
0x16: {  	s3 =	sld [smem:$0x3FDB];
	s0 =	simm.s32 @p2 $0x1  }
0x17: {  	s4 =	simm.s32 $0x1BF5;
	[smem:$0x3FB5] =	sst s0  }
0x18: {  	s0 =	sld [smem:$0x3F98];
	_ =	swait.ge [sflag:s4], $0x0  }
0x19: {  	s7 =	sld [smem:$0x3F99]  }
0x1a: {  	s8 =	sadd.s32 $0xFFFFE003, lr  }
0x1b: {  	s9 =	sadd.s32 $0xFFFFFEF7, lr;
	s5 =	simm.s32 $0xFFFFFFFF;
	p2 =	slt.u32 s8, $0xFFFFF086  }
0x1c: {  	p1 =	slt.u32 s9, $0xF7A;
	s5 =	simm.s32 @!p2 $0x0  }
0x1d: {  	s5 =	simm.s32 @p1 $0x1;
	p0 =	seq.s32 s7, s2  }
0x1e: {  	s7 =	smul.u32 @!p0 $0xF7A, s2;
	p2 =	seq.s32 @!p0 s5, $0x0  }
0x1f: {  	s9 =	smul.u32 $0xF7A, s1;
	s8 =	simm.s32 @!p0 $0x1BF5;
	p2 =	por !p2, p0  }
0x20: {  	[sflag:s8] =	ssyncset.s32 @!p0 $0xFFFFF086;
	s6 =	sadd.s32 @!p0 s3, s7;
	s7 =	simm.s32 @!p0 $0x108  }
0x21: {  	s3 =	sadd.s32 s3, s9;
	s6 =	sadd.s32 @!p0 $0x88, s6;
	s7 =	simm.s32 @p2 $0x1082  }
0x22: {  	[simem:s7], [sflag:s8] =	dma.local @!p0 [hbm:s6], $0xF7A  }
0x23: {  	s9 =	sor.u32 $0xD0000000, s2;
	s6 =	simm.s32 $0x108;
	_ =	swait.ge @!p0 [sflag:s8], $0x0  }
0x24: {  	s3 =	sadd.s32 $0x88, s3;
	s6 =	simm.s32 @!p1 $0x1082;
	[sflag:s4] =	ssyncset.s32 $0xFFFFF086  }
0x25: {  	[simem:s6], [sflag:s4] =	dma.local [hbm:s3], $0xF7A  }
0x26: {  	[smem:$0x3F99] =	sst s1;
	(tag) =	ssettag s2;
	_ =	strace s9  }
0x27: {  	s1 =	sld [smem:$0x3FA9]  }
0x28: {  	s2 =	sld [smem:$0x3FAA]  }
0x29: {  	s4 =	sld [smem:$0x3FAC]  }
0x2a: {  	p0 =	seq.s32 s5, $0x0;
	s5 =	sld [smem:$0x3FAD]  }
0x2b: {  	s6 =	sld [smem:$0x3FAE]  }
0x2c: {  	s7 =	sld [smem:$0x3FAF]  }
0x2d: {  	s3 =	simm.s32 $0x108;
	s8 =	sld [smem:$0x3FB0]  }
0x2e: {  	s3 =	simm.s32 @!p0 $0x1082;
	s9 =	sld [smem:$0x3FB1]  }
0x2f: {  	lr =	sadd.s32 s0, s3;
	s0 =	sld [smem:$0x3FA8]  }
0x30: {  	s3 =	sld [smem:$0x3FAB]  }
0x31: {  	[smem:$0x3FB4] =	sst s10  }
0x32: {  	s10 =	sld [smem:$0x3FB2];
	_ =	sdelay $0x3  }
0x33: {  	p0 =	seq.s32 s10, $0x1;
	s10 =	sld [smem:$0x3FB4];
	_ =	sdelay $0x3  }
0x34: {  	[smem:$0x3FB4] =	sst s10  }
0x35: {  	s10 =	sld [smem:$0x3FB3];
	_ =	sdelay $0x3  }
0x36: {  	p1 =	seq.s32 s10, $0x1;
	s10 =	sld [smem:$0x3FB4];
	_ =	sdelay $0x3  }
0x37: {  	[smem:$0x3FB4] =	sst s10  }
0x38: {  	s10 =	sld [smem:$0x3FB5]  }
0x39: {  	_ = 	snop;
	(pc) =	sbr.ind lr, $3  }
0x3a: {  	_ = 	snop  }
0x3b: {  	_ = 	snop  }
0x3c: {  	p2 =	seq.s32 s10, $0x1;
	s10 =	sld [smem:$0x3FB4]  }
0x3d: {  	_ =	shalt  }
0x3e: {  	_ =	shalt  }
0x3f: {  	_ =	shalt  }
0x40: {  	_ =	shalt  }
0x41: {  	_ =	shalt  }
0x42: {  	_ =	shalt  }
0x43: {  	_ =	shalt  }
0x44: {  	_ =	shalt  }
0x45: {  	_ =	shalt  }
0x46: {  	_ =	shalt  }
0x47: {  	_ =	shalt  }
0x48: {  	_ =	shalt  }
0x49: {  	_ =	shalt  }
0x4a: {  	_ =	shalt  }
0x4b: {  	_ =	shalt  }
0x4c: {  	_ =	shalt  }
0x4d: {  	_ =	shalt  }
0x4e: {  	_ =	shalt  }
0x4f: {  	_ =	shalt  }
0x50: {  	_ =	shalt  }
0x51: {  	_ =	shalt  }
0x52: {  	_ =	shalt  }
0x53: {  	_ =	shalt  }
0x54: {  	_ =	shalt  }
0x55: {  	_ =	shalt  }
0x56: {  	_ =	shalt  }
0x57: {  	_ =	shalt  }
0x58: {  	_ =	shalt  }
0x59: {  	_ =	shalt  }
0x5a: {  	_ =	shalt  }
0x5b: {  	_ =	shalt  }
0x5c: {  	_ =	shalt  }
0x5d: {  	_ =	shalt  }
0x5e: {  	_ =	shalt  }
0x5f: {  	_ =	shalt  }
0x60: {  	_ =	shalt  }
0x61: {  	_ =	shalt  }
0x62: {  	_ =	shalt  }
0x63: {  	_ =	shalt  }
0x64: {  	_ =	shalt  }
0x65: {  	_ =	shalt  }
0x66: {  	_ =	shalt  }
0x67: {  	_ =	shalt  }
0x68: {  	_ =	shalt  }
0x69: {  	_ =	shalt  }
0x6a: {  	_ =	shalt  }
0x6b: {  	_ =	shalt  }
0x6c: {  	_ =	shalt  }
0x6d: {  	_ =	shalt  }
0x6e: {  	_ =	shalt  }
0x6f: {  	_ =	shalt  }
0x70: {  	_ =	shalt  }
0x71: {  	_ =	shalt  }
0x72: {  	_ =	shalt  }
0x73: {  	_ =	shalt  }
0x74: {  	_ =	shalt  }
0x75: {  	_ =	shalt  }
0x76: {  	_ =	shalt  }
0x77: {  	_ =	shalt  }
0x78: {  	_ =	shalt  }
0x79: {  	_ =	shalt  }
0x7a: {  	_ =	shalt  }
0x7b: {  	_ =	shalt  }
0x7c: {  	_ =	shalt  }
0x7d: {  	_ =	shalt  }
0x7e: {  	_ =	shalt  }
0x7f: {  	_ =	shalt  }
0x80: {  	_ =	shalt  }
0x81: {  	_ =	shalt  }
0x82: {  	_ =	shalt  }
0x83: {  	_ =	shalt  }
0x84: {  	_ =	shalt  }
0x85: {  	_ =	shalt  }
0x86: {  	_ =	shalt  }
0x87: {  	_ =	shalt  }
.Lfunc_end0:
.L_simem_size_0:
called_computation.1_lowered:
.L_overlay_start_0:
0x88: {  	s2 =	sld [smem:$0x3FD9]  }
0x89: {  	s3 =	sld [smem:$0x3FFE];
	_ =	sdelay $0x1  }
0x8a: {  	s1 =	srdreg.scid  }
0x8b: {  	s0 =	sand.u32 $0x1, s1  }
0x8c: {  	s17 =	sshll.u32 s0, $0xA;
	s2 =	sadd.s32 s3, s2  }
0x8d: {  	s2 =	sadd.s32 s2, s17  }
0x8e: {  	[smem:$0x3FC0] =	sst s2  }
0x8f: {  	_ = 	snop  }
0x90: {  	s2 =	sld [smem:$0x3FD0];
	(tm) =	ssettm $0x1  }
0x91: {  	s18 =	sld [smem:$0x3FFB];
	_ =	sdelay $0x3  }
0x92: {  	_ =	strace s18  }
0x93: {  	s3 =	sld [smem:$0x3FFC];
	_ =	sdelay $0x3  }
0x94: {  	_ =	strace s3  }
0x95: {  	s3 =	sld [smem:$0x3FFD];
	_ =	sdelay $0x3  }
0x96: {  	_ =	strace s3  }
0x97: {  	_ =	strace $0x8FFFFFFF  }
0x98: {  	s19 =	sld [smem:$0x3FDB];
	_ =	sdelay $0x1  }
0x99: {  	s4 =	simm.s32 $_scs_section_size  }
0x9a: {  	s5 =	simm.s32 $_size__tile_overlayer_lowered;
	s6 =	simm.s32 $_tile_overlayer_lowered  }
0x9b: {  	s22 =	simm.s32 $0x1BFF;
	s21 =	sshll.u32 s6, $0x1;
	s3 =	sadd.s32 s4, s19  }
0x9c: {  	s7 =	simm.s32 $0x0;
	s20 =	sshll.u32 s5, $0x1;
	s5 =	sadd.s32 s21, s3  }
0x9d: {  	[timem:s7], [sflag:s22] =	dma.local [hbm:s5], s20  }
0x9e: {  	_ =	swait.ge [sflag:s22], s20  }
0x9f: {  	s4 =	ssub.s32 $0x0, s20;
	[sflag:s22] =	ssyncset.done $0x0  }
0xa0: {  	[sflag:s22] =	ssyncadd.s32 s4;
	_ =	sdelay $0x1  }
0xa1: {  	s23 =	simm.s32 $0x1B8B  }
0xa2: {  	_ =	swait.ge [sflag:s23], $0x1  }
0xa3: {  	[sflag:s23] =	ssyncset.done $0x0  }
0xa4: {  	s25 =	simm.s32 $0x1B8E;
	s24 =	sld [smem:$0x3FFE];
	[sflag:s23] =	ssyncadd.s32 $0xFFFFFFFF  }
0xa5: {  	s26 =	simm.s32 $execute0_lowered;
	[smem:$0x3FD2] =	sst s25  }
0xa6: {  	s5 =	sshll.u32 s26, $0x1;
	_ =	strace $0x80000049;
	[dreg:$0x1] =	wrdreg $0xFFFFFFFF  }
0xa7: {  	s28 =	simm.s32 $_size_execute0_lowered;
	s3 =	sadd.s32 s3, s5;
	[dreg:$0x0] =	wrdreg $0x0  }
0xa8: {  	s5 =	sshll.u32 s28, $0x1;
	[dreg:$0x2] =	wrdreg s3  }
0xa9: {  	[dreg:$0x3] =	wrdreg s5  }
0xaa: {  	[dreg:$0x4] =	wrdreg $0xC0  }
0xab: {  	_ =	task [dreg:s7], $0x5FFFF  }
0xac: {  	[dreg:$0x1] =	wrdreg $0xFFFFFFFF  }
0xad: {  	[dreg:$0x0] =	wrdreg $0x60  }
0xae: {  	[dreg:$0x2] =	wrdreg s2  }
0xaf: {  	[dreg:$0x3] =	wrdreg s24  }
0xb0: {  	[dreg:$0x4] =	wrdreg $0xAA000  }
0xb1: {  	[dreg:$0x5] =	wrdreg $0x9  }
0xb2: {  	_ =	task.clear_ibuf [dreg:s7], $0x6FFFF;
	_ =	strace $0x90000049  }
0xb3: {  	s29 =	simm.s32 $0x9;
	_ =	strace $0x8000004B  }
0xb4: {  	_ =	swait.ge [sflag:s29], $0x1  }
0xb5: {  	[sflag:s29] =	ssyncadd.s32 $0xFFFFFFFF  }
0xb6: {  	_ =	strace $0x9000004B  }
0xb7: {  	_ =	sfence  }
0xb8: {  	s30 =	sld [smem:$0x0];
	_ =	sdelay $0x2  }
0xb9: {  	s31 =	sshll.u32 s1, $0xD;
	s1 =	sshrl.u32 s1, $0x2  }
0xba: {  	s3 =	sand.u32 $0x4000, s31;
	s1 =	sadd.s32 s1, s30  }
0xbb: {  	s0 =	sor.u32 s3, s0;
	s1 =	sshll.u32 s1, $0x11  }
0xbc: {  	s0 =	sor.u32 s1, s0  }
0xbd: {  	s0 =	sadd.s32 $0x8F2B, s0  }
0xbe: {  	[sflag:s0] =	ssyncadd.remote.s32 $0x1  }
0xbf: {  	_ =	sfence.sel $0xFFFF  }
0xc0: {  	[dreg:$0x0] =	wrdreg $0xFFFFFFFF;
	(pc) =	sbr.abs _section_cstart, $3  }
0xc1: {  	[dreg:$0x1] =	wrdreg $0xFFFFFFFF  }
0xc2: {  	_ =	task.clear_ibuf [dreg:s7], $0x2FFFF;
	_ =	strace $0x9FFFFFFF  }
0xc3: {  	(tm) =	ssettm $0x7FFFFFFF  }
tec
execute0_lowered:
.L_overlay_start_1:
0x0: {  	(tag) =	ssettag $0x1  }
0x1: {  	s0 =	rddreg [dreg:$0x0]  }
0x2: {  	s1 =	srdreg.scid;
	s2 =	rddreg [dreg:$0x1]  }
0x3: {  	s3 =	rddreg [dreg:$0x2];
	s12 =	stileid.u32  }
0x4: {  	s4 =	simm.s32 $0x0;
	s28 =	simm.s32 $0x7;
	s29 =	simm.s32 $0x2A00  }
0x5: {  	s30 =	simm.s32 $0x2800;
	s31 =	simm.s32 $0x2880;
	s1 =	sand.u32 $0x1, s1  }
0x6: {  	[smem:$0x7FF] =	sst s4;
	s6 =	sadd.s32 $0xD600, s2;
	s9 =	smul.u32 $0x50000, s12  }
0x7: {  	s26 =	smul.u32 $0x14000, s12;
	s5 =	sshll.u32 s1, $0x4;
	_ =	strace $0x8000004A  }
0x8: {  	s8 =	ssub.s32 $0x2, s1;
	s1 =	smul.u32 $0x140000, s1;
	s5 =	sor.u32 s12, s5  }
0x9: {  	s11 =	sshrl.u32 s8, $0x1;
	s24 =	sshrl.u32 s9, $0x2;
	s20 =	sadd.s32 $0x8000, s26  }
0xa: {  	s21 =	sadd.s32 $0xC000, s26;
	s11 =	ssub.s32 s8, s11;
	s8 =	sadd.s32 s24, s3  }
0xb: {  	s9 =	sadd.s32 $0x10000, s26;
	s5 =	smul.u32 $0x2800, s5;
	s12 =	sadd.s32 $0x4000, s8  }
0xc: {  	s16 =	sadd.s32 s1, s26;
	s13 =	sadd.s32 $0x8000, s8;
	[dreg:$0x5] =	wrdreg s12  }
0xd: {  	s22 =	sadd.s32 s1, s20;
	s14 =	sadd.s32 $0xC000, s8;
	[dreg:$0x6] =	wrdreg s13  }
0xe: {  	s15 =	sadd.s32 $0x10000, s8;
	s17 =	sshrl.u32 s16, $0x3;
	[dreg:$0x7] =	wrdreg s14  }
0xf: {  	s16 =	simm.s32 $0x6;
	s7 =	sshrl.u32 s5, $0x3;
	[dreg:$0x8] =	wrdreg s15  }
0x10: {  	s12 =	sadd.s32 $0x4000, s26;
	s15 =	sadd.s32 s1, s21;
	s10 =	sadd.s32 s7, s2  }
0x11: {  	s2 =	sadd.s32 $0x67600, s2;
	s13 =	sadd.s32 s6, s7;
	s18 =	sadd.s32 s1, s12  }
0x12: {  	s15 =	sshrl.u32 s15, $0x3;
	s1 =	sadd.s32 s1, s9;
	s26 =	sadd.s32 s12, s3  }
0x13: {  	s12 =	simm.s32 $0x1;
	s25 =	sadd.s32 $0x3600, s10;
	s14 =	sadd.s32 $0x10, s13  }
0x14: {  	s7 =	sadd.s32 s2, s17;
	s19 =	sshrl.u32 s18, $0x3;
	[dreg:$0x11] =	wrdreg s26  }
0x15: {  	s23 =	sadd.s32 s2, s15;
	s1 =	sshrl.u32 s1, $0x3;
	[dreg:$0x4] =	wrdreg s25  }
0x16: {  	s24 =	sadd.s32 $0x20, s13;
	s26 =	sadd.s32 $0x30, s13;
	[dreg:$0x9] =	wrdreg s14  }
0x17: {  	s10 =	simm.s32 $0x4;
	s15 =	simm.s32 $0x2;
	[dreg:$0xa] =	wrdreg s7  }
0x18: {  	s17 =	simm.s32 $0x0;
	s7 =	sadd.s32 s2, s19;
	[dreg:$0xd] =	wrdreg s23  }
0x19: {  	s14 =	sshrl.u32 s22, $0x3;
	s1 =	sadd.s32 s2, s1;
	[dreg:$0xf] =	wrdreg s24  }
0x1a: {  	s25 =	smax.u32 s11, $0x1;
	s23 =	sadd.s32 s20, s3;
	[dreg:$0xb] =	wrdreg s7  }
0x1b: {  	s24 =	sadd.s32 s21, s3;
	s11 =	simm.s32 $0x6A00;
	[dreg:$0xe] =	wrdreg s1  }
0x1c: {  	s14 =	sadd.s32 s2, s14;
	[dreg:$0x10] =	wrdreg s25;
	s25 =	sadd.s32 s9, s3  }
0x1d: {  	s1 =	simm.s32 $0x2900;
	s2 =	simm.s32 $0x2980;
	s7 =	simm.s32 $0x3  }
0x1e: {  	v0 =	vimm.f32 $0.0e+00;
	s9 =	simm.s32 $0x80;
	[dreg:$0xc] =	wrdreg s14;
	s14 =	simm.s32 $0x5  }
.LBB2_1:
0x1f: {  	s18 =	rddreg [dreg:$0x4]  }
0x20: {  	[tilespmem:s4], [sflag:$0x7] =	stream.linear.gather [hbm4b:s18+s4], $0x2800, $0x38;
	[tilespmem:$0x1EA00] =	vst v63  }
0x21: {  	_ =	swait.ge [sflag:s28], $0x2800  }
0x22: {  	[sflag:s28] =	ssyncset.done $0x0  }
0x23: {  	s19 =	simm.s32 $0x200;
	s18 =	simm.s32 $0x0;
	[sflag:s28] =	ssyncadd.s32 $0xFFFFD800  }
.LBB2_2:
0x24: {  	p0 =	sne.s32 s19, $0xFE00;
	[tilespmem:s18+$0x2A70] =	vst v0  }
0x25: {  	[tilespmem:s18+$0x2A00] =	vst v0  }
0x26: {  	[tilespmem:s18+$0x2A10] =	vst v0  }
.Ltmp0:
0x27: {  	[tilespmem:s18+$0x2A20] =	vst v0;
	(pc) =	sbr.rel @p0 .LBB2_2-.Ltmp0, $4  }
0x28: {  	[tilespmem:s18+$0x2A30] =	vst v0  }
0x29: {  	[tilespmem:s18+$0x2A40] =	vst v0  }
0x2a: {  	[tilespmem:s18+$0x2A50] =	vst v0  }
0x2b: {  	[tilespmem:s18+$0x2A60] =	vst v0;
	s18 =	sshra.s32 s19, $0x2;
	s19 =	sadd.s32 $0x200, s19  }
0x2c: {  	[tilespmem:s18+$0x2A70] =	vst v0  }
0x2d: {  	[tilespmem:s18+$0x2A00] =	vst v0  }
0x2e: {  	[tilespmem:s18+$0x2A10] =	vst v0  }
0x2f: {  	[tilespmem:s18+$0x2A20] =	vst v0  }
0x30: {  	[tilespmem:s18+$0x2A30] =	vst v0  }
0x31: {  	[tilespmem:s18+$0x2A40] =	vst v0  }
0x32: {  	[tilespmem:s18+$0x2A50] =	vst v0  }
0x33: {  	[tilespmem:s18+$0x2A60] =	vst v0  }
0x34: {  	[spmem:s8] =	stream.linear.scatter [tilespmem:s29], [sflag:$0x7], $0x4000, $0x38;
	[tilespmem:$0x1EA00] =	vst v63  }
0x35: {  	_ =	swait.ge [sflag:s28], $0x4000  }
0x36: {  	[sflag:s28] =	ssyncset.done $0x0  }
0x37: {  	s19 =	rddreg [dreg:$0x5];
	[sflag:s28] =	ssyncadd.s32 $0xFFFFC000  }
0x38: {  	[spmem:s19] =	stream.linear.scatter [tilespmem:s29], [sflag:$0x7], $0x4000, $0x38;
	[tilespmem:$0x1EA00] =	vst v63  }
0x39: {  	_ =	swait.ge [sflag:s28], $0x4000  }
0x3a: {  	[sflag:s28] =	ssyncset.done $0x0  }
0x3b: {  	s20 =	rddreg [dreg:$0x6];
	[sflag:s28] =	ssyncadd.s32 $0xFFFFC000  }
0x3c: {  	[spmem:s20] =	stream.linear.scatter [tilespmem:s29], [sflag:$0x7], $0x4000, $0x38;
	[tilespmem:$0x1EA00] =	vst v63  }
0x3d: {  	_ =	swait.ge [sflag:s28], $0x4000  }
0x3e: {  	[sflag:s28] =	ssyncset.done $0x0  }
0x3f: {  	s21 =	rddreg [dreg:$0x7];
	[sflag:s28] =	ssyncadd.s32 $0xFFFFC000  }
0x40: {  	[spmem:s21] =	stream.linear.scatter [tilespmem:s29], [sflag:$0x7], $0x4000, $0x38;
	[tilespmem:$0x1EA00] =	vst v63  }
0x41: {  	_ =	swait.ge [sflag:s28], $0x4000  }
0x42: {  	[sflag:s28] =	ssyncset.done $0x0  }
0x43: {  	s22 =	rddreg [dreg:$0x8];
	[sflag:s28] =	ssyncadd.s32 $0xFFFFC000  }
0x44: {  	[spmem:s22] =	stream.linear.scatter [tilespmem:s29], [sflag:$0x7], $0x4000, $0x38;
	[tilespmem:$0x1EA00] =	vst v63  }
0x45: {  	_ =	swait.ge [sflag:s28], $0x4000  }
0x46: {  	[sflag:s28] =	ssyncset.done $0x0  }
0x47: {  	[sflag:s28] =	ssyncadd.s32 $0xFFFFC000  }
0x48: {  	[bflag:$0x0] =	sbarrier.arrive $0xFFFF  }
0x49: {  	[tilespmem:s30], [sflag:$0x3] =	stream.linear.gather [hbm4b:s13+s4], $0x80, $0x38;
	[tilespmem:$0x1EA00] =	vst v63  }
0x4a: {  	s19 =	rddreg [dreg:$0x9]  }
0x4b: {  	[tilespmem:s31], [sflag:$0x4] =	stream.linear.gather [hbm4b:s19+s4], $0x80, $0x38;
	[tilespmem:$0x1EA00] =	vst v63  }
0x4c: {  	s20 =	rddreg [dreg:$0xf]  }
0x4d: {  	[tilespmem:s1], [sflag:$0x5] =	stream.linear.gather [hbm4b:s20+s4], $0x80, $0x38;
	[tilespmem:$0x1EA00] =	vst v63  }
0x4e: {  	_ = 	snop  }
0x4f: {  	[tilespmem:s2], [sflag:$0x6] =	stream.linear.gather [hbm4b:s26+s4], $0x80, $0x38;
	[tilespmem:$0x1EA00] =	vst v63  }
0x50: {  	_ =	swait.ge [sflag:s7], $0x80  }
0x51: {  	[sflag:s7] =	ssyncset.done $0x0  }
0x52: {  	[sflag:s7] =	ssyncadd.s32 $0xFFFFFF80  }
0x53: {  	[tilespmem:s29], [sflag:$0x1] =	stream.indirect.gather [hbm4b:s0+s9], $0x80, s30, s9, $0xb8;
	[tilespmem:$0x1EA00] =	vst v63  }
0x54: {  	_ =	swait.ge [sflag:s10], $0x80  }
0x55: {  	[sflag:s10] =	ssyncset.done $0x0  }
0x56: {  	[sflag:s10] =	ssyncadd.s32 $0xFFFFFF80  }
0x57: {  	[tilespmem:s11], [sflag:$0x2] =	stream.indirect.gather [hbm4b:s0+s9], $0x80, s31, s9, $0xb8;
	[tilespmem:$0x1EA00] =	vst v63  }
0x58: {  	_ =	swait.ge [sflag:s12], $0x4000  }
0x59: {  	[sflag:s12] =	ssyncset.done $0x0  }
0x5a: {  	s21 =	simm.s32 $0x0;
	[sflag:s12] =	ssyncadd.s32 $0xFFFFC000  }
0x5b: {  	[spmem:s3] =	stream.indirect.scatter.add.f32 [tilespmem:s29], [sflag:$0x7], $0x80, s21, s9, $0xb8;
	[tilespmem:$0x1EA00] =	vst v63  }
0x5c: {  	_ =	swait.ge [sflag:s28], $0x4000  }
0x5d: {  	s22 =	simm.s32 $0x200;
	[sflag:s28] =	ssyncset.done $0x0  }
0x5e: {  	s19 =	sand.u32 $0x7C00, s22;
	[sflag:s28] =	ssyncadd.s32 $0xFFFFC000  }
0x5f: {  	s18 =	sand.u32 $0x200, s22;
	s19 =	sadd.s32 s5, s19;
	_ =	swait.ge [sflag:s14], $0x80  }
0x60: {  	s18 =	sor.u32 s18, s19;
	[sflag:s14] =	ssyncset.done $0x0  }
0x61: {  	s18 =	sshrl.u32 s18, $0x3;
	[sflag:s14] =	ssyncadd.s32 $0xFFFFFF80  }
0x62: {  	[tilespmem:s29], [sflag:$0x1] =	stream.indirect.gather [hbm4b:s0+s9], $0x80, s1, s9, $0xb8;
	[tilespmem:$0x1EA00] =	vst v63  }
0x63: {  	s18 =	sadd.s32 s6, s18  }
0x64: {  	[tilespmem:s30], [sflag:$0x3] =	stream.linear.gather [hbm4b:s18+s4], $0x80, $0x38;
	[tilespmem:$0x1EA00] =	vst v63  }
0x65: {  	_ =	swait.ge [sflag:s15], $0x4000  }
0x66: {  	[sflag:s15] =	ssyncset.done $0x0  }
0x67: {  	s20 =	simm.s32 $0x80;
	[sflag:s15] =	ssyncadd.s32 $0xFFFFC000  }
0x68: {  	[spmem:s3] =	stream.indirect.scatter.add.f32 [tilespmem:s11], [sflag:$0x7], $0x80, s20, s9, $0xb8;
	[tilespmem:$0x1EA00] =	vst v63  }
0x69: {  	_ =	swait.ge [sflag:s28], $0x4000  }
0x6a: {  	s21 =	simm.s32 $0x280;
	[sflag:s28] =	ssyncset.done $0x0  }
0x6b: {  	s22 =	sand.u32 $0x7C00, s21;
	[sflag:s28] =	ssyncadd.s32 $0xFFFFC000  }
0x6c: {  	s19 =	sadd.s32 s5, s22;
	s18 =	sand.u32 $0x280, s21;
	_ =	swait.ge [sflag:s16], $0x80  }
0x6d: {  	s18 =	sor.u32 s18, s19;
	[sflag:s16] =	ssyncset.done $0x0  }
0x6e: {  	s18 =	sshrl.u32 s18, $0x3;
	[sflag:s16] =	ssyncadd.s32 $0xFFFFFF80  }
0x6f: {  	[tilespmem:s11], [sflag:$0x2] =	stream.indirect.gather [hbm4b:s0+s9], $0x80, s2, s9, $0xb8;
	[tilespmem:$0x1EA00] =	vst v63  }
0x70: {  	s18 =	sadd.s32 s6, s18  }
0x71: {  	[tilespmem:s31], [sflag:$0x4] =	stream.linear.gather [hbm4b:s18+s4], $0x80, $0x38;
	[tilespmem:$0x1EA00] =	vst v63  }
0x72: {  	_ =	swait.ge [sflag:s12], $0x4000  }
0x73: {  	[sflag:s12] =	ssyncset.done $0x0  }
0x74: {  	s19 =	simm.s32 $0x100;
	[sflag:s12] =	ssyncadd.s32 $0xFFFFC000  }
0x75: {  	[spmem:s3] =	stream.indirect.scatter.add.f32 [tilespmem:s29], [sflag:$0x7], $0x80, s19, s9, $0xb8;
	[tilespmem:$0x1EA00] =	vst v63  }
0x76: {  	_ =	swait.ge [sflag:s28], $0x4000  }
0x77: {  	s20 =	simm.s32 $0x300;
	[sflag:s28] =	ssyncset.done $0x0  }
0x78: {  	s21 =	sand.u32 $0x7C00, s20;
	[sflag:s28] =	ssyncadd.s32 $0xFFFFC000  }
0x79: {  	s18 =	sand.u32 $0x300, s20;
	s19 =	sadd.s32 s5, s21;
	_ =	swait.ge [sflag:s7], $0x80  }
0x7a: {  	s18 =	sor.u32 s18, s19;
	[sflag:s7] =	ssyncset.done $0x0  }
0x7b: {  	s18 =	sshrl.u32 s18, $0x3;
	[sflag:s7] =	ssyncadd.s32 $0xFFFFFF80  }
0x7c: {  	[tilespmem:s29], [sflag:$0x1] =	stream.indirect.gather [hbm4b:s0+s9], $0x80, s30, s9, $0xb8;
	[tilespmem:$0x1EA00] =	vst v63  }
0x7d: {  	s18 =	sadd.s32 s6, s18  }
0x7e: {  	[tilespmem:s1], [sflag:$0x5] =	stream.linear.gather [hbm4b:s18+s4], $0x80, $0x38;
	[tilespmem:$0x1EA00] =	vst v63  }
0x7f: {  	_ =	swait.ge [sflag:s15], $0x4000  }
0x80: {  	[sflag:s15] =	ssyncset.done $0x0  }
0x81: {  	s18 =	simm.s32 $0x180;
	[sflag:s15] =	ssyncadd.s32 $0xFFFFC000  }
0x82: {  	[spmem:s3] =	stream.indirect.scatter.add.f32 [tilespmem:s11], [sflag:$0x7], $0x80, s18, s9, $0xb8;
	[tilespmem:$0x1EA00] =	vst v63  }
0x83: {  	_ =	swait.ge [sflag:s28], $0x4000  }
0x84: {  	s22 =	simm.s32 $0x380;
	[sflag:s28] =	ssyncset.done $0x0  }
0x85: {  	s20 =	sand.u32 $0x7C00, s22;
	[sflag:s28] =	ssyncadd.s32 $0xFFFFC000  }
0x86: {  	s20 =	sadd.s32 s5, s20;
	s19 =	sand.u32 $0x380, s22;
	_ =	swait.ge [sflag:s10], $0x80  }
0x87: {  	s20 =	sor.u32 s19, s20;
	[sflag:s10] =	ssyncset.done $0x0  }
0x88: {  	s19 =	simm.s32 $0x580;
	s20 =	sshrl.u32 s20, $0x3;
	[sflag:s10] =	ssyncadd.s32 $0xFFFFFF80  }
0x89: {  	[tilespmem:s11], [sflag:$0x2] =	stream.indirect.gather [hbm4b:s0+s9], $0x80, s31, s9, $0xb8;
	[tilespmem:$0x1EA00] =	vst v63  }
.LBB2_4:
0x8a: {  	p0 =	sne.s32 s19, $0x2780;
	s20 =	sadd.s32 s6, s20;
	s18 =	sadd.s32 $0x200, s18  }
0x8b: {  	[tilespmem:s2], [sflag:$0x6] =	stream.linear.gather [hbm4b:s20+s4], $0x80, $0x38;
	[tilespmem:$0x1EA00] =	vst v63  }
0x8c: {  	s20 =	smov.u32 s19;
	s19 =	sadd.s32 $0x200, s19;
	_ =	swait.ge [sflag:s12], $0x4000  }
0x8d: {  	s21 =	sadd.s32 $0xFFFFFE80, s18;
	[sflag:s12] =	ssyncset.done $0x0  }
0x8e: {  	[sflag:s12] =	ssyncadd.s32 $0xFFFFC000  }
0x8f: {  	[spmem:s3] =	stream.indirect.scatter.add.f32 [tilespmem:s29], [sflag:$0x7], $0x80, s21, s9, $0xb8;
	[tilespmem:$0x1EA00] =	vst v63  }
0x90: {  	_ =	swait.ge [sflag:s28], $0x4000  }
0x91: {  	s21 =	sadd.s32 $0xFFFFFE80, s20;
	[sflag:s28] =	ssyncset.done $0x0  }
0x92: {  	s22 =	sand.u32 $0x7C00, s21;
	s21 =	sand.u32 $0x200, s21;
	[sflag:s28] =	ssyncadd.s32 $0xFFFFC000  }
0x93: {  	s22 =	sadd.s32 s5, s22;
	_ =	swait.ge [sflag:s14], $0x80  }
0x94: {  	s21 =	sor.u32 s21, s22;
	[sflag:s14] =	ssyncset.done $0x0  }
0x95: {  	s21 =	sshrl.u32 s21, $0x3;
	[sflag:s14] =	ssyncadd.s32 $0xFFFFFF80  }
0x96: {  	[tilespmem:s29], [sflag:$0x1] =	stream.indirect.gather [hbm4b:s0+s9], $0x80, s1, s9, $0xb8;
	[tilespmem:$0x1EA00] =	vst v63  }
0x97: {  	s21 =	sadd.s32 s6, s21  }
0x98: {  	[tilespmem:s30], [sflag:$0x3] =	stream.linear.gather [hbm4b:s21+s4], $0x80, $0x38;
	[tilespmem:$0x1EA00] =	vst v63  }
0x99: {  	_ =	swait.ge [sflag:s15], $0x4000  }
0x9a: {  	s21 =	sadd.s32 $0xFFFFFF00, s18;
	[sflag:s15] =	ssyncset.done $0x0  }
0x9b: {  	[sflag:s15] =	ssyncadd.s32 $0xFFFFC000  }
0x9c: {  	[spmem:s3] =	stream.indirect.scatter.add.f32 [tilespmem:s11], [sflag:$0x7], $0x80, s21, s9, $0xb8;
	[tilespmem:$0x1EA00] =	vst v63  }
0x9d: {  	_ =	swait.ge [sflag:s28], $0x4000  }
0x9e: {  	s21 =	sadd.s32 $0xFFFFFF00, s20;
	[sflag:s28] =	ssyncset.done $0x0  }
0x9f: {  	s22 =	sand.u32 $0x7C00, s21;
	s21 =	sand.u32 $0x280, s21;
	[sflag:s28] =	ssyncadd.s32 $0xFFFFC000  }
0xa0: {  	s22 =	sadd.s32 s5, s22;
	_ =	swait.ge [sflag:s16], $0x80  }
0xa1: {  	s21 =	sor.u32 s21, s22;
	[sflag:s16] =	ssyncset.done $0x0  }
0xa2: {  	s21 =	sshrl.u32 s21, $0x3;
	[sflag:s16] =	ssyncadd.s32 $0xFFFFFF80  }
0xa3: {  	[tilespmem:s11], [sflag:$0x2] =	stream.indirect.gather [hbm4b:s0+s9], $0x80, s2, s9, $0xb8;
	[tilespmem:$0x1EA00] =	vst v63  }
0xa4: {  	s21 =	sadd.s32 s6, s21  }
0xa5: {  	[tilespmem:s31], [sflag:$0x4] =	stream.linear.gather [hbm4b:s21+s4], $0x80, $0x38;
	[tilespmem:$0x1EA00] =	vst v63  }
0xa6: {  	_ =	swait.ge [sflag:s12], $0x4000  }
0xa7: {  	s21 =	sadd.s32 $0xFFFFFF80, s18;
	[sflag:s12] =	ssyncset.done $0x0  }
0xa8: {  	[sflag:s12] =	ssyncadd.s32 $0xFFFFC000  }
0xa9: {  	[spmem:s3] =	stream.indirect.scatter.add.f32 [tilespmem:s29], [sflag:$0x7], $0x80, s21, s9, $0xb8;
	[tilespmem:$0x1EA00] =	vst v63  }
0xaa: {  	_ =	swait.ge [sflag:s28], $0x4000  }
0xab: {  	s21 =	sadd.s32 $0xFFFFFF80, s20;
	[sflag:s28] =	ssyncset.done $0x0  }
0xac: {  	s22 =	sand.u32 $0x7C00, s21;
	[sflag:s28] =	ssyncadd.s32 $0xFFFFC000  }
0xad: {  	s21 =	sand.u32 $0x300, s21;
	s22 =	sadd.s32 s5, s22;
	_ =	swait.ge [sflag:s7], $0x80  }
0xae: {  	s21 =	sor.u32 s21, s22;
	[sflag:s7] =	ssyncset.done $0x0  }
0xaf: {  	s21 =	sshrl.u32 s21, $0x3;
	[sflag:s7] =	ssyncadd.s32 $0xFFFFFF80  }
0xb0: {  	[tilespmem:s29], [sflag:$0x1] =	stream.indirect.gather [hbm4b:s0+s9], $0x80, s30, s9, $0xb8;
	[tilespmem:$0x1EA00] =	vst v63  }
0xb1: {  	s21 =	sadd.s32 s6, s21  }
0xb2: {  	[tilespmem:s1], [sflag:$0x5] =	stream.linear.gather [hbm4b:s21+s4], $0x80, $0x38;
	[tilespmem:$0x1EA00] =	vst v63  }
0xb3: {  	_ =	swait.ge [sflag:s15], $0x4000  }
0xb4: {  	[sflag:s15] =	ssyncset.done $0x0  }
0xb5: {  	[sflag:s15] =	ssyncadd.s32 $0xFFFFC000  }
0xb6: {  	[spmem:s3] =	stream.indirect.scatter.add.f32 [tilespmem:s11], [sflag:$0x7], $0x80, s18, s9, $0xb8;
	[tilespmem:$0x1EA00] =	vst v63  }
0xb7: {  	_ =	swait.ge [sflag:s28], $0x4000  }
0xb8: {  	[sflag:s28] =	ssyncset.done $0x0  }
.Ltmp1:
0xb9: {  	s21 =	sand.u32 $0x7C00, s20;
	[sflag:s28] =	ssyncadd.s32 $0xFFFFC000;
	(pc) =	sbr.rel @p0 .LBB2_4-.Ltmp1, $4  }
0xba: {  	s20 =	sand.u32 $0x380, s20;
	s21 =	sadd.s32 s5, s21;
	_ =	swait.ge [sflag:s10], $0x80  }
0xbb: {  	s20 =	sor.u32 s20, s21;
	[sflag:s10] =	ssyncset.done $0x0  }
0xbc: {  	s20 =	sshrl.u32 s20, $0x3;
	[sflag:s10] =	ssyncadd.s32 $0xFFFFFF80  }
0xbd: {  	[tilespmem:s11], [sflag:$0x2] =	stream.indirect.gather [hbm4b:s0+s9], $0x80, s31, s9, $0xb8;
	[tilespmem:$0x1EA00] =	vst v63  }
0xbe: {  	s18 =	sadd.s32 s6, s20  }
0xbf: {  	[tilespmem:s2], [sflag:$0x6] =	stream.linear.gather [hbm4b:s18+s4], $0x80, $0x38;
	[tilespmem:$0x1EA00] =	vst v63  }
0xc0: {  	_ =	swait.ge [sflag:s12], $0x4000  }
0xc1: {  	[sflag:s12] =	ssyncset.done $0x0  }
0xc2: {  	s20 =	simm.s32 $0x2600;
	[sflag:s12] =	ssyncadd.s32 $0xFFFFC000  }
0xc3: {  	[spmem:s3] =	stream.indirect.scatter.add.f32 [tilespmem:s29], [sflag:$0x7], $0x80, s20, s9, $0xb8;
	[tilespmem:$0x1EA00] =	vst v63  }
0xc4: {  	_ =	swait.ge [sflag:s28], $0x4000  }
0xc5: {  	[sflag:s28] =	ssyncset.done $0x0  }
0xc6: {  	[sflag:s28] =	ssyncadd.s32 $0xFFFFC000  }
0xc7: {  	_ =	swait.ge [sflag:s14], $0x80  }
0xc8: {  	[sflag:s14] =	ssyncset.done $0x0  }
0xc9: {  	[sflag:s14] =	ssyncadd.s32 $0xFFFFFF80  }
0xca: {  	[tilespmem:s29], [sflag:$0x1] =	stream.indirect.gather [hbm4b:s0+s9], $0x80, s1, s9, $0xb8;
	[tilespmem:$0x1EA00] =	vst v63  }
0xcb: {  	_ =	swait.ge [sflag:s15], $0x4000  }
0xcc: {  	[sflag:s15] =	ssyncset.done $0x0  }
0xcd: {  	s21 =	simm.s32 $0x2680;
	[sflag:s15] =	ssyncadd.s32 $0xFFFFC000  }
0xce: {  	[spmem:s3] =	stream.indirect.scatter.add.f32 [tilespmem:s11], [sflag:$0x7], $0x80, s21, s9, $0xb8;
	[tilespmem:$0x1EA00] =	vst v63  }
0xcf: {  	_ =	swait.ge [sflag:s28], $0x4000  }
0xd0: {  	[sflag:s28] =	ssyncset.done $0x0  }
0xd1: {  	[sflag:s28] =	ssyncadd.s32 $0xFFFFC000  }
0xd2: {  	_ =	swait.ge [sflag:s16], $0x80  }
0xd3: {  	[sflag:s16] =	ssyncset.done $0x0  }
0xd4: {  	[sflag:s16] =	ssyncadd.s32 $0xFFFFFF80  }
0xd5: {  	[tilespmem:s11], [sflag:$0x2] =	stream.indirect.gather [hbm4b:s0+s9], $0x80, s2, s9, $0xb8;
	[tilespmem:$0x1EA00] =	vst v63  }
0xd6: {  	_ =	swait.ge [sflag:s12], $0x4000  }
0xd7: {  	[sflag:s12] =	ssyncset.done $0x0  }
0xd8: {  	s22 =	simm.s32 $0x2700;
	[sflag:s12] =	ssyncadd.s32 $0xFFFFC000  }
0xd9: {  	[spmem:s3] =	stream.indirect.scatter.add.f32 [tilespmem:s29], [sflag:$0x7], $0x80, s22, s9, $0xb8;
	[tilespmem:$0x1EA00] =	vst v63  }
0xda: {  	_ =	swait.ge [sflag:s28], $0x4000  }
0xdb: {  	[sflag:s28] =	ssyncset.done $0x0  }
0xdc: {  	[sflag:s28] =	ssyncadd.s32 $0xFFFFC000  }
0xdd: {  	_ =	swait.ge [sflag:s15], $0x4000  }
0xde: {  	[sflag:s15] =	ssyncset.done $0x0  }
0xdf: {  	s19 =	simm.s32 $0x2780;
	[sflag:s15] =	ssyncadd.s32 $0xFFFFC000  }
0xe0: {  	[spmem:s3] =	stream.indirect.scatter.add.f32 [tilespmem:s11], [sflag:$0x7], $0x80, s19, s9, $0xb8;
	[tilespmem:$0x1EA00] =	vst v63  }
0xe1: {  	_ =	swait.ge [sflag:s28], $0x4000  }
0xe2: {  	[sflag:s28] =	ssyncset.done $0x0  }
0xe3: {  	[sflag:s28] =	ssyncadd.s32 $0xFFFFC000  }
0xe4: {  	[bflag:$0x0] =	sbarrier.arrive $0xFFFF  }
0xe5: {  	[tilespmem:s29], [sflag:$0x7] =	stream.linear.gather [spmem:s8], $0x4000, $0x38;
	[tilespmem:$0x1EA00] =	vst v63  }
0xe6: {  	_ =	swait.ge [sflag:s28], $0x4000  }
0xe7: {  	[sflag:s28] =	ssyncset.done $0x0  }
0xe8: {  	s20 =	rddreg [dreg:$0xa];
	[sflag:s28] =	ssyncadd.s32 $0xFFFFC000  }
0xe9: {  	[hbm4b:s20+s4] =	stream.linear.scatter [tilespmem:s29], [sflag:$0x7], $0x4000, $0x38;
	[tilespmem:$0x1EA00] =	vst v63  }
0xea: {  	_ =	swait.ge [sflag:s28], $0x4000  }
0xeb: {  	[sflag:s28] =	ssyncset.done $0x0  }
0xec: {  	s21 =	rddreg [dreg:$0x11];
	[sflag:s28] =	ssyncadd.s32 $0xFFFFC000  }
0xed: {  	[tilespmem:s29], [sflag:$0x7] =	stream.linear.gather [spmem:s21], $0x4000, $0x38;
	[tilespmem:$0x1EA00] =	vst v63  }
0xee: {  	_ =	swait.ge [sflag:s28], $0x4000  }
0xef: {  	[sflag:s28] =	ssyncset.done $0x0  }
0xf0: {  	s22 =	rddreg [dreg:$0xb];
	[sflag:s28] =	ssyncadd.s32 $0xFFFFC000  }
0xf1: {  	[hbm4b:s22+s4] =	stream.linear.scatter [tilespmem:s29], [sflag:$0x7], $0x4000, $0x38;
	[tilespmem:$0x1EA00] =	vst v63  }
0xf2: {  	_ =	swait.ge [sflag:s28], $0x4000  }
0xf3: {  	[sflag:s28] =	ssyncset.done $0x0  }
0xf4: {  	[sflag:s28] =	ssyncadd.s32 $0xFFFFC000  }
0xf5: {  	[tilespmem:s29], [sflag:$0x7] =	stream.linear.gather [spmem:s23], $0x4000, $0x38;
	[tilespmem:$0x1EA00] =	vst v63  }
0xf6: {  	_ =	swait.ge [sflag:s28], $0x4000  }
0xf7: {  	[sflag:s28] =	ssyncset.done $0x0  }
0xf8: {  	s19 =	rddreg [dreg:$0xc];
	[sflag:s28] =	ssyncadd.s32 $0xFFFFC000  }
0xf9: {  	[hbm4b:s19+s4] =	stream.linear.scatter [tilespmem:s29], [sflag:$0x7], $0x4000, $0x38;
	[tilespmem:$0x1EA00] =	vst v63  }
0xfa: {  	_ =	swait.ge [sflag:s28], $0x4000  }
0xfb: {  	[sflag:s28] =	ssyncset.done $0x0  }
0xfc: {  	[sflag:s28] =	ssyncadd.s32 $0xFFFFC000  }
0xfd: {  	[tilespmem:s29], [sflag:$0x7] =	stream.linear.gather [spmem:s24], $0x4000, $0x38;
	[tilespmem:$0x1EA00] =	vst v63  }
0xfe: {  	_ =	swait.ge [sflag:s28], $0x4000  }
0xff: {  	[sflag:s28] =	ssyncset.done $0x0  }
0x100: {  	s20 =	rddreg [dreg:$0xd];
	[sflag:s28] =	ssyncadd.s32 $0xFFFFC000  }
0x101: {  	[hbm4b:s20+s4] =	stream.linear.scatter [tilespmem:s29], [sflag:$0x7], $0x4000, $0x38;
	[tilespmem:$0x1EA00] =	vst v63  }
0x102: {  	_ =	swait.ge [sflag:s28], $0x4000  }
0x103: {  	[sflag:s28] =	ssyncset.done $0x0  }
0x104: {  	[sflag:s28] =	ssyncadd.s32 $0xFFFFC000  }
0x105: {  	[tilespmem:s29], [sflag:$0x7] =	stream.linear.gather [spmem:s25], $0x4000, $0x38;
	[tilespmem:$0x1EA00] =	vst v63  }
0x106: {  	_ =	swait.ge [sflag:s28], $0x4000  }
0x107: {  	[sflag:s28] =	ssyncset.done $0x0  }
0x108: {  	s21 =	rddreg [dreg:$0xe];
	[sflag:s28] =	ssyncadd.s32 $0xFFFFC000  }
0x109: {  	[hbm4b:s21+s4] =	stream.linear.scatter [tilespmem:s29], [sflag:$0x7], $0x4000, $0x38;
	[tilespmem:$0x1EA00] =	vst v63  }
0x10a: {  	_ =	swait.ge [sflag:s28], $0x4000  }
0x10b: {  	s17 =	sadd.s32 $0x1, s17;
	s22 =	rddreg [dreg:$0x10]  }
0x10c: {  	p0 =	sne.s32 s17, s22  }
.Ltmp2:
0x10d: {  	_ = 	snop;
	(pc) =	sbr.rel @p0 .LBB2_1-.Ltmp2, $3  }
0x10e: {  	_ =	sdelay $0x1  }
0x10f: {  	[sflag:s28] =	ssyncset.done $0x0  }
0x110: {  	[sflag:s28] =	ssyncadd.s32 $0xFFFFC000  }
0x111: {  	_ =	sfence.sel $0x180000  }
0x112: {  	[bflag:$0x0] =	sbarrier.arrive $0xFFFF  }
0x113: {  	_ =	strace $0x9000004A  }
0x114: {  	s0 =	stileid.u32;
	[bflag:$0x2] =	sbarrier.arrive $0xFFFF  }
0x115: {  	p0 =	sne.s32 s0, $0x0;
	s0 =	rddreg [dreg:$0x3]  }
0x116: {  	s0 =	sadd.s32 @!p0 $0x100000, s0  }
0x117: {  	[sflag:s0] =	ssyncadd.tile.s32 @!p0 $0x1;
	_ =	shalt  }
.Lfunc_end2:
_tile_overlayer_lowered:
.L_overlay_start_2:
0x118: {  	(tag) =	ssettag $0x2  }
0x119: {  	s0 =	rddreg [dreg:$0x0];
	s2 =	stileid.u32  }
0x11a: {  	s1 =	rddreg [dreg:$0x1];
	p0 =	sne.s32 s2, $0x0  }
0x11b: {  	s3 =	rddreg [dreg:$0x2];
	[bflag:$0x3] =	sbarrier.arrive $0xFFFF;
	s2 =	simm.s32 @!p0 $0x1C07  }
0x11c: {  	[timem:s3], [sflag:s2] =	dma.local @!p0 [hbm:s0], s1  }
0x11d: {  	s0 =	simm.s32 @!p0 $0x7  }
0x11e: {  	_ =	swait.ge @!p0 [sflag:s0], s1  }
0x11f: {  	s1 =	ssub.s32 @!p0 $0x0, s1;
	[sflag:s0] =	ssyncset.done @!p0 $0x0  }
0x120: {  	[sflag:s0] =	ssyncadd.s32 @!p0 s1  }
0x121: {  	[bflag:$0x3] =	sbarrier.arrive $0xFFFF  }
0x122: {  	_ =	shalt  }

// kernel: kernel.14.cloned.1.call-start
scs
__scs_entry_jumppad:
0x0: {  	(pc) =	sbr.rel $0x88, $3  }
0x1: {  	(tag) =	ssettag $0x0;
	lr =	simm.s32 $0x1  }
0x2: {  	[smem:$0x3F99] =	sst lr;
	_ =	strace $0xD0000000  }
0x3: {  	_ = 	snop  }
0x4: {  	_ = 	snop  }
0x5: {  	_ = 	snop  }
0x6: {  	_ = 	snop  }
0x7: {  	_ = 	snop  }
__scs_overlays_trampoline_lowered:
0x8: {  	[smem:$0x3FA8] =	sst s0  }
0x9: {  	[smem:$0x3FA9] =	sst s1  }
0xa: {  	[smem:$0x3FAA] =	sst s2  }
0xb: {  	[smem:$0x3FAB] =	sst s3  }
0xc: {  	[smem:$0x3FAC] =	sst s4  }
0xd: {  	[smem:$0x3FAD] =	sst s5  }
0xe: {  	[smem:$0x3FAE] =	sst s6  }
0xf: {  	[smem:$0x3FAF] =	sst s7  }
0x10: {  	[smem:$0x3FB0] =	sst s8  }
0x11: {  	[smem:$0x3FB1] =	sst s9;
	s0 =	simm.s32 @!p0 $0x0  }
0x12: {  	s1 =	sld [smem:$0x3F97];
	s0 =	simm.s32 @p0 $0x1  }
0x13: {  	[smem:$0x3FB2] =	sst s0;
	s0 =	simm.s32 @!p1 $0x0  }
0x14: {  	s2 =	sld [smem:$0x3F96];
	s0 =	simm.s32 @p1 $0x1  }
0x15: {  	[smem:$0x3FB3] =	sst s0;
	s0 =	simm.s32 @!p2 $0x0  }
0x16: {  	s3 =	sld [smem:$0x3FDB];
	s0 =	simm.s32 @p2 $0x1  }
0x17: {  	s4 =	simm.s32 $0x1BF5;
	[smem:$0x3FB5] =	sst s0  }
0x18: {  	s0 =	sld [smem:$0x3F98];
	_ =	swait.ge [sflag:s4], $0x0  }
0x19: {  	s7 =	sld [smem:$0x3F99]  }
0x1a: {  	s8 =	sadd.s32 $0xFFFFE003, lr  }
0x1b: {  	s9 =	sadd.s32 $0xFFFFFEF7, lr;
	s5 =	simm.s32 $0xFFFFFFFF;
	p2 =	slt.u32 s8, $0xFFFFF086  }
0x1c: {  	p1 =	slt.u32 s9, $0xF7A;
	s5 =	simm.s32 @!p2 $0x0  }
0x1d: {  	s5 =	simm.s32 @p1 $0x1;
	p0 =	seq.s32 s7, s2  }
0x1e: {  	s7 =	smul.u32 @!p0 $0xF7A, s2;
	p2 =	seq.s32 @!p0 s5, $0x0  }
0x1f: {  	s9 =	smul.u32 $0xF7A, s1;
	s8 =	simm.s32 @!p0 $0x1BF5;
	p2 =	por !p2, p0  }
0x20: {  	[sflag:s8] =	ssyncset.s32 @!p0 $0xFFFFF086;
	s6 =	sadd.s32 @!p0 s3, s7;
	s7 =	simm.s32 @!p0 $0x108  }
0x21: {  	s3 =	sadd.s32 s3, s9;
	s6 =	sadd.s32 @!p0 $0x88, s6;
	s7 =	simm.s32 @p2 $0x1082  }
0x22: {  	[simem:s7], [sflag:s8] =	dma.local @!p0 [hbm:s6], $0xF7A  }
0x23: {  	s9 =	sor.u32 $0xD0000000, s2;
	s6 =	simm.s32 $0x108;
	_ =	swait.ge @!p0 [sflag:s8], $0x0  }
0x24: {  	s3 =	sadd.s32 $0x88, s3;
	s6 =	simm.s32 @!p1 $0x1082;
	[sflag:s4] =	ssyncset.s32 $0xFFFFF086  }
0x25: {  	[simem:s6], [sflag:s4] =	dma.local [hbm:s3], $0xF7A  }
0x26: {  	[smem:$0x3F99] =	sst s1;
	(tag) =	ssettag s2;
	_ =	strace s9  }
0x27: {  	s1 =	sld [smem:$0x3FA9]  }
0x28: {  	s2 =	sld [smem:$0x3FAA]  }
0x29: {  	s4 =	sld [smem:$0x3FAC]  }
0x2a: {  	p0 =	seq.s32 s5, $0x0;
	s5 =	sld [smem:$0x3FAD]  }
0x2b: {  	s6 =	sld [smem:$0x3FAE]  }
0x2c: {  	s7 =	sld [smem:$0x3FAF]  }
0x2d: {  	s3 =	simm.s32 $0x108;
	s8 =	sld [smem:$0x3FB0]  }
0x2e: {  	s3 =	simm.s32 @!p0 $0x1082;
	s9 =	sld [smem:$0x3FB1]  }
0x2f: {  	lr =	sadd.s32 s0, s3;
	s0 =	sld [smem:$0x3FA8]  }
0x30: {  	s3 =	sld [smem:$0x3FAB]  }
0x31: {  	[smem:$0x3FB4] =	sst s10  }
0x32: {  	s10 =	sld [smem:$0x3FB2];
	_ =	sdelay $0x3  }
0x33: {  	p0 =	seq.s32 s10, $0x1;
	s10 =	sld [smem:$0x3FB4];
	_ =	sdelay $0x3  }
0x34: {  	[smem:$0x3FB4] =	sst s10  }
0x35: {  	s10 =	sld [smem:$0x3FB3];
	_ =	sdelay $0x3  }
0x36: {  	p1 =	seq.s32 s10, $0x1;
	s10 =	sld [smem:$0x3FB4];
	_ =	sdelay $0x3  }
0x37: {  	[smem:$0x3FB4] =	sst s10  }
0x38: {  	s10 =	sld [smem:$0x3FB5]  }
0x39: {  	_ = 	snop;
	(pc) =	sbr.ind lr, $3  }
0x3a: {  	_ = 	snop  }
0x3b: {  	_ = 	snop  }
0x3c: {  	p2 =	seq.s32 s10, $0x1;
	s10 =	sld [smem:$0x3FB4]  }
0x3d: {  	_ =	shalt  }
0x3e: {  	_ =	shalt  }
0x3f: {  	_ =	shalt  }
0x40: {  	_ =	shalt  }
0x41: {  	_ =	shalt  }
0x42: {  	_ =	shalt  }
0x43: {  	_ =	shalt  }
0x44: {  	_ =	shalt  }
0x45: {  	_ =	shalt  }
0x46: {  	_ =	shalt  }
0x47: {  	_ =	shalt  }
0x48: {  	_ =	shalt  }
0x49: {  	_ =	shalt  }
0x4a: {  	_ =	shalt  }
0x4b: {  	_ =	shalt  }
0x4c: {  	_ =	shalt  }
0x4d: {  	_ =	shalt  }
0x4e: {  	_ =	shalt  }
0x4f: {  	_ =	shalt  }
0x50: {  	_ =	shalt  }
0x51: {  	_ =	shalt  }
0x52: {  	_ =	shalt  }
0x53: {  	_ =	shalt  }
0x54: {  	_ =	shalt  }
0x55: {  	_ =	shalt  }
0x56: {  	_ =	shalt  }
0x57: {  	_ =	shalt  }
0x58: {  	_ =	shalt  }
0x59: {  	_ =	shalt  }
0x5a: {  	_ =	shalt  }
0x5b: {  	_ =	shalt  }
0x5c: {  	_ =	shalt  }
0x5d: {  	_ =	shalt  }
0x5e: {  	_ =	shalt  }
0x5f: {  	_ =	shalt  }
0x60: {  	_ =	shalt  }
0x61: {  	_ =	shalt  }
0x62: {  	_ =	shalt  }
0x63: {  	_ =	shalt  }
0x64: {  	_ =	shalt  }
0x65: {  	_ =	shalt  }
0x66: {  	_ =	shalt  }
0x67: {  	_ =	shalt  }
0x68: {  	_ =	shalt  }
0x69: {  	_ =	shalt  }
0x6a: {  	_ =	shalt  }
0x6b: {  	_ =	shalt  }
0x6c: {  	_ =	shalt  }
0x6d: {  	_ =	shalt  }
0x6e: {  	_ =	shalt  }
0x6f: {  	_ =	shalt  }
0x70: {  	_ =	shalt  }
0x71: {  	_ =	shalt  }
0x72: {  	_ =	shalt  }
0x73: {  	_ =	shalt  }
0x74: {  	_ =	shalt  }
0x75: {  	_ =	shalt  }
0x76: {  	_ =	shalt  }
0x77: {  	_ =	shalt  }
0x78: {  	_ =	shalt  }
0x79: {  	_ =	shalt  }
0x7a: {  	_ =	shalt  }
0x7b: {  	_ =	shalt  }
0x7c: {  	_ =	shalt  }
0x7d: {  	_ =	shalt  }
0x7e: {  	_ =	shalt  }
0x7f: {  	_ =	shalt  }
0x80: {  	_ =	shalt  }
0x81: {  	_ =	shalt  }
0x82: {  	_ =	shalt  }
0x83: {  	_ =	shalt  }
0x84: {  	_ =	shalt  }
0x85: {  	_ =	shalt  }
0x86: {  	_ =	shalt  }
0x87: {  	_ =	shalt  }
.Lfunc_end0:
.L_simem_size_0:
called_computation.2_lowered:
.L_overlay_start_0:
0x88: {  	s2 =	sld [smem:$0x3FD9]  }
0x89: {  	s3 =	sld [smem:$0x3FFE];
	_ =	sdelay $0x1  }
0x8a: {  	s1 =	srdreg.scid  }
0x8b: {  	s0 =	sand.u32 $0x1, s1  }
0x8c: {  	s17 =	sshll.u32 s0, $0xA;
	s2 =	sadd.s32 s3, s2  }
0x8d: {  	s2 =	sadd.s32 s2, s17  }
0x8e: {  	[smem:$0x3FC0] =	sst s2  }
0x8f: {  	_ = 	snop  }
0x90: {  	s2 =	sld [smem:$0x3FD0];
	(tm) =	ssettm $0x1  }
0x91: {  	s18 =	sld [smem:$0x3FFB];
	_ =	sdelay $0x3  }
0x92: {  	_ =	strace s18  }
0x93: {  	s3 =	sld [smem:$0x3FFC];
	_ =	sdelay $0x3  }
0x94: {  	_ =	strace s3  }
0x95: {  	s3 =	sld [smem:$0x3FFD];
	_ =	sdelay $0x3  }
0x96: {  	_ =	strace s3  }
0x97: {  	_ =	strace $0x8FFFFFFF  }
0x98: {  	s19 =	sld [smem:$0x3FDB];
	_ =	sdelay $0x1  }
0x99: {  	s4 =	simm.s32 $_scs_section_size  }
0x9a: {  	s5 =	simm.s32 $_size__tile_overlayer_lowered;
	s6 =	simm.s32 $_tile_overlayer_lowered  }
0x9b: {  	s22 =	simm.s32 $0x1BFF;
	s21 =	sshll.u32 s6, $0x1;
	s3 =	sadd.s32 s4, s19  }
0x9c: {  	s7 =	simm.s32 $0x0;
	s20 =	sshll.u32 s5, $0x1;
	s5 =	sadd.s32 s21, s3  }
0x9d: {  	[timem:s7], [sflag:s22] =	dma.local [hbm:s5], s20  }
0x9e: {  	_ =	swait.ge [sflag:s22], s20  }
0x9f: {  	s4 =	ssub.s32 $0x0, s20;
	[sflag:s22] =	ssyncset.done $0x0  }
0xa0: {  	[sflag:s22] =	ssyncadd.s32 s4;
	_ =	sdelay $0x1  }
0xa1: {  	s23 =	simm.s32 $0x1B8B  }
0xa2: {  	_ =	swait.ge [sflag:s23], $0x1  }
0xa3: {  	[sflag:s23] =	ssyncset.done $0x0  }
0xa4: {  	s25 =	simm.s32 $0x1B8E;
	s24 =	sld [smem:$0x3FFE];
	[sflag:s23] =	ssyncadd.s32 $0xFFFFFFFF  }
0xa5: {  	s26 =	simm.s32 $execute0_lowered;
	[smem:$0x3FD2] =	sst s25  }
0xa6: {  	s5 =	sshll.u32 s26, $0x1;
	_ =	strace $0x8000004C;
	[dreg:$0x1] =	wrdreg $0xFFFFFFFF  }
0xa7: {  	s28 =	simm.s32 $_size_execute0_lowered;
	s3 =	sadd.s32 s3, s5;
	[dreg:$0x0] =	wrdreg $0x0  }
0xa8: {  	s5 =	sshll.u32 s28, $0x1;
	[dreg:$0x2] =	wrdreg s3  }
0xa9: {  	[dreg:$0x3] =	wrdreg s5  }
0xaa: {  	[dreg:$0x4] =	wrdreg $0xC0  }
0xab: {  	_ =	task [dreg:s7], $0x5FFFF  }
0xac: {  	[dreg:$0x1] =	wrdreg $0xFFFFFFFF  }
0xad: {  	[dreg:$0x0] =	wrdreg $0x60  }
0xae: {  	[dreg:$0x2] =	wrdreg s2  }
0xaf: {  	[dreg:$0x3] =	wrdreg s24  }
0xb0: {  	[dreg:$0x4] =	wrdreg $0xAA000  }
0xb1: {  	[dreg:$0x5] =	wrdreg $0x9  }
0xb2: {  	_ =	task.clear_ibuf [dreg:s7], $0x6FFFF;
	_ =	strace $0x9000004C  }
0xb3: {  	s29 =	simm.s32 $0x9;
	_ =	strace $0x8000004E  }
0xb4: {  	_ =	swait.ge [sflag:s29], $0x1  }
0xb5: {  	[sflag:s29] =	ssyncadd.s32 $0xFFFFFFFF  }
0xb6: {  	_ =	strace $0x9000004E  }
0xb7: {  	_ =	sfence  }
0xb8: {  	s30 =	sld [smem:$0x0];
	_ =	sdelay $0x2  }
0xb9: {  	s31 =	sshll.u32 s1, $0xD;
	s1 =	sshrl.u32 s1, $0x2  }
0xba: {  	s3 =	sand.u32 $0x4000, s31;
	s1 =	sadd.s32 s1, s30  }
0xbb: {  	s0 =	sor.u32 s3, s0;
	s1 =	sshll.u32 s1, $0x11  }
0xbc: {  	s0 =	sor.u32 s1, s0  }
0xbd: {  	s0 =	sadd.s32 $0x8F2B, s0  }
0xbe: {  	[sflag:s0] =	ssyncadd.remote.s32 $0x1  }
0xbf: {  	_ =	sfence.sel $0xFFFF  }
0xc0: {  	[dreg:$0x0] =	wrdreg $0xFFFFFFFF;
	(pc) =	sbr.abs _section_cstart, $3  }
0xc1: {  	[dreg:$0x1] =	wrdreg $0xFFFFFFFF  }
0xc2: {  	_ =	task.clear_ibuf [dreg:s7], $0x2FFFF;
	_ =	strace $0x9FFFFFFF  }
0xc3: {  	(tm) =	ssettm $0x7FFFFFFF  }
tec
execute0_lowered:
.L_overlay_start_1:
0x0: {  	(tag) =	ssettag $0x1  }
0x1: {  	s0 =	rddreg [dreg:$0x0]  }
0x2: {  	s1 =	srdreg.scid;
	s2 =	rddreg [dreg:$0x1]  }
0x3: {  	s3 =	rddreg [dreg:$0x2];
	s12 =	stileid.u32  }
0x4: {  	s4 =	simm.s32 $0x0;
	s28 =	simm.s32 $0x7;
	s29 =	simm.s32 $0x2A00  }
0x5: {  	s30 =	simm.s32 $0x2800;
	s31 =	simm.s32 $0x2880;
	s1 =	sand.u32 $0x1, s1  }
0x6: {  	[smem:$0x7FF] =	sst s4;
	s6 =	sadd.s32 $0xD600, s2;
	s9 =	smul.u32 $0x50000, s12  }
0x7: {  	s26 =	smul.u32 $0x14000, s12;
	s5 =	sshll.u32 s1, $0x4;
	_ =	strace $0x8000004D  }
0x8: {  	s8 =	ssub.s32 $0x2, s1;
	s1 =	smul.u32 $0x140000, s1;
	s5 =	sor.u32 s12, s5  }
0x9: {  	s11 =	sshrl.u32 s8, $0x1;
	s24 =	sshrl.u32 s9, $0x2;
	s20 =	sadd.s32 $0x8000, s26  }
0xa: {  	s21 =	sadd.s32 $0xC000, s26;
	s11 =	ssub.s32 s8, s11;
	s8 =	sadd.s32 s24, s3  }
0xb: {  	s9 =	sadd.s32 $0x10000, s26;
	s5 =	smul.u32 $0x2800, s5;
	s12 =	sadd.s32 $0x4000, s8  }
0xc: {  	s16 =	sadd.s32 s1, s26;
	s13 =	sadd.s32 $0x8000, s8;
	[dreg:$0x5] =	wrdreg s12  }
0xd: {  	s22 =	sadd.s32 s1, s20;
	s14 =	sadd.s32 $0xC000, s8;
	[dreg:$0x6] =	wrdreg s13  }
0xe: {  	s15 =	sadd.s32 $0x10000, s8;
	s17 =	sshrl.u32 s16, $0x3;
	[dreg:$0x7] =	wrdreg s14  }
0xf: {  	s16 =	simm.s32 $0x6;
	s7 =	sshrl.u32 s5, $0x3;
	[dreg:$0x8] =	wrdreg s15  }
0x10: {  	s12 =	sadd.s32 $0x4000, s26;
	s15 =	sadd.s32 s1, s21;
	s10 =	sadd.s32 s7, s2  }
0x11: {  	s2 =	sadd.s32 $0x17600, s2;
	s13 =	sadd.s32 s6, s7;
	s18 =	sadd.s32 s1, s12  }
0x12: {  	s15 =	sshrl.u32 s15, $0x3;
	s1 =	sadd.s32 s1, s9;
	s26 =	sadd.s32 s12, s3  }
0x13: {  	s12 =	simm.s32 $0x1;
	s25 =	sadd.s32 $0x3600, s10;
	s14 =	sadd.s32 $0x10, s13  }
0x14: {  	s7 =	sadd.s32 s2, s17;
	s19 =	sshrl.u32 s18, $0x3;
	[dreg:$0x11] =	wrdreg s26  }
0x15: {  	s23 =	sadd.s32 s2, s15;
	s1 =	sshrl.u32 s1, $0x3;
	[dreg:$0x4] =	wrdreg s25  }
0x16: {  	s24 =	sadd.s32 $0x20, s13;
	s26 =	sadd.s32 $0x30, s13;
	[dreg:$0x9] =	wrdreg s14  }
0x17: {  	s10 =	simm.s32 $0x4;
	s15 =	simm.s32 $0x2;
	[dreg:$0xa] =	wrdreg s7  }
0x18: {  	s17 =	simm.s32 $0x0;
	s7 =	sadd.s32 s2, s19;
	[dreg:$0xd] =	wrdreg s23  }
0x19: {  	s14 =	sshrl.u32 s22, $0x3;
	s1 =	sadd.s32 s2, s1;
	[dreg:$0xf] =	wrdreg s24  }
0x1a: {  	s25 =	smax.u32 s11, $0x1;
	s23 =	sadd.s32 s20, s3;
	[dreg:$0xb] =	wrdreg s7  }
0x1b: {  	s24 =	sadd.s32 s21, s3;
	s11 =	simm.s32 $0x6A00;
	[dreg:$0xe] =	wrdreg s1  }
0x1c: {  	s14 =	sadd.s32 s2, s14;
	[dreg:$0x10] =	wrdreg s25;
	s25 =	sadd.s32 s9, s3  }
0x1d: {  	s1 =	simm.s32 $0x2900;
	s2 =	simm.s32 $0x2980;
	s7 =	simm.s32 $0x3  }
0x1e: {  	v0 =	vimm.f32 $0.0e+00;
	s9 =	simm.s32 $0x80;
	[dreg:$0xc] =	wrdreg s14;
	s14 =	simm.s32 $0x5  }
.LBB2_1:
0x1f: {  	s18 =	rddreg [dreg:$0x4]  }
0x20: {  	[tilespmem:s4], [sflag:$0x7] =	stream.linear.gather [hbm4b:s18+s4], $0x2800, $0x38;
	[tilespmem:$0x1EA00] =	vst v63  }
0x21: {  	_ =	swait.ge [sflag:s28], $0x2800  }
0x22: {  	[sflag:s28] =	ssyncset.done $0x0  }
0x23: {  	s19 =	simm.s32 $0x200;
	s18 =	simm.s32 $0x0;
	[sflag:s28] =	ssyncadd.s32 $0xFFFFD800  }
.LBB2_2:
0x24: {  	p0 =	sne.s32 s19, $0xFE00;
	[tilespmem:s18+$0x2A70] =	vst v0  }
0x25: {  	[tilespmem:s18+$0x2A00] =	vst v0  }
0x26: {  	[tilespmem:s18+$0x2A10] =	vst v0  }
.Ltmp0:
0x27: {  	[tilespmem:s18+$0x2A20] =	vst v0;
	(pc) =	sbr.rel @p0 .LBB2_2-.Ltmp0, $4  }
0x28: {  	[tilespmem:s18+$0x2A30] =	vst v0  }
0x29: {  	[tilespmem:s18+$0x2A40] =	vst v0  }
0x2a: {  	[tilespmem:s18+$0x2A50] =	vst v0  }
0x2b: {  	[tilespmem:s18+$0x2A60] =	vst v0;
	s18 =	sshra.s32 s19, $0x2;
	s19 =	sadd.s32 $0x200, s19  }
0x2c: {  	[tilespmem:s18+$0x2A70] =	vst v0  }
0x2d: {  	[tilespmem:s18+$0x2A00] =	vst v0  }
0x2e: {  	[tilespmem:s18+$0x2A10] =	vst v0  }
0x2f: {  	[tilespmem:s18+$0x2A20] =	vst v0  }
0x30: {  	[tilespmem:s18+$0x2A30] =	vst v0  }
0x31: {  	[tilespmem:s18+$0x2A40] =	vst v0  }
0x32: {  	[tilespmem:s18+$0x2A50] =	vst v0  }
0x33: {  	[tilespmem:s18+$0x2A60] =	vst v0  }
0x34: {  	[spmem:s8] =	stream.linear.scatter [tilespmem:s29], [sflag:$0x7], $0x4000, $0x38;
	[tilespmem:$0x1EA00] =	vst v63  }
0x35: {  	_ =	swait.ge [sflag:s28], $0x4000  }
0x36: {  	[sflag:s28] =	ssyncset.done $0x0  }
0x37: {  	s19 =	rddreg [dreg:$0x5];
	[sflag:s28] =	ssyncadd.s32 $0xFFFFC000  }
0x38: {  	[spmem:s19] =	stream.linear.scatter [tilespmem:s29], [sflag:$0x7], $0x4000, $0x38;
	[tilespmem:$0x1EA00] =	vst v63  }
0x39: {  	_ =	swait.ge [sflag:s28], $0x4000  }
0x3a: {  	[sflag:s28] =	ssyncset.done $0x0  }
0x3b: {  	s20 =	rddreg [dreg:$0x6];
	[sflag:s28] =	ssyncadd.s32 $0xFFFFC000  }
0x3c: {  	[spmem:s20] =	stream.linear.scatter [tilespmem:s29], [sflag:$0x7], $0x4000, $0x38;
	[tilespmem:$0x1EA00] =	vst v63  }
0x3d: {  	_ =	swait.ge [sflag:s28], $0x4000  }
0x3e: {  	[sflag:s28] =	ssyncset.done $0x0  }
0x3f: {  	s21 =	rddreg [dreg:$0x7];
	[sflag:s28] =	ssyncadd.s32 $0xFFFFC000  }
0x40: {  	[spmem:s21] =	stream.linear.scatter [tilespmem:s29], [sflag:$0x7], $0x4000, $0x38;
	[tilespmem:$0x1EA00] =	vst v63  }
0x41: {  	_ =	swait.ge [sflag:s28], $0x4000  }
0x42: {  	[sflag:s28] =	ssyncset.done $0x0  }
0x43: {  	s22 =	rddreg [dreg:$0x8];
	[sflag:s28] =	ssyncadd.s32 $0xFFFFC000  }
0x44: {  	[spmem:s22] =	stream.linear.scatter [tilespmem:s29], [sflag:$0x7], $0x4000, $0x38;
	[tilespmem:$0x1EA00] =	vst v63  }
0x45: {  	_ =	swait.ge [sflag:s28], $0x4000  }
0x46: {  	[sflag:s28] =	ssyncset.done $0x0  }
0x47: {  	[sflag:s28] =	ssyncadd.s32 $0xFFFFC000  }
0x48: {  	[bflag:$0x0] =	sbarrier.arrive $0xFFFF  }
0x49: {  	[tilespmem:s30], [sflag:$0x3] =	stream.linear.gather [hbm4b:s13+s4], $0x80, $0x38;
	[tilespmem:$0x1EA00] =	vst v63  }
0x4a: {  	s19 =	rddreg [dreg:$0x9]  }
0x4b: {  	[tilespmem:s31], [sflag:$0x4] =	stream.linear.gather [hbm4b:s19+s4], $0x80, $0x38;
	[tilespmem:$0x1EA00] =	vst v63  }
0x4c: {  	s20 =	rddreg [dreg:$0xf]  }
0x4d: {  	[tilespmem:s1], [sflag:$0x5] =	stream.linear.gather [hbm4b:s20+s4], $0x80, $0x38;
	[tilespmem:$0x1EA00] =	vst v63  }
0x4e: {  	_ = 	snop  }
0x4f: {  	[tilespmem:s2], [sflag:$0x6] =	stream.linear.gather [hbm4b:s26+s4], $0x80, $0x38;
	[tilespmem:$0x1EA00] =	vst v63  }
0x50: {  	_ =	swait.ge [sflag:s7], $0x80  }
0x51: {  	[sflag:s7] =	ssyncset.done $0x0  }
0x52: {  	[sflag:s7] =	ssyncadd.s32 $0xFFFFFF80  }
0x53: {  	[tilespmem:s29], [sflag:$0x1] =	stream.indirect.gather [hbm4b:s0+s9], $0x80, s30, s9, $0xb8;
	[tilespmem:$0x1EA00] =	vst v63  }
0x54: {  	_ =	swait.ge [sflag:s10], $0x80  }
0x55: {  	[sflag:s10] =	ssyncset.done $0x0  }
0x56: {  	[sflag:s10] =	ssyncadd.s32 $0xFFFFFF80  }
0x57: {  	[tilespmem:s11], [sflag:$0x2] =	stream.indirect.gather [hbm4b:s0+s9], $0x80, s31, s9, $0xb8;
	[tilespmem:$0x1EA00] =	vst v63  }
0x58: {  	_ =	swait.ge [sflag:s12], $0x4000  }
0x59: {  	[sflag:s12] =	ssyncset.done $0x0  }
0x5a: {  	s21 =	simm.s32 $0x0;
	[sflag:s12] =	ssyncadd.s32 $0xFFFFC000  }
0x5b: {  	[spmem:s3] =	stream.indirect.scatter.add.f32 [tilespmem:s29], [sflag:$0x7], $0x80, s21, s9, $0xb8;
	[tilespmem:$0x1EA00] =	vst v63  }
0x5c: {  	_ =	swait.ge [sflag:s28], $0x4000  }
0x5d: {  	s22 =	simm.s32 $0x200;
	[sflag:s28] =	ssyncset.done $0x0  }
0x5e: {  	s19 =	sand.u32 $0x7C00, s22;
	[sflag:s28] =	ssyncadd.s32 $0xFFFFC000  }
0x5f: {  	s18 =	sand.u32 $0x200, s22;
	s19 =	sadd.s32 s5, s19;
	_ =	swait.ge [sflag:s14], $0x80  }
0x60: {  	s18 =	sor.u32 s18, s19;
	[sflag:s14] =	ssyncset.done $0x0  }
0x61: {  	s18 =	sshrl.u32 s18, $0x3;
	[sflag:s14] =	ssyncadd.s32 $0xFFFFFF80  }
0x62: {  	[tilespmem:s29], [sflag:$0x1] =	stream.indirect.gather [hbm4b:s0+s9], $0x80, s1, s9, $0xb8;
	[tilespmem:$0x1EA00] =	vst v63  }
0x63: {  	s18 =	sadd.s32 s6, s18  }
0x64: {  	[tilespmem:s30], [sflag:$0x3] =	stream.linear.gather [hbm4b:s18+s4], $0x80, $0x38;
	[tilespmem:$0x1EA00] =	vst v63  }
0x65: {  	_ =	swait.ge [sflag:s15], $0x4000  }
0x66: {  	[sflag:s15] =	ssyncset.done $0x0  }
0x67: {  	s20 =	simm.s32 $0x80;
	[sflag:s15] =	ssyncadd.s32 $0xFFFFC000  }
0x68: {  	[spmem:s3] =	stream.indirect.scatter.add.f32 [tilespmem:s11], [sflag:$0x7], $0x80, s20, s9, $0xb8;
	[tilespmem:$0x1EA00] =	vst v63  }
0x69: {  	_ =	swait.ge [sflag:s28], $0x4000  }
0x6a: {  	s21 =	simm.s32 $0x280;
	[sflag:s28] =	ssyncset.done $0x0  }
0x6b: {  	s22 =	sand.u32 $0x7C00, s21;
	[sflag:s28] =	ssyncadd.s32 $0xFFFFC000  }
0x6c: {  	s19 =	sadd.s32 s5, s22;
	s18 =	sand.u32 $0x280, s21;
	_ =	swait.ge [sflag:s16], $0x80  }
0x6d: {  	s18 =	sor.u32 s18, s19;
	[sflag:s16] =	ssyncset.done $0x0  }
0x6e: {  	s18 =	sshrl.u32 s18, $0x3;
	[sflag:s16] =	ssyncadd.s32 $0xFFFFFF80  }
0x6f: {  	[tilespmem:s11], [sflag:$0x2] =	stream.indirect.gather [hbm4b:s0+s9], $0x80, s2, s9, $0xb8;
	[tilespmem:$0x1EA00] =	vst v63  }
0x70: {  	s18 =	sadd.s32 s6, s18  }
0x71: {  	[tilespmem:s31], [sflag:$0x4] =	stream.linear.gather [hbm4b:s18+s4], $0x80, $0x38;
	[tilespmem:$0x1EA00] =	vst v63  }
0x72: {  	_ =	swait.ge [sflag:s12], $0x4000  }
0x73: {  	[sflag:s12] =	ssyncset.done $0x0  }
0x74: {  	s19 =	simm.s32 $0x100;
	[sflag:s12] =	ssyncadd.s32 $0xFFFFC000  }
0x75: {  	[spmem:s3] =	stream.indirect.scatter.add.f32 [tilespmem:s29], [sflag:$0x7], $0x80, s19, s9, $0xb8;
	[tilespmem:$0x1EA00] =	vst v63  }
0x76: {  	_ =	swait.ge [sflag:s28], $0x4000  }
0x77: {  	s20 =	simm.s32 $0x300;
	[sflag:s28] =	ssyncset.done $0x0  }
0x78: {  	s21 =	sand.u32 $0x7C00, s20;
	[sflag:s28] =	ssyncadd.s32 $0xFFFFC000  }
0x79: {  	s18 =	sand.u32 $0x300, s20;
	s19 =	sadd.s32 s5, s21;
	_ =	swait.ge [sflag:s7], $0x80  }
0x7a: {  	s18 =	sor.u32 s18, s19;
	[sflag:s7] =	ssyncset.done $0x0  }
0x7b: {  	s18 =	sshrl.u32 s18, $0x3;
	[sflag:s7] =	ssyncadd.s32 $0xFFFFFF80  }
0x7c: {  	[tilespmem:s29], [sflag:$0x1] =	stream.indirect.gather [hbm4b:s0+s9], $0x80, s30, s9, $0xb8;
	[tilespmem:$0x1EA00] =	vst v63  }
0x7d: {  	s18 =	sadd.s32 s6, s18  }
0x7e: {  	[tilespmem:s1], [sflag:$0x5] =	stream.linear.gather [hbm4b:s18+s4], $0x80, $0x38;
	[tilespmem:$0x1EA00] =	vst v63  }
0x7f: {  	_ =	swait.ge [sflag:s15], $0x4000  }
0x80: {  	[sflag:s15] =	ssyncset.done $0x0  }
0x81: {  	s18 =	simm.s32 $0x180;
	[sflag:s15] =	ssyncadd.s32 $0xFFFFC000  }
0x82: {  	[spmem:s3] =	stream.indirect.scatter.add.f32 [tilespmem:s11], [sflag:$0x7], $0x80, s18, s9, $0xb8;
	[tilespmem:$0x1EA00] =	vst v63  }
0x83: {  	_ =	swait.ge [sflag:s28], $0x4000  }
0x84: {  	s22 =	simm.s32 $0x380;
	[sflag:s28] =	ssyncset.done $0x0  }
0x85: {  	s20 =	sand.u32 $0x7C00, s22;
	[sflag:s28] =	ssyncadd.s32 $0xFFFFC000  }
0x86: {  	s20 =	sadd.s32 s5, s20;
	s19 =	sand.u32 $0x380, s22;
	_ =	swait.ge [sflag:s10], $0x80  }
0x87: {  	s20 =	sor.u32 s19, s20;
	[sflag:s10] =	ssyncset.done $0x0  }
0x88: {  	s19 =	simm.s32 $0x580;
	s20 =	sshrl.u32 s20, $0x3;
	[sflag:s10] =	ssyncadd.s32 $0xFFFFFF80  }
0x89: {  	[tilespmem:s11], [sflag:$0x2] =	stream.indirect.gather [hbm4b:s0+s9], $0x80, s31, s9, $0xb8;
	[tilespmem:$0x1EA00] =	vst v63  }
.LBB2_4:
0x8a: {  	p0 =	sne.s32 s19, $0x2780;
	s20 =	sadd.s32 s6, s20;
	s18 =	sadd.s32 $0x200, s18  }
0x8b: {  	[tilespmem:s2], [sflag:$0x6] =	stream.linear.gather [hbm4b:s20+s4], $0x80, $0x38;
	[tilespmem:$0x1EA00] =	vst v63  }
0x8c: {  	s20 =	smov.u32 s19;
	s19 =	sadd.s32 $0x200, s19;
	_ =	swait.ge [sflag:s12], $0x4000  }
0x8d: {  	s21 =	sadd.s32 $0xFFFFFE80, s18;
	[sflag:s12] =	ssyncset.done $0x0  }
0x8e: {  	[sflag:s12] =	ssyncadd.s32 $0xFFFFC000  }
0x8f: {  	[spmem:s3] =	stream.indirect.scatter.add.f32 [tilespmem:s29], [sflag:$0x7], $0x80, s21, s9, $0xb8;
	[tilespmem:$0x1EA00] =	vst v63  }
0x90: {  	_ =	swait.ge [sflag:s28], $0x4000  }
0x91: {  	s21 =	sadd.s32 $0xFFFFFE80, s20;
	[sflag:s28] =	ssyncset.done $0x0  }
0x92: {  	s22 =	sand.u32 $0x7C00, s21;
	s21 =	sand.u32 $0x200, s21;
	[sflag:s28] =	ssyncadd.s32 $0xFFFFC000  }
0x93: {  	s22 =	sadd.s32 s5, s22;
	_ =	swait.ge [sflag:s14], $0x80  }
0x94: {  	s21 =	sor.u32 s21, s22;
	[sflag:s14] =	ssyncset.done $0x0  }
0x95: {  	s21 =	sshrl.u32 s21, $0x3;
	[sflag:s14] =	ssyncadd.s32 $0xFFFFFF80  }
0x96: {  	[tilespmem:s29], [sflag:$0x1] =	stream.indirect.gather [hbm4b:s0+s9], $0x80, s1, s9, $0xb8;
	[tilespmem:$0x1EA00] =	vst v63  }
0x97: {  	s21 =	sadd.s32 s6, s21  }
0x98: {  	[tilespmem:s30], [sflag:$0x3] =	stream.linear.gather [hbm4b:s21+s4], $0x80, $0x38;
	[tilespmem:$0x1EA00] =	vst v63  }
0x99: {  	_ =	swait.ge [sflag:s15], $0x4000  }
0x9a: {  	s21 =	sadd.s32 $0xFFFFFF00, s18;
	[sflag:s15] =	ssyncset.done $0x0  }
0x9b: {  	[sflag:s15] =	ssyncadd.s32 $0xFFFFC000  }
0x9c: {  	[spmem:s3] =	stream.indirect.scatter.add.f32 [tilespmem:s11], [sflag:$0x7], $0x80, s21, s9, $0xb8;
	[tilespmem:$0x1EA00] =	vst v63  }
0x9d: {  	_ =	swait.ge [sflag:s28], $0x4000  }
0x9e: {  	s21 =	sadd.s32 $0xFFFFFF00, s20;
	[sflag:s28] =	ssyncset.done $0x0  }
0x9f: {  	s22 =	sand.u32 $0x7C00, s21;
	s21 =	sand.u32 $0x280, s21;
	[sflag:s28] =	ssyncadd.s32 $0xFFFFC000  }
0xa0: {  	s22 =	sadd.s32 s5, s22;
	_ =	swait.ge [sflag:s16], $0x80  }
0xa1: {  	s21 =	sor.u32 s21, s22;
	[sflag:s16] =	ssyncset.done $0x0  }
0xa2: {  	s21 =	sshrl.u32 s21, $0x3;
	[sflag:s16] =	ssyncadd.s32 $0xFFFFFF80  }
0xa3: {  	[tilespmem:s11], [sflag:$0x2] =	stream.indirect.gather [hbm4b:s0+s9], $0x80, s2, s9, $0xb8;
	[tilespmem:$0x1EA00] =	vst v63  }
0xa4: {  	s21 =	sadd.s32 s6, s21  }
0xa5: {  	[tilespmem:s31], [sflag:$0x4] =	stream.linear.gather [hbm4b:s21+s4], $0x80, $0x38;
	[tilespmem:$0x1EA00] =	vst v63  }
0xa6: {  	_ =	swait.ge [sflag:s12], $0x4000  }
0xa7: {  	s21 =	sadd.s32 $0xFFFFFF80, s18;
	[sflag:s12] =	ssyncset.done $0x0  }
0xa8: {  	[sflag:s12] =	ssyncadd.s32 $0xFFFFC000  }
0xa9: {  	[spmem:s3] =	stream.indirect.scatter.add.f32 [tilespmem:s29], [sflag:$0x7], $0x80, s21, s9, $0xb8;
	[tilespmem:$0x1EA00] =	vst v63  }
0xaa: {  	_ =	swait.ge [sflag:s28], $0x4000  }
0xab: {  	s21 =	sadd.s32 $0xFFFFFF80, s20;
	[sflag:s28] =	ssyncset.done $0x0  }
0xac: {  	s22 =	sand.u32 $0x7C00, s21;
	[sflag:s28] =	ssyncadd.s32 $0xFFFFC000  }
0xad: {  	s21 =	sand.u32 $0x300, s21;
	s22 =	sadd.s32 s5, s22;
	_ =	swait.ge [sflag:s7], $0x80  }
0xae: {  	s21 =	sor.u32 s21, s22;
	[sflag:s7] =	ssyncset.done $0x0  }
0xaf: {  	s21 =	sshrl.u32 s21, $0x3;
	[sflag:s7] =	ssyncadd.s32 $0xFFFFFF80  }
0xb0: {  	[tilespmem:s29], [sflag:$0x1] =	stream.indirect.gather [hbm4b:s0+s9], $0x80, s30, s9, $0xb8;
	[tilespmem:$0x1EA00] =	vst v63  }
0xb1: {  	s21 =	sadd.s32 s6, s21  }
0xb2: {  	[tilespmem:s1], [sflag:$0x5] =	stream.linear.gather [hbm4b:s21+s4], $0x80, $0x38;
	[tilespmem:$0x1EA00] =	vst v63  }
0xb3: {  	_ =	swait.ge [sflag:s15], $0x4000  }
0xb4: {  	[sflag:s15] =	ssyncset.done $0x0  }
0xb5: {  	[sflag:s15] =	ssyncadd.s32 $0xFFFFC000  }
0xb6: {  	[spmem:s3] =	stream.indirect.scatter.add.f32 [tilespmem:s11], [sflag:$0x7], $0x80, s18, s9, $0xb8;
	[tilespmem:$0x1EA00] =	vst v63  }
0xb7: {  	_ =	swait.ge [sflag:s28], $0x4000  }
0xb8: {  	[sflag:s28] =	ssyncset.done $0x0  }
.Ltmp1:
0xb9: {  	s21 =	sand.u32 $0x7C00, s20;
	[sflag:s28] =	ssyncadd.s32 $0xFFFFC000;
	(pc) =	sbr.rel @p0 .LBB2_4-.Ltmp1, $4  }
0xba: {  	s20 =	sand.u32 $0x380, s20;
	s21 =	sadd.s32 s5, s21;
	_ =	swait.ge [sflag:s10], $0x80  }
0xbb: {  	s20 =	sor.u32 s20, s21;
	[sflag:s10] =	ssyncset.done $0x0  }
0xbc: {  	s20 =	sshrl.u32 s20, $0x3;
	[sflag:s10] =	ssyncadd.s32 $0xFFFFFF80  }
0xbd: {  	[tilespmem:s11], [sflag:$0x2] =	stream.indirect.gather [hbm4b:s0+s9], $0x80, s31, s9, $0xb8;
	[tilespmem:$0x1EA00] =	vst v63  }
0xbe: {  	s18 =	sadd.s32 s6, s20  }
0xbf: {  	[tilespmem:s2], [sflag:$0x6] =	stream.linear.gather [hbm4b:s18+s4], $0x80, $0x38;
	[tilespmem:$0x1EA00] =	vst v63  }
0xc0: {  	_ =	swait.ge [sflag:s12], $0x4000  }
0xc1: {  	[sflag:s12] =	ssyncset.done $0x0  }
0xc2: {  	s20 =	simm.s32 $0x2600;
	[sflag:s12] =	ssyncadd.s32 $0xFFFFC000  }
0xc3: {  	[spmem:s3] =	stream.indirect.scatter.add.f32 [tilespmem:s29], [sflag:$0x7], $0x80, s20, s9, $0xb8;
	[tilespmem:$0x1EA00] =	vst v63  }
0xc4: {  	_ =	swait.ge [sflag:s28], $0x4000  }
0xc5: {  	[sflag:s28] =	ssyncset.done $0x0  }
0xc6: {  	[sflag:s28] =	ssyncadd.s32 $0xFFFFC000  }
0xc7: {  	_ =	swait.ge [sflag:s14], $0x80  }
0xc8: {  	[sflag:s14] =	ssyncset.done $0x0  }
0xc9: {  	[sflag:s14] =	ssyncadd.s32 $0xFFFFFF80  }
0xca: {  	[tilespmem:s29], [sflag:$0x1] =	stream.indirect.gather [hbm4b:s0+s9], $0x80, s1, s9, $0xb8;
	[tilespmem:$0x1EA00] =	vst v63  }
0xcb: {  	_ =	swait.ge [sflag:s15], $0x4000  }
0xcc: {  	[sflag:s15] =	ssyncset.done $0x0  }
0xcd: {  	s21 =	simm.s32 $0x2680;
	[sflag:s15] =	ssyncadd.s32 $0xFFFFC000  }
0xce: {  	[spmem:s3] =	stream.indirect.scatter.add.f32 [tilespmem:s11], [sflag:$0x7], $0x80, s21, s9, $0xb8;
	[tilespmem:$0x1EA00] =	vst v63  }
0xcf: {  	_ =	swait.ge [sflag:s28], $0x4000  }
0xd0: {  	[sflag:s28] =	ssyncset.done $0x0  }
0xd1: {  	[sflag:s28] =	ssyncadd.s32 $0xFFFFC000  }
0xd2: {  	_ =	swait.ge [sflag:s16], $0x80  }
0xd3: {  	[sflag:s16] =	ssyncset.done $0x0  }
0xd4: {  	[sflag:s16] =	ssyncadd.s32 $0xFFFFFF80  }
0xd5: {  	[tilespmem:s11], [sflag:$0x2] =	stream.indirect.gather [hbm4b:s0+s9], $0x80, s2, s9, $0xb8;
	[tilespmem:$0x1EA00] =	vst v63  }
0xd6: {  	_ =	swait.ge [sflag:s12], $0x4000  }
0xd7: {  	[sflag:s12] =	ssyncset.done $0x0  }
0xd8: {  	s22 =	simm.s32 $0x2700;
	[sflag:s12] =	ssyncadd.s32 $0xFFFFC000  }
0xd9: {  	[spmem:s3] =	stream.indirect.scatter.add.f32 [tilespmem:s29], [sflag:$0x7], $0x80, s22, s9, $0xb8;
	[tilespmem:$0x1EA00] =	vst v63  }
0xda: {  	_ =	swait.ge [sflag:s28], $0x4000  }
0xdb: {  	[sflag:s28] =	ssyncset.done $0x0  }
0xdc: {  	[sflag:s28] =	ssyncadd.s32 $0xFFFFC000  }
0xdd: {  	_ =	swait.ge [sflag:s15], $0x4000  }
0xde: {  	[sflag:s15] =	ssyncset.done $0x0  }
0xdf: {  	s19 =	simm.s32 $0x2780;
	[sflag:s15] =	ssyncadd.s32 $0xFFFFC000  }
0xe0: {  	[spmem:s3] =	stream.indirect.scatter.add.f32 [tilespmem:s11], [sflag:$0x7], $0x80, s19, s9, $0xb8;
	[tilespmem:$0x1EA00] =	vst v63  }
0xe1: {  	_ =	swait.ge [sflag:s28], $0x4000  }
0xe2: {  	[sflag:s28] =	ssyncset.done $0x0  }
0xe3: {  	[sflag:s28] =	ssyncadd.s32 $0xFFFFC000  }
0xe4: {  	[bflag:$0x0] =	sbarrier.arrive $0xFFFF  }
0xe5: {  	[tilespmem:s29], [sflag:$0x7] =	stream.linear.gather [spmem:s8], $0x4000, $0x38;
	[tilespmem:$0x1EA00] =	vst v63  }
0xe6: {  	_ =	swait.ge [sflag:s28], $0x4000  }
0xe7: {  	[sflag:s28] =	ssyncset.done $0x0  }
0xe8: {  	s20 =	rddreg [dreg:$0xa];
	[sflag:s28] =	ssyncadd.s32 $0xFFFFC000  }
0xe9: {  	[hbm4b:s20+s4] =	stream.linear.scatter [tilespmem:s29], [sflag:$0x7], $0x4000, $0x38;
	[tilespmem:$0x1EA00] =	vst v63  }
0xea: {  	_ =	swait.ge [sflag:s28], $0x4000  }
0xeb: {  	[sflag:s28] =	ssyncset.done $0x0  }
0xec: {  	s21 =	rddreg [dreg:$0x11];
	[sflag:s28] =	ssyncadd.s32 $0xFFFFC000  }
0xed: {  	[tilespmem:s29], [sflag:$0x7] =	stream.linear.gather [spmem:s21], $0x4000, $0x38;
	[tilespmem:$0x1EA00] =	vst v63  }
0xee: {  	_ =	swait.ge [sflag:s28], $0x4000  }
0xef: {  	[sflag:s28] =	ssyncset.done $0x0  }
0xf0: {  	s22 =	rddreg [dreg:$0xb];
	[sflag:s28] =	ssyncadd.s32 $0xFFFFC000  }
0xf1: {  	[hbm4b:s22+s4] =	stream.linear.scatter [tilespmem:s29], [sflag:$0x7], $0x4000, $0x38;
	[tilespmem:$0x1EA00] =	vst v63  }
0xf2: {  	_ =	swait.ge [sflag:s28], $0x4000  }
0xf3: {  	[sflag:s28] =	ssyncset.done $0x0  }
0xf4: {  	[sflag:s28] =	ssyncadd.s32 $0xFFFFC000  }
0xf5: {  	[tilespmem:s29], [sflag:$0x7] =	stream.linear.gather [spmem:s23], $0x4000, $0x38;
	[tilespmem:$0x1EA00] =	vst v63  }
0xf6: {  	_ =	swait.ge [sflag:s28], $0x4000  }
0xf7: {  	[sflag:s28] =	ssyncset.done $0x0  }
0xf8: {  	s19 =	rddreg [dreg:$0xc];
	[sflag:s28] =	ssyncadd.s32 $0xFFFFC000  }
0xf9: {  	[hbm4b:s19+s4] =	stream.linear.scatter [tilespmem:s29], [sflag:$0x7], $0x4000, $0x38;
	[tilespmem:$0x1EA00] =	vst v63  }
0xfa: {  	_ =	swait.ge [sflag:s28], $0x4000  }
0xfb: {  	[sflag:s28] =	ssyncset.done $0x0  }
0xfc: {  	[sflag:s28] =	ssyncadd.s32 $0xFFFFC000  }
0xfd: {  	[tilespmem:s29], [sflag:$0x7] =	stream.linear.gather [spmem:s24], $0x4000, $0x38;
	[tilespmem:$0x1EA00] =	vst v63  }
0xfe: {  	_ =	swait.ge [sflag:s28], $0x4000  }
0xff: {  	[sflag:s28] =	ssyncset.done $0x0  }
0x100: {  	s20 =	rddreg [dreg:$0xd];
	[sflag:s28] =	ssyncadd.s32 $0xFFFFC000  }
0x101: {  	[hbm4b:s20+s4] =	stream.linear.scatter [tilespmem:s29], [sflag:$0x7], $0x4000, $0x38;
	[tilespmem:$0x1EA00] =	vst v63  }
0x102: {  	_ =	swait.ge [sflag:s28], $0x4000  }
0x103: {  	[sflag:s28] =	ssyncset.done $0x0  }
0x104: {  	[sflag:s28] =	ssyncadd.s32 $0xFFFFC000  }
0x105: {  	[tilespmem:s29], [sflag:$0x7] =	stream.linear.gather [spmem:s25], $0x4000, $0x38;
	[tilespmem:$0x1EA00] =	vst v63  }
0x106: {  	_ =	swait.ge [sflag:s28], $0x4000  }
0x107: {  	[sflag:s28] =	ssyncset.done $0x0  }
0x108: {  	s21 =	rddreg [dreg:$0xe];
	[sflag:s28] =	ssyncadd.s32 $0xFFFFC000  }
0x109: {  	[hbm4b:s21+s4] =	stream.linear.scatter [tilespmem:s29], [sflag:$0x7], $0x4000, $0x38;
	[tilespmem:$0x1EA00] =	vst v63  }
0x10a: {  	_ =	swait.ge [sflag:s28], $0x4000  }
0x10b: {  	s17 =	sadd.s32 $0x1, s17;
	s22 =	rddreg [dreg:$0x10]  }
0x10c: {  	p0 =	sne.s32 s17, s22  }
.Ltmp2:
0x10d: {  	_ = 	snop;
	(pc) =	sbr.rel @p0 .LBB2_1-.Ltmp2, $3  }
0x10e: {  	_ =	sdelay $0x1  }
0x10f: {  	[sflag:s28] =	ssyncset.done $0x0  }
0x110: {  	[sflag:s28] =	ssyncadd.s32 $0xFFFFC000  }
0x111: {  	_ =	sfence.sel $0x180000  }
0x112: {  	[bflag:$0x0] =	sbarrier.arrive $0xFFFF  }
0x113: {  	_ =	strace $0x9000004D  }
0x114: {  	s0 =	stileid.u32;
	[bflag:$0x2] =	sbarrier.arrive $0xFFFF  }
0x115: {  	p0 =	sne.s32 s0, $0x0;
	s0 =	rddreg [dreg:$0x3]  }
0x116: {  	s0 =	sadd.s32 @!p0 $0x100000, s0  }
0x117: {  	[sflag:s0] =	ssyncadd.tile.s32 @!p0 $0x1;
	_ =	shalt  }
.Lfunc_end2:
_tile_overlayer_lowered:
.L_overlay_start_2:
0x118: {  	(tag) =	ssettag $0x2  }
0x119: {  	s0 =	rddreg [dreg:$0x0];
	s2 =	stileid.u32  }
0x11a: {  	s1 =	rddreg [dreg:$0x1];
	p0 =	sne.s32 s2, $0x0  }
0x11b: {  	s3 =	rddreg [dreg:$0x2];
	[bflag:$0x3] =	sbarrier.arrive $0xFFFF;
	s2 =	simm.s32 @!p0 $0x1C07  }
0x11c: {  	[timem:s3], [sflag:s2] =	dma.local @!p0 [hbm:s0], s1  }
0x11d: {  	s0 =	simm.s32 @!p0 $0x7  }
0x11e: {  	_ =	swait.ge @!p0 [sflag:s0], s1  }
0x11f: {  	s1 =	ssub.s32 @!p0 $0x0, s1;
	[sflag:s0] =	ssyncset.done @!p0 $0x0  }
0x120: {  	[sflag:s0] =	ssyncadd.s32 @!p0 s1  }
0x121: {  	[bflag:$0x3] =	sbarrier.arrive $0xFFFF  }
0x122: {  	_ =	shalt  }

// kernel: kernel.8.cloned.1.call-start
scs
__scs_entry_jumppad:
0x0: {  	(pc) =	sbr.rel $0x88, $3  }
0x1: {  	(tag) =	ssettag $0x0;
	lr =	simm.s32 $0x1  }
0x2: {  	[smem:$0x3F99] =	sst lr;
	_ =	strace $0xD0000000  }
0x3: {  	_ = 	snop  }
0x4: {  	_ = 	snop  }
0x5: {  	_ = 	snop  }
0x6: {  	_ = 	snop  }
0x7: {  	_ = 	snop  }
__scs_overlays_trampoline_lowered:
0x8: {  	[smem:$0x3FA8] =	sst s0  }
0x9: {  	[smem:$0x3FA9] =	sst s1  }
0xa: {  	[smem:$0x3FAA] =	sst s2  }
0xb: {  	[smem:$0x3FAB] =	sst s3  }
0xc: {  	[smem:$0x3FAC] =	sst s4  }
0xd: {  	[smem:$0x3FAD] =	sst s5  }
0xe: {  	[smem:$0x3FAE] =	sst s6  }
0xf: {  	[smem:$0x3FAF] =	sst s7  }
0x10: {  	[smem:$0x3FB0] =	sst s8  }
0x11: {  	[smem:$0x3FB1] =	sst s9;
	s0 =	simm.s32 @!p0 $0x0  }
0x12: {  	s1 =	sld [smem:$0x3F97];
	s0 =	simm.s32 @p0 $0x1  }
0x13: {  	[smem:$0x3FB2] =	sst s0;
	s0 =	simm.s32 @!p1 $0x0  }
0x14: {  	s2 =	sld [smem:$0x3F96];
	s0 =	simm.s32 @p1 $0x1  }
0x15: {  	[smem:$0x3FB3] =	sst s0;
	s0 =	simm.s32 @!p2 $0x0  }
0x16: {  	s3 =	sld [smem:$0x3FDB];
	s0 =	simm.s32 @p2 $0x1  }
0x17: {  	s4 =	simm.s32 $0x1BF5;
	[smem:$0x3FB5] =	sst s0  }
0x18: {  	s0 =	sld [smem:$0x3F98];
	_ =	swait.ge [sflag:s4], $0x0  }
0x19: {  	s7 =	sld [smem:$0x3F99]  }
0x1a: {  	s8 =	sadd.s32 $0xFFFFE003, lr  }
0x1b: {  	s9 =	sadd.s32 $0xFFFFFEF7, lr;
	s5 =	simm.s32 $0xFFFFFFFF;
	p2 =	slt.u32 s8, $0xFFFFF086  }
0x1c: {  	p1 =	slt.u32 s9, $0xF7A;
	s5 =	simm.s32 @!p2 $0x0  }
0x1d: {  	s5 =	simm.s32 @p1 $0x1;
	p0 =	seq.s32 s7, s2  }
0x1e: {  	s7 =	smul.u32 @!p0 $0xF7A, s2;
	p2 =	seq.s32 @!p0 s5, $0x0  }
0x1f: {  	s9 =	smul.u32 $0xF7A, s1;
	s8 =	simm.s32 @!p0 $0x1BF5;
	p2 =	por !p2, p0  }
0x20: {  	[sflag:s8] =	ssyncset.s32 @!p0 $0xFFFFF086;
	s6 =	sadd.s32 @!p0 s3, s7;
	s7 =	simm.s32 @!p0 $0x108  }
0x21: {  	s3 =	sadd.s32 s3, s9;
	s6 =	sadd.s32 @!p0 $0x88, s6;
	s7 =	simm.s32 @p2 $0x1082  }
0x22: {  	[simem:s7], [sflag:s8] =	dma.local @!p0 [hbm:s6], $0xF7A  }
0x23: {  	s9 =	sor.u32 $0xD0000000, s2;
	s6 =	simm.s32 $0x108;
	_ =	swait.ge @!p0 [sflag:s8], $0x0  }
0x24: {  	s3 =	sadd.s32 $0x88, s3;
	s6 =	simm.s32 @!p1 $0x1082;
	[sflag:s4] =	ssyncset.s32 $0xFFFFF086  }
0x25: {  	[simem:s6], [sflag:s4] =	dma.local [hbm:s3], $0xF7A  }
0x26: {  	[smem:$0x3F99] =	sst s1;
	(tag) =	ssettag s2;
	_ =	strace s9  }
0x27: {  	s1 =	sld [smem:$0x3FA9]  }
0x28: {  	s2 =	sld [smem:$0x3FAA]  }
0x29: {  	s4 =	sld [smem:$0x3FAC]  }
0x2a: {  	p0 =	seq.s32 s5, $0x0;
	s5 =	sld [smem:$0x3FAD]  }
0x2b: {  	s6 =	sld [smem:$0x3FAE]  }
0x2c: {  	s7 =	sld [smem:$0x3FAF]  }
0x2d: {  	s3 =	simm.s32 $0x108;
	s8 =	sld [smem:$0x3FB0]  }
0x2e: {  	s3 =	simm.s32 @!p0 $0x1082;
	s9 =	sld [smem:$0x3FB1]  }
0x2f: {  	lr =	sadd.s32 s0, s3;
	s0 =	sld [smem:$0x3FA8]  }
0x30: {  	s3 =	sld [smem:$0x3FAB]  }
0x31: {  	[smem:$0x3FB4] =	sst s10  }
0x32: {  	s10 =	sld [smem:$0x3FB2];
	_ =	sdelay $0x3  }
0x33: {  	p0 =	seq.s32 s10, $0x1;
	s10 =	sld [smem:$0x3FB4];
	_ =	sdelay $0x3  }
0x34: {  	[smem:$0x3FB4] =	sst s10  }
0x35: {  	s10 =	sld [smem:$0x3FB3];
	_ =	sdelay $0x3  }
0x36: {  	p1 =	seq.s32 s10, $0x1;
	s10 =	sld [smem:$0x3FB4];
	_ =	sdelay $0x3  }
0x37: {  	[smem:$0x3FB4] =	sst s10  }
0x38: {  	s10 =	sld [smem:$0x3FB5]  }
0x39: {  	_ = 	snop;
	(pc) =	sbr.ind lr, $3  }
0x3a: {  	_ = 	snop  }
0x3b: {  	_ = 	snop  }
0x3c: {  	p2 =	seq.s32 s10, $0x1;
	s10 =	sld [smem:$0x3FB4]  }
0x3d: {  	_ =	shalt  }
0x3e: {  	_ =	shalt  }
0x3f: {  	_ =	shalt  }
0x40: {  	_ =	shalt  }
0x41: {  	_ =	shalt  }
0x42: {  	_ =	shalt  }
0x43: {  	_ =	shalt  }
0x44: {  	_ =	shalt  }
0x45: {  	_ =	shalt  }
0x46: {  	_ =	shalt  }
0x47: {  	_ =	shalt  }
0x48: {  	_ =	shalt  }
0x49: {  	_ =	shalt  }
0x4a: {  	_ =	shalt  }
0x4b: {  	_ =	shalt  }
0x4c: {  	_ =	shalt  }
0x4d: {  	_ =	shalt  }
0x4e: {  	_ =	shalt  }
0x4f: {  	_ =	shalt  }
0x50: {  	_ =	shalt  }
0x51: {  	_ =	shalt  }
0x52: {  	_ =	shalt  }
0x53: {  	_ =	shalt  }
0x54: {  	_ =	shalt  }
0x55: {  	_ =	shalt  }
0x56: {  	_ =	shalt  }
0x57: {  	_ =	shalt  }
0x58: {  	_ =	shalt  }
0x59: {  	_ =	shalt  }
0x5a: {  	_ =	shalt  }
0x5b: {  	_ =	shalt  }
0x5c: {  	_ =	shalt  }
0x5d: {  	_ =	shalt  }
0x5e: {  	_ =	shalt  }
0x5f: {  	_ =	shalt  }
0x60: {  	_ =	shalt  }
0x61: {  	_ =	shalt  }
0x62: {  	_ =	shalt  }
0x63: {  	_ =	shalt  }
0x64: {  	_ =	shalt  }
0x65: {  	_ =	shalt  }
0x66: {  	_ =	shalt  }
0x67: {  	_ =	shalt  }
0x68: {  	_ =	shalt  }
0x69: {  	_ =	shalt  }
0x6a: {  	_ =	shalt  }
0x6b: {  	_ =	shalt  }
0x6c: {  	_ =	shalt  }
0x6d: {  	_ =	shalt  }
0x6e: {  	_ =	shalt  }
0x6f: {  	_ =	shalt  }
0x70: {  	_ =	shalt  }
0x71: {  	_ =	shalt  }
0x72: {  	_ =	shalt  }
0x73: {  	_ =	shalt  }
0x74: {  	_ =	shalt  }
0x75: {  	_ =	shalt  }
0x76: {  	_ =	shalt  }
0x77: {  	_ =	shalt  }
0x78: {  	_ =	shalt  }
0x79: {  	_ =	shalt  }
0x7a: {  	_ =	shalt  }
0x7b: {  	_ =	shalt  }
0x7c: {  	_ =	shalt  }
0x7d: {  	_ =	shalt  }
0x7e: {  	_ =	shalt  }
0x7f: {  	_ =	shalt  }
0x80: {  	_ =	shalt  }
0x81: {  	_ =	shalt  }
0x82: {  	_ =	shalt  }
0x83: {  	_ =	shalt  }
0x84: {  	_ =	shalt  }
0x85: {  	_ =	shalt  }
0x86: {  	_ =	shalt  }
0x87: {  	_ =	shalt  }
.Lfunc_end0:
.L_simem_size_0:
called_computation_lowered:
.L_overlay_start_0:
0x88: {  	s2 =	sld [smem:$0x3FD9]  }
0x89: {  	s3 =	sld [smem:$0x3FFE];
	_ =	sdelay $0x1  }
0x8a: {  	s1 =	srdreg.scid  }
0x8b: {  	s0 =	sand.u32 $0x1, s1  }
0x8c: {  	s17 =	sshll.u32 s0, $0xA;
	s2 =	sadd.s32 s3, s2  }
0x8d: {  	s2 =	sadd.s32 s2, s17  }
0x8e: {  	[smem:$0x3FC0] =	sst s2  }
0x8f: {  	_ = 	snop  }
0x90: {  	s2 =	sld [smem:$0x3FD0];
	(tm) =	ssettm $0x1  }
0x91: {  	s18 =	sld [smem:$0x3FFB];
	_ =	sdelay $0x3  }
0x92: {  	_ =	strace s18  }
0x93: {  	s3 =	sld [smem:$0x3FFC];
	_ =	sdelay $0x3  }
0x94: {  	_ =	strace s3  }
0x95: {  	s3 =	sld [smem:$0x3FFD];
	_ =	sdelay $0x3  }
0x96: {  	_ =	strace s3  }
0x97: {  	_ =	strace $0x8FFFFFFF  }
0x98: {  	s19 =	sld [smem:$0x3FDB];
	_ =	sdelay $0x1  }
0x99: {  	s4 =	simm.s32 $_scs_section_size  }
0x9a: {  	s5 =	simm.s32 $_size__tile_overlayer_lowered;
	s6 =	simm.s32 $_tile_overlayer_lowered  }
0x9b: {  	s22 =	simm.s32 $0x1BFF;
	s21 =	sshll.u32 s6, $0x1;
	s3 =	sadd.s32 s4, s19  }
0x9c: {  	s7 =	simm.s32 $0x0;
	s20 =	sshll.u32 s5, $0x1;
	s5 =	sadd.s32 s21, s3  }
0x9d: {  	[timem:s7], [sflag:s22] =	dma.local [hbm:s5], s20  }
0x9e: {  	_ =	swait.ge [sflag:s22], s20  }
0x9f: {  	s4 =	ssub.s32 $0x0, s20;
	[sflag:s22] =	ssyncset.done $0x0  }
0xa0: {  	[sflag:s22] =	ssyncadd.s32 s4;
	_ =	sdelay $0x1  }
0xa1: {  	s23 =	simm.s32 $0x1B8B  }
0xa2: {  	_ =	swait.ge [sflag:s23], $0x1  }
0xa3: {  	[sflag:s23] =	ssyncset.done $0x0  }
0xa4: {  	s25 =	simm.s32 $0x1B8E;
	s24 =	sld [smem:$0x3FFE];
	[sflag:s23] =	ssyncadd.s32 $0xFFFFFFFF  }
0xa5: {  	s26 =	simm.s32 $execute0_lowered;
	[smem:$0x3FD2] =	sst s25  }
0xa6: {  	s5 =	sshll.u32 s26, $0x1;
	_ =	strace $0x80000046;
	[dreg:$0x1] =	wrdreg $0xFFFFFFFF  }
0xa7: {  	s28 =	simm.s32 $_size_execute0_lowered;
	s3 =	sadd.s32 s3, s5;
	[dreg:$0x0] =	wrdreg $0x0  }
0xa8: {  	s5 =	sshll.u32 s28, $0x1;
	[dreg:$0x2] =	wrdreg s3  }
0xa9: {  	[dreg:$0x3] =	wrdreg s5  }
0xaa: {  	[dreg:$0x4] =	wrdreg $0xC0  }
0xab: {  	_ =	task [dreg:s7], $0x5FFFF  }
0xac: {  	[dreg:$0x1] =	wrdreg $0xFFFFFFFF  }
0xad: {  	[dreg:$0x0] =	wrdreg $0x60  }
0xae: {  	[dreg:$0x2] =	wrdreg s24  }
0xaf: {  	[dreg:$0x3] =	wrdreg s2  }
0xb0: {  	[dreg:$0x4] =	wrdreg $0x2B000  }
0xb1: {  	[dreg:$0x5] =	wrdreg $0x9  }
0xb2: {  	_ =	task.clear_ibuf [dreg:s7], $0x6FFFF;
	_ =	strace $0x90000046  }
0xb3: {  	s29 =	simm.s32 $0x9;
	_ =	strace $0x80000048  }
0xb4: {  	_ =	swait.ge [sflag:s29], $0x1  }
0xb5: {  	[sflag:s29] =	ssyncadd.s32 $0xFFFFFFFF  }
0xb6: {  	_ =	strace $0x90000048  }
0xb7: {  	_ =	sfence  }
0xb8: {  	s30 =	sld [smem:$0x0];
	_ =	sdelay $0x2  }
0xb9: {  	s31 =	sshll.u32 s1, $0xD;
	s1 =	sshrl.u32 s1, $0x2  }
0xba: {  	s3 =	sand.u32 $0x4000, s31;
	s1 =	sadd.s32 s1, s30  }
0xbb: {  	s0 =	sor.u32 s3, s0;
	s1 =	sshll.u32 s1, $0x11  }
0xbc: {  	s0 =	sor.u32 s1, s0  }
0xbd: {  	s0 =	sadd.s32 $0x8F2B, s0  }
0xbe: {  	[sflag:s0] =	ssyncadd.remote.s32 $0x1  }
0xbf: {  	_ =	sfence.sel $0xFFFF  }
0xc0: {  	[dreg:$0x0] =	wrdreg $0xFFFFFFFF;
	(pc) =	sbr.abs _section_cstart, $3  }
0xc1: {  	[dreg:$0x1] =	wrdreg $0xFFFFFFFF  }
0xc2: {  	_ =	task.clear_ibuf [dreg:s7], $0x2FFFF;
	_ =	strace $0x9FFFFFFF  }
0xc3: {  	(tm) =	ssettm $0x7FFFFFFF  }
tec
execute0_lowered:
.L_overlay_start_1:
0x0: {  	(tag) =	ssettag $0x1  }
0x1: {  	s4 =	rddreg [dreg:$0x0]  }
0x2: {  	s0 =	srdreg.scid;
	s6 =	rddreg [dreg:$0x1]  }
0x3: {  	s2 =	rddreg [dreg:$0x2];
	s1 =	stileid.u32;
	s3 =	simm.s32 $0x0  }
0x4: {  	s12 =	simm.s32 $0x100;
	s5 =	sand.u32 $0x1, s0;
	s0 =	rddreg [dreg:$0x3]  }
0x5: {  	s13 =	simm.s32 $0x0;
	[smem:$0x7FF] =	sst s3;
	s9 =	smul.u32 $0x500, s1  }
0x6: {  	s11 =	smul.u32 $0xA00, s1;
	s7 =	sshll.u32 s5, $0x4;
	_ =	strace $0x80000047  }
0x7: {  	s8 =	ssub.s32 $0x2, s5;
	s5 =	sshll.u32 s5, $0x7;
	s7 =	sor.u32 s1, s7  }
0x8: {  	s10 =	sshrl.u32 s8, $0x1;
	s5 =	sor.u32 s5, s9;
	s31 =	sshrl.u32 s11, $0x2  }
0x9: {  	s11 =	simm.s32 $0x2800;
	s7 =	smul.u32 $0x500, s7;
	s30 =	ssub.s32 s8, s10  }
0xa: {  	s9 =	sshrl.u32 s5, $0x3;
	s5 =	sadd.s32 s31, s2;
	s8 =	simm.s32 $0x1  }
0xb: {  	s10 =	simm.s32 $0x80;
	s6 =	sadd.s32 s6, s9;
	s4 =	sadd.s32 s7, s4  }
0xc: {  	v0 =	vimm.f32 $1.000000000e+00;
	v1 =	vimm.f32 $0.0e+00;
	s9 =	simm.s32 $0x2880;
	s7 =	smax.u32 s30, $0x1;
	s4 =	sadd.s32 $0x3600, s4  }
.LBB2_1:
0xd: {  	[tilespmem:s3], [sflag:$0x1] =	stream.linear.gather [hbm4b:s4+s3], $0x2800, $0x38;
	[tilespmem:$0x2D80] =	vst v63  }
0xe: {  	_ =	swait.ge [sflag:s8], $0x2800  }
0xf: {  	[sflag:s8] =	ssyncset.done $0x0  }
0x10: {  	[sflag:s8] =	ssyncadd.s32 $0xFFFFD800  }
0x11: {  	[tilespmem:$0x2800] =	vst v0  }
0x12: {  	[tilespmem:$0x2810] =	vst v0  }
0x13: {  	[tilespmem:$0x2820] =	vst v0  }
0x14: {  	[tilespmem:$0x2830] =	vst v0  }
0x15: {  	[tilespmem:$0x2840] =	vst v0  }
0x16: {  	[tilespmem:$0x2850] =	vst v0  }
0x17: {  	[tilespmem:$0x2860] =	vst v0  }
0x18: {  	[tilespmem:$0x2870] =	vst v0  }
0x19: {  	[tilespmem:$0x2880] =	vst v1  }
0x1a: {  	[tilespmem:$0x2890] =	vst v1  }
0x1b: {  	[tilespmem:$0x28A0] =	vst v1  }
0x1c: {  	[tilespmem:$0x28B0] =	vst v1  }
0x1d: {  	[tilespmem:$0x28C0] =	vst v1  }
0x1e: {  	[tilespmem:$0x28D0] =	vst v1  }
0x1f: {  	[tilespmem:$0x28E0] =	vst v1  }
0x20: {  	[tilespmem:$0x28F0] =	vst v1  }
0x21: {  	[tilespmem:$0x2900] =	vst v1  }
0x22: {  	[tilespmem:$0x2910] =	vst v1  }
0x23: {  	[tilespmem:$0x2920] =	vst v1  }
0x24: {  	[tilespmem:$0x2930] =	vst v1  }
0x25: {  	[tilespmem:$0x2940] =	vst v1  }
0x26: {  	[tilespmem:$0x2950] =	vst v1  }
0x27: {  	[tilespmem:$0x2960] =	vst v1  }
0x28: {  	[tilespmem:$0x2970] =	vst v1  }
0x29: {  	[tilespmem:$0x2980] =	vst v1  }
0x2a: {  	[tilespmem:$0x2990] =	vst v1  }
0x2b: {  	[tilespmem:$0x29A0] =	vst v1  }
0x2c: {  	[tilespmem:$0x29B0] =	vst v1  }
0x2d: {  	[tilespmem:$0x29C0] =	vst v1  }
0x2e: {  	[tilespmem:$0x29D0] =	vst v1  }
0x2f: {  	[tilespmem:$0x29E0] =	vst v1  }
0x30: {  	[tilespmem:$0x29F0] =	vst v1  }
0x31: {  	[tilespmem:$0x2A00] =	vst v1  }
0x32: {  	[tilespmem:$0x2A10] =	vst v1  }
0x33: {  	[tilespmem:$0x2A20] =	vst v1  }
0x34: {  	[tilespmem:$0x2A30] =	vst v1  }
0x35: {  	[tilespmem:$0x2A40] =	vst v1  }
0x36: {  	[tilespmem:$0x2A50] =	vst v1  }
0x37: {  	[tilespmem:$0x2A60] =	vst v1  }
0x38: {  	[tilespmem:$0x2A70] =	vst v1  }
0x39: {  	[tilespmem:$0x2A80] =	vst v1  }
0x3a: {  	[tilespmem:$0x2A90] =	vst v1  }
0x3b: {  	[tilespmem:$0x2AA0] =	vst v1  }
0x3c: {  	[tilespmem:$0x2AB0] =	vst v1  }
0x3d: {  	[tilespmem:$0x2AC0] =	vst v1  }
0x3e: {  	[tilespmem:$0x2AD0] =	vst v1  }
0x3f: {  	[tilespmem:$0x2AE0] =	vst v1  }
0x40: {  	[tilespmem:$0x2AF0] =	vst v1  }
0x41: {  	[spmem:s5] =	stream.linear.scatter [tilespmem:s9], [sflag:$0x1], $0x280, $0x38;
	[tilespmem:$0x2D80] =	vst v63  }
0x42: {  	_ =	swait.ge [sflag:s8], $0x280  }
0x43: {  	[sflag:s8] =	ssyncset.done $0x0  }
0x44: {  	[sflag:s8] =	ssyncadd.s32 $0xFFFFFD80  }
0x45: {  	s14 =	simm.s32 $0x0;
	[bflag:$0x0] =	sbarrier.arrive $0xFFFF  }
0x46: {  	[spmem:s2] =	stream.indirect.scatter.add.f32 [tilespmem:s11], [sflag:$0x1], $0x1, s14, s10, $0xb8;
	[tilespmem:$0x2D80] =	vst v63  }
0x47: {  	_ =	swait.ge [sflag:s8], $0x80  }
0x48: {  	s14 =	simm.s32 $0x200;
	[sflag:s8] =	ssyncset.done $0x0  }
.LBB2_2:
0x49: {  	s15 =	sshra.s32 s14, $0x2;
	[sflag:s8] =	ssyncadd.s32 $0xFFFFFF80;
	p0 =	sne.s32 s14, $0x9E00  }
0x4a: {  	[spmem:s2] =	stream.indirect.scatter.add.f32 [tilespmem:s11], [sflag:$0x1], $0x1, s15, s10, $0xb8;
	[tilespmem:$0x2D80] =	vst v63  }
.Ltmp0:
0x4b: {  	_ = 	snop;
	(pc) =	sbr.rel @p0 .LBB2_2-.Ltmp0, $4  }
0x4c: {  	_ = 	snop  }
0x4d: {  	s14 =	sadd.s32 $0x200, s14  }
0x4e: {  	_ =	swait.ge [sflag:s8], $0x80  }
0x4f: {  	[sflag:s8] =	ssyncset.done $0x0  }
0x50: {  	[sflag:s8] =	ssyncadd.s32 $0xFFFFFF80  }
0x51: {  	[bflag:$0x0] =	sbarrier.arrive $0xFFFF  }
0x52: {  	[tilespmem:s9], [sflag:$0x1] =	stream.linear.gather [spmem:s5], $0x280, $0x38;
	[tilespmem:$0x2D80] =	vst v63  }
0x53: {  	s13 =	sadd.s32 $0x1, s13;
	_ =	swait.ge [sflag:s8], $0x280  }
0x54: {  	p0 =	sne.s32 s13, s7;
	[sflag:s8] =	ssyncset.done $0x0  }
.Ltmp1:
0x55: {  	[sflag:s8] =	ssyncadd.s32 $0xFFFFFD80;
	(pc) =	sbr.rel @p0 .LBB2_1-.Ltmp1, $4  }
0x56: {  	[hbm4b:s6+s10] =	stream.strided.scatter [tilespmem:s9], [sflag:$0x1], $0x280, s12, s10, $0x38;
	[tilespmem:$0x2D80] =	vst v63  }
0x57: {  	_ =	swait.ge [sflag:s8], $0x280  }
0x58: {  	[sflag:s8] =	ssyncset.done $0x0  }
0x59: {  	[sflag:s8] =	ssyncadd.s32 $0xFFFFFD80  }
0x5a: {  	_ =	sfence.sel $0x180000  }
0x5b: {  	[bflag:$0x0] =	sbarrier.arrive $0xFFFF  }
0x5c: {  	p0 =	sne.s32 s1, $0x0;
	_ =	strace $0x90000047  }
0x5d: {  	s0 =	sadd.s32 @!p0 $0x100000, s0;
	[bflag:$0x2] =	sbarrier.arrive $0xFFFF  }
0x5e: {  	[sflag:s0] =	ssyncadd.tile.s32 @!p0 $0x1;
	_ =	shalt  }
.Lfunc_end2:
_tile_overlayer_lowered:
.L_overlay_start_2:
0x5f: {  	(tag) =	ssettag $0x2  }
0x60: {  	s0 =	rddreg [dreg:$0x0];
	s2 =	stileid.u32  }
0x61: {  	s1 =	rddreg [dreg:$0x1];
	p0 =	sne.s32 s2, $0x0  }
0x62: {  	s3 =	rddreg [dreg:$0x2];
	[bflag:$0x3] =	sbarrier.arrive $0xFFFF;
	s2 =	simm.s32 @!p0 $0x1C01  }
0x63: {  	[timem:s3], [sflag:s2] =	dma.local @!p0 [hbm:s0], s1  }
0x64: {  	s0 =	simm.s32 @!p0 $0x1  }
0x65: {  	_ =	swait.ge @!p0 [sflag:s0], s1  }
0x66: {  	s1 =	ssub.s32 @!p0 $0x0, s1;
	[sflag:s0] =	ssyncset.done @!p0 $0x0  }
0x67: {  	[sflag:s0] =	ssyncadd.s32 @!p0 s1  }
0x68: {  	[bflag:$0x3] =	sbarrier.arrive $0xFFFF  }
0x69: {  	_ =	shalt  }

</sc_bundles>
